<compile_context>
chip_gen: v7x
topology: tpu7x:2x2x1
jax: 0.10.2.dev20260603
libtpu: 0.0.44.dev20260713+nightly
codegen_flags: <defaults>
</compile_context>

<pallas_src>
import functools

import jax
import jax.numpy as jnp
from jax import lax
from jax.experimental import pallas as pl
from jax.experimental.pallas import tpu as pltpu
from jax.experimental.pallas import tpu_sc as plsc

NC = 2
NS = 16
NW = NC * NS
CHUNK = 32


def _sc_gather_body(per_w, emb, user_t, item_t, uids, iids, out_u, out_i,
                    uidx_v, iidx_v, gbuf_u, gbuf_i,
                    uout_v, iout_v, usem, isem):
    wid = lax.axis_index("s") * NC + lax.axis_index("c")
    base = wid * per_w
    pltpu.sync_copy(uids.at[pl.ds(base, per_w)], uidx_v)
    pltpu.sync_copy(iids.at[pl.ds(base, per_w)], iidx_v)
    iota = lax.iota(jnp.int32, 16)

    def chunk(c, carry):
        off = c * CHUNK
        rems = []
        gids = []
        for g in range(CHUNK // 16):
            vu = uidx_v[pl.ds(off + g * 16, 16)]
            vi = iidx_v[pl.ds(off + g * 16, 16)]
            rems.append((vu & 7, vi & 7))
            gids.append((lax.shift_right_logical(vu, 3),
                         lax.shift_right_logical(vi, 3)))
        for g in range(CHUNK // 16):
            gu_v, gi_v = gids[g]
            for j in range(16):
                k = g * 16 + j
                pltpu.async_copy(user_t.at[pl.ds(gu_v[j], 1)],
                                 gbuf_u.at[pl.ds(k, 1)], usem)
                pltpu.async_copy(item_t.at[pl.ds(gi_v[j], 1)],
                                 gbuf_i.at[pl.ds(k, 1)], isem)
        for k in range(CHUNK):
            pltpu.make_async_copy(user_t.at[pl.ds(0, 1)],
                                  gbuf_u.at[pl.ds(k, 1)], usem).wait()
            pltpu.make_async_copy(item_t.at[pl.ds(0, 1)],
                                  gbuf_i.at[pl.ds(k, 1)], isem).wait()
        for g in range(CHUNK // 16):
            l = iota + (g * 16)
            ru, ri = rems[g]
            for col in range(emb):
                fb = (off + g * 16) * emb + col + iota * emb
                cvec = jnp.full((16,), col, jnp.int32)
                uvals = plsc.load_gather(gbuf_u, [l, ru, cvec])
                ivals = plsc.load_gather(gbuf_i, [l, ri, cvec])
                plsc.store_scatter(uout_v, [fb], uvals)
                plsc.store_scatter(iout_v, [fb], ivals)
        return carry

    lax.fori_loop(0, per_w // CHUNK, chunk, 0)
    pltpu.sync_copy(uout_v, out_u.at[pl.ds(base * emb, per_w * emb)])
    pltpu.sync_copy(iout_v, out_i.at[pl.ds(base * emb, per_w * emb)])


@functools.partial(jax.jit, static_argnums=(0, 1))
def _sc_gather(per_w, emb, user_t, item_t, uids, iids):
    batch = per_w * NW
    mesh = plsc.VectorSubcoreMesh(core_axis_name="c", subcore_axis_name="s")
    fn = pl.kernel(
        functools.partial(_sc_gather_body, per_w, emb),
        out_type=(
            jax.ShapeDtypeStruct((batch * emb,), jnp.float32),
            jax.ShapeDtypeStruct((batch * emb,), jnp.float32),
        ),
        mesh=mesh,
        compiler_params=pltpu.CompilerParams(needs_layout_passes=False),
        scratch_types=[
            pltpu.VMEM((per_w,), jnp.int32),
            pltpu.VMEM((per_w,), jnp.int32),
            pltpu.VMEM((CHUNK, 8, emb), jnp.float32),
            pltpu.VMEM((CHUNK, 8, emb), jnp.float32),
            pltpu.VMEM((per_w * emb,), jnp.float32),
            pltpu.VMEM((per_w * emb,), jnp.float32),
            pltpu.SemaphoreType.DMA,
            pltpu.SemaphoreType.DMA,
        ],
    )
    return fn(user_t, item_t, uids, iids)


def _mlp_body(u_ref, v_ref, w1u_ref, w1i_ref, b1_ref, w2_ref, b2_ref,
              w3_ref, b3_ref, out_ref):
    dot = functools.partial(
        jnp.dot, preferred_element_type=jnp.float32,
        precision=lax.Precision.HIGHEST)
    h1 = (dot(u_ref[...], w1u_ref[...]) + dot(v_ref[...], w1i_ref[...])
          + b1_ref[...])
    h1 = jnp.where(h1 >= 0, h1, 0.01 * h1)
    h2 = dot(h1, w2_ref[...]) + b2_ref[...]
    h2 = jnp.where(h2 >= 0, h2, 0.01 * h2)
    out_ref[...] = dot(h2, w3_ref[...]) + b3_ref[...]


@functools.partial(jax.jit, static_argnums=(0,))
def _mlp(block_rows, u_emb, v_emb, w1u, w1i, b1, w2, b2, w3, b3):
    batch, emb = u_emb.shape
    d1 = w1u.shape[1]
    d2 = w2.shape[1]
    grid = (batch // block_rows,)
    full = lambda shape: pl.BlockSpec(shape, lambda i: (0, 0))
    return pl.pallas_call(
        _mlp_body,
        grid=grid,
        in_specs=[
            pl.BlockSpec((block_rows, emb), lambda i: (i, 0)),
            pl.BlockSpec((block_rows, emb), lambda i: (i, 0)),
            full((emb, d1)),
            full((emb, d1)),
            full((1, d1)),
            full((d1, d2)),
            full((1, d2)),
            full((d2, 1)),
            full((1, 1)),
        ],
        out_specs=pl.BlockSpec((block_rows, 1), lambda i: (i, 0)),
        out_shape=jax.ShapeDtypeStruct((batch, 1), jnp.float32),
    )(u_emb, v_emb, w1u, w1i, b1, w2, b2, w3, b3)


def kernel(user_ids, item_ids, user_table, item_table, W1, b1, W2, b2, W3, b3):
    batch = user_ids.shape[0]
    nrows, emb = user_table.shape
    per_w = batch // NW
    u_flat, v_flat = _sc_gather(
        per_w, emb,
        user_table.reshape(nrows // 8, 8, emb),
        item_table.reshape(nrows // 8, 8, emb),
        user_ids.astype(jnp.int32), item_ids.astype(jnp.int32))
    u_emb = u_flat.reshape(batch, emb)
    v_emb = v_flat.reshape(batch, emb)
    w1t = W1.T
    w1u, w1i = w1t[:emb], w1t[emb:]
    y = _mlp(2048, u_emb, v_emb, w1u, w1i, b1.reshape(1, -1), W2.T,
             b2.reshape(1, -1), W3.T, b3.reshape(1, 1))
    return y.reshape(batch)

# --- scband reference (transcript-rebuilt; emitter-appended) ---
"""Pipeline reference for scband-neural-matrix-factorization-89953795047529 (READ-ONLY COPY).

The authoritative reference and input builder live on the scoring server;
editing this copy changes nothing except your own understanding.
"""

import jax, jax.numpy as jnp
import numpy as np

NUM_USERS = 1000000
NUM_ITEMS = 1000000
EMB = 32
BATCH = 16384


def setup_inputs(seed: int = 0) -> dict:
    key = jax.random.key(seed)
    ks = jax.random.split(key, 12)
    user_ids = jax.random.randint(ks[0], (BATCH,), 0, NUM_USERS, dtype=jnp.int64 if jax.config.jax_enable_x64 else jnp.int32)
    item_ids = jax.random.randint(ks[1], (BATCH,), 0, NUM_ITEMS, dtype=jnp.int64 if jax.config.jax_enable_x64 else jnp.int32)
    user_table = jax.random.uniform(ks[2], (NUM_USERS, EMB), minval=-0.05, maxval=0.05, dtype=jnp.float32)
    item_table = jax.random.uniform(ks[3], (NUM_ITEMS, EMB), minval=-0.05, maxval=0.05, dtype=jnp.float32)
    # Linear layers: torch convention y = x @ W.T + b
    d_in1, d_out1 = EMB * 2, EMB * 4
    d_in2, d_out2 = EMB * 4, EMB
    d_in3, d_out3 = EMB, 1
    W1 = jax.random.uniform(ks[4], (d_out1, d_in1), minval=-1.0, maxval=1.0, dtype=jnp.float32) / np.sqrt(d_in1)
    b1 = jax.random.uniform(ks[5], (d_out1,), minval=-1.0, maxval=1.0, dtype=jnp.float32) / np.sqrt(d_in1)
    W2 = jax.random.uniform(ks[6], (d_out2, d_in2), minval=-1.0, maxval=1.0, dtype=jnp.float32) / np.sqrt(d_in2)
    b2 = jax.random.uniform(ks[7], (d_out2,), minval=-1.0, maxval=1.0, dtype=jnp.float32) / np.sqrt(d_in2)
    W3 = jax.random.uniform(ks[8], (d_out3, d_in3), minval=-1.0, maxval=1.0, dtype=jnp.float32) / np.sqrt(d_in3)
    b3 = jax.random.uniform(ks[9], (d_out3,), minval=-1.0, maxval=1.0, dtype=jnp.float32) / np.sqrt(d_in3)
    return {
        "user_ids": user_ids,
        "item_ids": item_ids,
        "user_table": user_table,
        "item_table": item_table,
        "W1": W1, "b1": b1,
        "W2": W2, "b2": b2,
        "W3": W3, "b3": b3,
    }


def _leaky_relu(x):
    return jnp.where(x >= 0, x, 0.01 * x)


def reference(user_ids, item_ids, user_table, item_table, W1, b1, W2, b2, W3, b3):
    # Embedding lookups (gather)
    user_embedded = jnp.take(user_table, user_ids, axis=0)
    item_embedded = jnp.take(item_table, item_ids, axis=0)
    x = jnp.concatenate([user_embedded, item_embedded], axis=1)
    # Dropout layers are identity in eval mode
    x = _leaky_relu(x @ W1.T + b1)
    x = _leaky_relu(x @ W2.T + b2)
    x = x @ W3.T + b3
    return jnp.squeeze(x)

if __name__ == "__main__":
    import jax
    _d = setup_inputs()
    print(jax.jit(kernel)(*tuple(_d.values())))

</pallas_src>

<mosaic_0001>
#map = affine_map<(d0, d1) -> (0, 0, 0)>
#map1 = affine_map<(d0, d1) -> (0)>
module attributes {stable_mosaic.version = 14 : i64} {
  func.func @_sc_gather_body(%arg0: i32, %arg1: i32, %arg2: memref<125000x8x32xf32, #tpu.memory_space<hbm>>, %arg3: memref<125000x8x32xf32, #tpu.memory_space<hbm>>, %arg4: memref<16384xi32, #tpu.memory_space<hbm>>, %arg5: memref<16384xi32, #tpu.memory_space<hbm>>, %arg6: memref<524288xf32, #tpu.memory_space<hbm>>, %arg7: memref<524288xf32, #tpu.memory_space<hbm>>, %arg8: memref<512xi32, #tpu.memory_space<vmem>>, %arg9: memref<512xi32, #tpu.memory_space<vmem>>, %arg10: memref<32x8x32xf32, #tpu.memory_space<vmem>>, %arg11: memref<32x8x32xf32, #tpu.memory_space<vmem>>, %arg12: memref<16384xf32, #tpu.memory_space<vmem>>, %arg13: memref<16384xf32, #tpu.memory_space<vmem>>, %arg14: memref<!tpu.dma_semaphore, #tpu.memory_space<semaphore_mem>>, %arg15: memref<!tpu.dma_semaphore, #tpu.memory_space<semaphore_mem>>) attributes {dimension_semantics = [#tpu.dimension_semantics<core_parallel>, #tpu.dimension_semantics<subcore_parallel>], iteration_bounds = array<i64: 2, 16>, scalar_prefetch = 0 : i64, scratch_operands = 8 : i64, tpu.core_type = #tpu.core_type<sc_vector_subcore>, window_params = [{transform_indices = #map}, {transform_indices = #map}, {transform_indices = #map1}, {transform_indices = #map1}, {transform_indices = #map1}, {transform_indices = #map1}]} {
    %mul3A = arith.constant 2 : i32
    %mul3A_0 = arith.muli %arg1, %mul3A : i32
    %add3A = arith.addi %mul3A_0, %arg0 : i32
    %mul3A_1 = arith.constant 512 : i32
    %mul3A_2 = arith.muli %add3A, %mul3A_1 : i32
    "tpu.region"() ({
      %run_scoped3A = tpu.sem_alloc : memref<!tpu.dma_semaphore, #tpu.memory_space<semaphore_mem>>
      %dma_start3A = tpu.memref_slice %arg4[%mul3A_2] : memref<16384xi32, #tpu.memory_space<hbm>> -> memref<512xi32, #tpu.memory_space<hbm>>
      %dma_start3A_12 = tpu.memref_slice %arg4[%mul3A_2] : memref<16384xi32, #tpu.memory_space<hbm>> -> memref<512xi32, #tpu.memory_space<hbm>>
      tpu.enqueue_dma source(%dma_start3A_12 : memref<512xi32, #tpu.memory_space<hbm>>) target(%arg8 : memref<512xi32, #tpu.memory_space<vmem>>) target_semaphore(%run_scoped3A : memref<!tpu.dma_semaphore, #tpu.memory_space<semaphore_mem>>)
      %dma_wait3A = tpu.memref_slice %arg4[%mul3A_2] : memref<16384xi32, #tpu.memory_space<hbm>> -> memref<512xi32, #tpu.memory_space<hbm>>
      %dma_wait3A_13 = tpu.memref_slice %arg4[%mul3A_2] : memref<16384xi32, #tpu.memory_space<hbm>> -> memref<512xi32, #tpu.memory_space<hbm>>
      tpu.wait_dma2 semaphore(%run_scoped3A : memref<!tpu.dma_semaphore, #tpu.memory_space<semaphore_mem>>) src(%dma_wait3A_13 : memref<512xi32, #tpu.memory_space<hbm>>) dst(%arg8 : memref<512xi32, #tpu.memory_space<vmem>>)
      tpu.yield
    }) : () -> ()
    "tpu.region"() ({
      %run_scoped3A = tpu.sem_alloc : memref<!tpu.dma_semaphore, #tpu.memory_space<semaphore_mem>>
      %dma_start3A = tpu.memref_slice %arg5[%mul3A_2] : memref<16384xi32, #tpu.memory_space<hbm>> -> memref<512xi32, #tpu.memory_space<hbm>>
      %dma_start3A_12 = tpu.memref_slice %arg5[%mul3A_2] : memref<16384xi32, #tpu.memory_space<hbm>> -> memref<512xi32, #tpu.memory_space<hbm>>
      tpu.enqueue_dma source(%dma_start3A_12 : memref<512xi32, #tpu.memory_space<hbm>>) target(%arg9 : memref<512xi32, #tpu.memory_space<vmem>>) target_semaphore(%run_scoped3A : memref<!tpu.dma_semaphore, #tpu.memory_space<semaphore_mem>>)
      %dma_wait3A = tpu.memref_slice %arg5[%mul3A_2] : memref<16384xi32, #tpu.memory_space<hbm>> -> memref<512xi32, #tpu.memory_space<hbm>>
      %dma_wait3A_13 = tpu.memref_slice %arg5[%mul3A_2] : memref<16384xi32, #tpu.memory_space<hbm>> -> memref<512xi32, #tpu.memory_space<hbm>>
      tpu.wait_dma2 semaphore(%run_scoped3A : memref<!tpu.dma_semaphore, #tpu.memory_space<semaphore_mem>>) src(%dma_wait3A_13 : memref<512xi32, #tpu.memory_space<hbm>>) dst(%arg9 : memref<512xi32, #tpu.memory_space<vmem>>)
      tpu.yield
    }) : () -> ()
    %iota3A = tpu.iota {dimensions = array<i32: 0>} : vector<16xi32>
    %scan3A = arith.constant 0 : i32
    %scan3A_3 = arith.constant 0 : i32
    %scan3A_4 = arith.constant 16 : i32
    %scan3A_5 = arith.addi %scan3A_3, %scan3A_4 : i32
    %scan3A_6 = arith.constant 1 : i32
    scf.for %scan3A_12 = %scan3A_3 to %scan3A_5 step %scan3A_6  : i32 {
      %mul3A_13 = arith.constant 32 : i32
      %mul3A_14 = arith.muli %scan3A_12, %mul3A_13 : i32
      %add3A_15 = arith.constant 0 : i32
      %add3A_16 = arith.addi %mul3A_14, %add3A_15 : i32
      %get3A = arith.index_cast %add3A_16 : i32 to index
      %get3A_17 = tpu.vector_load %arg8[%get3A] {strides = array<i32>} : memref<512xi32, #tpu.memory_space<vmem>>, vector<16xi32>,
      %add3A_18 = arith.constant 0 : i32
      %add3A_19 = arith.addi %mul3A_14, %add3A_18 : i32
      %get3A_20 = arith.index_cast %add3A_19 : i32 to index
      %get3A_21 = tpu.vector_load %arg9[%get3A_20] {strides = array<i32>} : memref<512xi32, #tpu.memory_space<vmem>>, vector<16xi32>,
      %and3A = arith.constant 7 : i32
      %and3A_22 = vector.broadcast %and3A : i32 to vector<16xi32>
      %and3A_23 = arith.andi %get3A_17, %and3A_22 : vector<16xi32>
      %and3A_24 = arith.constant 7 : i32
      %and3A_25 = vector.broadcast %and3A_24 : i32 to vector<16xi32>
      %and3A_26 = arith.andi %get3A_21, %and3A_25 : vector<16xi32>
      %shift_right_logical3A = arith.constant 3 : i32
      %shift_right_logical3A_27 = vector.broadcast %shift_right_logical3A : i32 to vector<16xi32>
      %shift_right_logical3A_28 = arith.shrui %get3A_17, %shift_right_logical3A_27 : vector<16xi32>
      %shift_right_logical3A_29 = arith.constant 3 : i32
      %shift_right_logical3A_30 = vector.broadcast %shift_right_logical3A_29 : i32 to vector<16xi32>
      %shift_right_logical3A_31 = arith.shrui %get3A_21, %shift_right_logical3A_30 : vector<16xi32>
      %add3A_32 = arith.constant 16 : i32
      %add3A_33 = arith.addi %mul3A_14, %add3A_32 : i32
      %get3A_34 = arith.index_cast %add3A_33 : i32 to index
      %get3A_35 = tpu.vector_load %arg8[%get3A_34] {strides = array<i32>} : memref<512xi32, #tpu.memory_space<vmem>>, vector<16xi32>,
      %add3A_36 = arith.constant 16 : i32
      %add3A_37 = arith.addi %mul3A_14, %add3A_36 : i32
      %get3A_38 = arith.index_cast %add3A_37 : i32 to index
      %get3A_39 = tpu.vector_load %arg9[%get3A_38] {strides = array<i32>} : memref<512xi32, #tpu.memory_space<vmem>>, vector<16xi32>,
      %and3A_40 = arith.constant 7 : i32
      %and3A_41 = vector.broadcast %and3A_40 : i32 to vector<16xi32>
      %and3A_42 = arith.andi %get3A_35, %and3A_41 : vector<16xi32>
      %and3A_43 = arith.constant 7 : i32
      %and3A_44 = vector.broadcast %and3A_43 : i32 to vector<16xi32>
      %and3A_45 = arith.andi %get3A_39, %and3A_44 : vector<16xi32>
      %shift_right_logical3A_46 = arith.constant 3 : i32
      %shift_right_logical3A_47 = vector.broadcast %shift_right_logical3A_46 : i32 to vector<16xi32>
      %shift_right_logical3A_48 = arith.shrui %get3A_35, %shift_right_logical3A_47 : vector<16xi32>
      %shift_right_logical3A_49 = arith.constant 3 : i32
      %shift_right_logical3A_50 = vector.broadcast %shift_right_logical3A_49 : i32 to vector<16xi32>
      %shift_right_logical3A_51 = arith.shrui %get3A_39, %shift_right_logical3A_50 : vector<16xi32>
      %slice3A = vector.extract_strided_slice %shift_right_logical3A_28 {offsets = [0], sizes = [1], strides = [1]} : vector<16xi32> to vector<1xi32>
      %squeeze3A = vector.extract %slice3A[0] : i32 from vector<1xi32>
      %dma_start3A = arith.constant 0 : i32
      %dma_start3A_52 = arith.constant 0 : i32
      %dma_start3A_53 = arith.constant 0 : i32
      %dma_start3A_54 = tpu.memref_slice %arg10[%dma_start3A, %dma_start3A_52, %dma_start3A_53] : memref<32x8x32xf32, #tpu.memory_space<vmem>> -> memref<1x8x32xf32, #tpu.memory_space<vmem>>
      %dma_start3A_55 = arith.constant 0 : i32
      %dma_start3A_56 = arith.constant 0 : i32
      %dma_start3A_57 = tpu.memref_slice %arg2[%squeeze3A, %dma_start3A_55, %dma_start3A_56] : memref<125000x8x32xf32, #tpu.memory_space<hbm>> -> memref<1x8x32xf32, #tpu.memory_space<hbm>>
      %dma_start3A_58 = arith.constant 0 : i32
      %dma_start3A_59 = arith.constant 0 : i32
      %dma_start3A_60 = arith.constant 0 : i32
      %dma_start3A_61 = tpu.memref_slice %arg10[%dma_start3A_58, %dma_start3A_59, %dma_start3A_60] : memref<32x8x32xf32, #tpu.memory_space<vmem>> -> memref<1x8x32xf32, #tpu.memory_space<vmem>>
      %dma_start3A_62 = arith.constant 0 : i32
      %dma_start3A_63 = arith.constant 0 : i32
      %dma_start3A_64 = tpu.memref_slice %arg2[%squeeze3A, %dma_start3A_62, %dma_start3A_63] : memref<125000x8x32xf32, #tpu.memory_space<hbm>> -> memref<1x8x32xf32, #tpu.memory_space<hbm>>
      tpu.enqueue_dma source(%dma_start3A_64 : memref<1x8x32xf32, #tpu.memory_space<hbm>>) target(%dma_start3A_61 : memref<1x8x32xf32, #tpu.memory_space<vmem>>) target_semaphore(%arg14 : memref<!tpu.dma_semaphore, #tpu.memory_space<semaphore_mem>>)
      %slice3A_65 = vector.extract_strided_slice %shift_right_logical3A_31 {offsets = [0], sizes = [1], strides = [1]} : vector<16xi32> to vector<1xi32>
      %squeeze3A_66 = vector.extract %slice3A_65[0] : i32 from vector<1xi32>
      %dma_start3A_67 = arith.constant 0 : i32
      %dma_start3A_68 = arith.constant 0 : i32
      %dma_start3A_69 = arith.constant 0 : i32
      %dma_start3A_70 = tpu.memref_slice %arg11[%dma_start3A_67, %dma_start3A_68, %dma_start3A_69] : memref<32x8x32xf32, #tpu.memory_space<vmem>> -> memref<1x8x32xf32, #tpu.memory_space<vmem>>
      %dma_start3A_71 = arith.constant 0 : i32
      %dma_start3A_72 = arith.constant 0 : i32
      %dma_start3A_73 = tpu.memref_slice %arg3[%squeeze3A_66, %dma_start3A_71, %dma_start3A_72] : memref<125000x8x32xf32, #tpu.memory_space<hbm>> -> memref<1x8x32xf32, #tpu.memory_space<hbm>>
      %dma_start3A_74 = arith.constant 0 : i32
      %dma_start3A_75 = arith.constant 0 : i32
      %dma_start3A_76 = arith.constant 0 : i32
      %dma_start3A_77 = tpu.memref_slice %arg11[%dma_start3A_74, %dma_start3A_75, %dma_start3A_76] : memref<32x8x32xf32, #tpu.memory_space<vmem>> -> memref<1x8x32xf32, #tpu.memory_space<vmem>>
      %dma_start3A_78 = arith.constant 0 : i32
      %dma_start3A_79 = arith.constant 0 : i32
      %dma_start3A_80 = tpu.memref_slice %arg3[%squeeze3A_66, %dma_start3A_78, %dma_start3A_79] : memref<125000x8x32xf32, #tpu.memory_space<hbm>> -> memref<1x8x32xf32, #tpu.memory_space<hbm>>
      tpu.enqueue_dma source(%dma_start3A_80 : memref<1x8x32xf32, #tpu.memory_space<hbm>>) target(%dma_start3A_77 : memref<1x8x32xf32, #tpu.memory_space<vmem>>) target_semaphore(%arg15 : memref<!tpu.dma_semaphore, #tpu.memory_space<semaphore_mem>>)
      %slice3A_81 = vector.extract_strided_slice %shift_right_logical3A_28 {offsets = [1], sizes = [1], strides = [1]} : vector<16xi32> to vector<1xi32>
      %squeeze3A_82 = vector.extract %slice3A_81[0] : i32 from vector<1xi32>
      %dma_start3A_83 = arith.constant 1 : i32
      %dma_start3A_84 = arith.constant 0 : i32
      %dma_start3A_85 = arith.constant 0 : i32
      %dma_start3A_86 = tpu.memref_slice %arg10[%dma_start3A_83, %dma_start3A_84, %dma_start3A_85] : memref<32x8x32xf32, #tpu.memory_space<vmem>> -> memref<1x8x32xf32, #tpu.memory_space<vmem>>
      %dma_start3A_87 = arith.constant 0 : i32
      %dma_start3A_88 = arith.constant 0 : i32
      %dma_start3A_89 = tpu.memref_slice %arg2[%squeeze3A_82, %dma_start3A_87, %dma_start3A_88] : memref<125000x8x32xf32, #tpu.memory_space<hbm>> -> memref<1x8x32xf32, #tpu.memory_space<hbm>>
      %dma_start3A_90 = arith.constant 1 : i32
      %dma_start3A_91 = arith.constant 0 : i32
      %dma_start3A_92 = arith.constant 0 : i32
      %dma_start3A_93 = tpu.memref_slice %arg10[%dma_start3A_90, %dma_start3A_91, %dma_start3A_92] : memref<32x8x32xf32, #tpu.memory_space<vmem>> -> memref<1x8x32xf32, #tpu.memory_space<vmem>>
      %dma_start3A_94 = arith.constant 0 : i32
      %dma_start3A_95 = arith.constant 0 : i32
      %dma_start3A_96 = tpu.memref_slice %arg2[%squeeze3A_82, %dma_start3A_94, %dma_start3A_95] : memref<125000x8x32xf32, #tpu.memory_space<hbm>> -> memref<1x8x32xf32, #tpu.memory_space<hbm>>
      tpu.enqueue_dma source(%dma_start3A_96 : memref<1x8x32xf32, #tpu.memory_space<hbm>>) target(%dma_start3A_93 : memref<1x8x32xf32, #tpu.memory_space<vmem>>) target_semaphore(%arg14 : memref<!tpu.dma_semaphore, #tpu.memory_space<semaphore_mem>>)
      %slice3A_97 = vector.extract_strided_slice %shift_right_logical3A_31 {offsets = [1], sizes = [1], strides = [1]} : vector<16xi32> to vector<1xi32>
      %squeeze3A_98 = vector.extract %slice3A_97[0] : i32 from vector<1xi32>
      %dma_start3A_99 = arith.constant 1 : i32
      %dma_start3A_100 = arith.constant 0 : i32
      %dma_start3A_101 = arith.constant 0 : i32
      %dma_start3A_102 = tpu.memref_slice %arg11[%dma_start3A_99, %dma_start3A_100, %dma_start3A_101] : memref<32x8x32xf32, #tpu.memory_space<vmem>> -> memref<1x8x32xf32, #tpu.memory_space<vmem>>
      %dma_start3A_103 = arith.constant 0 : i32
      %dma_start3A_104 = arith.constant 0 : i32
      %dma_start3A_105 = tpu.memref_slice %arg3[%squeeze3A_98, %dma_start3A_103, %dma_start3A_104] : memref<125000x8x32xf32, #tpu.memory_space<hbm>> -> memref<1x8x32xf32, #tpu.memory_space<hbm>>
      %dma_start3A_106 = arith.constant 1 : i32
      %dma_start3A_107 = arith.constant 0 : i32
      %dma_start3A_108 = arith.constant 0 : i32
      %dma_start3A_109 = tpu.memref_slice %arg11[%dma_start3A_106, %dma_start3A_107, %dma_start3A_108] : memref<32x8x32xf32, #tpu.memory_space<vmem>> -> memref<1x8x32xf32, #tpu.memory_space<vmem>>
      %dma_start3A_110 = arith.constant 0 : i32
      %dma_start3A_111 = arith.constant 0 : i32
      %dma_start3A_112 = tpu.memref_slice %arg3[%squeeze3A_98, %dma_start3A_110, %dma_start3A_111] : memref<125000x8x32xf32, #tpu.memory_space<hbm>> -> memref<1x8x32xf32, #tpu.memory_space<hbm>>
      tpu.enqueue_dma source(%dma_start3A_112 : memref<1x8x32xf32, #tpu.memory_space<hbm>>) target(%dma_start3A_109 : memref<1x8x32xf32, #tpu.memory_space<vmem>>) target_semaphore(%arg15 : memref<!tpu.dma_semaphore, #tpu.memory_space<semaphore_mem>>)
      %slice3A_113 = vector.extract_strided_slice %shift_right_logical3A_28 {offsets = [2], sizes = [1], strides = [1]} : vector<16xi32> to vector<1xi32>
      %squeeze3A_114 = vector.extract %slice3A_113[0] : i32 from vector<1xi32>
      %dma_start3A_115 = arith.constant 2 : i32
      %dma_start3A_116 = arith.constant 0 : i32
      %dma_start3A_117 = arith.constant 0 : i32
      %dma_start3A_118 = tpu.memref_slice %arg10[%dma_start3A_115, %dma_start3A_116, %dma_start3A_117] : memref<32x8x32xf32, #tpu.memory_space<vmem>> -> memref<1x8x32xf32, #tpu.memory_space<vmem>>
      %dma_start3A_119 = arith.constant 0 : i32
      %dma_start3A_120 = arith.constant 0 : i32
      %dma_start3A_121 = tpu.memref_slice %arg2[%squeeze3A_114, %dma_start3A_119, %dma_start3A_120] : memref<125000x8x32xf32, #tpu.memory_space<hbm>> -> memref<1x8x32xf32, #tpu.memory_space<hbm>>
      %dma_start3A_122 = arith.constant 2 : i32
      %dma_start3A_123 = arith.constant 0 : i32
      %dma_start3A_124 = arith.constant 0 : i32
      %dma_start3A_125 = tpu.memref_slice %arg10[%dma_start3A_122, %dma_start3A_123, %dma_start3A_124] : memref<32x8x32xf32, #tpu.memory_space<vmem>> -> memref<1x8x32xf32, #tpu.memory_space<vmem>>
      %dma_start3A_126 = arith.constant 0 : i32
      %dma_start3A_127 = arith.constant 0 : i32
      %dma_start3A_128 = tpu.memref_slice %arg2[%squeeze3A_114, %dma_start3A_126, %dma_start3A_127] : memref<125000x8x32xf32, #tpu.memory_space<hbm>> -> memref<1x8x32xf32, #tpu.memory_space<hbm>>
      tpu.enqueue_dma source(%dma_start3A_128 : memref<1x8x32xf32, #tpu.memory_space<hbm>>) target(%dma_start3A_125 : memref<1x8x32xf32, #tpu.memory_space<vmem>>) target_semaphore(%arg14 : memref<!tpu.dma_semaphore, #tpu.memory_space<semaphore_mem>>)
      %slice3A_129 = vector.extract_strided_slice %shift_right_logical3A_31 {offsets = [2], sizes = [1], strides = [1]} : vector<16xi32> to vector<1xi32>
      %squeeze3A_130 = vector.extract %slice3A_129[0] : i32 from vector<1xi32>
      %dma_start3A_131 = arith.constant 2 : i32
      %dma_start3A_132 = arith.constant 0 : i32
      %dma_start3A_133 = arith.constant 0 : i32
      %dma_start3A_134 = tpu.memref_slice %arg11[%dma_start3A_131, %dma_start3A_132, %dma_start3A_133] : memref<32x8x32xf32, #tpu.memory_space<vmem>> -> memref<1x8x32xf32, #tpu.memory_space<vmem>>
      %dma_start3A_135 = arith.constant 0 : i32
      %dma_start3A_136 = arith.constant 0 : i32
      %dma_start3A_137 = tpu.memref_slice %arg3[%squeeze3A_130, %dma_start3A_135, %dma_start3A_136] : memref<125000x8x32xf32, #tpu.memory_space<hbm>> -> memref<1x8x32xf32, #tpu.memory_space<hbm>>
      %dma_start3A_138 = arith.constant 2 : i32
      %dma_start3A_139 = arith.constant 0 : i32
      %dma_start3A_140 = arith.constant 0 : i32
      %dma_start3A_141 = tpu.memref_slice %arg11[%dma_start3A_138, %dma_start3A_139, %dma_start3A_140] : memref<32x8x32xf32, #tpu.memory_space<vmem>> -> memref<1x8x32xf32, #tpu.memory_space<vmem>>
      %dma_start3A_142 = arith.constant 0 : i32
      %dma_start3A_143 = arith.constant 0 : i32
      %dma_start3A_144 = tpu.memref_slice %arg3[%squeeze3A_130, %dma_start3A_142, %dma_start3A_143] : memref<125000x8x32xf32, #tpu.memory_space<hbm>> -> memref<1x8x32xf32, #tpu.memory_space<hbm>>
      tpu.enqueue_dma source(%dma_start3A_144 : memref<1x8x32xf32, #tpu.memory_space<hbm>>) target(%dma_start3A_141 : memref<1x8x32xf32, #tpu.memory_space<vmem>>) target_semaphore(%arg15 : memref<!tpu.dma_semaphore, #tpu.memory_space<semaphore_mem>>)
      %slice3A_145 = vector.extract_strided_slice %shift_right_logical3A_28 {offsets = [3], sizes = [1], strides = [1]} : vector<16xi32> to vector<1xi32>
      %squeeze3A_146 = vector.extract %slice3A_145[0] : i32 from vector<1xi32>
      %dma_start3A_147 = arith.constant 3 : i32
      %dma_start3A_148 = arith.constant 0 : i32
      %dma_start3A_149 = arith.constant 0 : i32
      %dma_start3A_150 = tpu.memref_slice %arg10[%dma_start3A_147, %dma_start3A_148, %dma_start3A_149] : memref<32x8x32xf32, #tpu.memory_space<vmem>> -> memref<1x8x32xf32, #tpu.memory_space<vmem>>
      %dma_start3A_151 = arith.constant 0 : i32
      %dma_start3A_152 = arith.constant 0 : i32
      %dma_start3A_153 = tpu.memref_slice %arg2[%squeeze3A_146, %dma_start3A_151, %dma_start3A_152] : memref<125000x8x32xf32, #tpu.memory_space<hbm>> -> memref<1x8x32xf32, #tpu.memory_space<hbm>>
      %dma_start3A_154 = arith.constant 3 : i32
      %dma_start3A_155 = arith.constant 0 : i32
      %dma_start3A_156 = arith.constant 0 : i32
      %dma_start3A_157 = tpu.memref_slice %arg10[%dma_start3A_154, %dma_start3A_155, %dma_start3A_156] : memref<32x8x32xf32, #tpu.memory_space<vmem>> -> memref<1x8x32xf32, #tpu.memory_space<vmem>>
      %dma_start3A_158 = arith.constant 0 : i32
      %dma_start3A_159 = arith.constant 0 : i32
      %dma_start3A_160 = tpu.memref_slice %arg2[%squeeze3A_146, %dma_start3A_158, %dma_start3A_159] : memref<125000x8x32xf32, #tpu.memory_space<hbm>> -> memref<1x8x32xf32, #tpu.memory_space<hbm>>
      tpu.enqueue_dma source(%dma_start3A_160 : memref<1x8x32xf32, #tpu.memory_space<hbm>>) target(%dma_start3A_157 : memref<1x8x32xf32, #tpu.memory_space<vmem>>) target_semaphore(%arg14 : memref<!tpu.dma_semaphore, #tpu.memory_space<semaphore_mem>>)
      %slice3A_161 = vector.extract_strided_slice %shift_right_logical3A_31 {offsets = [3], sizes = [1], strides = [1]} : vector<16xi32> to vector<1xi32>
      %squeeze3A_162 = vector.extract %slice3A_161[0] : i32 from vector<1xi32>
      %dma_start3A_163 = arith.constant 3 : i32
      %dma_start3A_164 = arith.constant 0 : i32
      %dma_start3A_165 = arith.constant 0 : i32
      %dma_start3A_166 = tpu.memref_slice %arg11[%dma_start3A_163, %dma_start3A_164, %dma_start3A_165] : memref<32x8x32xf32, #tpu.memory_space<vmem>> -> memref<1x8x32xf32, #tpu.memory_space<vmem>>
      %dma_start3A_167 = arith.constant 0 : i32
      %dma_start3A_168 = arith.constant 0 : i32
      %dma_start3A_169 = tpu.memref_slice %arg3[%squeeze3A_162, %dma_start3A_167, %dma_start3A_168] : memref<125000x8x32xf32, #tpu.memory_space<hbm>> -> memref<1x8x32xf32, #tpu.memory_space<hbm>>
      %dma_start3A_170 = arith.constant 3 : i32
      %dma_start3A_171 = arith.constant 0 : i32
      %dma_start3A_172 = arith.constant 0 : i32
      %dma_start3A_173 = tpu.memref_slice %arg11[%dma_start3A_170, %dma_start3A_171, %dma_start3A_172] : memref<32x8x32xf32, #tpu.memory_space<vmem>> -> memref<1x8x32xf32, #tpu.memory_space<vmem>>
      %dma_start3A_174 = arith.constant 0 : i32
      %dma_start3A_175 = arith.constant 0 : i32
      %dma_start3A_176 = tpu.memref_slice %arg3[%squeeze3A_162, %dma_start3A_174, %dma_start3A_175] : memref<125000x8x32xf32, #tpu.memory_space<hbm>> -> memref<1x8x32xf32, #tpu.memory_space<hbm>>
      tpu.enqueue_dma source(%dma_start3A_176 : memref<1x8x32xf32, #tpu.memory_space<hbm>>) target(%dma_start3A_173 : memref<1x8x32xf32, #tpu.memory_space<vmem>>) target_semaphore(%arg15 : memref<!tpu.dma_semaphore, #tpu.memory_space<semaphore_mem>>)
      %slice3A_177 = vector.extract_strided_slice %shift_right_logical3A_28 {offsets = [4], sizes = [1], strides = [1]} : vector<16xi32> to vector<1xi32>
      %squeeze3A_178 = vector.extract %slice3A_177[0] : i32 from vector<1xi32>
      %dma_start3A_179 = arith.constant 4 : i32
      %dma_start3A_180 = arith.constant 0 : i32
      %dma_start3A_181 = arith.constant 0 : i32
      %dma_start3A_182 = tpu.memref_slice %arg10[%dma_start3A_179, %dma_start3A_180, %dma_start3A_181] : memref<32x8x32xf32, #tpu.memory_space<vmem>> -> memref<1x8x32xf32, #tpu.memory_space<vmem>>
      %dma_start3A_183 = arith.constant 0 : i32
      %dma_start3A_184 = arith.constant 0 : i32
      %dma_start3A_185 = tpu.memref_slice %arg2[%squeeze3A_178, %dma_start3A_183, %dma_start3A_184] : memref<125000x8x32xf32, #tpu.memory_space<hbm>> -> memref<1x8x32xf32, #tpu.memory_space<hbm>>
      %dma_start3A_186 = arith.constant 4 : i32
      %dma_start3A_187 = arith.constant 0 : i32
      %dma_start3A_188 = arith.constant 0 : i32
      %dma_start3A_189 = tpu.memref_slice %arg10[%dma_start3A_186, %dma_start3A_187, %dma_start3A_188] : memref<32x8x32xf32, #tpu.memory_space<vmem>> -> memref<1x8x32xf32, #tpu.memory_space<vmem>>
      %dma_start3A_190 = arith.constant 0 : i32
      %dma_start3A_191 = arith.constant 0 : i32
      %dma_start3A_192 = tpu.memref_slice %arg2[%squeeze3A_178, %dma_start3A_190, %dma_start3A_191] : memref<125000x8x32xf32, #tpu.memory_space<hbm>> -> memref<1x8x32xf32, #tpu.memory_space<hbm>>
      tpu.enqueue_dma source(%dma_start3A_192 : memref<1x8x32xf32, #tpu.memory_space<hbm>>) target(%dma_start3A_189 : memref<1x8x32xf32, #tpu.memory_space<vmem>>) target_semaphore(%arg14 : memref<!tpu.dma_semaphore, #tpu.memory_space<semaphore_mem>>)
      %slice3A_193 = vector.extract_strided_slice %shift_right_logical3A_31 {offsets = [4], sizes = [1], strides = [1]} : vector<16xi32> to vector<1xi32>
      %squeeze3A_194 = vector.extract %slice3A_193[0] : i32 from vector<1xi32>
      %dma_start3A_195 = arith.constant 4 : i32
      %dma_start3A_196 = arith.constant 0 : i32
      %dma_start3A_197 = arith.constant 0 : i32
      %dma_start3A_198 = tpu.memref_slice %arg11[%dma_start3A_195, %dma_start3A_196, %dma_start3A_197] : memref<32x8x32xf32, #tpu.memory_space<vmem>> -> memref<1x8x32xf32, #tpu.memory_space<vmem>>
      %dma_start3A_199 = arith.constant 0 : i32
      %dma_start3A_200 = arith.constant 0 : i32
      %dma_start3A_201 = tpu.memref_slice %arg3[%squeeze3A_194, %dma_start3A_199, %dma_start3A_200] : memref<125000x8x32xf32, #tpu.memory_space<hbm>> -> memref<1x8x32xf32, #tpu.memory_space<hbm>>
      %dma_start3A_202 = arith.constant 4 : i32
      %dma_start3A_203 = arith.constant 0 : i32
      %dma_start3A_204 = arith.constant 0 : i32
      %dma_start3A_205 = tpu.memref_slice %arg11[%dma_start3A_202, %dma_start3A_203, %dma_start3A_204] : memref<32x8x32xf32, #tpu.memory_space<vmem>> -> memref<1x8x32xf32, #tpu.memory_space<vmem>>
      %dma_start3A_206 = arith.constant 0 : i32
      %dma_start3A_207 = arith.constant 0 : i32
      %dma_start3A_208 = tpu.memref_slice %arg3[%squeeze3A_194, %dma_start3A_206, %dma_start3A_207] : memref<125000x8x32xf32, #tpu.memory_space<hbm>> -> memref<1x8x32xf32, #tpu.memory_space<hbm>>
      tpu.enqueue_dma source(%dma_start3A_208 : memref<1x8x32xf32, #tpu.memory_space<hbm>>) target(%dma_start3A_205 : memref<1x8x32xf32, #tpu.memory_space<vmem>>) target_semaphore(%arg15 : memref<!tpu.dma_semaphore, #tpu.memory_space<semaphore_mem>>)
      %slice3A_209 = vector.extract_strided_slice %shift_right_logical3A_28 {offsets = [5], sizes = [1], strides = [1]} : vector<16xi32> to vector<1xi32>
      %squeeze3A_210 = vector.extract %slice3A_209[0] : i32 from vector<1xi32>
      %dma_start3A_211 = arith.constant 5 : i32
      %dma_start3A_212 = arith.constant 0 : i32
      %dma_start3A_213 = arith.constant 0 : i32
      %dma_start3A_214 = tpu.memref_slice %arg10[%dma_start3A_211, %dma_start3A_212, %dma_start3A_213] : memref<32x8x32xf32, #tpu.memory_space<vmem>> -> memref<1x8x32xf32, #tpu.memory_space<vmem>>
      %dma_start3A_215 = arith.constant 0 : i32
      %dma_start3A_216 = arith.constant 0 : i32
      %dma_start3A_217 = tpu.memref_slice %arg2[%squeeze3A_210, %dma_start3A_215, %dma_start3A_216] : memref<125000x8x32xf32, #tpu.memory_space<hbm>> -> memref<1x8x32xf32, #tpu.memory_space<hbm>>
      %dma_start3A_218 = arith.constant 5 : i32
      %dma_start3A_219 = arith.constant 0 : i32
      %dma_start3A_220 = arith.constant 0 : i32
      %dma_start3A_221 = tpu.memref_slice %arg10[%dma_start3A_218, %dma_start3A_219, %dma_start3A_220] : memref<32x8x32xf32, #tpu.memory_space<vmem>> -> memref<1x8x32xf32, #tpu.memory_space<vmem>>
      %dma_start3A_222 = arith.constant 0 : i32
      %dma_start3A_223 = arith.constant 0 : i32
      %dma_start3A_224 = tpu.memref_slice %arg2[%squeeze3A_210, %dma_start3A_222, %dma_start3A_223] : memref<125000x8x32xf32, #tpu.memory_space<hbm>> -> memref<1x8x32xf32, #tpu.memory_space<hbm>>
      tpu.enqueue_dma source(%dma_start3A_224 : memref<1x8x32xf32, #tpu.memory_space<hbm>>) target(%dma_start3A_221 : memref<1x8x32xf32, #tpu.memory_space<vmem>>) target_semaphore(%arg14 : memref<!tpu.dma_semaphore, #tpu.memory_space<semaphore_mem>>)
      %slice3A_225 = vector.extract_strided_slice %shift_right_logical3A_31 {offsets = [5], sizes = [1], strides = [1]} : vector<16xi32> to vector<1xi32>
      %squeeze3A_226 = vector.extract %slice3A_225[0] : i32 from vector<1xi32>
      %dma_start3A_227 = arith.constant 5 : i32
      %dma_start3A_228 = arith.constant 0 : i32
      %dma_start3A_229 = arith.constant 0 : i32
      %dma_start3A_230 = tpu.memref_slice %arg11[%dma_start3A_227, %dma_start3A_228, %dma_start3A_229] : memref<32x8x32xf32, #tpu.memory_space<vmem>> -> memref<1x8x32xf32, #tpu.memory_space<vmem>>
      %dma_start3A_231 = arith.constant 0 : i32
      %dma_start3A_232 = arith.constant 0 : i32
      %dma_start3A_233 = tpu.memref_slice %arg3[%squeeze3A_226, %dma_start3A_231, %dma_start3A_232] : memref<125000x8x32xf32, #tpu.memory_space<hbm>> -> memref<1x8x32xf32, #tpu.memory_space<hbm>>
      %dma_start3A_234 = arith.constant 5 : i32
      %dma_start3A_235 = arith.constant 0 : i32
      %dma_start3A_236 = arith.constant 0 : i32
      %dma_start3A_237 = tpu.memref_slice %arg11[%dma_start3A_234, %dma_start3A_235, %dma_start3A_236] : memref<32x8x32xf32, #tpu.memory_space<vmem>> -> memref<1x8x32xf32, #tpu.memory_space<vmem>>
      %dma_start3A_238 = arith.constant 0 : i32
      %dma_start3A_239 = arith.constant 0 : i32
      %dma_start3A_240 = tpu.memref_slice %arg3[%squeeze3A_226, %dma_start3A_238, %dma_start3A_239] : memref<125000x8x32xf32, #tpu.memory_space<hbm>> -> memref<1x8x32xf32, #tpu.memory_space<hbm>>
      tpu.enqueue_dma source(%dma_start3A_240 : memref<1x8x32xf32, #tpu.memory_space<hbm>>) target(%dma_start3A_237 : memref<1x8x32xf32, #tpu.memory_space<vmem>>) target_semaphore(%arg15 : memref<!tpu.dma_semaphore, #tpu.memory_space<semaphore_mem>>)
      %slice3A_241 = vector.extract_strided_slice %shift_right_logical3A_28 {offsets = [6], sizes = [1], strides = [1]} : vector<16xi32> to vector<1xi32>
      %squeeze3A_242 = vector.extract %slice3A_241[0] : i32 from vector<1xi32>
      %dma_start3A_243 = arith.constant 6 : i32
      %dma_start3A_244 = arith.constant 0 : i32
      %dma_start3A_245 = arith.constant 0 : i32
      %dma_start3A_246 = tpu.memref_slice %arg10[%dma_start3A_243, %dma_start3A_244, %dma_start3A_245] : memref<32x8x32xf32, #tpu.memory_space<vmem>> -> memref<1x8x32xf32, #tpu.memory_space<vmem>>
      %dma_start3A_247 = arith.constant 0 : i32
      %dma_start3A_248 = arith.constant 0 : i32
      %dma_start3A_249 = tpu.memref_slice %arg2[%squeeze3A_242, %dma_start3A_247, %dma_start3A_248] : memref<125000x8x32xf32, #tpu.memory_space<hbm>> -> memref<1x8x32xf32, #tpu.memory_space<hbm>>
      %dma_start3A_250 = arith.constant 6 : i32
      %dma_start3A_251 = arith.constant 0 : i32
      %dma_start3A_252 = arith.constant 0 : i32
      %dma_start3A_253 = tpu.memref_slice %arg10[%dma_start3A_250, %dma_start3A_251, %dma_start3A_252] : memref<32x8x32xf32, #tpu.memory_space<vmem>> -> memref<1x8x32xf32, #tpu.memory_space<vmem>>
      %dma_start3A_254 = arith.constant 0 : i32
      %dma_start3A_255 = arith.constant 0 : i32
      %dma_start3A_256 = tpu.memref_slice %arg2[%squeeze3A_242, %dma_start3A_254, %dma_start3A_255] : memref<125000x8x32xf32, #tpu.memory_space<hbm>> -> memref<1x8x32xf32, #tpu.memory_space<hbm>>
      tpu.enqueue_dma source(%dma_start3A_256 : memref<1x8x32xf32, #tpu.memory_space<hbm>>) target(%dma_start3A_253 : memref<1x8x32xf32, #tpu.memory_space<vmem>>) target_semaphore(%arg14 : memref<!tpu.dma_semaphore, #tpu.memory_space<semaphore_mem>>)
      %slice3A_257 = vector.extract_strided_slice %shift_right_logical3A_31 {offsets = [6], sizes = [1], strides = [1]} : vector<16xi32> to vector<1xi32>
      %squeeze3A_258 = vector.extract %slice3A_257[0] : i32 from vector<1xi32>
      %dma_start3A_259 = arith.constant 6 : i32
      %dma_start3A_260 = arith.constant 0 : i32
      %dma_start3A_261 = arith.constant 0 : i32
      %dma_start3A_262 = tpu.memref_slice %arg11[%dma_start3A_259, %dma_start3A_260, %dma_start3A_261] : memref<32x8x32xf32, #tpu.memory_space<vmem>> -> memref<1x8x32xf32, #tpu.memory_space<vmem>>
      %dma_start3A_263 = arith.constant 0 : i32
      %dma_start3A_264 = arith.constant 0 : i32
      %dma_start3A_265 = tpu.memref_slice %arg3[%squeeze3A_258, %dma_start3A_263, %dma_start3A_264] : memref<125000x8x32xf32, #tpu.memory_space<hbm>> -> memref<1x8x32xf32, #tpu.memory_space<hbm>>
      %dma_start3A_266 = arith.constant 6 : i32
      %dma_start3A_267 = arith.constant 0 : i32
      %dma_start3A_268 = arith.constant 0 : i32
      %dma_start3A_269 = tpu.memref_slice %arg11[%dma_start3A_266, %dma_start3A_267, %dma_start3A_268] : memref<32x8x32xf32, #tpu.memory_space<vmem>> -> memref<1x8x32xf32, #tpu.memory_space<vmem>>
      %dma_start3A_270 = arith.constant 0 : i32
      %dma_start3A_271 = arith.constant 0 : i32
      %dma_start3A_272 = tpu.memref_slice %arg3[%squeeze3A_258, %dma_start3A_270, %dma_start3A_271] : memref<125000x8x32xf32, #tpu.memory_space<hbm>> -> memref<1x8x32xf32, #tpu.memory_space<hbm>>
      tpu.enqueue_dma source(%dma_start3A_272 : memref<1x8x32xf32, #tpu.memory_space<hbm>>) target(%dma_start3A_269 : memref<1x8x32xf32, #tpu.memory_space<vmem>>) target_semaphore(%arg15 : memref<!tpu.dma_semaphore, #tpu.memory_space<semaphore_mem>>)
      %slice3A_273 = vector.extract_strided_slice %shift_right_logical3A_28 {offsets = [7], sizes = [1], strides = [1]} : vector<16xi32> to vector<1xi32>
      %squeeze3A_274 = vector.extract %slice3A_273[0] : i32 from vector<1xi32>
      %dma_start3A_275 = arith.constant 7 : i32
      %dma_start3A_276 = arith.constant 0 : i32
      %dma_start3A_277 = arith.constant 0 : i32
      %dma_start3A_278 = tpu.memref_slice %arg10[%dma_start3A_275, %dma_start3A_276, %dma_start3A_277] : memref<32x8x32xf32, #tpu.memory_space<vmem>> -> memref<1x8x32xf32, #tpu.memory_space<vmem>>
      %dma_start3A_279 = arith.constant 0 : i32
      %dma_start3A_280 = arith.constant 0 : i32
      %dma_start3A_281 = tpu.memref_slice %arg2[%squeeze3A_274, %dma_start3A_279, %dma_start3A_280] : memref<125000x8x32xf32, #tpu.memory_space<hbm>> -> memref<1x8x32xf32, #tpu.memory_space<hbm>>
      %dma_start3A_282 = arith.constant 7 : i32
      %dma_start3A_283 = arith.constant 0 : i32
      %dma_start3A_284 = arith.constant 0 : i32
      %dma_start3A_285 = tpu.memref_slice %arg10[%dma_start3A_282, %dma_start3A_283, %dma_start3A_284] : memref<32x8x32xf32, #tpu.memory_space<vmem>> -> memref<1x8x32xf32, #tpu.memory_space<vmem>>
      %dma_start3A_286 = arith.constant 0 : i32
      %dma_start3A_287 = arith.constant 0 : i32
      %dma_start3A_288 = tpu.memref_slice %arg2[%squeeze3A_274, %dma_start3A_286, %dma_start3A_287] : memref<125000x8x32xf32, #tpu.memory_space<hbm>> -> memref<1x8x32xf32, #tpu.memory_space<hbm>>
      tpu.enqueue_dma source(%dma_start3A_288 : memref<1x8x32xf32, #tpu.memory_space<hbm>>) target(%dma_start3A_285 : memref<1x8x32xf32, #tpu.memory_space<vmem>>) target_semaphore(%arg14 : memref<!tpu.dma_semaphore, #tpu.memory_space<semaphore_mem>>)
      %slice3A_289 = vector.extract_strided_slice %shift_right_logical3A_31 {offsets = [7], sizes = [1], strides = [1]} : vector<16xi32> to vector<1xi32>
      %squeeze3A_290 = vector.extract %slice3A_289[0] : i32 from vector<1xi32>
      %dma_start3A_291 = arith.constant 7 : i32
      %dma_start3A_292 = arith.constant 0 : i32
      %dma_start3A_293 = arith.constant 0 : i32
      %dma_start3A_294 = tpu.memref_slice %arg11[%dma_start3A_291, %dma_start3A_292, %dma_start3A_293] : memref<32x8x32xf32, #tpu.memory_space<vmem>> -> memref<1x8x32xf32, #tpu.memory_space<vmem>>
      %dma_start3A_295 = arith.constant 0 : i32
      %dma_start3A_296 = arith.constant 0 : i32
      %dma_start3A_297 = tpu.memref_slice %arg3[%squeeze3A_290, %dma_start3A_295, %dma_start3A_296] : memref<125000x8x32xf32, #tpu.memory_space<hbm>> -> memref<1x8x32xf32, #tpu.memory_space<hbm>>
      %dma_start3A_298 = arith.constant 7 : i32
      %dma_start3A_299 = arith.constant 0 : i32
      %dma_start3A_300 = arith.constant 0 : i32
      %dma_start3A_301 = tpu.memref_slice %arg11[%dma_start3A_298, %dma_start3A_299, %dma_start3A_300] : memref<32x8x32xf32, #tpu.memory_space<vmem>> -> memref<1x8x32xf32, #tpu.memory_space<vmem>>
      %dma_start3A_302 = arith.constant 0 : i32
      %dma_start3A_303 = arith.constant 0 : i32
      %dma_start3A_304 = tpu.memref_slice %arg3[%squeeze3A_290, %dma_start3A_302, %dma_start3A_303] : memref<125000x8x32xf32, #tpu.memory_space<hbm>> -> memref<1x8x32xf32, #tpu.memory_space<hbm>>
      tpu.enqueue_dma source(%dma_start3A_304 : memref<1x8x32xf32, #tpu.memory_space<hbm>>) target(%dma_start3A_301 : memref<1x8x32xf32, #tpu.memory_space<vmem>>) target_semaphore(%arg15 : memref<!tpu.dma_semaphore, #tpu.memory_space<semaphore_mem>>)
      %slice3A_305 = vector.extract_strided_slice %shift_right_logical3A_28 {offsets = [8], sizes = [1], strides = [1]} : vector<16xi32> to vector<1xi32>
      %squeeze3A_306 = vector.extract %slice3A_305[0] : i32 from vector<1xi32>
      %dma_start3A_307 = arith.constant 8 : i32
      %dma_start3A_308 = arith.constant 0 : i32
      %dma_start3A_309 = arith.constant 0 : i32
      %dma_start3A_310 = tpu.memref_slice %arg10[%dma_start3A_307, %dma_start3A_308, %dma_start3A_309] : memref<32x8x32xf32, #tpu.memory_space<vmem>> -> memref<1x8x32xf32, #tpu.memory_space<vmem>>
      %dma_start3A_311 = arith.constant 0 : i32
      %dma_start3A_312 = arith.constant 0 : i32
      %dma_start3A_313 = tpu.memref_slice %arg2[%squeeze3A_306, %dma_start3A_311, %dma_start3A_312] : memref<125000x8x32xf32, #tpu.memory_space<hbm>> -> memref<1x8x32xf32, #tpu.memory_space<hbm>>
      %dma_start3A_314 = arith.constant 8 : i32
      %dma_start3A_315 = arith.constant 0 : i32
      %dma_start3A_316 = arith.constant 0 : i32
      %dma_start3A_317 = tpu.memref_slice %arg10[%dma_start3A_314, %dma_start3A_315, %dma_start3A_316] : memref<32x8x32xf32, #tpu.memory_space<vmem>> -> memref<1x8x32xf32, #tpu.memory_space<vmem>>
      %dma_start3A_318 = arith.constant 0 : i32
      %dma_start3A_319 = arith.constant 0 : i32
      %dma_start3A_320 = tpu.memref_slice %arg2[%squeeze3A_306, %dma_start3A_318, %dma_start3A_319] : memref<125000x8x32xf32, #tpu.memory_space<hbm>> -> memref<1x8x32xf32, #tpu.memory_space<hbm>>
      tpu.enqueue_dma source(%dma_start3A_320 : memref<1x8x32xf32, #tpu.memory_space<hbm>>) target(%dma_start3A_317 : memref<1x8x32xf32, #tpu.memory_space<vmem>>) target_semaphore(%arg14 : memref<!tpu.dma_semaphore, #tpu.memory_space<semaphore_mem>>)
      %slice3A_321 = vector.extract_strided_slice %shift_right_logical3A_31 {offsets = [8], sizes = [1], strides = [1]} : vector<16xi32> to vector<1xi32>
      %squeeze3A_322 = vector.extract %slice3A_321[0] : i32 from vector<1xi32>
      %dma_start3A_323 = arith.constant 8 : i32
      %dma_start3A_324 = arith.constant 0 : i32
      %dma_start3A_325 = arith.constant 0 : i32
      %dma_start3A_326 = tpu.memref_slice %arg11[%dma_start3A_323, %dma_start3A_324, %dma_start3A_325] : memref<32x8x32xf32, #tpu.memory_space<vmem>> -> memref<1x8x32xf32, #tpu.memory_space<vmem>>
      %dma_start3A_327 = arith.constant 0 : i32
      %dma_start3A_328 = arith.constant 0 : i32
      %dma_start3A_329 = tpu.memref_slice %arg3[%squeeze3A_322, %dma_start3A_327, %dma_start3A_328] : memref<125000x8x32xf32, #tpu.memory_space<hbm>> -> memref<1x8x32xf32, #tpu.memory_space<hbm>>
      %dma_start3A_330 = arith.constant 8 : i32
      %dma_start3A_331 = arith.constant 0 : i32
      %dma_start3A_332 = arith.constant 0 : i32
      %dma_start3A_333 = tpu.memref_slice %arg11[%dma_start3A_330, %dma_start3A_331, %dma_start3A_332] : memref<32x8x32xf32, #tpu.memory_space<vmem>> -> memref<1x8x32xf32, #tpu.memory_space<vmem>>
      %dma_start3A_334 = arith.constant 0 : i32
      %dma_start3A_335 = arith.constant 0 : i32
      %dma_start3A_336 = tpu.memref_slice %arg3[%squeeze3A_322, %dma_start3A_334, %dma_start3A_335] : memref<125000x8x32xf32, #tpu.memory_space<hbm>> -> memref<1x8x32xf32, #tpu.memory_space<hbm>>
      tpu.enqueue_dma source(%dma_start3A_336 : memref<1x8x32xf32, #tpu.memory_space<hbm>>) target(%dma_start3A_333 : memref<1x8x32xf32, #tpu.memory_space<vmem>>) target_semaphore(%arg15 : memref<!tpu.dma_semaphore, #tpu.memory_space<semaphore_mem>>)
      %slice3A_337 = vector.extract_strided_slice %shift_right_logical3A_28 {offsets = [9], sizes = [1], strides = [1]} : vector<16xi32> to vector<1xi32>
      %squeeze3A_338 = vector.extract %slice3A_337[0] : i32 from vector<1xi32>
      %dma_start3A_339 = arith.constant 9 : i32
      %dma_start3A_340 = arith.constant 0 : i32
      %dma_start3A_341 = arith.constant 0 : i32
      %dma_start3A_342 = tpu.memref_slice %arg10[%dma_start3A_339, %dma_start3A_340, %dma_start3A_341] : memref<32x8x32xf32, #tpu.memory_space<vmem>> -> memref<1x8x32xf32, #tpu.memory_space<vmem>>
      %dma_start3A_343 = arith.constant 0 : i32
      %dma_start3A_344 = arith.constant 0 : i32
      %dma_start3A_345 = tpu.memref_slice %arg2[%squeeze3A_338, %dma_start3A_343, %dma_start3A_344] : memref<125000x8x32xf32, #tpu.memory_space<hbm>> -> memref<1x8x32xf32, #tpu.memory_space<hbm>>
      %dma_start3A_346 = arith.constant 9 : i32
      %dma_start3A_347 = arith.constant 0 : i32
      %dma_start3A_348 = arith.constant 0 : i32
      %dma_start3A_349 = tpu.memref_slice %arg10[%dma_start3A_346, %dma_start3A_347, %dma_start3A_348] : memref<32x8x32xf32, #tpu.memory_space<vmem>> -> memref<1x8x32xf32, #tpu.memory_space<vmem>>
      %dma_start3A_350 = arith.constant 0 : i32
      %dma_start3A_351 = arith.constant 0 : i32
      %dma_start3A_352 = tpu.memref_slice %arg2[%squeeze3A_338, %dma_start3A_350, %dma_start3A_351] : memref<125000x8x32xf32, #tpu.memory_space<hbm>> -> memref<1x8x32xf32, #tpu.memory_space<hbm>>
      tpu.enqueue_dma source(%dma_start3A_352 : memref<1x8x32xf32, #tpu.memory_space<hbm>>) target(%dma_start3A_349 : memref<1x8x32xf32, #tpu.memory_space<vmem>>) target_semaphore(%arg14 : memref<!tpu.dma_semaphore, #tpu.memory_space<semaphore_mem>>)
      %slice3A_353 = vector.extract_strided_slice %shift_right_logical3A_31 {offsets = [9], sizes = [1], strides = [1]} : vector<16xi32> to vector<1xi32>
      %squeeze3A_354 = vector.extract %slice3A_353[0] : i32 from vector<1xi32>
      %dma_start3A_355 = arith.constant 9 : i32
      %dma_start3A_356 = arith.constant 0 : i32
      %dma_start3A_357 = arith.constant 0 : i32
      %dma_start3A_358 = tpu.memref_slice %arg11[%dma_start3A_355, %dma_start3A_356, %dma_start3A_357] : memref<32x8x32xf32, #tpu.memory_space<vmem>> -> memref<1x8x32xf32, #tpu.memory_space<vmem>>
      %dma_start3A_359 = arith.constant 0 : i32
      %dma_start3A_360 = arith.constant 0 : i32
      %dma_start3A_361 = tpu.memref_slice %arg3[%squeeze3A_354, %dma_start3A_359, %dma_start3A_360] : memref<125000x8x32xf32, #tpu.memory_space<hbm>> -> memref<1x8x32xf32, #tpu.memory_space<hbm>>
      %dma_start3A_362 = arith.constant 9 : i32
      %dma_start3A_363 = arith.constant 0 : i32
      %dma_start3A_364 = arith.constant 0 : i32
      %dma_start3A_365 = tpu.memref_slice %arg11[%dma_start3A_362, %dma_start3A_363, %dma_start3A_364] : memref<32x8x32xf32, #tpu.memory_space<vmem>> -> memref<1x8x32xf32, #tpu.memory_space<vmem>>
      %dma_start3A_366 = arith.constant 0 : i32
      %dma_start3A_367 = arith.constant 0 : i32
      %dma_start3A_368 = tpu.memref_slice %arg3[%squeeze3A_354, %dma_start3A_366, %dma_start3A_367] : memref<125000x8x32xf32, #tpu.memory_space<hbm>> -> memref<1x8x32xf32, #tpu.memory_space<hbm>>
      tpu.enqueue_dma source(%dma_start3A_368 : memref<1x8x32xf32, #tpu.memory_space<hbm>>) target(%dma_start3A_365 : memref<1x8x32xf32, #tpu.memory_space<vmem>>) target_semaphore(%arg15 : memref<!tpu.dma_semaphore, #tpu.memory_space<semaphore_mem>>)
      %slice3A_369 = vector.extract_strided_slice %shift_right_logical3A_28 {offsets = [10], sizes = [1], strides = [1]} : vector<16xi32> to vector<1xi32>
      %squeeze3A_370 = vector.extract %slice3A_369[0] : i32 from vector<1xi32>
      %dma_start3A_371 = arith.constant 10 : i32
      %dma_start3A_372 = arith.constant 0 : i32
      %dma_start3A_373 = arith.constant 0 : i32
      %dma_start3A_374 = tpu.memref_slice %arg10[%dma_start3A_371, %dma_start3A_372, %dma_start3A_373] : memref<32x8x32xf32, #tpu.memory_space<vmem>> -> memref<1x8x32xf32, #tpu.memory_space<vmem>>
      %dma_start3A_375 = arith.constant 0 : i32
      %dma_start3A_376 = arith.constant 0 : i32
      %dma_start3A_377 = tpu.memref_slice %arg2[%squeeze3A_370, %dma_start3A_375, %dma_start3A_376] : memref<125000x8x32xf32, #tpu.memory_space<hbm>> -> memref<1x8x32xf32, #tpu.memory_space<hbm>>
      %dma_start3A_378 = arith.constant 10 : i32
      %dma_start3A_379 = arith.constant 0 : i32
      %dma_start3A_380 = arith.constant 0 : i32
      %dma_start3A_381 = tpu.memref_slice %arg10[%dma_start3A_378, %dma_start3A_379, %dma_start3A_380] : memref<32x8x32xf32, #tpu.memory_space<vmem>> -> memref<1x8x32xf32, #tpu.memory_space<vmem>>
      %dma_start3A_382 = arith.constant 0 : i32
      %dma_start3A_383 = arith.constant 0 : i32
      %dma_start3A_384 = tpu.memref_slice %arg2[%squeeze3A_370, %dma_start3A_382, %dma_start3A_383] : memref<125000x8x32xf32, #tpu.memory_space<hbm>> -> memref<1x8x32xf32, #tpu.memory_space<hbm>>
      tpu.enqueue_dma source(%dma_start3A_384 : memref<1x8x32xf32, #tpu.memory_space<hbm>>) target(%dma_start3A_381 : memref<1x8x32xf32, #tpu.memory_space<vmem>>) target_semaphore(%arg14 : memref<!tpu.dma_semaphore, #tpu.memory_space<semaphore_mem>>)
      %slice3A_385 = vector.extract_strided_slice %shift_right_logical3A_31 {offsets = [10], sizes = [1], strides = [1]} : vector<16xi32> to vector<1xi32>
      %squeeze3A_386 = vector.extract %slice3A_385[0] : i32 from vector<1xi32>
      %dma_start3A_387 = arith.constant 10 : i32
      %dma_start3A_388 = arith.constant 0 : i32
      %dma_start3A_389 = arith.constant 0 : i32
      %dma_start3A_390 = tpu.memref_slice %arg11[%dma_start3A_387, %dma_start3A_388, %dma_start3A_389] : memref<32x8x32xf32, #tpu.memory_space<vmem>> -> memref<1x8x32xf32, #tpu.memory_space<vmem>>
      %dma_start3A_391 = arith.constant 0 : i32
      %dma_start3A_392 = arith.constant 0 : i32
      %dma_start3A_393 = tpu.memref_slice %arg3[%squeeze3A_386, %dma_start3A_391, %dma_start3A_392] : memref<125000x8x32xf32, #tpu.memory_space<hbm>> -> memref<1x8x32xf32, #tpu.memory_space<hbm>>
      %dma_start3A_394 = arith.constant 10 : i32
      %dma_start3A_395 = arith.constant 0 : i32
      %dma_start3A_396 = arith.constant 0 : i32
      %dma_start3A_397 = tpu.memref_slice %arg11[%dma_start3A_394, %dma_start3A_395, %dma_start3A_396] : memref<32x8x32xf32, #tpu.memory_space<vmem>> -> memref<1x8x32xf32, #tpu.memory_space<vmem>>
      %dma_start3A_398 = arith.constant 0 : i32
      %dma_start3A_399 = arith.constant 0 : i32
      %dma_start3A_400 = tpu.memref_slice %arg3[%squeeze3A_386, %dma_start3A_398, %dma_start3A_399] : memref<125000x8x32xf32, #tpu.memory_space<hbm>> -> memref<1x8x32xf32, #tpu.memory_space<hbm>>
      tpu.enqueue_dma source(%dma_start3A_400 : memref<1x8x32xf32, #tpu.memory_space<hbm>>) target(%dma_start3A_397 : memref<1x8x32xf32, #tpu.memory_space<vmem>>) target_semaphore(%arg15 : memref<!tpu.dma_semaphore, #tpu.memory_space<semaphore_mem>>)
      %slice3A_401 = vector.extract_strided_slice %shift_right_logical3A_28 {offsets = [11], sizes = [1], strides = [1]} : vector<16xi32> to vector<1xi32>
      %squeeze3A_402 = vector.extract %slice3A_401[0] : i32 from vector<1xi32>
      %dma_start3A_403 = arith.constant 11 : i32
      %dma_start3A_404 = arith.constant 0 : i32
      %dma_start3A_405 = arith.constant 0 : i32
      %dma_start3A_406 = tpu.memref_slice %arg10[%dma_start3A_403, %dma_start3A_404, %dma_start3A_405] : memref<32x8x32xf32, #tpu.memory_space<vmem>> -> memref<1x8x32xf32, #tpu.memory_space<vmem>>
      %dma_start3A_407 = arith.constant 0 : i32
      %dma_start3A_408 = arith.constant 0 : i32
      %dma_start3A_409 = tpu.memref_slice %arg2[%squeeze3A_402, %dma_start3A_407, %dma_start3A_408] : memref<125000x8x32xf32, #tpu.memory_space<hbm>> -> memref<1x8x32xf32, #tpu.memory_space<hbm>>
      %dma_start3A_410 = arith.constant 11 : i32
      %dma_start3A_411 = arith.constant 0 : i32
      %dma_start3A_412 = arith.constant 0 : i32
      %dma_start3A_413 = tpu.memref_slice %arg10[%dma_start3A_410, %dma_start3A_411, %dma_start3A_412] : memref<32x8x32xf32, #tpu.memory_space<vmem>> -> memref<1x8x32xf32, #tpu.memory_space<vmem>>
      %dma_start3A_414 = arith.constant 0 : i32
      %dma_start3A_415 = arith.constant 0 : i32
      %dma_start3A_416 = tpu.memref_slice %arg2[%squeeze3A_402, %dma_start3A_414, %dma_start3A_415] : memref<125000x8x32xf32, #tpu.memory_space<hbm>> -> memref<1x8x32xf32, #tpu.memory_space<hbm>>
      tpu.enqueue_dma source(%dma_start3A_416 : memref<1x8x32xf32, #tpu.memory_space<hbm>>) target(%dma_start3A_413 : memref<1x8x32xf32, #tpu.memory_space<vmem>>) target_semaphore(%arg14 : memref<!tpu.dma_semaphore, #tpu.memory_space<semaphore_mem>>)
      %slice3A_417 = vector.extract_strided_slice %shift_right_logical3A_31 {offsets = [11], sizes = [1], strides = [1]} : vector<16xi32> to vector<1xi32>
      %squeeze3A_418 = vector.extract %slice3A_417[0] : i32 from vector<1xi32>
      %dma_start3A_419 = arith.constant 11 : i32
      %dma_start3A_420 = arith.constant 0 : i32
      %dma_start3A_421 = arith.constant 0 : i32
      %dma_start3A_422 = tpu.memref_slice %arg11[%dma_start3A_419, %dma_start3A_420, %dma_start3A_421] : memref<32x8x32xf32, #tpu.memory_space<vmem>> -> memref<1x8x32xf32, #tpu.memory_space<vmem>>
      %dma_start3A_423 = arith.constant 0 : i32
      %dma_start3A_424 = arith.constant 0 : i32
      %dma_start3A_425 = tpu.memref_slice %arg3[%squeeze3A_418, %dma_start3A_423, %dma_start3A_424] : memref<125000x8x32xf32, #tpu.memory_space<hbm>> -> memref<1x8x32xf32, #tpu.memory_space<hbm>>
      %dma_start3A_426 = arith.constant 11 : i32
      %dma_start3A_427 = arith.constant 0 : i32
      %dma_start3A_428 = arith.constant 0 : i32
      %dma_start3A_429 = tpu.memref_slice %arg11[%dma_start3A_426, %dma_start3A_427, %dma_start3A_428] : memref<32x8x32xf32, #tpu.memory_space<vmem>> -> memref<1x8x32xf32, #tpu.memory_space<vmem>>
      %dma_start3A_430 = arith.constant 0 : i32
      %dma_start3A_431 = arith.constant 0 : i32
      %dma_start3A_432 = tpu.memref_slice %arg3[%squeeze3A_418, %dma_start3A_430, %dma_start3A_431] : memref<125000x8x32xf32, #tpu.memory_space<hbm>> -> memref<1x8x32xf32, #tpu.memory_space<hbm>>
      tpu.enqueue_dma source(%dma_start3A_432 : memref<1x8x32xf32, #tpu.memory_space<hbm>>) target(%dma_start3A_429 : memref<1x8x32xf32, #tpu.memory_space<vmem>>) target_semaphore(%arg15 : memref<!tpu.dma_semaphore, #tpu.memory_space<semaphore_mem>>)
      %slice3A_433 = vector.extract_strided_slice %shift_right_logical3A_28 {offsets = [12], sizes = [1], strides = [1]} : vector<16xi32> to vector<1xi32>
      %squeeze3A_434 = vector.extract %slice3A_433[0] : i32 from vector<1xi32>
      %dma_start3A_435 = arith.constant 12 : i32
      %dma_start3A_436 = arith.constant 0 : i32
      %dma_start3A_437 = arith.constant 0 : i32
      %dma_start3A_438 = tpu.memref_slice %arg10[%dma_start3A_435, %dma_start3A_436, %dma_start3A_437] : memref<32x8x32xf32, #tpu.memory_space<vmem>> -> memref<1x8x32xf32, #tpu.memory_space<vmem>>
      %dma_start3A_439 = arith.constant 0 : i32
      %dma_start3A_440 = arith.constant 0 : i32
      %dma_start3A_441 = tpu.memref_slice %arg2[%squeeze3A_434, %dma_start3A_439, %dma_start3A_440] : memref<125000x8x32xf32, #tpu.memory_space<hbm>> -> memref<1x8x32xf32, #tpu.memory_space<hbm>>
      %dma_start3A_442 = arith.constant 12 : i32
      %dma_start3A_443 = arith.constant 0 : i32
      %dma_start3A_444 = arith.constant 0 : i32
      %dma_start3A_445 = tpu.memref_slice %arg10[%dma_start3A_442, %dma_start3A_443, %dma_start3A_444] : memref<32x8x32xf32, #tpu.memory_space<vmem>> -> memref<1x8x32xf32, #tpu.memory_space<vmem>>
      %dma_start3A_446 = arith.constant 0 : i32
      %dma_start3A_447 = arith.constant 0 : i32
      %dma_start3A_448 = tpu.memref_slice %arg2[%squeeze3A_434, %dma_start3A_446, %dma_start3A_447] : memref<125000x8x32xf32, #tpu.memory_space<hbm>> -> memref<1x8x32xf32, #tpu.memory_space<hbm>>
      tpu.enqueue_dma source(%dma_start3A_448 : memref<1x8x32xf32, #tpu.memory_space<hbm>>) target(%dma_start3A_445 : memref<1x8x32xf32, #tpu.memory_space<vmem>>) target_semaphore(%arg14 : memref<!tpu.dma_semaphore, #tpu.memory_space<semaphore_mem>>)
      %slice3A_449 = vector.extract_strided_slice %shift_right_logical3A_31 {offsets = [12], sizes = [1], strides = [1]} : vector<16xi32> to vector<1xi32>
      %squeeze3A_450 = vector.extract %slice3A_449[0] : i32 from vector<1xi32>
      %dma_start3A_451 = arith.constant 12 : i32
      %dma_start3A_452 = arith.constant 0 : i32
      %dma_start3A_453 = arith.constant 0 : i32
      %dma_start3A_454 = tpu.memref_slice %arg11[%dma_start3A_451, %dma_start3A_452, %dma_start3A_453] : memref<32x8x32xf32, #tpu.memory_space<vmem>> -> memref<1x8x32xf32, #tpu.memory_space<vmem>>
      %dma_start3A_455 = arith.constant 0 : i32
      %dma_start3A_456 = arith.constant 0 : i32
      %dma_start3A_457 = tpu.memref_slice %arg3[%squeeze3A_450, %dma_start3A_455, %dma_start3A_456] : memref<125000x8x32xf32, #tpu.memory_space<hbm>> -> memref<1x8x32xf32, #tpu.memory_space<hbm>>
      %dma_start3A_458 = arith.constant 12 : i32
      %dma_start3A_459 = arith.constant 0 : i32
      %dma_start3A_460 = arith.constant 0 : i32
      %dma_start3A_461 = tpu.memref_slice %arg11[%dma_start3A_458, %dma_start3A_459, %dma_start3A_460] : memref<32x8x32xf32, #tpu.memory_space<vmem>> -> memref<1x8x32xf32, #tpu.memory_space<vmem>>
      %dma_start3A_462 = arith.constant 0 : i32
      %dma_start3A_463 = arith.constant 0 : i32
      %dma_start3A_464 = tpu.memref_slice %arg3[%squeeze3A_450, %dma_start3A_462, %dma_start3A_463] : memref<125000x8x32xf32, #tpu.memory_space<hbm>> -> memref<1x8x32xf32, #tpu.memory_space<hbm>>
      tpu.enqueue_dma source(%dma_start3A_464 : memref<1x8x32xf32, #tpu.memory_space<hbm>>) target(%dma_start3A_461 : memref<1x8x32xf32, #tpu.memory_space<vmem>>) target_semaphore(%arg15 : memref<!tpu.dma_semaphore, #tpu.memory_space<semaphore_mem>>)
      %slice3A_465 = vector.extract_strided_slice %shift_right_logical3A_28 {offsets = [13], sizes = [1], strides = [1]} : vector<16xi32> to vector<1xi32>
      %squeeze3A_466 = vector.extract %slice3A_465[0] : i32 from vector<1xi32>
      %dma_start3A_467 = arith.constant 13 : i32
      %dma_start3A_468 = arith.constant 0 : i32
      %dma_start3A_469 = arith.constant 0 : i32
      %dma_start3A_470 = tpu.memref_slice %arg10[%dma_start3A_467, %dma_start3A_468, %dma_start3A_469] : memref<32x8x32xf32, #tpu.memory_space<vmem>> -> memref<1x8x32xf32, #tpu.memory_space<vmem>>
      %dma_start3A_471 = arith.constant 0 : i32
      %dma_start3A_472 = arith.constant 0 : i32
      %dma_start3A_473 = tpu.memref_slice %arg2[%squeeze3A_466, %dma_start3A_471, %dma_start3A_472] : memref<125000x8x32xf32, #tpu.memory_space<hbm>> -> memref<1x8x32xf32, #tpu.memory_space<hbm>>
      %dma_start3A_474 = arith.constant 13 : i32
      %dma_start3A_475 = arith.constant 0 : i32
      %dma_start3A_476 = arith.constant 0 : i32
      %dma_start3A_477 = tpu.memref_slice %arg10[%dma_start3A_474, %dma_start3A_475, %dma_start3A_476] : memref<32x8x32xf32, #tpu.memory_space<vmem>> -> memref<1x8x32xf32, #tpu.memory_space<vmem>>
      %dma_start3A_478 = arith.constant 0 : i32
      %dma_start3A_479 = arith.constant 0 : i32
      %dma_start3A_480 = tpu.memref_slice %arg2[%squeeze3A_466, %dma_start3A_478, %dma_start3A_479] : memref<125000x8x32xf32, #tpu.memory_space<hbm>> -> memref<1x8x32xf32, #tpu.memory_space<hbm>>
      tpu.enqueue_dma source(%dma_start3A_480 : memref<1x8x32xf32, #tpu.memory_space<hbm>>) target(%dma_start3A_477 : memref<1x8x32xf32, #tpu.memory_space<vmem>>) target_semaphore(%arg14 : memref<!tpu.dma_semaphore, #tpu.memory_space<semaphore_mem>>)
      %slice3A_481 = vector.extract_strided_slice %shift_right_logical3A_31 {offsets = [13], sizes = [1], strides = [1]} : vector<16xi32> to vector<1xi32>
      %squeeze3A_482 = vector.extract %slice3A_481[0] : i32 from vector<1xi32>
      %dma_start3A_483 = arith.constant 13 : i32
      %dma_start3A_484 = arith.constant 0 : i32
      %dma_start3A_485 = arith.constant 0 : i32
      %dma_start3A_486 = tpu.memref_slice %arg11[%dma_start3A_483, %dma_start3A_484, %dma_start3A_485] : memref<32x8x32xf32, #tpu.memory_space<vmem>> -> memref<1x8x32xf32, #tpu.memory_space<vmem>>
      %dma_start3A_487 = arith.constant 0 : i32
      %dma_start3A_488 = arith.constant 0 : i32
      %dma_start3A_489 = tpu.memref_slice %arg3[%squeeze3A_482, %dma_start3A_487, %dma_start3A_488] : memref<125000x8x32xf32, #tpu.memory_space<hbm>> -> memref<1x8x32xf32, #tpu.memory_space<hbm>>
      %dma_start3A_490 = arith.constant 13 : i32
      %dma_start3A_491 = arith.constant 0 : i32
      %dma_start3A_492 = arith.constant 0 : i32
      %dma_start3A_493 = tpu.memref_slice %arg11[%dma_start3A_490, %dma_start3A_491, %dma_start3A_492] : memref<32x8x32xf32, #tpu.memory_space<vmem>> -> memref<1x8x32xf32, #tpu.memory_space<vmem>>
      %dma_start3A_494 = arith.constant 0 : i32
      %dma_start3A_495 = arith.constant 0 : i32
      %dma_start3A_496 = tpu.memref_slice %arg3[%squeeze3A_482, %dma_start3A_494, %dma_start3A_495] : memref<125000x8x32xf32, #tpu.memory_space<hbm>> -> memref<1x8x32xf32, #tpu.memory_space<hbm>>
      tpu.enqueue_dma source(%dma_start3A_496 : memref<1x8x32xf32, #tpu.memory_space<hbm>>) target(%dma_start3A_493 : memref<1x8x32xf32, #tpu.memory_space<vmem>>) target_semaphore(%arg15 : memref<!tpu.dma_semaphore, #tpu.memory_space<semaphore_mem>>)
      %slice3A_497 = vector.extract_strided_slice %shift_right_logical3A_28 {offsets = [14], sizes = [1], strides = [1]} : vector<16xi32> to vector<1xi32>
      %squeeze3A_498 = vector.extract %slice3A_497[0] : i32 from vector<1xi32>
      %dma_start3A_499 = arith.constant 14 : i32
      %dma_start3A_500 = arith.constant 0 : i32
      %dma_start3A_501 = arith.constant 0 : i32
      %dma_start3A_502 = tpu.memref_slice %arg10[%dma_start3A_499, %dma_start3A_500, %dma_start3A_501] : memref<32x8x32xf32, #tpu.memory_space<vmem>> -> memref<1x8x32xf32, #tpu.memory_space<vmem>>
      %dma_start3A_503 = arith.constant 0 : i32
      %dma_start3A_504 = arith.constant 0 : i32
      %dma_start3A_505 = tpu.memref_slice %arg2[%squeeze3A_498, %dma_start3A_503, %dma_start3A_504] : memref<125000x8x32xf32, #tpu.memory_space<hbm>> -> memref<1x8x32xf32, #tpu.memory_space<hbm>>
      %dma_start3A_506 = arith.constant 14 : i32
      %dma_start3A_507 = arith.constant 0 : i32
      %dma_start3A_508 = arith.constant 0 : i32
      %dma_start3A_509 = tpu.memref_slice %arg10[%dma_start3A_506, %dma_start3A_507, %dma_start3A_508] : memref<32x8x32xf32, #tpu.memory_space<vmem>> -> memref<1x8x32xf32, #tpu.memory_space<vmem>>
      %dma_start3A_510 = arith.constant 0 : i32
      %dma_start3A_511 = arith.constant 0 : i32
      %dma_start3A_512 = tpu.memref_slice %arg2[%squeeze3A_498, %dma_start3A_510, %dma_start3A_511] : memref<125000x8x32xf32, #tpu.memory_space<hbm>> -> memref<1x8x32xf32, #tpu.memory_space<hbm>>
      tpu.enqueue_dma source(%dma_start3A_512 : memref<1x8x32xf32, #tpu.memory_space<hbm>>) target(%dma_start3A_509 : memref<1x8x32xf32, #tpu.memory_space<vmem>>) target_semaphore(%arg14 : memref<!tpu.dma_semaphore, #tpu.memory_space<semaphore_mem>>)
      %slice3A_513 = vector.extract_strided_slice %shift_right_logical3A_31 {offsets = [14], sizes = [1], strides = [1]} : vector<16xi32> to vector<1xi32>
      %squeeze3A_514 = vector.extract %slice3A_513[0] : i32 from vector<1xi32>
      %dma_start3A_515 = arith.constant 14 : i32
      %dma_start3A_516 = arith.constant 0 : i32
      %dma_start3A_517 = arith.constant 0 : i32
      %dma_start3A_518 = tpu.memref_slice %arg11[%dma_start3A_515, %dma_start3A_516, %dma_start3A_517] : memref<32x8x32xf32, #tpu.memory_space<vmem>> -> memref<1x8x32xf32, #tpu.memory_space<vmem>>
      %dma_start3A_519 = arith.constant 0 : i32
      %dma_start3A_520 = arith.constant 0 : i32
      %dma_start3A_521 = tpu.memref_slice %arg3[%squeeze3A_514, %dma_start3A_519, %dma_start3A_520] : memref<125000x8x32xf32, #tpu.memory_space<hbm>> -> memref<1x8x32xf32, #tpu.memory_space<hbm>>
      %dma_start3A_522 = arith.constant 14 : i32
      %dma_start3A_523 = arith.constant 0 : i32
      %dma_start3A_524 = arith.constant 0 : i32
      %dma_start3A_525 = tpu.memref_slice %arg11[%dma_start3A_522, %dma_start3A_523, %dma_start3A_524] : memref<32x8x32xf32, #tpu.memory_space<vmem>> -> memref<1x8x32xf32, #tpu.memory_space<vmem>>
      %dma_start3A_526 = arith.constant 0 : i32
      %dma_start3A_527 = arith.constant 0 : i32
      %dma_start3A_528 = tpu.memref_slice %arg3[%squeeze3A_514, %dma_start3A_526, %dma_start3A_527] : memref<125000x8x32xf32, #tpu.memory_space<hbm>> -> memref<1x8x32xf32, #tpu.memory_space<hbm>>
      tpu.enqueue_dma source(%dma_start3A_528 : memref<1x8x32xf32, #tpu.memory_space<hbm>>) target(%dma_start3A_525 : memref<1x8x32xf32, #tpu.memory_space<vmem>>) target_semaphore(%arg15 : memref<!tpu.dma_semaphore, #tpu.memory_space<semaphore_mem>>)
      %slice3A_529 = vector.extract_strided_slice %shift_right_logical3A_28 {offsets = [15], sizes = [1], strides = [1]} : vector<16xi32> to vector<1xi32>
      %squeeze3A_530 = vector.extract %slice3A_529[0] : i32 from vector<1xi32>
      %dma_start3A_531 = arith.constant 15 : i32
      %dma_start3A_532 = arith.constant 0 : i32
      %dma_start3A_533 = arith.constant 0 : i32
      %dma_start3A_534 = tpu.memref_slice %arg10[%dma_start3A_531, %dma_start3A_532, %dma_start3A_533] : memref<32x8x32xf32, #tpu.memory_space<vmem>> -> memref<1x8x32xf32, #tpu.memory_space<vmem>>
      %dma_start3A_535 = arith.constant 0 : i32
      %dma_start3A_536 = arith.constant 0 : i32
      %dma_start3A_537 = tpu.memref_slice %arg2[%squeeze3A_530, %dma_start3A_535, %dma_start3A_536] : memref<125000x8x32xf32, #tpu.memory_space<hbm>> -> memref<1x8x32xf32, #tpu.memory_space<hbm>>
      %dma_start3A_538 = arith.constant 15 : i32
      %dma_start3A_539 = arith.constant 0 : i32
      %dma_start3A_540 = arith.constant 0 : i32
      %dma_start3A_541 = tpu.memref_slice %arg10[%dma_start3A_538, %dma_start3A_539, %dma_start3A_540] : memref<32x8x32xf32, #tpu.memory_space<vmem>> -> memref<1x8x32xf32, #tpu.memory_space<vmem>>
      %dma_start3A_542 = arith.constant 0 : i32
      %dma_start3A_543 = arith.constant 0 : i32
      %dma_start3A_544 = tpu.memref_slice %arg2[%squeeze3A_530, %dma_start3A_542, %dma_start3A_543] : memref<125000x8x32xf32, #tpu.memory_space<hbm>> -> memref<1x8x32xf32, #tpu.memory_space<hbm>>
      tpu.enqueue_dma source(%dma_start3A_544 : memref<1x8x32xf32, #tpu.memory_space<hbm>>) target(%dma_start3A_541 : memref<1x8x32xf32, #tpu.memory_space<vmem>>) target_semaphore(%arg14 : memref<!tpu.dma_semaphore, #tpu.memory_space<semaphore_mem>>)
      %slice3A_545 = vector.extract_strided_slice %shift_right_logical3A_31 {offsets = [15], sizes = [1], strides = [1]} : vector<16xi32> to vector<1xi32>
      %squeeze3A_546 = vector.extract %slice3A_545[0] : i32 from vector<1xi32>
      %dma_start3A_547 = arith.constant 15 : i32
      %dma_start3A_548 = arith.constant 0 : i32
      %dma_start3A_549 = arith.constant 0 : i32
      %dma_start3A_550 = tpu.memref_slice %arg11[%dma_start3A_547, %dma_start3A_548, %dma_start3A_549] : memref<32x8x32xf32, #tpu.memory_space<vmem>> -> memref<1x8x32xf32, #tpu.memory_space<vmem>>
      %dma_start3A_551 = arith.constant 0 : i32
      %dma_start3A_552 = arith.constant 0 : i32
      %dma_start3A_553 = tpu.memref_slice %arg3[%squeeze3A_546, %dma_start3A_551, %dma_start3A_552] : memref<125000x8x32xf32, #tpu.memory_space<hbm>> -> memref<1x8x32xf32, #tpu.memory_space<hbm>>
      %dma_start3A_554 = arith.constant 15 : i32
      %dma_start3A_555 = arith.constant 0 : i32
      %dma_start3A_556 = arith.constant 0 : i32
      %dma_start3A_557 = tpu.memref_slice %arg11[%dma_start3A_554, %dma_start3A_555, %dma_start3A_556] : memref<32x8x32xf32, #tpu.memory_space<vmem>> -> memref<1x8x32xf32, #tpu.memory_space<vmem>>
      %dma_start3A_558 = arith.constant 0 : i32
      %dma_start3A_559 = arith.constant 0 : i32
      %dma_start3A_560 = tpu.memref_slice %arg3[%squeeze3A_546, %dma_start3A_558, %dma_start3A_559] : memref<125000x8x32xf32, #tpu.memory_space<hbm>> -> memref<1x8x32xf32, #tpu.memory_space<hbm>>
      tpu.enqueue_dma source(%dma_start3A_560 : memref<1x8x32xf32, #tpu.memory_space<hbm>>) target(%dma_start3A_557 : memref<1x8x32xf32, #tpu.memory_space<vmem>>) target_semaphore(%arg15 : memref<!tpu.dma_semaphore, #tpu.memory_space<semaphore_mem>>)
      %slice3A_561 = vector.extract_strided_slice %shift_right_logical3A_48 {offsets = [0], sizes = [1], strides = [1]} : vector<16xi32> to vector<1xi32>
      %squeeze3A_562 = vector.extract %slice3A_561[0] : i32 from vector<1xi32>
      %dma_start3A_563 = arith.constant 16 : i32
      %dma_start3A_564 = arith.constant 0 : i32
      %dma_start3A_565 = arith.constant 0 : i32
      %dma_start3A_566 = tpu.memref_slice %arg10[%dma_start3A_563, %dma_start3A_564, %dma_start3A_565] : memref<32x8x32xf32, #tpu.memory_space<vmem>> -> memref<1x8x32xf32, #tpu.memory_space<vmem>>
      %dma_start3A_567 = arith.constant 0 : i32
      %dma_start3A_568 = arith.constant 0 : i32
      %dma_start3A_569 = tpu.memref_slice %arg2[%squeeze3A_562, %dma_start3A_567, %dma_start3A_568] : memref<125000x8x32xf32, #tpu.memory_space<hbm>> -> memref<1x8x32xf32, #tpu.memory_space<hbm>>
      %dma_start3A_570 = arith.constant 16 : i32
      %dma_start3A_571 = arith.constant 0 : i32
      %dma_start3A_572 = arith.constant 0 : i32
      %dma_start3A_573 = tpu.memref_slice %arg10[%dma_start3A_570, %dma_start3A_571, %dma_start3A_572] : memref<32x8x32xf32, #tpu.memory_space<vmem>> -> memref<1x8x32xf32, #tpu.memory_space<vmem>>
      %dma_start3A_574 = arith.constant 0 : i32
      %dma_start3A_575 = arith.constant 0 : i32
      %dma_start3A_576 = tpu.memref_slice %arg2[%squeeze3A_562, %dma_start3A_574, %dma_start3A_575] : memref<125000x8x32xf32, #tpu.memory_space<hbm>> -> memref<1x8x32xf32, #tpu.memory_space<hbm>>
      tpu.enqueue_dma source(%dma_start3A_576 : memref<1x8x32xf32, #tpu.memory_space<hbm>>) target(%dma_start3A_573 : memref<1x8x32xf32, #tpu.memory_space<vmem>>) target_semaphore(%arg14 : memref<!tpu.dma_semaphore, #tpu.memory_space<semaphore_mem>>)
      %slice3A_577 = vector.extract_strided_slice %shift_right_logical3A_51 {offsets = [0], sizes = [1], strides = [1]} : vector<16xi32> to vector<1xi32>
      %squeeze3A_578 = vector.extract %slice3A_577[0] : i32 from vector<1xi32>
      %dma_start3A_579 = arith.constant 16 : i32
      %dma_start3A_580 = arith.constant 0 : i32
      %dma_start3A_581 = arith.constant 0 : i32
      %dma_start3A_582 = tpu.memref_slice %arg11[%dma_start3A_579, %dma_start3A_580, %dma_start3A_581] : memref<32x8x32xf32, #tpu.memory_space<vmem>> -> memref<1x8x32xf32, #tpu.memory_space<vmem>>
      %dma_start3A_583 = arith.constant 0 : i32
      %dma_start3A_584 = arith.constant 0 : i32
      %dma_start3A_585 = tpu.memref_slice %arg3[%squeeze3A_578, %dma_start3A_583, %dma_start3A_584] : memref<125000x8x32xf32, #tpu.memory_space<hbm>> -> memref<1x8x32xf32, #tpu.memory_space<hbm>>
      %dma_start3A_586 = arith.constant 16 : i32
      %dma_start3A_587 = arith.constant 0 : i32
      %dma_start3A_588 = arith.constant 0 : i32
      %dma_start3A_589 = tpu.memref_slice %arg11[%dma_start3A_586, %dma_start3A_587, %dma_start3A_588] : memref<32x8x32xf32, #tpu.memory_space<vmem>> -> memref<1x8x32xf32, #tpu.memory_space<vmem>>
      %dma_start3A_590 = arith.constant 0 : i32
      %dma_start3A_591 = arith.constant 0 : i32
      %dma_start3A_592 = tpu.memref_slice %arg3[%squeeze3A_578, %dma_start3A_590, %dma_start3A_591] : memref<125000x8x32xf32, #tpu.memory_space<hbm>> -> memref<1x8x32xf32, #tpu.memory_space<hbm>>
      tpu.enqueue_dma source(%dma_start3A_592 : memref<1x8x32xf32, #tpu.memory_space<hbm>>) target(%dma_start3A_589 : memref<1x8x32xf32, #tpu.memory_space<vmem>>) target_semaphore(%arg15 : memref<!tpu.dma_semaphore, #tpu.memory_space<semaphore_mem>>)
      %slice3A_593 = vector.extract_strided_slice %shift_right_logical3A_48 {offsets = [1], sizes = [1], strides = [1]} : vector<16xi32> to vector<1xi32>
      %squeeze3A_594 = vector.extract %slice3A_593[0] : i32 from vector<1xi32>
      %dma_start3A_595 = arith.constant 17 : i32
      %dma_start3A_596 = arith.constant 0 : i32
      %dma_start3A_597 = arith.constant 0 : i32
      %dma_start3A_598 = tpu.memref_slice %arg10[%dma_start3A_595, %dma_start3A_596, %dma_start3A_597] : memref<32x8x32xf32, #tpu.memory_space<vmem>> -> memref<1x8x32xf32, #tpu.memory_space<vmem>>
      %dma_start3A_599 = arith.constant 0 : i32
      %dma_start3A_600 = arith.constant 0 : i32
      %dma_start3A_601 = tpu.memref_slice %arg2[%squeeze3A_594, %dma_start3A_599, %dma_start3A_600] : memref<125000x8x32xf32, #tpu.memory_space<hbm>> -> memref<1x8x32xf32, #tpu.memory_space<hbm>>
      %dma_start3A_602 = arith.constant 17 : i32
      %dma_start3A_603 = arith.constant 0 : i32
      %dma_start3A_604 = arith.constant 0 : i32
      %dma_start3A_605 = tpu.memref_slice %arg10[%dma_start3A_602, %dma_start3A_603, %dma_start3A_604] : memref<32x8x32xf32, #tpu.memory_space<vmem>> -> memref<1x8x32xf32, #tpu.memory_space<vmem>>
      %dma_start3A_606 = arith.constant 0 : i32
      %dma_start3A_607 = arith.constant 0 : i32
      %dma_start3A_608 = tpu.memref_slice %arg2[%squeeze3A_594, %dma_start3A_606, %dma_start3A_607] : memref<125000x8x32xf32, #tpu.memory_space<hbm>> -> memref<1x8x32xf32, #tpu.memory_space<hbm>>
      tpu.enqueue_dma source(%dma_start3A_608 : memref<1x8x32xf32, #tpu.memory_space<hbm>>) target(%dma_start3A_605 : memref<1x8x32xf32, #tpu.memory_space<vmem>>) target_semaphore(%arg14 : memref<!tpu.dma_semaphore, #tpu.memory_space<semaphore_mem>>)
      %slice3A_609 = vector.extract_strided_slice %shift_right_logical3A_51 {offsets = [1], sizes = [1], strides = [1]} : vector<16xi32> to vector<1xi32>
      %squeeze3A_610 = vector.extract %slice3A_609[0] : i32 from vector<1xi32>
      %dma_start3A_611 = arith.constant 17 : i32
      %dma_start3A_612 = arith.constant 0 : i32
      %dma_start3A_613 = arith.constant 0 : i32
      %dma_start3A_614 = tpu.memref_slice %arg11[%dma_start3A_611, %dma_start3A_612, %dma_start3A_613] : memref<32x8x32xf32, #tpu.memory_space<vmem>> -> memref<1x8x32xf32, #tpu.memory_space<vmem>>
      %dma_start3A_615 = arith.constant 0 : i32
      %dma_start3A_616 = arith.constant 0 : i32
      %dma_start3A_617 = tpu.memref_slice %arg3[%squeeze3A_610, %dma_start3A_615, %dma_start3A_616] : memref<125000x8x32xf32, #tpu.memory_space<hbm>> -> memref<1x8x32xf32, #tpu.memory_space<hbm>>
      %dma_start3A_618 = arith.constant 17 : i32
      %dma_start3A_619 = arith.constant 0 : i32
      %dma_start3A_620 = arith.constant 0 : i32
      %dma_start3A_621 = tpu.memref_slice %arg11[%dma_start3A_618, %dma_start3A_619, %dma_start3A_620] : memref<32x8x32xf32, #tpu.memory_space<vmem>> -> memref<1x8x32xf32, #tpu.memory_space<vmem>>
      %dma_start3A_622 = arith.constant 0 : i32
      %dma_start3A_623 = arith.constant 0 : i32
      %dma_start3A_624 = tpu.memref_slice %arg3[%squeeze3A_610, %dma_start3A_622, %dma_start3A_623] : memref<125000x8x32xf32, #tpu.memory_space<hbm>> -> memref<1x8x32xf32, #tpu.memory_space<hbm>>
      tpu.enqueue_dma source(%dma_start3A_624 : memref<1x8x32xf32, #tpu.memory_space<hbm>>) target(%dma_start3A_621 : memref<1x8x32xf32, #tpu.memory_space<vmem>>) target_semaphore(%arg15 : memref<!tpu.dma_semaphore, #tpu.memory_space<semaphore_mem>>)
      %slice3A_625 = vector.extract_strided_slice %shift_right_logical3A_48 {offsets = [2], sizes = [1], strides = [1]} : vector<16xi32> to vector<1xi32>
      %squeeze3A_626 = vector.extract %slice3A_625[0] : i32 from vector<1xi32>
      %dma_start3A_627 = arith.constant 18 : i32
      %dma_start3A_628 = arith.constant 0 : i32
      %dma_start3A_629 = arith.constant 0 : i32
      %dma_start3A_630 = tpu.memref_slice %arg10[%dma_start3A_627, %dma_start3A_628, %dma_start3A_629] : memref<32x8x32xf32, #tpu.memory_space<vmem>> -> memref<1x8x32xf32, #tpu.memory_space<vmem>>
      %dma_start3A_631 = arith.constant 0 : i32
      %dma_start3A_632 = arith.constant 0 : i32
      %dma_start3A_633 = tpu.memref_slice %arg2[%squeeze3A_626, %dma_start3A_631, %dma_start3A_632] : memref<125000x8x32xf32, #tpu.memory_space<hbm>> -> memref<1x8x32xf32, #tpu.memory_space<hbm>>
      %dma_start3A_634 = arith.constant 18 : i32
      %dma_start3A_635 = arith.constant 0 : i32
      %dma_start3A_636 = arith.constant 0 : i32
      %dma_start3A_637 = tpu.memref_slice %arg10[%dma_start3A_634, %dma_start3A_635, %dma_start3A_636] : memref<32x8x32xf32, #tpu.memory_space<vmem>> -> memref<1x8x32xf32, #tpu.memory_space<vmem>>
      %dma_start3A_638 = arith.constant 0 : i32
      %dma_start3A_639 = arith.constant 0 : i32
      %dma_start3A_640 = tpu.memref_slice %arg2[%squeeze3A_626, %dma_start3A_638, %dma_start3A_639] : memref<125000x8x32xf32, #tpu.memory_space<hbm>> -> memref<1x8x32xf32, #tpu.memory_space<hbm>>
      tpu.enqueue_dma source(%dma_start3A_640 : memref<1x8x32xf32, #tpu.memory_space<hbm>>) target(%dma_start3A_637 : memref<1x8x32xf32, #tpu.memory_space<vmem>>) target_semaphore(%arg14 : memref<!tpu.dma_semaphore, #tpu.memory_space<semaphore_mem>>)
      %slice3A_641 = vector.extract_strided_slice %shift_right_logical3A_51 {offsets = [2], sizes = [1], strides = [1]} : vector<16xi32> to vector<1xi32>
      %squeeze3A_642 = vector.extract %slice3A_641[0] : i32 from vector<1xi32>
      %dma_start3A_643 = arith.constant 18 : i32
      %dma_start3A_644 = arith.constant 0 : i32
      %dma_start3A_645 = arith.constant 0 : i32
      %dma_start3A_646 = tpu.memref_slice %arg11[%dma_start3A_643, %dma_start3A_644, %dma_start3A_645] : memref<32x8x32xf32, #tpu.memory_space<vmem>> -> memref<1x8x32xf32, #tpu.memory_space<vmem>>
      %dma_start3A_647 = arith.constant 0 : i32
      %dma_start3A_648 = arith.constant 0 : i32
      %dma_start3A_649 = tpu.memref_slice %arg3[%squeeze3A_642, %dma_start3A_647, %dma_start3A_648] : memref<125000x8x32xf32, #tpu.memory_space<hbm>> -> memref<1x8x32xf32, #tpu.memory_space<hbm>>
      %dma_start3A_650 = arith.constant 18 : i32
      %dma_start3A_651 = arith.constant 0 : i32
      %dma_start3A_652 = arith.constant 0 : i32
      %dma_start3A_653 = tpu.memref_slice %arg11[%dma_start3A_650, %dma_start3A_651, %dma_start3A_652] : memref<32x8x32xf32, #tpu.memory_space<vmem>> -> memref<1x8x32xf32, #tpu.memory_space<vmem>>
      %dma_start3A_654 = arith.constant 0 : i32
      %dma_start3A_655 = arith.constant 0 : i32
      %dma_start3A_656 = tpu.memref_slice %arg3[%squeeze3A_642, %dma_start3A_654, %dma_start3A_655] : memref<125000x8x32xf32, #tpu.memory_space<hbm>> -> memref<1x8x32xf32, #tpu.memory_space<hbm>>
      tpu.enqueue_dma source(%dma_start3A_656 : memref<1x8x32xf32, #tpu.memory_space<hbm>>) target(%dma_start3A_653 : memref<1x8x32xf32, #tpu.memory_space<vmem>>) target_semaphore(%arg15 : memref<!tpu.dma_semaphore, #tpu.memory_space<semaphore_mem>>)
      %slice3A_657 = vector.extract_strided_slice %shift_right_logical3A_48 {offsets = [3], sizes = [1], strides = [1]} : vector<16xi32> to vector<1xi32>
      %squeeze3A_658 = vector.extract %slice3A_657[0] : i32 from vector<1xi32>
      %dma_start3A_659 = arith.constant 19 : i32
      %dma_start3A_660 = arith.constant 0 : i32
      %dma_start3A_661 = arith.constant 0 : i32
      %dma_start3A_662 = tpu.memref_slice %arg10[%dma_start3A_659, %dma_start3A_660, %dma_start3A_661] : memref<32x8x32xf32, #tpu.memory_space<vmem>> -> memref<1x8x32xf32, #tpu.memory_space<vmem>>
      %dma_start3A_663 = arith.constant 0 : i32
      %dma_start3A_664 = arith.constant 0 : i32
      %dma_start3A_665 = tpu.memref_slice %arg2[%squeeze3A_658, %dma_start3A_663, %dma_start3A_664] : memref<125000x8x32xf32, #tpu.memory_space<hbm>> -> memref<1x8x32xf32, #tpu.memory_space<hbm>>
      %dma_start3A_666 = arith.constant 19 : i32
      %dma_start3A_667 = arith.constant 0 : i32
      %dma_start3A_668 = arith.constant 0 : i32
      %dma_start3A_669 = tpu.memref_slice %arg10[%dma_start3A_666, %dma_start3A_667, %dma_start3A_668] : memref<32x8x32xf32, #tpu.memory_space<vmem>> -> memref<1x8x32xf32, #tpu.memory_space<vmem>>
      %dma_start3A_670 = arith.constant 0 : i32
      %dma_start3A_671 = arith.constant 0 : i32
      %dma_start3A_672 = tpu.memref_slice %arg2[%squeeze3A_658, %dma_start3A_670, %dma_start3A_671] : memref<125000x8x32xf32, #tpu.memory_space<hbm>> -> memref<1x8x32xf32, #tpu.memory_space<hbm>>
      tpu.enqueue_dma source(%dma_start3A_672 : memref<1x8x32xf32, #tpu.memory_space<hbm>>) target(%dma_start3A_669 : memref<1x8x32xf32, #tpu.memory_space<vmem>>) target_semaphore(%arg14 : memref<!tpu.dma_semaphore, #tpu.memory_space<semaphore_mem>>)
      %slice3A_673 = vector.extract_strided_slice %shift_right_logical3A_51 {offsets = [3], sizes = [1], strides = [1]} : vector<16xi32> to vector<1xi32>
      %squeeze3A_674 = vector.extract %slice3A_673[0] : i32 from vector<1xi32>
      %dma_start3A_675 = arith.constant 19 : i32
      %dma_start3A_676 = arith.constant 0 : i32
      %dma_start3A_677 = arith.constant 0 : i32
      %dma_start3A_678 = tpu.memref_slice %arg11[%dma_start3A_675, %dma_start3A_676, %dma_start3A_677] : memref<32x8x32xf32, #tpu.memory_space<vmem>> -> memref<1x8x32xf32, #tpu.memory_space<vmem>>
      %dma_start3A_679 = arith.constant 0 : i32
      %dma_start3A_680 = arith.constant 0 : i32
      %dma_start3A_681 = tpu.memref_slice %arg3[%squeeze3A_674, %dma_start3A_679, %dma_start3A_680] : memref<125000x8x32xf32, #tpu.memory_space<hbm>> -> memref<1x8x32xf32, #tpu.memory_space<hbm>>
      %dma_start3A_682 = arith.constant 19 : i32
      %dma_start3A_683 = arith.constant 0 : i32
      %dma_start3A_684 = arith.constant 0 : i32
      %dma_start3A_685 = tpu.memref_slice %arg11[%dma_start3A_682, %dma_start3A_683, %dma_start3A_684] : memref<32x8x32xf32, #tpu.memory_space<vmem>> -> memref<1x8x32xf32, #tpu.memory_space<vmem>>
      %dma_start3A_686 = arith.constant 0 : i32
      %dma_start3A_687 = arith.constant 0 : i32
      %dma_start3A_688 = tpu.memref_slice %arg3[%squeeze3A_674, %dma_start3A_686, %dma_start3A_687] : memref<125000x8x32xf32, #tpu.memory_space<hbm>> -> memref<1x8x32xf32, #tpu.memory_space<hbm>>
      tpu.enqueue_dma source(%dma_start3A_688 : memref<1x8x32xf32, #tpu.memory_space<hbm>>) target(%dma_start3A_685 : memref<1x8x32xf32, #tpu.memory_space<vmem>>) target_semaphore(%arg15 : memref<!tpu.dma_semaphore, #tpu.memory_space<semaphore_mem>>)
      %slice3A_689 = vector.extract_strided_slice %shift_right_logical3A_48 {offsets = [4], sizes = [1], strides = [1]} : vector<16xi32> to vector<1xi32>
      %squeeze3A_690 = vector.extract %slice3A_689[0] : i32 from vector<1xi32>
      %dma_start3A_691 = arith.constant 20 : i32
      %dma_start3A_692 = arith.constant 0 : i32
      %dma_start3A_693 = arith.constant 0 : i32
      %dma_start3A_694 = tpu.memref_slice %arg10[%dma_start3A_691, %dma_start3A_692, %dma_start3A_693] : memref<32x8x32xf32, #tpu.memory_space<vmem>> -> memref<1x8x32xf32, #tpu.memory_space<vmem>>
      %dma_start3A_695 = arith.constant 0 : i32
      %dma_start3A_696 = arith.constant 0 : i32
      %dma_start3A_697 = tpu.memref_slice %arg2[%squeeze3A_690, %dma_start3A_695, %dma_start3A_696] : memref<125000x8x32xf32, #tpu.memory_space<hbm>> -> memref<1x8x32xf32, #tpu.memory_space<hbm>>
      %dma_start3A_698 = arith.constant 20 : i32
      %dma_start3A_699 = arith.constant 0 : i32
      %dma_start3A_700 = arith.constant 0 : i32
      %dma_start3A_701 = tpu.memref_slice %arg10[%dma_start3A_698, %dma_start3A_699, %dma_start3A_700] : memref<32x8x32xf32, #tpu.memory_space<vmem>> -> memref<1x8x32xf32, #tpu.memory_space<vmem>>
      %dma_start3A_702 = arith.constant 0 : i32
      %dma_start3A_703 = arith.constant 0 : i32
      %dma_start3A_704 = tpu.memref_slice %arg2[%squeeze3A_690, %dma_start3A_702, %dma_start3A_703] : memref<125000x8x32xf32, #tpu.memory_space<hbm>> -> memref<1x8x32xf32, #tpu.memory_space<hbm>>
      tpu.enqueue_dma source(%dma_start3A_704 : memref<1x8x32xf32, #tpu.memory_space<hbm>>) target(%dma_start3A_701 : memref<1x8x32xf32, #tpu.memory_space<vmem>>) target_semaphore(%arg14 : memref<!tpu.dma_semaphore, #tpu.memory_space<semaphore_mem>>)
      %slice3A_705 = vector.extract_strided_slice %shift_right_logical3A_51 {offsets = [4], sizes = [1], strides = [1]} : vector<16xi32> to vector<1xi32>
      %squeeze3A_706 = vector.extract %slice3A_705[0] : i32 from vector<1xi32>
      %dma_start3A_707 = arith.constant 20 : i32
      %dma_start3A_708 = arith.constant 0 : i32
      %dma_start3A_709 = arith.constant 0 : i32
      %dma_start3A_710 = tpu.memref_slice %arg11[%dma_start3A_707, %dma_start3A_708, %dma_start3A_709] : memref<32x8x32xf32, #tpu.memory_space<vmem>> -> memref<1x8x32xf32, #tpu.memory_space<vmem>>
      %dma_start3A_711 = arith.constant 0 : i32
      %dma_start3A_712 = arith.constant 0 : i32
      %dma_start3A_713 = tpu.memref_slice %arg3[%squeeze3A_706, %dma_start3A_711, %dma_start3A_712] : memref<125000x8x32xf32, #tpu.memory_space<hbm>> -> memref<1x8x32xf32, #tpu.memory_space<hbm>>
      %dma_start3A_714 = arith.constant 20 : i32
      %dma_start3A_715 = arith.constant 0 : i32
      %dma_start3A_716 = arith.constant 0 : i32
      %dma_start3A_717 = tpu.memref_slice %arg11[%dma_start3A_714, %dma_start3A_715, %dma_start3A_716] : memref<32x8x32xf32, #tpu.memory_space<vmem>> -> memref<1x8x32xf32, #tpu.memory_space<vmem>>
      %dma_start3A_718 = arith.constant 0 : i32
      %dma_start3A_719 = arith.constant 0 : i32
      %dma_start3A_720 = tpu.memref_slice %arg3[%squeeze3A_706, %dma_start3A_718, %dma_start3A_719] : memref<125000x8x32xf32, #tpu.memory_space<hbm>> -> memref<1x8x32xf32, #tpu.memory_space<hbm>>
      tpu.enqueue_dma source(%dma_start3A_720 : memref<1x8x32xf32, #tpu.memory_space<hbm>>) target(%dma_start3A_717 : memref<1x8x32xf32, #tpu.memory_space<vmem>>) target_semaphore(%arg15 : memref<!tpu.dma_semaphore, #tpu.memory_space<semaphore_mem>>)
      %slice3A_721 = vector.extract_strided_slice %shift_right_logical3A_48 {offsets = [5], sizes = [1], strides = [1]} : vector<16xi32> to vector<1xi32>
      %squeeze3A_722 = vector.extract %slice3A_721[0] : i32 from vector<1xi32>
      %dma_start3A_723 = arith.constant 21 : i32
      %dma_start3A_724 = arith.constant 0 : i32
      %dma_start3A_725 = arith.constant 0 : i32
      %dma_start3A_726 = tpu.memref_slice %arg10[%dma_start3A_723, %dma_start3A_724, %dma_start3A_725] : memref<32x8x32xf32, #tpu.memory_space<vmem>> -> memref<1x8x32xf32, #tpu.memory_space<vmem>>
      %dma_start3A_727 = arith.constant 0 : i32
      %dma_start3A_728 = arith.constant 0 : i32
      %dma_start3A_729 = tpu.memref_slice %arg2[%squeeze3A_722, %dma_start3A_727, %dma_start3A_728] : memref<125000x8x32xf32, #tpu.memory_space<hbm>> -> memref<1x8x32xf32, #tpu.memory_space<hbm>>
      %dma_start3A_730 = arith.constant 21 : i32
      %dma_start3A_731 = arith.constant 0 : i32
      %dma_start3A_732 = arith.constant 0 : i32
      %dma_start3A_733 = tpu.memref_slice %arg10[%dma_start3A_730, %dma_start3A_731, %dma_start3A_732] : memref<32x8x32xf32, #tpu.memory_space<vmem>> -> memref<1x8x32xf32, #tpu.memory_space<vmem>>
      %dma_start3A_734 = arith.constant 0 : i32
      %dma_start3A_735 = arith.constant 0 : i32
      %dma_start3A_736 = tpu.memref_slice %arg2[%squeeze3A_722, %dma_start3A_734, %dma_start3A_735] : memref<125000x8x32xf32, #tpu.memory_space<hbm>> -> memref<1x8x32xf32, #tpu.memory_space<hbm>>
      tpu.enqueue_dma source(%dma_start3A_736 : memref<1x8x32xf32, #tpu.memory_space<hbm>>) target(%dma_start3A_733 : memref<1x8x32xf32, #tpu.memory_space<vmem>>) target_semaphore(%arg14 : memref<!tpu.dma_semaphore, #tpu.memory_space<semaphore_mem>>)
      %slice3A_737 = vector.extract_strided_slice %shift_right_logical3A_51 {offsets = [5], sizes = [1], strides = [1]} : vector<16xi32> to vector<1xi32>
      %squeeze3A_738 = vector.extract %slice3A_737[0] : i32 from vector<1xi32>
      %dma_start3A_739 = arith.constant 21 : i32
      %dma_start3A_740 = arith.constant 0 : i32
      %dma_start3A_741 = arith.constant 0 : i32
      %dma_start3A_742 = tpu.memref_slice %arg11[%dma_start3A_739, %dma_start3A_740, %dma_start3A_741] : memref<32x8x32xf32, #tpu.memory_space<vmem>> -> memref<1x8x32xf32, #tpu.memory_space<vmem>>
      %dma_start3A_743 = arith.constant 0 : i32
      %dma_start3A_744 = arith.constant 0 : i32
      %dma_start3A_745 = tpu.memref_slice %arg3[%squeeze3A_738, %dma_start3A_743, %dma_start3A_744] : memref<125000x8x32xf32, #tpu.memory_space<hbm>> -> memref<1x8x32xf32, #tpu.memory_space<hbm>>
      %dma_start3A_746 = arith.constant 21 : i32
      %dma_start3A_747 = arith.constant 0 : i32
      %dma_start3A_748 = arith.constant 0 : i32
      %dma_start3A_749 = tpu.memref_slice %arg11[%dma_start3A_746, %dma_start3A_747, %dma_start3A_748] : memref<32x8x32xf32, #tpu.memory_space<vmem>> -> memref<1x8x32xf32, #tpu.memory_space<vmem>>
      %dma_start3A_750 = arith.constant 0 : i32
      %dma_start3A_751 = arith.constant 0 : i32
      %dma_start3A_752 = tpu.memref_slice %arg3[%squeeze3A_738, %dma_start3A_750, %dma_start3A_751] : memref<125000x8x32xf32, #tpu.memory_space<hbm>> -> memref<1x8x32xf32, #tpu.memory_space<hbm>>
      tpu.enqueue_dma source(%dma_start3A_752 : memref<1x8x32xf32, #tpu.memory_space<hbm>>) target(%dma_start3A_749 : memref<1x8x32xf32, #tpu.memory_space<vmem>>) target_semaphore(%arg15 : memref<!tpu.dma_semaphore, #tpu.memory_space<semaphore_mem>>)
      %slice3A_753 = vector.extract_strided_slice %shift_right_logical3A_48 {offsets = [6], sizes = [1], strides = [1]} : vector<16xi32> to vector<1xi32>
      %squeeze3A_754 = vector.extract %slice3A_753[0] : i32 from vector<1xi32>
      %dma_start3A_755 = arith.constant 22 : i32
      %dma_start3A_756 = arith.constant 0 : i32
      %dma_start3A_757 = arith.constant 0 : i32
      %dma_start3A_758 = tpu.memref_slice %arg10[%dma_start3A_755, %dma_start3A_756, %dma_start3A_757] : memref<32x8x32xf32, #tpu.memory_space<vmem>> -> memref<1x8x32xf32, #tpu.memory_space<vmem>>
      %dma_start3A_759 = arith.constant 0 : i32
      %dma_start3A_760 = arith.constant 0 : i32
      %dma_start3A_761 = tpu.memref_slice %arg2[%squeeze3A_754, %dma_start3A_759, %dma_start3A_760] : memref<125000x8x32xf32, #tpu.memory_space<hbm>> -> memref<1x8x32xf32, #tpu.memory_space<hbm>>
      %dma_start3A_762 = arith.constant 22 : i32
      %dma_start3A_763 = arith.constant 0 : i32
      %dma_start3A_764 = arith.constant 0 : i32
      %dma_start3A_765 = tpu.memref_slice %arg10[%dma_start3A_762, %dma_start3A_763, %dma_start3A_764] : memref<32x8x32xf32, #tpu.memory_space<vmem>> -> memref<1x8x32xf32, #tpu.memory_space<vmem>>
      %dma_start3A_766 = arith.constant 0 : i32
      %dma_start3A_767 = arith.constant 0 : i32
      %dma_start3A_768 = tpu.memref_slice %arg2[%squeeze3A_754, %dma_start3A_766, %dma_start3A_767] : memref<125000x8x32xf32, #tpu.memory_space<hbm>> -> memref<1x8x32xf32, #tpu.memory_space<hbm>>
      tpu.enqueue_dma source(%dma_start3A_768 : memref<1x8x32xf32, #tpu.memory_space<hbm>>) target(%dma_start3A_765 : memref<1x8x32xf32, #tpu.memory_space<vmem>>) target_semaphore(%arg14 : memref<!tpu.dma_semaphore, #tpu.memory_space<semaphore_mem>>)
      %slice3A_769 = vector.extract_strided_slice %shift_right_logical3A_51 {offsets = [6], sizes = [1], strides = [1]} : vector<16xi32> to vector<1xi32>
      %squeeze3A_770 = vector.extract %slice3A_769[0] : i32 from vector<1xi32>
      %dma_start3A_771 = arith.constant 22 : i32
      %dma_start3A_772 = arith.constant 0 : i32
      %dma_start3A_773 = arith.constant 0 : i32
      %dma_start3A_774 = tpu.memref_slice %arg11[%dma_start3A_771, %dma_start3A_772, %dma_start3A_773] : memref<32x8x32xf32, #tpu.memory_space<vmem>> -> memref<1x8x32xf32, #tpu.memory_space<vmem>>
      %dma_start3A_775 = arith.constant 0 : i32
      %dma_start3A_776 = arith.constant 0 : i32
      %dma_start3A_777 = tpu.memref_slice %arg3[%squeeze3A_770, %dma_start3A_775, %dma_start3A_776] : memref<125000x8x32xf32, #tpu.memory_space<hbm>> -> memref<1x8x32xf32, #tpu.memory_space<hbm>>
      %dma_start3A_778 = arith.constant 22 : i32
      %dma_start3A_779 = arith.constant 0 : i32
      %dma_start3A_780 = arith.constant 0 : i32
      %dma_start3A_781 = tpu.memref_slice %arg11[%dma_start3A_778, %dma_start3A_779, %dma_start3A_780] : memref<32x8x32xf32, #tpu.memory_space<vmem>> -> memref<1x8x32xf32, #tpu.memory_space<vmem>>
      %dma_start3A_782 = arith.constant 0 : i32
      %dma_start3A_783 = arith.constant 0 : i32
      %dma_start3A_784 = tpu.memref_slice %arg3[%squeeze3A_770, %dma_start3A_782, %dma_start3A_783] : memref<125000x8x32xf32, #tpu.memory_space<hbm>> -> memref<1x8x32xf32, #tpu.memory_space<hbm>>
      tpu.enqueue_dma source(%dma_start3A_784 : memref<1x8x32xf32, #tpu.memory_space<hbm>>) target(%dma_start3A_781 : memref<1x8x32xf32, #tpu.memory_space<vmem>>) target_semaphore(%arg15 : memref<!tpu.dma_semaphore, #tpu.memory_space<semaphore_mem>>)
      %slice3A_785 = vector.extract_strided_slice %shift_right_logical3A_48 {offsets = [7], sizes = [1], strides = [1]} : vector<16xi32> to vector<1xi32>
      %squeeze3A_786 = vector.extract %slice3A_785[0] : i32 from vector<1xi32>
      %dma_start3A_787 = arith.constant 23 : i32
      %dma_start3A_788 = arith.constant 0 : i32
      %dma_start3A_789 = arith.constant 0 : i32
      %dma_start3A_790 = tpu.memref_slice %arg10[%dma_start3A_787, %dma_start3A_788, %dma_start3A_789] : memref<32x8x32xf32, #tpu.memory_space<vmem>> -> memref<1x8x32xf32, #tpu.memory_space<vmem>>
      %dma_start3A_791 = arith.constant 0 : i32
      %dma_start3A_792 = arith.constant 0 : i32
      %dma_start3A_793 = tpu.memref_slice %arg2[%squeeze3A_786, %dma_start3A_791, %dma_start3A_792] : memref<125000x8x32xf32, #tpu.memory_space<hbm>> -> memref<1x8x32xf32, #tpu.memory_space<hbm>>
      %dma_start3A_794 = arith.constant 23 : i32
      %dma_start3A_795 = arith.constant 0 : i32
      %dma_start3A_796 = arith.constant 0 : i32
      %dma_start3A_797 = tpu.memref_slice %arg10[%dma_start3A_794, %dma_start3A_795, %dma_start3A_796] : memref<32x8x32xf32, #tpu.memory_space<vmem>> -> memref<1x8x32xf32, #tpu.memory_space<vmem>>
      %dma_start3A_798 = arith.constant 0 : i32
      %dma_start3A_799 = arith.constant 0 : i32
      %dma_start3A_800 = tpu.memref_slice %arg2[%squeeze3A_786, %dma_start3A_798, %dma_start3A_799] : memref<125000x8x32xf32, #tpu.memory_space<hbm>> -> memref<1x8x32xf32, #tpu.memory_space<hbm>>
      tpu.enqueue_dma source(%dma_start3A_800 : memref<1x8x32xf32, #tpu.memory_space<hbm>>) target(%dma_start3A_797 : memref<1x8x32xf32, #tpu.memory_space<vmem>>) target_semaphore(%arg14 : memref<!tpu.dma_semaphore, #tpu.memory_space<semaphore_mem>>)
      %slice3A_801 = vector.extract_strided_slice %shift_right_logical3A_51 {offsets = [7], sizes = [1], strides = [1]} : vector<16xi32> to vector<1xi32>
      %squeeze3A_802 = vector.extract %slice3A_801[0] : i32 from vector<1xi32>
      %dma_start3A_803 = arith.constant 23 : i32
      %dma_start3A_804 = arith.constant 0 : i32
      %dma_start3A_805 = arith.constant 0 : i32
      %dma_start3A_806 = tpu.memref_slice %arg11[%dma_start3A_803, %dma_start3A_804, %dma_start3A_805] : memref<32x8x32xf32, #tpu.memory_space<vmem>> -> memref<1x8x32xf32, #tpu.memory_space<vmem>>
      %dma_start3A_807 = arith.constant 0 : i32
      %dma_start3A_808 = arith.constant 0 : i32
      %dma_start3A_809 = tpu.memref_slice %arg3[%squeeze3A_802, %dma_start3A_807, %dma_start3A_808] : memref<125000x8x32xf32, #tpu.memory_space<hbm>> -> memref<1x8x32xf32, #tpu.memory_space<hbm>>
      %dma_start3A_810 = arith.constant 23 : i32
      %dma_start3A_811 = arith.constant 0 : i32
      %dma_start3A_812 = arith.constant 0 : i32
      %dma_start3A_813 = tpu.memref_slice %arg11[%dma_start3A_810, %dma_start3A_811, %dma_start3A_812] : memref<32x8x32xf32, #tpu.memory_space<vmem>> -> memref<1x8x32xf32, #tpu.memory_space<vmem>>
      %dma_start3A_814 = arith.constant 0 : i32
      %dma_start3A_815 = arith.constant 0 : i32
      %dma_start3A_816 = tpu.memref_slice %arg3[%squeeze3A_802, %dma_start3A_814, %dma_start3A_815] : memref<125000x8x32xf32, #tpu.memory_space<hbm>> -> memref<1x8x32xf32, #tpu.memory_space<hbm>>
      tpu.enqueue_dma source(%dma_start3A_816 : memref<1x8x32xf32, #tpu.memory_space<hbm>>) target(%dma_start3A_813 : memref<1x8x32xf32, #tpu.memory_space<vmem>>) target_semaphore(%arg15 : memref<!tpu.dma_semaphore, #tpu.memory_space<semaphore_mem>>)
      %slice3A_817 = vector.extract_strided_slice %shift_right_logical3A_48 {offsets = [8], sizes = [1], strides = [1]} : vector<16xi32> to vector<1xi32>
      %squeeze3A_818 = vector.extract %slice3A_817[0] : i32 from vector<1xi32>
      %dma_start3A_819 = arith.constant 24 : i32
      %dma_start3A_820 = arith.constant 0 : i32
      %dma_start3A_821 = arith.constant 0 : i32
      %dma_start3A_822 = tpu.memref_slice %arg10[%dma_start3A_819, %dma_start3A_820, %dma_start3A_821] : memref<32x8x32xf32, #tpu.memory_space<vmem>> -> memref<1x8x32xf32, #tpu.memory_space<vmem>>
      %dma_start3A_823 = arith.constant 0 : i32
      %dma_start3A_824 = arith.constant 0 : i32
      %dma_start3A_825 = tpu.memref_slice %arg2[%squeeze3A_818, %dma_start3A_823, %dma_start3A_824] : memref<125000x8x32xf32, #tpu.memory_space<hbm>> -> memref<1x8x32xf32, #tpu.memory_space<hbm>>
      %dma_start3A_826 = arith.constant 24 : i32
      %dma_start3A_827 = arith.constant 0 : i32
      %dma_start3A_828 = arith.constant 0 : i32
      %dma_start3A_829 = tpu.memref_slice %arg10[%dma_start3A_826, %dma_start3A_827, %dma_start3A_828] : memref<32x8x32xf32, #tpu.memory_space<vmem>> -> memref<1x8x32xf32, #tpu.memory_space<vmem>>
      %dma_start3A_830 = arith.constant 0 : i32
      %dma_start3A_831 = arith.constant 0 : i32
      %dma_start3A_832 = tpu.memref_slice %arg2[%squeeze3A_818, %dma_start3A_830, %dma_start3A_831] : memref<125000x8x32xf32, #tpu.memory_space<hbm>> -> memref<1x8x32xf32, #tpu.memory_space<hbm>>
      tpu.enqueue_dma source(%dma_start3A_832 : memref<1x8x32xf32, #tpu.memory_space<hbm>>) target(%dma_start3A_829 : memref<1x8x32xf32, #tpu.memory_space<vmem>>) target_semaphore(%arg14 : memref<!tpu.dma_semaphore, #tpu.memory_space<semaphore_mem>>)
      %slice3A_833 = vector.extract_strided_slice %shift_right_logical3A_51 {offsets = [8], sizes = [1], strides = [1]} : vector<16xi32> to vector<1xi32>
      %squeeze3A_834 = vector.extract %slice3A_833[0] : i32 from vector<1xi32>
      %dma_start3A_835 = arith.constant 24 : i32
      %dma_start3A_836 = arith.constant 0 : i32
      %dma_start3A_837 = arith.constant 0 : i32
      %dma_start3A_838 = tpu.memref_slice %arg11[%dma_start3A_835, %dma_start3A_836, %dma_start3A_837] : memref<32x8x32xf32, #tpu.memory_space<vmem>> -> memref<1x8x32xf32, #tpu.memory_space<vmem>>
      %dma_start3A_839 = arith.constant 0 : i32
      %dma_start3A_840 = arith.constant 0 : i32
      %dma_start3A_841 = tpu.memref_slice %arg3[%squeeze3A_834, %dma_start3A_839, %dma_start3A_840] : memref<125000x8x32xf32, #tpu.memory_space<hbm>> -> memref<1x8x32xf32, #tpu.memory_space<hbm>>
      %dma_start3A_842 = arith.constant 24 : i32
      %dma_start3A_843 = arith.constant 0 : i32
      %dma_start3A_844 = arith.constant 0 : i32
      %dma_start3A_845 = tpu.memref_slice %arg11[%dma_start3A_842, %dma_start3A_843, %dma_start3A_844] : memref<32x8x32xf32, #tpu.memory_space<vmem>> -> memref<1x8x32xf32, #tpu.memory_space<vmem>>
      %dma_start3A_846 = arith.constant 0 : i32
      %dma_start3A_847 = arith.constant 0 : i32
      %dma_start3A_848 = tpu.memref_slice %arg3[%squeeze3A_834, %dma_start3A_846, %dma_start3A_847] : memref<125000x8x32xf32, #tpu.memory_space<hbm>> -> memref<1x8x32xf32, #tpu.memory_space<hbm>>
      tpu.enqueue_dma source(%dma_start3A_848 : memref<1x8x32xf32, #tpu.memory_space<hbm>>) target(%dma_start3A_845 : memref<1x8x32xf32, #tpu.memory_space<vmem>>) target_semaphore(%arg15 : memref<!tpu.dma_semaphore, #tpu.memory_space<semaphore_mem>>)
      %slice3A_849 = vector.extract_strided_slice %shift_right_logical3A_48 {offsets = [9], sizes = [1], strides = [1]} : vector<16xi32> to vector<1xi32>
      %squeeze3A_850 = vector.extract %slice3A_849[0] : i32 from vector<1xi32>
      %dma_start3A_851 = arith.constant 25 : i32
      %dma_start3A_852 = arith.constant 0 : i32
      %dma_start3A_853 = arith.constant 0 : i32
      %dma_start3A_854 = tpu.memref_slice %arg10[%dma_start3A_851, %dma_start3A_852, %dma_start3A_853] : memref<32x8x32xf32, #tpu.memory_space<vmem>> -> memref<1x8x32xf32, #tpu.memory_space<vmem>>
      %dma_start3A_855 = arith.constant 0 : i32
      %dma_start3A_856 = arith.constant 0 : i32
      %dma_start3A_857 = tpu.memref_slice %arg2[%squeeze3A_850, %dma_start3A_855, %dma_start3A_856] : memref<125000x8x32xf32, #tpu.memory_space<hbm>> -> memref<1x8x32xf32, #tpu.memory_space<hbm>>
      %dma_start3A_858 = arith.constant 25 : i32
      %dma_start3A_859 = arith.constant 0 : i32
      %dma_start3A_860 = arith.constant 0 : i32
      %dma_start3A_861 = tpu.memref_slice %arg10[%dma_start3A_858, %dma_start3A_859, %dma_start3A_860] : memref<32x8x32xf32, #tpu.memory_space<vmem>> -> memref<1x8x32xf32, #tpu.memory_space<vmem>>
      %dma_start3A_862 = arith.constant 0 : i32
      %dma_start3A_863 = arith.constant 0 : i32
      %dma_start3A_864 = tpu.memref_slice %arg2[%squeeze3A_850, %dma_start3A_862, %dma_start3A_863] : memref<125000x8x32xf32, #tpu.memory_space<hbm>> -> memref<1x8x32xf32, #tpu.memory_space<hbm>>
      tpu.enqueue_dma source(%dma_start3A_864 : memref<1x8x32xf32, #tpu.memory_space<hbm>>) target(%dma_start3A_861 : memref<1x8x32xf32, #tpu.memory_space<vmem>>) target_semaphore(%arg14 : memref<!tpu.dma_semaphore, #tpu.memory_space<semaphore_mem>>)
      %slice3A_865 = vector.extract_strided_slice %shift_right_logical3A_51 {offsets = [9], sizes = [1], strides = [1]} : vector<16xi32> to vector<1xi32>
      %squeeze3A_866 = vector.extract %slice3A_865[0] : i32 from vector<1xi32>
      %dma_start3A_867 = arith.constant 25 : i32
      %dma_start3A_868 = arith.constant 0 : i32
      %dma_start3A_869 = arith.constant 0 : i32
      %dma_start3A_870 = tpu.memref_slice %arg11[%dma_start3A_867, %dma_start3A_868, %dma_start3A_869] : memref<32x8x32xf32, #tpu.memory_space<vmem>> -> memref<1x8x32xf32, #tpu.memory_space<vmem>>
      %dma_start3A_871 = arith.constant 0 : i32
      %dma_start3A_872 = arith.constant 0 : i32
      %dma_start3A_873 = tpu.memref_slice %arg3[%squeeze3A_866, %dma_start3A_871, %dma_start3A_872] : memref<125000x8x32xf32, #tpu.memory_space<hbm>> -> memref<1x8x32xf32, #tpu.memory_space<hbm>>
      %dma_start3A_874 = arith.constant 25 : i32
      %dma_start3A_875 = arith.constant 0 : i32
      %dma_start3A_876 = arith.constant 0 : i32
      %dma_start3A_877 = tpu.memref_slice %arg11[%dma_start3A_874, %dma_start3A_875, %dma_start3A_876] : memref<32x8x32xf32, #tpu.memory_space<vmem>> -> memref<1x8x32xf32, #tpu.memory_space<vmem>>
      %dma_start3A_878 = arith.constant 0 : i32
      %dma_start3A_879 = arith.constant 0 : i32
      %dma_start3A_880 = tpu.memref_slice %arg3[%squeeze3A_866, %dma_start3A_878, %dma_start3A_879] : memref<125000x8x32xf32, #tpu.memory_space<hbm>> -> memref<1x8x32xf32, #tpu.memory_space<hbm>>
      tpu.enqueue_dma source(%dma_start3A_880 : memref<1x8x32xf32, #tpu.memory_space<hbm>>) target(%dma_start3A_877 : memref<1x8x32xf32, #tpu.memory_space<vmem>>) target_semaphore(%arg15 : memref<!tpu.dma_semaphore, #tpu.memory_space<semaphore_mem>>)
      %slice3A_881 = vector.extract_strided_slice %shift_right_logical3A_48 {offsets = [10], sizes = [1], strides = [1]} : vector<16xi32> to vector<1xi32>
      %squeeze3A_882 = vector.extract %slice3A_881[0] : i32 from vector<1xi32>
      %dma_start3A_883 = arith.constant 26 : i32
      %dma_start3A_884 = arith.constant 0 : i32
      %dma_start3A_885 = arith.constant 0 : i32
      %dma_start3A_886 = tpu.memref_slice %arg10[%dma_start3A_883, %dma_start3A_884, %dma_start3A_885] : memref<32x8x32xf32, #tpu.memory_space<vmem>> -> memref<1x8x32xf32, #tpu.memory_space<vmem>>
      %dma_start3A_887 = arith.constant 0 : i32
      %dma_start3A_888 = arith.constant 0 : i32
      %dma_start3A_889 = tpu.memref_slice %arg2[%squeeze3A_882, %dma_start3A_887, %dma_start3A_888] : memref<125000x8x32xf32, #tpu.memory_space<hbm>> -> memref<1x8x32xf32, #tpu.memory_space<hbm>>
      %dma_start3A_890 = arith.constant 26 : i32
      %dma_start3A_891 = arith.constant 0 : i32
      %dma_start3A_892 = arith.constant 0 : i32
      %dma_start3A_893 = tpu.memref_slice %arg10[%dma_start3A_890, %dma_start3A_891, %dma_start3A_892] : memref<32x8x32xf32, #tpu.memory_space<vmem>> -> memref<1x8x32xf32, #tpu.memory_space<vmem>>
      %dma_start3A_894 = arith.constant 0 : i32
      %dma_start3A_895 = arith.constant 0 : i32
      %dma_start3A_896 = tpu.memref_slice %arg2[%squeeze3A_882, %dma_start3A_894, %dma_start3A_895] : memref<125000x8x32xf32, #tpu.memory_space<hbm>> -> memref<1x8x32xf32, #tpu.memory_space<hbm>>
      tpu.enqueue_dma source(%dma_start3A_896 : memref<1x8x32xf32, #tpu.memory_space<hbm>>) target(%dma_start3A_893 : memref<1x8x32xf32, #tpu.memory_space<vmem>>) target_semaphore(%arg14 : memref<!tpu.dma_semaphore, #tpu.memory_space<semaphore_mem>>)
      %slice3A_897 = vector.extract_strided_slice %shift_right_logical3A_51 {offsets = [10], sizes = [1], strides = [1]} : vector<16xi32> to vector<1xi32>
      %squeeze3A_898 = vector.extract %slice3A_897[0] : i32 from vector<1xi32>
      %dma_start3A_899 = arith.constant 26 : i32
      %dma_start3A_900 = arith.constant 0 : i32
      %dma_start3A_901 = arith.constant 0 : i32
      %dma_start3A_902 = tpu.memref_slice %arg11[%dma_start3A_899, %dma_start3A_900, %dma_start3A_901] : memref<32x8x32xf32, #tpu.memory_space<vmem>> -> memref<1x8x32xf32, #tpu.memory_space<vmem>>
      %dma_start3A_903 = arith.constant 0 : i32
      %dma_start3A_904 = arith.constant 0 : i32
      %dma_start3A_905 = tpu.memref_slice %arg3[%squeeze3A_898, %dma_start3A_903, %dma_start3A_904] : memref<125000x8x32xf32, #tpu.memory_space<hbm>> -> memref<1x8x32xf32, #tpu.memory_space<hbm>>
      %dma_start3A_906 = arith.constant 26 : i32
      %dma_start3A_907 = arith.constant 0 : i32
      %dma_start3A_908 = arith.constant 0 : i32
      %dma_start3A_909 = tpu.memref_slice %arg11[%dma_start3A_906, %dma_start3A_907, %dma_start3A_908] : memref<32x8x32xf32, #tpu.memory_space<vmem>> -> memref<1x8x32xf32, #tpu.memory_space<vmem>>
      %dma_start3A_910 = arith.constant 0 : i32
      %dma_start3A_911 = arith.constant 0 : i32
      %dma_start3A_912 = tpu.memref_slice %arg3[%squeeze3A_898, %dma_start3A_910, %dma_start3A_911] : memref<125000x8x32xf32, #tpu.memory_space<hbm>> -> memref<1x8x32xf32, #tpu.memory_space<hbm>>
      tpu.enqueue_dma source(%dma_start3A_912 : memref<1x8x32xf32, #tpu.memory_space<hbm>>) target(%dma_start3A_909 : memref<1x8x32xf32, #tpu.memory_space<vmem>>) target_semaphore(%arg15 : memref<!tpu.dma_semaphore, #tpu.memory_space<semaphore_mem>>)
      %slice3A_913 = vector.extract_strided_slice %shift_right_logical3A_48 {offsets = [11], sizes = [1], strides = [1]} : vector<16xi32> to vector<1xi32>
      %squeeze3A_914 = vector.extract %slice3A_913[0] : i32 from vector<1xi32>
      %dma_start3A_915 = arith.constant 27 : i32
      %dma_start3A_916 = arith.constant 0 : i32
      %dma_start3A_917 = arith.constant 0 : i32
      %dma_start3A_918 = tpu.memref_slice %arg10[%dma_start3A_915, %dma_start3A_916, %dma_start3A_917] : memref<32x8x32xf32, #tpu.memory_space<vmem>> -> memref<1x8x32xf32, #tpu.memory_space<vmem>>
      %dma_start3A_919 = arith.constant 0 : i32
      %dma_start3A_920 = arith.constant 0 : i32
      %dma_start3A_921 = tpu.memref_slice %arg2[%squeeze3A_914, %dma_start3A_919, %dma_start3A_920] : memref<125000x8x32xf32, #tpu.memory_space<hbm>> -> memref<1x8x32xf32, #tpu.memory_space<hbm>>
      %dma_start3A_922 = arith.constant 27 : i32
      %dma_start3A_923 = arith.constant 0 : i32
      %dma_start3A_924 = arith.constant 0 : i32
      %dma_start3A_925 = tpu.memref_slice %arg10[%dma_start3A_922, %dma_start3A_923, %dma_start3A_924] : memref<32x8x32xf32, #tpu.memory_space<vmem>> -> memref<1x8x32xf32, #tpu.memory_space<vmem>>
      %dma_start3A_926 = arith.constant 0 : i32
      %dma_start3A_927 = arith.constant 0 : i32
      %dma_start3A_928 = tpu.memref_slice %arg2[%squeeze3A_914, %dma_start3A_926, %dma_start3A_927] : memref<125000x8x32xf32, #tpu.memory_space<hbm>> -> memref<1x8x32xf32, #tpu.memory_space<hbm>>
      tpu.enqueue_dma source(%dma_start3A_928 : memref<1x8x32xf32, #tpu.memory_space<hbm>>) target(%dma_start3A_925 : memref<1x8x32xf32, #tpu.memory_space<vmem>>) target_semaphore(%arg14 : memref<!tpu.dma_semaphore, #tpu.memory_space<semaphore_mem>>)
      %slice3A_929 = vector.extract_strided_slice %shift_right_logical3A_51 {offsets = [11], sizes = [1], strides = [1]} : vector<16xi32> to vector<1xi32>
      %squeeze3A_930 = vector.extract %slice3A_929[0] : i32 from vector<1xi32>
      %dma_start3A_931 = arith.constant 27 : i32
      %dma_start3A_932 = arith.constant 0 : i32
      %dma_start3A_933 = arith.constant 0 : i32
      %dma_start3A_934 = tpu.memref_slice %arg11[%dma_start3A_931, %dma_start3A_932, %dma_start3A_933] : memref<32x8x32xf32, #tpu.memory_space<vmem>> -> memref<1x8x32xf32, #tpu.memory_space<vmem>>
      %dma_start3A_935 = arith.constant 0 : i32
      %dma_start3A_936 = arith.constant 0 : i32
      %dma_start3A_937 = tpu.memref_slice %arg3[%squeeze3A_930, %dma_start3A_935, %dma_start3A_936] : memref<125000x8x32xf32, #tpu.memory_space<hbm>> -> memref<1x8x32xf32, #tpu.memory_space<hbm>>
      %dma_start3A_938 = arith.constant 27 : i32
      %dma_start3A_939 = arith.constant 0 : i32
      %dma_start3A_940 = arith.constant 0 : i32
      %dma_start3A_941 = tpu.memref_slice %arg11[%dma_start3A_938, %dma_start3A_939, %dma_start3A_940] : memref<32x8x32xf32, #tpu.memory_space<vmem>> -> memref<1x8x32xf32, #tpu.memory_space<vmem>>
      %dma_start3A_942 = arith.constant 0 : i32
      %dma_start3A_943 = arith.constant 0 : i32
      %dma_start3A_944 = tpu.memref_slice %arg3[%squeeze3A_930, %dma_start3A_942, %dma_start3A_943] : memref<125000x8x32xf32, #tpu.memory_space<hbm>> -> memref<1x8x32xf32, #tpu.memory_space<hbm>>
      tpu.enqueue_dma source(%dma_start3A_944 : memref<1x8x32xf32, #tpu.memory_space<hbm>>) target(%dma_start3A_941 : memref<1x8x32xf32, #tpu.memory_space<vmem>>) target_semaphore(%arg15 : memref<!tpu.dma_semaphore, #tpu.memory_space<semaphore_mem>>)
      %slice3A_945 = vector.extract_strided_slice %shift_right_logical3A_48 {offsets = [12], sizes = [1], strides = [1]} : vector<16xi32> to vector<1xi32>
      %squeeze3A_946 = vector.extract %slice3A_945[0] : i32 from vector<1xi32>
      %dma_start3A_947 = arith.constant 28 : i32
      %dma_start3A_948 = arith.constant 0 : i32
      %dma_start3A_949 = arith.constant 0 : i32
      %dma_start3A_950 = tpu.memref_slice %arg10[%dma_start3A_947, %dma_start3A_948, %dma_start3A_949] : memref<32x8x32xf32, #tpu.memory_space<vmem>> -> memref<1x8x32xf32, #tpu.memory_space<vmem>>
      %dma_start3A_951 = arith.constant 0 : i32
      %dma_start3A_952 = arith.constant 0 : i32
      %dma_start3A_953 = tpu.memref_slice %arg2[%squeeze3A_946, %dma_start3A_951, %dma_start3A_952] : memref<125000x8x32xf32, #tpu.memory_space<hbm>> -> memref<1x8x32xf32, #tpu.memory_space<hbm>>
      %dma_start3A_954 = arith.constant 28 : i32
      %dma_start3A_955 = arith.constant 0 : i32
      %dma_start3A_956 = arith.constant 0 : i32
      %dma_start3A_957 = tpu.memref_slice %arg10[%dma_start3A_954, %dma_start3A_955, %dma_start3A_956] : memref<32x8x32xf32, #tpu.memory_space<vmem>> -> memref<1x8x32xf32, #tpu.memory_space<vmem>>
      %dma_start3A_958 = arith.constant 0 : i32
      %dma_start3A_959 = arith.constant 0 : i32
      %dma_start3A_960 = tpu.memref_slice %arg2[%squeeze3A_946, %dma_start3A_958, %dma_start3A_959] : memref<125000x8x32xf32, #tpu.memory_space<hbm>> -> memref<1x8x32xf32, #tpu.memory_space<hbm>>
      tpu.enqueue_dma source(%dma_start3A_960 : memref<1x8x32xf32, #tpu.memory_space<hbm>>) target(%dma_start3A_957 : memref<1x8x32xf32, #tpu.memory_space<vmem>>) target_semaphore(%arg14 : memref<!tpu.dma_semaphore, #tpu.memory_space<semaphore_mem>>)
      %slice3A_961 = vector.extract_strided_slice %shift_right_logical3A_51 {offsets = [12], sizes = [1], strides = [1]} : vector<16xi32> to vector<1xi32>
      %squeeze3A_962 = vector.extract %slice3A_961[0] : i32 from vector<1xi32>
      %dma_start3A_963 = arith.constant 28 : i32
      %dma_start3A_964 = arith.constant 0 : i32
      %dma_start3A_965 = arith.constant 0 : i32
      %dma_start3A_966 = tpu.memref_slice %arg11[%dma_start3A_963, %dma_start3A_964, %dma_start3A_965] : memref<32x8x32xf32, #tpu.memory_space<vmem>> -> memref<1x8x32xf32, #tpu.memory_space<vmem>>
      %dma_start3A_967 = arith.constant 0 : i32
      %dma_start3A_968 = arith.constant 0 : i32
      %dma_start3A_969 = tpu.memref_slice %arg3[%squeeze3A_962, %dma_start3A_967, %dma_start3A_968] : memref<125000x8x32xf32, #tpu.memory_space<hbm>> -> memref<1x8x32xf32, #tpu.memory_space<hbm>>
      %dma_start3A_970 = arith.constant 28 : i32
      %dma_start3A_971 = arith.constant 0 : i32
      %dma_start3A_972 = arith.constant 0 : i32
      %dma_start3A_973 = tpu.memref_slice %arg11[%dma_start3A_970, %dma_start3A_971, %dma_start3A_972] : memref<32x8x32xf32, #tpu.memory_space<vmem>> -> memref<1x8x32xf32, #tpu.memory_space<vmem>>
      %dma_start3A_974 = arith.constant 0 : i32
      %dma_start3A_975 = arith.constant 0 : i32
      %dma_start3A_976 = tpu.memref_slice %arg3[%squeeze3A_962, %dma_start3A_974, %dma_start3A_975] : memref<125000x8x32xf32, #tpu.memory_space<hbm>> -> memref<1x8x32xf32, #tpu.memory_space<hbm>>
      tpu.enqueue_dma source(%dma_start3A_976 : memref<1x8x32xf32, #tpu.memory_space<hbm>>) target(%dma_start3A_973 : memref<1x8x32xf32, #tpu.memory_space<vmem>>) target_semaphore(%arg15 : memref<!tpu.dma_semaphore, #tpu.memory_space<semaphore_mem>>)
      %slice3A_977 = vector.extract_strided_slice %shift_right_logical3A_48 {offsets = [13], sizes = [1], strides = [1]} : vector<16xi32> to vector<1xi32>
      %squeeze3A_978 = vector.extract %slice3A_977[0] : i32 from vector<1xi32>
      %dma_start3A_979 = arith.constant 29 : i32
      %dma_start3A_980 = arith.constant 0 : i32
      %dma_start3A_981 = arith.constant 0 : i32
      %dma_start3A_982 = tpu.memref_slice %arg10[%dma_start3A_979, %dma_start3A_980, %dma_start3A_981] : memref<32x8x32xf32, #tpu.memory_space<vmem>> -> memref<1x8x32xf32, #tpu.memory_space<vmem>>
      %dma_start3A_983 = arith.constant 0 : i32
      %dma_start3A_984 = arith.constant 0 : i32
      %dma_start3A_985 = tpu.memref_slice %arg2[%squeeze3A_978, %dma_start3A_983, %dma_start3A_984] : memref<125000x8x32xf32, #tpu.memory_space<hbm>> -> memref<1x8x32xf32, #tpu.memory_space<hbm>>
      %dma_start3A_986 = arith.constant 29 : i32
      %dma_start3A_987 = arith.constant 0 : i32
      %dma_start3A_988 = arith.constant 0 : i32
      %dma_start3A_989 = tpu.memref_slice %arg10[%dma_start3A_986, %dma_start3A_987, %dma_start3A_988] : memref<32x8x32xf32, #tpu.memory_space<vmem>> -> memref<1x8x32xf32, #tpu.memory_space<vmem>>
      %dma_start3A_990 = arith.constant 0 : i32
      %dma_start3A_991 = arith.constant 0 : i32
      %dma_start3A_992 = tpu.memref_slice %arg2[%squeeze3A_978, %dma_start3A_990, %dma_start3A_991] : memref<125000x8x32xf32, #tpu.memory_space<hbm>> -> memref<1x8x32xf32, #tpu.memory_space<hbm>>
      tpu.enqueue_dma source(%dma_start3A_992 : memref<1x8x32xf32, #tpu.memory_space<hbm>>) target(%dma_start3A_989 : memref<1x8x32xf32, #tpu.memory_space<vmem>>) target_semaphore(%arg14 : memref<!tpu.dma_semaphore, #tpu.memory_space<semaphore_mem>>)
      %slice3A_993 = vector.extract_strided_slice %shift_right_logical3A_51 {offsets = [13], sizes = [1], strides = [1]} : vector<16xi32> to vector<1xi32>
      %squeeze3A_994 = vector.extract %slice3A_993[0] : i32 from vector<1xi32>
      %dma_start3A_995 = arith.constant 29 : i32
      %dma_start3A_996 = arith.constant 0 : i32
      %dma_start3A_997 = arith.constant 0 : i32
      %dma_start3A_998 = tpu.memref_slice %arg11[%dma_start3A_995, %dma_start3A_996, %dma_start3A_997] : memref<32x8x32xf32, #tpu.memory_space<vmem>> -> memref<1x8x32xf32, #tpu.memory_space<vmem>>
      %dma_start3A_999 = arith.constant 0 : i32
      %dma_start3A_1000 = arith.constant 0 : i32
      %dma_start3A_1001 = tpu.memref_slice %arg3[%squeeze3A_994, %dma_start3A_999, %dma_start3A_1000] : memref<125000x8x32xf32, #tpu.memory_space<hbm>> -> memref<1x8x32xf32, #tpu.memory_space<hbm>>
      %dma_start3A_1002 = arith.constant 29 : i32
      %dma_start3A_1003 = arith.constant 0 : i32
      %dma_start3A_1004 = arith.constant 0 : i32
      %dma_start3A_1005 = tpu.memref_slice %arg11[%dma_start3A_1002, %dma_start3A_1003, %dma_start3A_1004] : memref<32x8x32xf32, #tpu.memory_space<vmem>> -> memref<1x8x32xf32, #tpu.memory_space<vmem>>
      %dma_start3A_1006 = arith.constant 0 : i32
      %dma_start3A_1007 = arith.constant 0 : i32
      %dma_start3A_1008 = tpu.memref_slice %arg3[%squeeze3A_994, %dma_start3A_1006, %dma_start3A_1007] : memref<125000x8x32xf32, #tpu.memory_space<hbm>> -> memref<1x8x32xf32, #tpu.memory_space<hbm>>
      tpu.enqueue_dma source(%dma_start3A_1008 : memref<1x8x32xf32, #tpu.memory_space<hbm>>) target(%dma_start3A_1005 : memref<1x8x32xf32, #tpu.memory_space<vmem>>) target_semaphore(%arg15 : memref<!tpu.dma_semaphore, #tpu.memory_space<semaphore_mem>>)
      %slice3A_1009 = vector.extract_strided_slice %shift_right_logical3A_48 {offsets = [14], sizes = [1], strides = [1]} : vector<16xi32> to vector<1xi32>
      %squeeze3A_1010 = vector.extract %slice3A_1009[0] : i32 from vector<1xi32>
      %dma_start3A_1011 = arith.constant 30 : i32
      %dma_start3A_1012 = arith.constant 0 : i32
      %dma_start3A_1013 = arith.constant 0 : i32
      %dma_start3A_1014 = tpu.memref_slice %arg10[%dma_start3A_1011, %dma_start3A_1012, %dma_start3A_1013] : memref<32x8x32xf32, #tpu.memory_space<vmem>> -> memref<1x8x32xf32, #tpu.memory_space<vmem>>
      %dma_start3A_1015 = arith.constant 0 : i32
      %dma_start3A_1016 = arith.constant 0 : i32
      %dma_start3A_1017 = tpu.memref_slice %arg2[%squeeze3A_1010, %dma_start3A_1015, %dma_start3A_1016] : memref<125000x8x32xf32, #tpu.memory_space<hbm>> -> memref<1x8x32xf32, #tpu.memory_space<hbm>>
      %dma_start3A_1018 = arith.constant 30 : i32
      %dma_start3A_1019 = arith.constant 0 : i32
      %dma_start3A_1020 = arith.constant 0 : i32
      %dma_start3A_1021 = tpu.memref_slice %arg10[%dma_start3A_1018, %dma_start3A_1019, %dma_start3A_1020] : memref<32x8x32xf32, #tpu.memory_space<vmem>> -> memref<1x8x32xf32, #tpu.memory_space<vmem>>
      %dma_start3A_1022 = arith.constant 0 : i32
      %dma_start3A_1023 = arith.constant 0 : i32
      %dma_start3A_1024 = tpu.memref_slice %arg2[%squeeze3A_1010, %dma_start3A_1022, %dma_start3A_1023] : memref<125000x8x32xf32, #tpu.memory_space<hbm>> -> memref<1x8x32xf32, #tpu.memory_space<hbm>>
      tpu.enqueue_dma source(%dma_start3A_1024 : memref<1x8x32xf32, #tpu.memory_space<hbm>>) target(%dma_start3A_1021 : memref<1x8x32xf32, #tpu.memory_space<vmem>>) target_semaphore(%arg14 : memref<!tpu.dma_semaphore, #tpu.memory_space<semaphore_mem>>)
      %slice3A_1025 = vector.extract_strided_slice %shift_right_logical3A_51 {offsets = [14], sizes = [1], strides = [1]} : vector<16xi32> to vector<1xi32>
      %squeeze3A_1026 = vector.extract %slice3A_1025[0] : i32 from vector<1xi32>
      %dma_start3A_1027 = arith.constant 30 : i32
      %dma_start3A_1028 = arith.constant 0 : i32
      %dma_start3A_1029 = arith.constant 0 : i32
      %dma_start3A_1030 = tpu.memref_slice %arg11[%dma_start3A_1027, %dma_start3A_1028, %dma_start3A_1029] : memref<32x8x32xf32, #tpu.memory_space<vmem>> -> memref<1x8x32xf32, #tpu.memory_space<vmem>>
      %dma_start3A_1031 = arith.constant 0 : i32
      %dma_start3A_1032 = arith.constant 0 : i32
      %dma_start3A_1033 = tpu.memref_slice %arg3[%squeeze3A_1026, %dma_start3A_1031, %dma_start3A_1032] : memref<125000x8x32xf32, #tpu.memory_space<hbm>> -> memref<1x8x32xf32, #tpu.memory_space<hbm>>
      %dma_start3A_1034 = arith.constant 30 : i32
      %dma_start3A_1035 = arith.constant 0 : i32
      %dma_start3A_1036 = arith.constant 0 : i32
      %dma_start3A_1037 = tpu.memref_slice %arg11[%dma_start3A_1034, %dma_start3A_1035, %dma_start3A_1036] : memref<32x8x32xf32, #tpu.memory_space<vmem>> -> memref<1x8x32xf32, #tpu.memory_space<vmem>>
      %dma_start3A_1038 = arith.constant 0 : i32
      %dma_start3A_1039 = arith.constant 0 : i32
      %dma_start3A_1040 = tpu.memref_slice %arg3[%squeeze3A_1026, %dma_start3A_1038, %dma_start3A_1039] : memref<125000x8x32xf32, #tpu.memory_space<hbm>> -> memref<1x8x32xf32, #tpu.memory_space<hbm>>
      tpu.enqueue_dma source(%dma_start3A_1040 : memref<1x8x32xf32, #tpu.memory_space<hbm>>) target(%dma_start3A_1037 : memref<1x8x32xf32, #tpu.memory_space<vmem>>) target_semaphore(%arg15 : memref<!tpu.dma_semaphore, #tpu.memory_space<semaphore_mem>>)
      %slice3A_1041 = vector.extract_strided_slice %shift_right_logical3A_48 {offsets = [15], sizes = [1], strides = [1]} : vector<16xi32> to vector<1xi32>
      %squeeze3A_1042 = vector.extract %slice3A_1041[0] : i32 from vector<1xi32>
      %dma_start3A_1043 = arith.constant 31 : i32
      %dma_start3A_1044 = arith.constant 0 : i32
      %dma_start3A_1045 = arith.constant 0 : i32
      %dma_start3A_1046 = tpu.memref_slice %arg10[%dma_start3A_1043, %dma_start3A_1044, %dma_start3A_1045] : memref<32x8x32xf32, #tpu.memory_space<vmem>> -> memref<1x8x32xf32, #tpu.memory_space<vmem>>
      %dma_start3A_1047 = arith.constant 0 : i32
      %dma_start3A_1048 = arith.constant 0 : i32
      %dma_start3A_1049 = tpu.memref_slice %arg2[%squeeze3A_1042, %dma_start3A_1047, %dma_start3A_1048] : memref<125000x8x32xf32, #tpu.memory_space<hbm>> -> memref<1x8x32xf32, #tpu.memory_space<hbm>>
      %dma_start3A_1050 = arith.constant 31 : i32
      %dma_start3A_1051 = arith.constant 0 : i32
      %dma_start3A_1052 = arith.constant 0 : i32
      %dma_start3A_1053 = tpu.memref_slice %arg10[%dma_start3A_1050, %dma_start3A_1051, %dma_start3A_1052] : memref<32x8x32xf32, #tpu.memory_space<vmem>> -> memref<1x8x32xf32, #tpu.memory_space<vmem>>
      %dma_start3A_1054 = arith.constant 0 : i32
      %dma_start3A_1055 = arith.constant 0 : i32
      %dma_start3A_1056 = tpu.memref_slice %arg2[%squeeze3A_1042, %dma_start3A_1054, %dma_start3A_1055] : memref<125000x8x32xf32, #tpu.memory_space<hbm>> -> memref<1x8x32xf32, #tpu.memory_space<hbm>>
      tpu.enqueue_dma source(%dma_start3A_1056 : memref<1x8x32xf32, #tpu.memory_space<hbm>>) target(%dma_start3A_1053 : memref<1x8x32xf32, #tpu.memory_space<vmem>>) target_semaphore(%arg14 : memref<!tpu.dma_semaphore, #tpu.memory_space<semaphore_mem>>)
      %slice3A_1057 = vector.extract_strided_slice %shift_right_logical3A_51 {offsets = [15], sizes = [1], strides = [1]} : vector<16xi32> to vector<1xi32>
      %squeeze3A_1058 = vector.extract %slice3A_1057[0] : i32 from vector<1xi32>
      %dma_start3A_1059 = arith.constant 31 : i32
      %dma_start3A_1060 = arith.constant 0 : i32
      %dma_start3A_1061 = arith.constant 0 : i32
      %dma_start3A_1062 = tpu.memref_slice %arg11[%dma_start3A_1059, %dma_start3A_1060, %dma_start3A_1061] : memref<32x8x32xf32, #tpu.memory_space<vmem>> -> memref<1x8x32xf32, #tpu.memory_space<vmem>>
      %dma_start3A_1063 = arith.constant 0 : i32
      %dma_start3A_1064 = arith.constant 0 : i32
      %dma_start3A_1065 = tpu.memref_slice %arg3[%squeeze3A_1058, %dma_start3A_1063, %dma_start3A_1064] : memref<125000x8x32xf32, #tpu.memory_space<hbm>> -> memref<1x8x32xf32, #tpu.memory_space<hbm>>
      %dma_start3A_1066 = arith.constant 31 : i32
      %dma_start3A_1067 = arith.constant 0 : i32
      %dma_start3A_1068 = arith.constant 0 : i32
      %dma_start3A_1069 = tpu.memref_slice %arg11[%dma_start3A_1066, %dma_start3A_1067, %dma_start3A_1068] : memref<32x8x32xf32, #tpu.memory_space<vmem>> -> memref<1x8x32xf32, #tpu.memory_space<vmem>>
      %dma_start3A_1070 = arith.constant 0 : i32
      %dma_start3A_1071 = arith.constant 0 : i32
      %dma_start3A_1072 = tpu.memref_slice %arg3[%squeeze3A_1058, %dma_start3A_1070, %dma_start3A_1071] : memref<125000x8x32xf32, #tpu.memory_space<hbm>> -> memref<1x8x32xf32, #tpu.memory_space<hbm>>
      tpu.enqueue_dma source(%dma_start3A_1072 : memref<1x8x32xf32, #tpu.memory_space<hbm>>) target(%dma_start3A_1069 : memref<1x8x32xf32, #tpu.memory_space<vmem>>) target_semaphore(%arg15 : memref<!tpu.dma_semaphore, #tpu.memory_space<semaphore_mem>>)
      %dma_wait3A = arith.constant 0 : i32
      %dma_wait3A_1073 = arith.constant 0 : i32
      %dma_wait3A_1074 = arith.constant 0 : i32
      %dma_wait3A_1075 = tpu.memref_slice %arg10[%dma_wait3A, %dma_wait3A_1073, %dma_wait3A_1074] : memref<32x8x32xf32, #tpu.memory_space<vmem>> -> memref<1x8x32xf32, #tpu.memory_space<vmem>>
      %dma_wait3A_1076 = arith.constant 0 : i32
      %dma_wait3A_1077 = arith.constant 0 : i32
      %dma_wait3A_1078 = arith.constant 0 : i32
      %dma_wait3A_1079 = tpu.memref_slice %arg2[%dma_wait3A_1076, %dma_wait3A_1077, %dma_wait3A_1078] : memref<125000x8x32xf32, #tpu.memory_space<hbm>> -> memref<1x8x32xf32, #tpu.memory_space<hbm>>
      %dma_wait3A_1080 = arith.constant 0 : i32
      %dma_wait3A_1081 = arith.constant 0 : i32
      %dma_wait3A_1082 = arith.constant 0 : i32
      %dma_wait3A_1083 = tpu.memref_slice %arg10[%dma_wait3A_1080, %dma_wait3A_1081, %dma_wait3A_1082] : memref<32x8x32xf32, #tpu.memory_space<vmem>> -> memref<1x8x32xf32, #tpu.memory_space<vmem>>
      %dma_wait3A_1084 = arith.constant 0 : i32
      %dma_wait3A_1085 = arith.constant 0 : i32
      %dma_wait3A_1086 = arith.constant 0 : i32
      %dma_wait3A_1087 = tpu.memref_slice %arg2[%dma_wait3A_1084, %dma_wait3A_1085, %dma_wait3A_1086] : memref<125000x8x32xf32, #tpu.memory_space<hbm>> -> memref<1x8x32xf32, #tpu.memory_space<hbm>>
      tpu.wait_dma2 semaphore(%arg14 : memref<!tpu.dma_semaphore, #tpu.memory_space<semaphore_mem>>) src(%dma_wait3A_1087 : memref<1x8x32xf32, #tpu.memory_space<hbm>>) dst(%dma_wait3A_1083 : memref<1x8x32xf32, #tpu.memory_space<vmem>>)
      %dma_wait3A_1088 = arith.constant 0 : i32
      %dma_wait3A_1089 = arith.constant 0 : i32
      %dma_wait3A_1090 = arith.constant 0 : i32
      %dma_wait3A_1091 = tpu.memref_slice %arg11[%dma_wait3A_1088, %dma_wait3A_1089, %dma_wait3A_1090] : memref<32x8x32xf32, #tpu.memory_space<vmem>> -> memref<1x8x32xf32, #tpu.memory_space<vmem>>
      %dma_wait3A_1092 = arith.constant 0 : i32
      %dma_wait3A_1093 = arith.constant 0 : i32
      %dma_wait3A_1094 = arith.constant 0 : i32
      %dma_wait3A_1095 = tpu.memref_slice %arg3[%dma_wait3A_1092, %dma_wait3A_1093, %dma_wait3A_1094] : memref<125000x8x32xf32, #tpu.memory_space<hbm>> -> memref<1x8x32xf32, #tpu.memory_space<hbm>>
      %dma_wait3A_1096 = arith.constant 0 : i32
      %dma_wait3A_1097 = arith.constant 0 : i32
      %dma_wait3A_1098 = arith.constant 0 : i32
      %dma_wait3A_1099 = tpu.memref_slice %arg11[%dma_wait3A_1096, %dma_wait3A_1097, %dma_wait3A_1098] : memref<32x8x32xf32, #tpu.memory_space<vmem>> -> memref<1x8x32xf32, #tpu.memory_space<vmem>>
      %dma_wait3A_1100 = arith.constant 0 : i32
      %dma_wait3A_1101 = arith.constant 0 : i32
      %dma_wait3A_1102 = arith.constant 0 : i32
      %dma_wait3A_1103 = tpu.memref_slice %arg3[%dma_wait3A_1100, %dma_wait3A_1101, %dma_wait3A_1102] : memref<125000x8x32xf32, #tpu.memory_space<hbm>> -> memref<1x8x32xf32, #tpu.memory_space<hbm>>
      tpu.wait_dma2 semaphore(%arg15 : memref<!tpu.dma_semaphore, #tpu.memory_space<semaphore_mem>>) src(%dma_wait3A_1103 : memref<1x8x32xf32, #tpu.memory_space<hbm>>) dst(%dma_wait3A_1099 : memref<1x8x32xf32, #tpu.memory_space<vmem>>)
      %dma_wait3A_1104 = arith.constant 1 : i32
      %dma_wait3A_1105 = arith.constant 0 : i32
      %dma_wait3A_1106 = arith.constant 0 : i32
      %dma_wait3A_1107 = tpu.memref_slice %arg10[%dma_wait3A_1104, %dma_wait3A_1105, %dma_wait3A_1106] : memref<32x8x32xf32, #tpu.memory_space<vmem>> -> memref<1x8x32xf32, #tpu.memory_space<vmem>>
      %dma_wait3A_1108 = arith.constant 0 : i32
      %dma_wait3A_1109 = arith.constant 0 : i32
      %dma_wait3A_1110 = arith.constant 0 : i32
      %dma_wait3A_1111 = tpu.memref_slice %arg2[%dma_wait3A_1108, %dma_wait3A_1109, %dma_wait3A_1110] : memref<125000x8x32xf32, #tpu.memory_space<hbm>> -> memref<1x8x32xf32, #tpu.memory_space<hbm>>
      %dma_wait3A_1112 = arith.constant 1 : i32
      %dma_wait3A_1113 = arith.constant 0 : i32
      %dma_wait3A_1114 = arith.constant 0 : i32
      %dma_wait3A_1115 = tpu.memref_slice %arg10[%dma_wait3A_1112, %dma_wait3A_1113, %dma_wait3A_1114] : memref<32x8x32xf32, #tpu.memory_space<vmem>> -> memref<1x8x32xf32, #tpu.memory_space<vmem>>
      %dma_wait3A_1116 = arith.constant 0 : i32
      %dma_wait3A_1117 = arith.constant 0 : i32
      %dma_wait3A_1118 = arith.constant 0 : i32
      %dma_wait3A_1119 = tpu.memref_slice %arg2[%dma_wait3A_1116, %dma_wait3A_1117, %dma_wait3A_1118] : memref<125000x8x32xf32, #tpu.memory_space<hbm>> -> memref<1x8x32xf32, #tpu.memory_space<hbm>>
      tpu.wait_dma2 semaphore(%arg14 : memref<!tpu.dma_semaphore, #tpu.memory_space<semaphore_mem>>) src(%dma_wait3A_1119 : memref<1x8x32xf32, #tpu.memory_space<hbm>>) dst(%dma_wait3A_1115 : memref<1x8x32xf32, #tpu.memory_space<vmem>>)
      %dma_wait3A_1120 = arith.constant 1 : i32
      %dma_wait3A_1121 = arith.constant 0 : i32
      %dma_wait3A_1122 = arith.constant 0 : i32
      %dma_wait3A_1123 = tpu.memref_slice %arg11[%dma_wait3A_1120, %dma_wait3A_1121, %dma_wait3A_1122] : memref<32x8x32xf32, #tpu.memory_space<vmem>> -> memref<1x8x32xf32, #tpu.memory_space<vmem>>
      %dma_wait3A_1124 = arith.constant 0 : i32
      %dma_wait3A_1125 = arith.constant 0 : i32
      %dma_wait3A_1126 = arith.constant 0 : i32
      %dma_wait3A_1127 = tpu.memref_slice %arg3[%dma_wait3A_1124, %dma_wait3A_1125, %dma_wait3A_1126] : memref<125000x8x32xf32, #tpu.memory_space<hbm>> -> memref<1x8x32xf32, #tpu.memory_space<hbm>>
      %dma_wait3A_1128 = arith.constant 1 : i32
      %dma_wait3A_1129 = arith.constant 0 : i32
      %dma_wait3A_1130 = arith.constant 0 : i32
      %dma_wait3A_1131 = tpu.memref_slice %arg11[%dma_wait3A_1128, %dma_wait3A_1129, %dma_wait3A_1130] : memref<32x8x32xf32, #tpu.memory_space<vmem>> -> memref<1x8x32xf32, #tpu.memory_space<vmem>>
      %dma_wait3A_1132 = arith.constant 0 : i32
      %dma_wait3A_1133 = arith.constant 0 : i32
      %dma_wait3A_1134 = arith.constant 0 : i32
      %dma_wait3A_1135 = tpu.memref_slice %arg3[%dma_wait3A_1132, %dma_wait3A_1133, %dma_wait3A_1134] : memref<125000x8x32xf32, #tpu.memory_space<hbm>> -> memref<1x8x32xf32, #tpu.memory_space<hbm>>
      tpu.wait_dma2 semaphore(%arg15 : memref<!tpu.dma_semaphore, #tpu.memory_space<semaphore_mem>>) src(%dma_wait3A_1135 : memref<1x8x32xf32, #tpu.memory_space<hbm>>) dst(%dma_wait3A_1131 : memref<1x8x32xf32, #tpu.memory_space<vmem>>)
      %dma_wait3A_1136 = arith.constant 2 : i32
      %dma_wait3A_1137 = arith.constant 0 : i32
      %dma_wait3A_1138 = arith.constant 0 : i32
      %dma_wait3A_1139 = tpu.memref_slice %arg10[%dma_wait3A_1136, %dma_wait3A_1137, %dma_wait3A_1138] : memref<32x8x32xf32, #tpu.memory_space<vmem>> -> memref<1x8x32xf32, #tpu.memory_space<vmem>>
      %dma_wait3A_1140 = arith.constant 0 : i32
      %dma_wait3A_1141 = arith.constant 0 : i32
      %dma_wait3A_1142 = arith.constant 0 : i32
      %dma_wait3A_1143 = tpu.memref_slice %arg2[%dma_wait3A_1140, %dma_wait3A_1141, %dma_wait3A_1142] : memref<125000x8x32xf32, #tpu.memory_space<hbm>> -> memref<1x8x32xf32, #tpu.memory_space<hbm>>
      %dma_wait3A_1144 = arith.constant 2 : i32
      %dma_wait3A_1145 = arith.constant 0 : i32
      %dma_wait3A_1146 = arith.constant 0 : i32
      %dma_wait3A_1147 = tpu.memref_slice %arg10[%dma_wait3A_1144, %dma_wait3A_1145, %dma_wait3A_1146] : memref<32x8x32xf32, #tpu.memory_space<vmem>> -> memref<1x8x32xf32, #tpu.memory_space<vmem>>
      %dma_wait3A_1148 = arith.constant 0 : i32
      %dma_wait3A_1149 = arith.constant 0 : i32
      %dma_wait3A_1150 = arith.constant 0 : i32
      %dma_wait3A_1151 = tpu.memref_slice %arg2[%dma_wait3A_1148, %dma_wait3A_1149, %dma_wait3A_1150] : memref<125000x8x32xf32, #tpu.memory_space<hbm>> -> memref<1x8x32xf32, #tpu.memory_space<hbm>>
      tpu.wait_dma2 semaphore(%arg14 : memref<!tpu.dma_semaphore, #tpu.memory_space<semaphore_mem>>) src(%dma_wait3A_1151 : memref<1x8x32xf32, #tpu.memory_space<hbm>>) dst(%dma_wait3A_1147 : memref<1x8x32xf32, #tpu.memory_space<vmem>>)
      %dma_wait3A_1152 = arith.constant 2 : i32
      %dma_wait3A_1153 = arith.constant 0 : i32
      %dma_wait3A_1154 = arith.constant 0 : i32
      %dma_wait3A_1155 = tpu.memref_slice %arg11[%dma_wait3A_1152, %dma_wait3A_1153, %dma_wait3A_1154] : memref<32x8x32xf32, #tpu.memory_space<vmem>> -> memref<1x8x32xf32, #tpu.memory_space<vmem>>
      %dma_wait3A_1156 = arith.constant 0 : i32
      %dma_wait3A_1157 = arith.constant 0 : i32
      %dma_wait3A_1158 = arith.constant 0 : i32
      %dma_wait3A_1159 = tpu.memref_slice %arg3[%dma_wait3A_1156, %dma_wait3A_1157, %dma_wait3A_1158] : memref<125000x8x32xf32, #tpu.memory_space<hbm>> -> memref<1x8x32xf32, #tpu.memory_space<hbm>>
      %dma_wait3A_1160 = arith.constant 2 : i32
      %dma_wait3A_1161 = arith.constant 0 : i32
      %dma_wait3A_1162 = arith.constant 0 : i32
      %dma_wait3A_1163 = tpu.memref_slice %arg11[%dma_wait3A_1160, %dma_wait3A_1161, %dma_wait3A_1162] : memref<32x8x32xf32, #tpu.memory_space<vmem>> -> memref<1x8x32xf32, #tpu.memory_space<vmem>>
      %dma_wait3A_1164 = arith.constant 0 : i32
      %dma_wait3A_1165 = arith.constant 0 : i32
      %dma_wait3A_1166 = arith.constant 0 : i32
      %dma_wait3A_1167 = tpu.memref_slice %arg3[%dma_wait3A_1164, %dma_wait3A_1165, %dma_wait3A_1166] : memref<125000x8x32xf32, #tpu.memory_space<hbm>> -> memref<1x8x32xf32, #tpu.memory_space<hbm>>
      tpu.wait_dma2 semaphore(%arg15 : memref<!tpu.dma_semaphore, #tpu.memory_space<semaphore_mem>>) src(%dma_wait3A_1167 : memref<1x8x32xf32, #tpu.memory_space<hbm>>) dst(%dma_wait3A_1163 : memref<1x8x32xf32, #tpu.memory_space<vmem>>)
      %dma_wait3A_1168 = arith.constant 3 : i32
      %dma_wait3A_1169 = arith.constant 0 : i32
      %dma_wait3A_1170 = arith.constant 0 : i32
      %dma_wait3A_1171 = tpu.memref_slice %arg10[%dma_wait3A_1168, %dma_wait3A_1169, %dma_wait3A_1170] : memref<32x8x32xf32, #tpu.memory_space<vmem>> -> memref<1x8x32xf32, #tpu.memory_space<vmem>>
      %dma_wait3A_1172 = arith.constant 0 : i32
      %dma_wait3A_1173 = arith.constant 0 : i32
      %dma_wait3A_1174 = arith.constant 0 : i32
      %dma_wait3A_1175 = tpu.memref_slice %arg2[%dma_wait3A_1172, %dma_wait3A_1173, %dma_wait3A_1174] : memref<125000x8x32xf32, #tpu.memory_space<hbm>> -> memref<1x8x32xf32, #tpu.memory_space<hbm>>
      %dma_wait3A_1176 = arith.constant 3 : i32
      %dma_wait3A_1177 = arith.constant 0 : i32
      %dma_wait3A_1178 = arith.constant 0 : i32
      %dma_wait3A_1179 = tpu.memref_slice %arg10[%dma_wait3A_1176, %dma_wait3A_1177, %dma_wait3A_1178] : memref<32x8x32xf32, #tpu.memory_space<vmem>> -> memref<1x8x32xf32, #tpu.memory_space<vmem>>
      %dma_wait3A_1180 = arith.constant 0 : i32
      %dma_wait3A_1181 = arith.constant 0 : i32
      %dma_wait3A_1182 = arith.constant 0 : i32
      %dma_wait3A_1183 = tpu.memref_slice %arg2[%dma_wait3A_1180, %dma_wait3A_1181, %dma_wait3A_1182] : memref<125000x8x32xf32, #tpu.memory_space<hbm>> -> memref<1x8x32xf32, #tpu.memory_space<hbm>>
      tpu.wait_dma2 semaphore(%arg14 : memref<!tpu.dma_semaphore, #tpu.memory_space<semaphore_mem>>) src(%dma_wait3A_1183 : memref<1x8x32xf32, #tpu.memory_space<hbm>>) dst(%dma_wait3A_1179 : memref<1x8x32xf32, #tpu.memory_space<vmem>>)
      %dma_wait3A_1184 = arith.constant 3 : i32
      %dma_wait3A_1185 = arith.constant 0 : i32
      %dma_wait3A_1186 = arith.constant 0 : i32
      %dma_wait3A_1187 = tpu.memref_slice %arg11[%dma_wait3A_1184, %dma_wait3A_1185, %dma_wait3A_1186] : memref<32x8x32xf32, #tpu.memory_space<vmem>> -> memref<1x8x32xf32, #tpu.memory_space<vmem>>
      %dma_wait3A_1188 = arith.constant 0 : i32
      %dma_wait3A_1189 = arith.constant 0 : i32
      %dma_wait3A_1190 = arith.constant 0 : i32
      %dma_wait3A_1191 = tpu.memref_slice %arg3[%dma_wait3A_1188, %dma_wait3A_1189, %dma_wait3A_1190] : memref<125000x8x32xf32, #tpu.memory_space<hbm>> -> memref<1x8x32xf32, #tpu.memory_space<hbm>>
      %dma_wait3A_1192 = arith.constant 3 : i32
      %dma_wait3A_1193 = arith.constant 0 : i32
      %dma_wait3A_1194 = arith.constant 0 : i32
      %dma_wait3A_1195 = tpu.memref_slice %arg11[%dma_wait3A_1192, %dma_wait3A_1193, %dma_wait3A_1194] : memref<32x8x32xf32, #tpu.memory_space<vmem>> -> memref<1x8x32xf32, #tpu.memory_space<vmem>>
      %dma_wait3A_1196 = arith.constant 0 : i32
      %dma_wait3A_1197 = arith.constant 0 : i32
      %dma_wait3A_1198 = arith.constant 0 : i32
      %dma_wait3A_1199 = tpu.memref_slice %arg3[%dma_wait3A_1196, %dma_wait3A_1197, %dma_wait3A_1198] : memref<125000x8x32xf32, #tpu.memory_space<hbm>> -> memref<1x8x32xf32, #tpu.memory_space<hbm>>
      tpu.wait_dma2 semaphore(%arg15 : memref<!tpu.dma_semaphore, #tpu.memory_space<semaphore_mem>>) src(%dma_wait3A_1199 : memref<1x8x32xf32, #tpu.memory_space<hbm>>) dst(%dma_wait3A_1195 : memref<1x8x32xf32, #tpu.memory_space<vmem>>)
      %dma_wait3A_1200 = arith.constant 4 : i32
      %dma_wait3A_1201 = arith.constant 0 : i32
      %dma_wait3A_1202 = arith.constant 0 : i32
      %dma_wait3A_1203 = tpu.memref_slice %arg10[%dma_wait3A_1200, %dma_wait3A_1201, %dma_wait3A_1202] : memref<32x8x32xf32, #tpu.memory_space<vmem>> -> memref<1x8x32xf32, #tpu.memory_space<vmem>>
      %dma_wait3A_1204 = arith.constant 0 : i32
      %dma_wait3A_1205 = arith.constant 0 : i32
      %dma_wait3A_1206 = arith.constant 0 : i32
      %dma_wait3A_1207 = tpu.memref_slice %arg2[%dma_wait3A_1204, %dma_wait3A_1205, %dma_wait3A_1206] : memref<125000x8x32xf32, #tpu.memory_space<hbm>> -> memref<1x8x32xf32, #tpu.memory_space<hbm>>
      %dma_wait3A_1208 = arith.constant 4 : i32
      %dma_wait3A_1209 = arith.constant 0 : i32
      %dma_wait3A_1210 = arith.constant 0 : i32
      %dma_wait3A_1211 = tpu.memref_slice %arg10[%dma_wait3A_1208, %dma_wait3A_1209, %dma_wait3A_1210] : memref<32x8x32xf32, #tpu.memory_space<vmem>> -> memref<1x8x32xf32, #tpu.memory_space<vmem>>
      %dma_wait3A_1212 = arith.constant 0 : i32
      %dma_wait3A_1213 = arith.constant 0 : i32
      %dma_wait3A_1214 = arith.constant 0 : i32
      %dma_wait3A_1215 = tpu.memref_slice %arg2[%dma_wait3A_1212, %dma_wait3A_1213, %dma_wait3A_1214] : memref<125000x8x32xf32, #tpu.memory_space<hbm>> -> memref<1x8x32xf32, #tpu.memory_space<hbm>>
      tpu.wait_dma2 semaphore(%arg14 : memref<!tpu.dma_semaphore, #tpu.memory_space<semaphore_mem>>) src(%dma_wait3A_1215 : memref<1x8x32xf32, #tpu.memory_space<hbm>>) dst(%dma_wait3A_1211 : memref<1x8x32xf32, #tpu.memory_space<vmem>>)
      %dma_wait3A_1216 = arith.constant 4 : i32
      %dma_wait3A_1217 = arith.constant 0 : i32
      %dma_wait3A_1218 = arith.constant 0 : i32
      %dma_wait3A_1219 = tpu.memref_slice %arg11[%dma_wait3A_1216, %dma_wait3A_1217, %dma_wait3A_1218] : memref<32x8x32xf32, #tpu.memory_space<vmem>> -> memref<1x8x32xf32, #tpu.memory_space<vmem>>
      %dma_wait3A_1220 = arith.constant 0 : i32
      %dma_wait3A_1221 = arith.constant 0 : i32
      %dma_wait3A_1222 = arith.constant 0 : i32
      %dma_wait3A_1223 = tpu.memref_slice %arg3[%dma_wait3A_1220, %dma_wait3A_1221, %dma_wait3A_1222] : memref<125000x8x32xf32, #tpu.memory_space<hbm>> -> memref<1x8x32xf32, #tpu.memory_space<hbm>>
      %dma_wait3A_1224 = arith.constant 4 : i32
      %dma_wait3A_1225 = arith.constant 0 : i32
      %dma_wait3A_1226 = arith.constant 0 : i32
      %dma_wait3A_1227 = tpu.memref_slice %arg11[%dma_wait3A_1224, %dma_wait3A_1225, %dma_wait3A_1226] : memref<32x8x32xf32, #tpu.memory_space<vmem>> -> memref<1x8x32xf32, #tpu.memory_space<vmem>>
      %dma_wait3A_1228 = arith.constant 0 : i32
      %dma_wait3A_1229 = arith.constant 0 : i32
      %dma_wait3A_1230 = arith.constant 0 : i32
      %dma_wait3A_1231 = tpu.memref_slice %arg3[%dma_wait3A_1228, %dma_wait3A_1229, %dma_wait3A_1230] : memref<125000x8x32xf32, #tpu.memory_space<hbm>> -> memref<1x8x32xf32, #tpu.memory_space<hbm>>
      tpu.wait_dma2 semaphore(%arg15 : memref<!tpu.dma_semaphore, #tpu.memory_space<semaphore_mem>>) src(%dma_wait3A_1231 : memref<1x8x32xf32, #tpu.memory_space<hbm>>) dst(%dma_wait3A_1227 : memref<1x8x32xf32, #tpu.memory_space<vmem>>)
      %dma_wait3A_1232 = arith.constant 5 : i32
      %dma_wait3A_1233 = arith.constant 0 : i32
      %dma_wait3A_1234 = arith.constant 0 : i32
      %dma_wait3A_1235 = tpu.memref_slice %arg10[%dma_wait3A_1232, %dma_wait3A_1233, %dma_wait3A_1234] : memref<32x8x32xf32, #tpu.memory_space<vmem>> -> memref<1x8x32xf32, #tpu.memory_space<vmem>>
      %dma_wait3A_1236 = arith.constant 0 : i32
      %dma_wait3A_1237 = arith.constant 0 : i32
      %dma_wait3A_1238 = arith.constant 0 : i32
      %dma_wait3A_1239 = tpu.memref_slice %arg2[%dma_wait3A_1236, %dma_wait3A_1237, %dma_wait3A_1238] : memref<125000x8x32xf32, #tpu.memory_space<hbm>> -> memref<1x8x32xf32, #tpu.memory_space<hbm>>
      %dma_wait3A_1240 = arith.constant 5 : i32
      %dma_wait3A_1241 = arith.constant 0 : i32
      %dma_wait3A_1242 = arith.constant 0 : i32
      %dma_wait3A_1243 = tpu.memref_slice %arg10[%dma_wait3A_1240, %dma_wait3A_1241, %dma_wait3A_1242] : memref<32x8x32xf32, #tpu.memory_space<vmem>> -> memref<1x8x32xf32, #tpu.memory_space<vmem>>
      %dma_wait3A_1244 = arith.constant 0 : i32
      %dma_wait3A_1245 = arith.constant 0 : i32
      %dma_wait3A_1246 = arith.constant 0 : i32
      %dma_wait3A_1247 = tpu.memref_slice %arg2[%dma_wait3A_1244, %dma_wait3A_1245, %dma_wait3A_1246] : memref<125000x8x32xf32, #tpu.memory_space<hbm>> -> memref<1x8x32xf32, #tpu.memory_space<hbm>>
      tpu.wait_dma2 semaphore(%arg14 : memref<!tpu.dma_semaphore, #tpu.memory_space<semaphore_mem>>) src(%dma_wait3A_1247 : memref<1x8x32xf32, #tpu.memory_space<hbm>>) dst(%dma_wait3A_1243 : memref<1x8x32xf32, #tpu.memory_space<vmem>>)
      %dma_wait3A_1248 = arith.constant 5 : i32
      %dma_wait3A_1249 = arith.constant 0 : i32
      %dma_wait3A_1250 = arith.constant 0 : i32
      %dma_wait3A_1251 = tpu.memref_slice %arg11[%dma_wait3A_1248, %dma_wait3A_1249, %dma_wait3A_1250] : memref<32x8x32xf32, #tpu.memory_space<vmem>> -> memref<1x8x32xf32, #tpu.memory_space<vmem>>
      %dma_wait3A_1252 = arith.constant 0 : i32
      %dma_wait3A_1253 = arith.constant 0 : i32
      %dma_wait3A_1254 = arith.constant 0 : i32
      %dma_wait3A_1255 = tpu.memref_slice %arg3[%dma_wait3A_1252, %dma_wait3A_1253, %dma_wait3A_1254] : memref<125000x8x32xf32, #tpu.memory_space<hbm>> -> memref<1x8x32xf32, #tpu.memory_space<hbm>>
      %dma_wait3A_1256 = arith.constant 5 : i32
      %dma_wait3A_1257 = arith.constant 0 : i32
      %dma_wait3A_1258 = arith.constant 0 : i32
      %dma_wait3A_1259 = tpu.memref_slice %arg11[%dma_wait3A_1256, %dma_wait3A_1257, %dma_wait3A_1258] : memref<32x8x32xf32, #tpu.memory_space<vmem>> -> memref<1x8x32xf32, #tpu.memory_space<vmem>>
      %dma_wait3A_1260 = arith.constant 0 : i32
      %dma_wait3A_1261 = arith.constant 0 : i32
      %dma_wait3A_1262 = arith.constant 0 : i32
      %dma_wait3A_1263 = tpu.memref_slice %arg3[%dma_wait3A_1260, %dma_wait3A_1261, %dma_wait3A_1262] : memref<125000x8x32xf32, #tpu.memory_space<hbm>> -> memref<1x8x32xf32, #tpu.memory_space<hbm>>
      tpu.wait_dma2 semaphore(%arg15 : memref<!tpu.dma_semaphore, #tpu.memory_space<semaphore_mem>>) src(%dma_wait3A_1263 : memref<1x8x32xf32, #tpu.memory_space<hbm>>) dst(%dma_wait3A_1259 : memref<1x8x32xf32, #tpu.memory_space<vmem>>)
      %dma_wait3A_1264 = arith.constant 6 : i32
      %dma_wait3A_1265 = arith.constant 0 : i32
      %dma_wait3A_1266 = arith.constant 0 : i32
      %dma_wait3A_1267 = tpu.memref_slice %arg10[%dma_wait3A_1264, %dma_wait3A_1265, %dma_wait3A_1266] : memref<32x8x32xf32, #tpu.memory_space<vmem>> -> memref<1x8x32xf32, #tpu.memory_space<vmem>>
      %dma_wait3A_1268 = arith.constant 0 : i32
      %dma_wait3A_1269 = arith.constant 0 : i32
      %dma_wait3A_1270 = arith.constant 0 : i32
      %dma_wait3A_1271 = tpu.memref_slice %arg2[%dma_wait3A_1268, %dma_wait3A_1269, %dma_wait3A_1270] : memref<125000x8x32xf32, #tpu.memory_space<hbm>> -> memref<1x8x32xf32, #tpu.memory_space<hbm>>
      %dma_wait3A_1272 = arith.constant 6 : i32
      %dma_wait3A_1273 = arith.constant 0 : i32
      %dma_wait3A_1274 = arith.constant 0 : i32
      %dma_wait3A_1275 = tpu.memref_slice %arg10[%dma_wait3A_1272, %dma_wait3A_1273, %dma_wait3A_1274] : memref<32x8x32xf32, #tpu.memory_space<vmem>> -> memref<1x8x32xf32, #tpu.memory_space<vmem>>
      %dma_wait3A_1276 = arith.constant 0 : i32
      %dma_wait3A_1277 = arith.constant 0 : i32
      %dma_wait3A_1278 = arith.constant 0 : i32
      %dma_wait3A_1279 = tpu.memref_slice %arg2[%dma_wait3A_1276, %dma_wait3A_1277, %dma_wait3A_1278] : memref<125000x8x32xf32, #tpu.memory_space<hbm>> -> memref<1x8x32xf32, #tpu.memory_space<hbm>>
      tpu.wait_dma2 semaphore(%arg14 : memref<!tpu.dma_semaphore, #tpu.memory_space<semaphore_mem>>) src(%dma_wait3A_1279 : memref<1x8x32xf32, #tpu.memory_space<hbm>>) dst(%dma_wait3A_1275 : memref<1x8x32xf32, #tpu.memory_space<vmem>>)
      %dma_wait3A_1280 = arith.constant 6 : i32
      %dma_wait3A_1281 = arith.constant 0 : i32
      %dma_wait3A_1282 = arith.constant 0 : i32
      %dma_wait3A_1283 = tpu.memref_slice %arg11[%dma_wait3A_1280, %dma_wait3A_1281, %dma_wait3A_1282] : memref<32x8x32xf32, #tpu.memory_space<vmem>> -> memref<1x8x32xf32, #tpu.memory_space<vmem>>
      %dma_wait3A_1284 = arith.constant 0 : i32
      %dma_wait3A_1285 = arith.constant 0 : i32
      %dma_wait3A_1286 = arith.constant 0 : i32
      %dma_wait3A_1287 = tpu.memref_slice %arg3[%dma_wait3A_1284, %dma_wait3A_1285, %dma_wait3A_1286] : memref<125000x8x32xf32, #tpu.memory_space<hbm>> -> memref<1x8x32xf32, #tpu.memory_space<hbm>>
      %dma_wait3A_1288 = arith.constant 6 : i32
      %dma_wait3A_1289 = arith.constant 0 : i32
      %dma_wait3A_1290 = arith.constant 0 : i32
      %dma_wait3A_1291 = tpu.memref_slice %arg11[%dma_wait3A_1288, %dma_wait3A_1289, %dma_wait3A_1290] : memref<32x8x32xf32, #tpu.memory_space<vmem>> -> memref<1x8x32xf32, #tpu.memory_space<vmem>>
      %dma_wait3A_1292 = arith.constant 0 : i32
      %dma_wait3A_1293 = arith.constant 0 : i32
      %dma_wait3A_1294 = arith.constant 0 : i32
      %dma_wait3A_1295 = tpu.memref_slice %arg3[%dma_wait3A_1292, %dma_wait3A_1293, %dma_wait3A_1294] : memref<125000x8x32xf32, #tpu.memory_space<hbm>> -> memref<1x8x32xf32, #tpu.memory_space<hbm>>
      tpu.wait_dma2 semaphore(%arg15 : memref<!tpu.dma_semaphore, #tpu.memory_space<semaphore_mem>>) src(%dma_wait3A_1295 : memref<1x8x32xf32, #tpu.memory_space<hbm>>) dst(%dma_wait3A_1291 : memref<1x8x32xf32, #tpu.memory_space<vmem>>)
      %dma_wait3A_1296 = arith.constant 7 : i32
      %dma_wait3A_1297 = arith.constant 0 : i32
      %dma_wait3A_1298 = arith.constant 0 : i32
      %dma_wait3A_1299 = tpu.memref_slice %arg10[%dma_wait3A_1296, %dma_wait3A_1297, %dma_wait3A_1298] : memref<32x8x32xf32, #tpu.memory_space<vmem>> -> memref<1x8x32xf32, #tpu.memory_space<vmem>>
      %dma_wait3A_1300 = arith.constant 0 : i32
      %dma_wait3A_1301 = arith.constant 0 : i32
      %dma_wait3A_1302 = arith.constant 0 : i32
      %dma_wait3A_1303 = tpu.memref_slice %arg2[%dma_wait3A_1300, %dma_wait3A_1301, %dma_wait3A_1302] : memref<125000x8x32xf32, #tpu.memory_space<hbm>> -> memref<1x8x32xf32, #tpu.memory_space<hbm>>
      %dma_wait3A_1304 = arith.constant 7 : i32
      %dma_wait3A_1305 = arith.constant 0 : i32
      %dma_wait3A_1306 = arith.constant 0 : i32
      %dma_wait3A_1307 = tpu.memref_slice %arg10[%dma_wait3A_1304, %dma_wait3A_1305, %dma_wait3A_1306] : memref<32x8x32xf32, #tpu.memory_space<vmem>> -> memref<1x8x32xf32, #tpu.memory_space<vmem>>
      %dma_wait3A_1308 = arith.constant 0 : i32
      %dma_wait3A_1309 = arith.constant 0 : i32
      %dma_wait3A_1310 = arith.constant 0 : i32
      %dma_wait3A_1311 = tpu.memref_slice %arg2[%dma_wait3A_1308, %dma_wait3A_1309, %dma_wait3A_1310] : memref<125000x8x32xf32, #tpu.memory_space<hbm>> -> memref<1x8x32xf32, #tpu.memory_space<hbm>>
      tpu.wait_dma2 semaphore(%arg14 : memref<!tpu.dma_semaphore, #tpu.memory_space<semaphore_mem>>) src(%dma_wait3A_1311 : memref<1x8x32xf32, #tpu.memory_space<hbm>>) dst(%dma_wait3A_1307 : memref<1x8x32xf32, #tpu.memory_space<vmem>>)
      %dma_wait3A_1312 = arith.constant 7 : i32
      %dma_wait3A_1313 = arith.constant 0 : i32
      %dma_wait3A_1314 = arith.constant 0 : i32
      %dma_wait3A_1315 = tpu.memref_slice %arg11[%dma_wait3A_1312, %dma_wait3A_1313, %dma_wait3A_1314] : memref<32x8x32xf32, #tpu.memory_space<vmem>> -> memref<1x8x32xf32, #tpu.memory_space<vmem>>
      %dma_wait3A_1316 = arith.constant 0 : i32
      %dma_wait3A_1317 = arith.constant 0 : i32
      %dma_wait3A_1318 = arith.constant 0 : i32
      %dma_wait3A_1319 = tpu.memref_slice %arg3[%dma_wait3A_1316, %dma_wait3A_1317, %dma_wait3A_1318] : memref<125000x8x32xf32, #tpu.memory_space<hbm>> -> memref<1x8x32xf32, #tpu.memory_space<hbm>>
      %dma_wait3A_1320 = arith.constant 7 : i32
      %dma_wait3A_1321 = arith.constant 0 : i32
      %dma_wait3A_1322 = arith.constant 0 : i32
      %dma_wait3A_1323 = tpu.memref_slice %arg11[%dma_wait3A_1320, %dma_wait3A_1321, %dma_wait3A_1322] : memref<32x8x32xf32, #tpu.memory_space<vmem>> -> memref<1x8x32xf32, #tpu.memory_space<vmem>>
      %dma_wait3A_1324 = arith.constant 0 : i32
      %dma_wait3A_1325 = arith.constant 0 : i32
      %dma_wait3A_1326 = arith.constant 0 : i32
      %dma_wait3A_1327 = tpu.memref_slice %arg3[%dma_wait3A_1324, %dma_wait3A_1325, %dma_wait3A_1326] : memref<125000x8x32xf32, #tpu.memory_space<hbm>> -> memref<1x8x32xf32, #tpu.memory_space<hbm>>
      tpu.wait_dma2 semaphore(%arg15 : memref<!tpu.dma_semaphore, #tpu.memory_space<semaphore_mem>>) src(%dma_wait3A_1327 : memref<1x8x32xf32, #tpu.memory_space<hbm>>) dst(%dma_wait3A_1323 : memref<1x8x32xf32, #tpu.memory_space<vmem>>)
      %dma_wait3A_1328 = arith.constant 8 : i32
      %dma_wait3A_1329 = arith.constant 0 : i32
      %dma_wait3A_1330 = arith.constant 0 : i32
      %dma_wait3A_1331 = tpu.memref_slice %arg10[%dma_wait3A_1328, %dma_wait3A_1329, %dma_wait3A_1330] : memref<32x8x32xf32, #tpu.memory_space<vmem>> -> memref<1x8x32xf32, #tpu.memory_space<vmem>>
      %dma_wait3A_1332 = arith.constant 0 : i32
      %dma_wait3A_1333 = arith.constant 0 : i32
      %dma_wait3A_1334 = arith.constant 0 : i32
      %dma_wait3A_1335 = tpu.memref_slice %arg2[%dma_wait3A_1332, %dma_wait3A_1333, %dma_wait3A_1334] : memref<125000x8x32xf32, #tpu.memory_space<hbm>> -> memref<1x8x32xf32, #tpu.memory_space<hbm>>
      %dma_wait3A_1336 = arith.constant 8 : i32
      %dma_wait3A_1337 = arith.constant 0 : i32
      %dma_wait3A_1338 = arith.constant 0 : i32
      %dma_wait3A_1339 = tpu.memref_slice %arg10[%dma_wait3A_1336, %dma_wait3A_1337, %dma_wait3A_1338] : memref<32x8x32xf32, #tpu.memory_space<vmem>> -> memref<1x8x32xf32, #tpu.memory_space<vmem>>
      %dma_wait3A_1340 = arith.constant 0 : i32
      %dma_wait3A_1341 = arith.constant 0 : i32
      %dma_wait3A_1342 = arith.constant 0 : i32
      %dma_wait3A_1343 = tpu.memref_slice %arg2[%dma_wait3A_1340, %dma_wait3A_1341, %dma_wait3A_1342] : memref<125000x8x32xf32, #tpu.memory_space<hbm>> -> memref<1x8x32xf32, #tpu.memory_space<hbm>>
      tpu.wait_dma2 semaphore(%arg14 : memref<!tpu.dma_semaphore, #tpu.memory_space<semaphore_mem>>) src(%dma_wait3A_1343 : memref<1x8x32xf32, #tpu.memory_space<hbm>>) dst(%dma_wait3A_1339 : memref<1x8x32xf32, #tpu.memory_space<vmem>>)
      %dma_wait3A_1344 = arith.constant 8 : i32
      %dma_wait3A_1345 = arith.constant 0 : i32
      %dma_wait3A_1346 = arith.constant 0 : i32
      %dma_wait3A_1347 = tpu.memref_slice %arg11[%dma_wait3A_1344, %dma_wait3A_1345, %dma_wait3A_1346] : memref<32x8x32xf32, #tpu.memory_space<vmem>> -> memref<1x8x32xf32, #tpu.memory_space<vmem>>
      %dma_wait3A_1348 = arith.constant 0 : i32
      %dma_wait3A_1349 = arith.constant 0 : i32
      %dma_wait3A_1350 = arith.constant 0 : i32
      %dma_wait3A_1351 = tpu.memref_slice %arg3[%dma_wait3A_1348, %dma_wait3A_1349, %dma_wait3A_1350] : memref<125000x8x32xf32, #tpu.memory_space<hbm>> -> memref<1x8x32xf32, #tpu.memory_space<hbm>>
      %dma_wait3A_1352 = arith.constant 8 : i32
      %dma_wait3A_1353 = arith.constant 0 : i32
      %dma_wait3A_1354 = arith.constant 0 : i32
      %dma_wait3A_1355 = tpu.memref_slice %arg11[%dma_wait3A_1352, %dma_wait3A_1353, %dma_wait3A_1354] : memref<32x8x32xf32, #tpu.memory_space<vmem>> -> memref<1x8x32xf32, #tpu.memory_space<vmem>>
      %dma_wait3A_1356 = arith.constant 0 : i32
      %dma_wait3A_1357 = arith.constant 0 : i32
      %dma_wait3A_1358 = arith.constant 0 : i32
      %dma_wait3A_1359 = tpu.memref_slice %arg3[%dma_wait3A_1356, %dma_wait3A_1357, %dma_wait3A_1358] : memref<125000x8x32xf32, #tpu.memory_space<hbm>> -> memref<1x8x32xf32, #tpu.memory_space<hbm>>
      tpu.wait_dma2 semaphore(%arg15 : memref<!tpu.dma_semaphore, #tpu.memory_space<semaphore_mem>>) src(%dma_wait3A_1359 : memref<1x8x32xf32, #tpu.memory_space<hbm>>) dst(%dma_wait3A_1355 : memref<1x8x32xf32, #tpu.memory_space<vmem>>)
      %dma_wait3A_1360 = arith.constant 9 : i32
      %dma_wait3A_1361 = arith.constant 0 : i32
      %dma_wait3A_1362 = arith.constant 0 : i32
      %dma_wait3A_1363 = tpu.memref_slice %arg10[%dma_wait3A_1360, %dma_wait3A_1361, %dma_wait3A_1362] : memref<32x8x32xf32, #tpu.memory_space<vmem>> -> memref<1x8x32xf32, #tpu.memory_space<vmem>>
      %dma_wait3A_1364 = arith.constant 0 : i32
      %dma_wait3A_1365 = arith.constant 0 : i32
      %dma_wait3A_1366 = arith.constant 0 : i32
      %dma_wait3A_1367 = tpu.memref_slice %arg2[%dma_wait3A_1364, %dma_wait3A_1365, %dma_wait3A_1366] : memref<125000x8x32xf32, #tpu.memory_space<hbm>> -> memref<1x8x32xf32, #tpu.memory_space<hbm>>
      %dma_wait3A_1368 = arith.constant 9 : i32
      %dma_wait3A_1369 = arith.constant 0 : i32
      %dma_wait3A_1370 = arith.constant 0 : i32
      %dma_wait3A_1371 = tpu.memref_slice %arg10[%dma_wait3A_1368, %dma_wait3A_1369, %dma_wait3A_1370] : memref<32x8x32xf32, #tpu.memory_space<vmem>> -> memref<1x8x32xf32, #tpu.memory_space<vmem>>
      %dma_wait3A_1372 = arith.constant 0 : i32
      %dma_wait3A_1373 = arith.constant 0 : i32
      %dma_wait3A_1374 = arith.constant 0 : i32
      %dma_wait3A_1375 = tpu.memref_slice %arg2[%dma_wait3A_1372, %dma_wait3A_1373, %dma_wait3A_1374] : memref<125000x8x32xf32, #tpu.memory_space<hbm>> -> memref<1x8x32xf32, #tpu.memory_space<hbm>>
      tpu.wait_dma2 semaphore(%arg14 : memref<!tpu.dma_semaphore, #tpu.memory_space<semaphore_mem>>) src(%dma_wait3A_1375 : memref<1x8x32xf32, #tpu.memory_space<hbm>>) dst(%dma_wait3A_1371 : memref<1x8x32xf32, #tpu.memory_space<vmem>>)
      %dma_wait3A_1376 = arith.constant 9 : i32
      %dma_wait3A_1377 = arith.constant 0 : i32
      %dma_wait3A_1378 = arith.constant 0 : i32
      %dma_wait3A_1379 = tpu.memref_slice %arg11[%dma_wait3A_1376, %dma_wait3A_1377, %dma_wait3A_1378] : memref<32x8x32xf32, #tpu.memory_space<vmem>> -> memref<1x8x32xf32, #tpu.memory_space<vmem>>
      %dma_wait3A_1380 = arith.constant 0 : i32
      %dma_wait3A_1381 = arith.constant 0 : i32
      %dma_wait3A_1382 = arith.constant 0 : i32
      %dma_wait3A_1383 = tpu.memref_slice %arg3[%dma_wait3A_1380, %dma_wait3A_1381, %dma_wait3A_1382] : memref<125000x8x32xf32, #tpu.memory_space<hbm>> -> memref<1x8x32xf32, #tpu.memory_space<hbm>>
      %dma_wait3A_1384 = arith.constant 9 : i32
      %dma_wait3A_1385 = arith.constant 0 : i32
      %dma_wait3A_1386 = arith.constant 0 : i32
      %dma_wait3A_1387 = tpu.memref_slice %arg11[%dma_wait3A_1384, %dma_wait3A_1385, %dma_wait3A_1386] : memref<32x8x32xf32, #tpu.memory_space<vmem>> -> memref<1x8x32xf32, #tpu.memory_space<vmem>>
      %dma_wait3A_1388 = arith.constant 0 : i32
      %dma_wait3A_1389 = arith.constant 0 : i32
      %dma_wait3A_1390 = arith.constant 0 : i32
      %dma_wait3A_1391 = tpu.memref_slice %arg3[%dma_wait3A_1388, %dma_wait3A_1389, %dma_wait3A_1390] : memref<125000x8x32xf32, #tpu.memory_space<hbm>> -> memref<1x8x32xf32, #tpu.memory_space<hbm>>
      tpu.wait_dma2 semaphore(%arg15 : memref<!tpu.dma_semaphore, #tpu.memory_space<semaphore_mem>>) src(%dma_wait3A_1391 : memref<1x8x32xf32, #tpu.memory_space<hbm>>) dst(%dma_wait3A_1387 : memref<1x8x32xf32, #tpu.memory_space<vmem>>)
      %dma_wait3A_1392 = arith.constant 10 : i32
      %dma_wait3A_1393 = arith.constant 0 : i32
      %dma_wait3A_1394 = arith.constant 0 : i32
      %dma_wait3A_1395 = tpu.memref_slice %arg10[%dma_wait3A_1392, %dma_wait3A_1393, %dma_wait3A_1394] : memref<32x8x32xf32, #tpu.memory_space<vmem>> -> memref<1x8x32xf32, #tpu.memory_space<vmem>>
      %dma_wait3A_1396 = arith.constant 0 : i32
      %dma_wait3A_1397 = arith.constant 0 : i32
      %dma_wait3A_1398 = arith.constant 0 : i32
      %dma_wait3A_1399 = tpu.memref_slice %arg2[%dma_wait3A_1396, %dma_wait3A_1397, %dma_wait3A_1398] : memref<125000x8x32xf32, #tpu.memory_space<hbm>> -> memref<1x8x32xf32, #tpu.memory_space<hbm>>
      %dma_wait3A_1400 = arith.constant 10 : i32
      %dma_wait3A_1401 = arith.constant 0 : i32
      %dma_wait3A_1402 = arith.constant 0 : i32
      %dma_wait3A_1403 = tpu.memref_slice %arg10[%dma_wait3A_1400, %dma_wait3A_1401, %dma_wait3A_1402] : memref<32x8x32xf32, #tpu.memory_space<vmem>> -> memref<1x8x32xf32, #tpu.memory_space<vmem>>
      %dma_wait3A_1404 = arith.constant 0 : i32
      %dma_wait3A_1405 = arith.constant 0 : i32
      %dma_wait3A_1406 = arith.constant 0 : i32
      %dma_wait3A_1407 = tpu.memref_slice %arg2[%dma_wait3A_1404, %dma_wait3A_1405, %dma_wait3A_1406] : memref<125000x8x32xf32, #tpu.memory_space<hbm>> -> memref<1x8x32xf32, #tpu.memory_space<hbm>>
      tpu.wait_dma2 semaphore(%arg14 : memref<!tpu.dma_semaphore, #tpu.memory_space<semaphore_mem>>) src(%dma_wait3A_1407 : memref<1x8x32xf32, #tpu.memory_space<hbm>>) dst(%dma_wait3A_1403 : memref<1x8x32xf32, #tpu.memory_space<vmem>>)
      %dma_wait3A_1408 = arith.constant 10 : i32
      %dma_wait3A_1409 = arith.constant 0 : i32
      %dma_wait3A_1410 = arith.constant 0 : i32
      %dma_wait3A_1411 = tpu.memref_slice %arg11[%dma_wait3A_1408, %dma_wait3A_1409, %dma_wait3A_1410] : memref<32x8x32xf32, #tpu.memory_space<vmem>> -> memref<1x8x32xf32, #tpu.memory_space<vmem>>
      %dma_wait3A_1412 = arith.constant 0 : i32
      %dma_wait3A_1413 = arith.constant 0 : i32
      %dma_wait3A_1414 = arith.constant 0 : i32
      %dma_wait3A_1415 = tpu.memref_slice %arg3[%dma_wait3A_1412, %dma_wait3A_1413, %dma_wait3A_1414] : memref<125000x8x32xf32, #tpu.memory_space<hbm>> -> memref<1x8x32xf32, #tpu.memory_space<hbm>>
      %dma_wait3A_1416 = arith.constant 10 : i32
      %dma_wait3A_1417 = arith.constant 0 : i32
      %dma_wait3A_1418 = arith.constant 0 : i32
      %dma_wait3A_1419 = tpu.memref_slice %arg11[%dma_wait3A_1416, %dma_wait3A_1417, %dma_wait3A_1418] : memref<32x8x32xf32, #tpu.memory_space<vmem>> -> memref<1x8x32xf32, #tpu.memory_space<vmem>>
      %dma_wait3A_1420 = arith.constant 0 : i32
      %dma_wait3A_1421 = arith.constant 0 : i32
      %dma_wait3A_1422 = arith.constant 0 : i32
      %dma_wait3A_1423 = tpu.memref_slice %arg3[%dma_wait3A_1420, %dma_wait3A_1421, %dma_wait3A_1422] : memref<125000x8x32xf32, #tpu.memory_space<hbm>> -> memref<1x8x32xf32, #tpu.memory_space<hbm>>
      tpu.wait_dma2 semaphore(%arg15 : memref<!tpu.dma_semaphore, #tpu.memory_space<semaphore_mem>>) src(%dma_wait3A_1423 : memref<1x8x32xf32, #tpu.memory_space<hbm>>) dst(%dma_wait3A_1419 : memref<1x8x32xf32, #tpu.memory_space<vmem>>)
      %dma_wait3A_1424 = arith.constant 11 : i32
      %dma_wait3A_1425 = arith.constant 0 : i32
      %dma_wait3A_1426 = arith.constant 0 : i32
      %dma_wait3A_1427 = tpu.memref_slice %arg10[%dma_wait3A_1424, %dma_wait3A_1425, %dma_wait3A_1426] : memref<32x8x32xf32, #tpu.memory_space<vmem>> -> memref<1x8x32xf32, #tpu.memory_space<vmem>>
      %dma_wait3A_1428 = arith.constant 0 : i32
      %dma_wait3A_1429 = arith.constant 0 : i32
      %dma_wait3A_1430 = arith.constant 0 : i32
      %dma_wait3A_1431 = tpu.memref_slice %arg2[%dma_wait3A_1428, %dma_wait3A_1429, %dma_wait3A_1430] : memref<125000x8x32xf32, #tpu.memory_space<hbm>> -> memref<1x8x32xf32, #tpu.memory_space<hbm>>
      %dma_wait3A_1432 = arith.constant 11 : i32
      %dma_wait3A_1433 = arith.constant 0 : i32
      %dma_wait3A_1434 = arith.constant 0 : i32
      %dma_wait3A_1435 = tpu.memref_slice %arg10[%dma_wait3A_1432, %dma_wait3A_1433, %dma_wait3A_1434] : memref<32x8x32xf32, #tpu.memory_space<vmem>> -> memref<1x8x32xf32, #tpu.memory_space<vmem>>
      %dma_wait3A_1436 = arith.constant 0 : i32
      %dma_wait3A_1437 = arith.constant 0 : i32
      %dma_wait3A_1438 = arith.constant 0 : i32
      %dma_wait3A_1439 = tpu.memref_slice %arg2[%dma_wait3A_1436, %dma_wait3A_1437, %dma_wait3A_1438] : memref<125000x8x32xf32, #tpu.memory_space<hbm>> -> memref<1x8x32xf32, #tpu.memory_space<hbm>>
      tpu.wait_dma2 semaphore(%arg14 : memref<!tpu.dma_semaphore, #tpu.memory_space<semaphore_mem>>) src(%dma_wait3A_1439 : memref<1x8x32xf32, #tpu.memory_space<hbm>>) dst(%dma_wait3A_1435 : memref<1x8x32xf32, #tpu.memory_space<vmem>>)
      %dma_wait3A_1440 = arith.constant 11 : i32
      %dma_wait3A_1441 = arith.constant 0 : i32
      %dma_wait3A_1442 = arith.constant 0 : i32
      %dma_wait3A_1443 = tpu.memref_slice %arg11[%dma_wait3A_1440, %dma_wait3A_1441, %dma_wait3A_1442] : memref<32x8x32xf32, #tpu.memory_space<vmem>> -> memref<1x8x32xf32, #tpu.memory_space<vmem>>
      %dma_wait3A_1444 = arith.constant 0 : i32
      %dma_wait3A_1445 = arith.constant 0 : i32
      %dma_wait3A_1446 = arith.constant 0 : i32
      %dma_wait3A_1447 = tpu.memref_slice %arg3[%dma_wait3A_1444, %dma_wait3A_1445, %dma_wait3A_1446] : memref<125000x8x32xf32, #tpu.memory_space<hbm>> -> memref<1x8x32xf32, #tpu.memory_space<hbm>>
      %dma_wait3A_1448 = arith.constant 11 : i32
      %dma_wait3A_1449 = arith.constant 0 : i32
      %dma_wait3A_1450 = arith.constant 0 : i32
      %dma_wait3A_1451 = tpu.memref_slice %arg11[%dma_wait3A_1448, %dma_wait3A_1449, %dma_wait3A_1450] : memref<32x8x32xf32, #tpu.memory_space<vmem>> -> memref<1x8x32xf32, #tpu.memory_space<vmem>>
      %dma_wait3A_1452 = arith.constant 0 : i32
      %dma_wait3A_1453 = arith.constant 0 : i32
      %dma_wait3A_1454 = arith.constant 0 : i32
      %dma_wait3A_1455 = tpu.memref_slice %arg3[%dma_wait3A_1452, %dma_wait3A_1453, %dma_wait3A_1454] : memref<125000x8x32xf32, #tpu.memory_space<hbm>> -> memref<1x8x32xf32, #tpu.memory_space<hbm>>
      tpu.wait_dma2 semaphore(%arg15 : memref<!tpu.dma_semaphore, #tpu.memory_space<semaphore_mem>>) src(%dma_wait3A_1455 : memref<1x8x32xf32, #tpu.memory_space<hbm>>) dst(%dma_wait3A_1451 : memref<1x8x32xf32, #tpu.memory_space<vmem>>)
      %dma_wait3A_1456 = arith.constant 12 : i32
      %dma_wait3A_1457 = arith.constant 0 : i32
      %dma_wait3A_1458 = arith.constant 0 : i32
      %dma_wait3A_1459 = tpu.memref_slice %arg10[%dma_wait3A_1456, %dma_wait3A_1457, %dma_wait3A_1458] : memref<32x8x32xf32, #tpu.memory_space<vmem>> -> memref<1x8x32xf32, #tpu.memory_space<vmem>>
      %dma_wait3A_1460 = arith.constant 0 : i32
      %dma_wait3A_1461 = arith.constant 0 : i32
      %dma_wait3A_1462 = arith.constant 0 : i32
      %dma_wait3A_1463 = tpu.memref_slice %arg2[%dma_wait3A_1460, %dma_wait3A_1461, %dma_wait3A_1462] : memref<125000x8x32xf32, #tpu.memory_space<hbm>> -> memref<1x8x32xf32, #tpu.memory_space<hbm>>
      %dma_wait3A_1464 = arith.constant 12 : i32
      %dma_wait3A_1465 = arith.constant 0 : i32
      %dma_wait3A_1466 = arith.constant 0 : i32
      %dma_wait3A_1467 = tpu.memref_slice %arg10[%dma_wait3A_1464, %dma_wait3A_1465, %dma_wait3A_1466] : memref<32x8x32xf32, #tpu.memory_space<vmem>> -> memref<1x8x32xf32, #tpu.memory_space<vmem>>
      %dma_wait3A_1468 = arith.constant 0 : i32
      %dma_wait3A_1469 = arith.constant 0 : i32
      %dma_wait3A_1470 = arith.constant 0 : i32
      %dma_wait3A_1471 = tpu.memref_slice %arg2[%dma_wait3A_1468, %dma_wait3A_1469, %dma_wait3A_1470] : memref<125000x8x32xf32, #tpu.memory_space<hbm>> -> memref<1x8x32xf32, #tpu.memory_space<hbm>>
      tpu.wait_dma2 semaphore(%arg14 : memref<!tpu.dma_semaphore, #tpu.memory_space<semaphore_mem>>) src(%dma_wait3A_1471 : memref<1x8x32xf32, #tpu.memory_space<hbm>>) dst(%dma_wait3A_1467 : memref<1x8x32xf32, #tpu.memory_space<vmem>>)
      %dma_wait3A_1472 = arith.constant 12 : i32
      %dma_wait3A_1473 = arith.constant 0 : i32
      %dma_wait3A_1474 = arith.constant 0 : i32
      %dma_wait3A_1475 = tpu.memref_slice %arg11[%dma_wait3A_1472, %dma_wait3A_1473, %dma_wait3A_1474] : memref<32x8x32xf32, #tpu.memory_space<vmem>> -> memref<1x8x32xf32, #tpu.memory_space<vmem>>
      %dma_wait3A_1476 = arith.constant 0 : i32
      %dma_wait3A_1477 = arith.constant 0 : i32
      %dma_wait3A_1478 = arith.constant 0 : i32
      %dma_wait3A_1479 = tpu.memref_slice %arg3[%dma_wait3A_1476, %dma_wait3A_1477, %dma_wait3A_1478] : memref<125000x8x32xf32, #tpu.memory_space<hbm>> -> memref<1x8x32xf32, #tpu.memory_space<hbm>>
      %dma_wait3A_1480 = arith.constant 12 : i32
      %dma_wait3A_1481 = arith.constant 0 : i32
      %dma_wait3A_1482 = arith.constant 0 : i32
      %dma_wait3A_1483 = tpu.memref_slice %arg11[%dma_wait3A_1480, %dma_wait3A_1481, %dma_wait3A_1482] : memref<32x8x32xf32, #tpu.memory_space<vmem>> -> memref<1x8x32xf32, #tpu.memory_space<vmem>>
      %dma_wait3A_1484 = arith.constant 0 : i32
      %dma_wait3A_1485 = arith.constant 0 : i32
      %dma_wait3A_1486 = arith.constant 0 : i32
      %dma_wait3A_1487 = tpu.memref_slice %arg3[%dma_wait3A_1484, %dma_wait3A_1485, %dma_wait3A_1486] : memref<125000x8x32xf32, #tpu.memory_space<hbm>> -> memref<1x8x32xf32, #tpu.memory_space<hbm>>
      tpu.wait_dma2 semaphore(%arg15 : memref<!tpu.dma_semaphore, #tpu.memory_space<semaphore_mem>>) src(%dma_wait3A_1487 : memref<1x8x32xf32, #tpu.memory_space<hbm>>) dst(%dma_wait3A_1483 : memref<1x8x32xf32, #tpu.memory_space<vmem>>)
      %dma_wait3A_1488 = arith.constant 13 : i32
      %dma_wait3A_1489 = arith.constant 0 : i32
      %dma_wait3A_1490 = arith.constant 0 : i32
      %dma_wait3A_1491 = tpu.memref_slice %arg10[%dma_wait3A_1488, %dma_wait3A_1489, %dma_wait3A_1490] : memref<32x8x32xf32, #tpu.memory_space<vmem>> -> memref<1x8x32xf32, #tpu.memory_space<vmem>>
      %dma_wait3A_1492 = arith.constant 0 : i32
      %dma_wait3A_1493 = arith.constant 0 : i32
      %dma_wait3A_1494 = arith.constant 0 : i32
      %dma_wait3A_1495 = tpu.memref_slice %arg2[%dma_wait3A_1492, %dma_wait3A_1493, %dma_wait3A_1494] : memref<125000x8x32xf32, #tpu.memory_space<hbm>> -> memref<1x8x32xf32, #tpu.memory_space<hbm>>
      %dma_wait3A_1496 = arith.constant 13 : i32
      %dma_wait3A_1497 = arith.constant 0 : i32
      %dma_wait3A_1498 = arith.constant 0 : i32
      %dma_wait3A_1499 = tpu.memref_slice %arg10[%dma_wait3A_1496, %dma_wait3A_1497, %dma_wait3A_1498] : memref<32x8x32xf32, #tpu.memory_space<vmem>> -> memref<1x8x32xf32, #tpu.memory_space<vmem>>
      %dma_wait3A_1500 = arith.constant 0 : i32
      %dma_wait3A_1501 = arith.constant 0 : i32
      %dma_wait3A_1502 = arith.constant 0 : i32
      %dma_wait3A_1503 = tpu.memref_slice %arg2[%dma_wait3A_1500, %dma_wait3A_1501, %dma_wait3A_1502] : memref<125000x8x32xf32, #tpu.memory_space<hbm>> -> memref<1x8x32xf32, #tpu.memory_space<hbm>>
      tpu.wait_dma2 semaphore(%arg14 : memref<!tpu.dma_semaphore, #tpu.memory_space<semaphore_mem>>) src(%dma_wait3A_1503 : memref<1x8x32xf32, #tpu.memory_space<hbm>>) dst(%dma_wait3A_1499 : memref<1x8x32xf32, #tpu.memory_space<vmem>>)
      %dma_wait3A_1504 = arith.constant 13 : i32
      %dma_wait3A_1505 = arith.constant 0 : i32
      %dma_wait3A_1506 = arith.constant 0 : i32
      %dma_wait3A_1507 = tpu.memref_slice %arg11[%dma_wait3A_1504, %dma_wait3A_1505, %dma_wait3A_1506] : memref<32x8x32xf32, #tpu.memory_space<vmem>> -> memref<1x8x32xf32, #tpu.memory_space<vmem>>
      %dma_wait3A_1508 = arith.constant 0 : i32
      %dma_wait3A_1509 = arith.constant 0 : i32
      %dma_wait3A_1510 = arith.constant 0 : i32
      %dma_wait3A_1511 = tpu.memref_slice %arg3[%dma_wait3A_1508, %dma_wait3A_1509, %dma_wait3A_1510] : memref<125000x8x32xf32, #tpu.memory_space<hbm>> -> memref<1x8x32xf32, #tpu.memory_space<hbm>>
      %dma_wait3A_1512 = arith.constant 13 : i32
      %dma_wait3A_1513 = arith.constant 0 : i32
      %dma_wait3A_1514 = arith.constant 0 : i32
      %dma_wait3A_1515 = tpu.memref_slice %arg11[%dma_wait3A_1512, %dma_wait3A_1513, %dma_wait3A_1514] : memref<32x8x32xf32, #tpu.memory_space<vmem>> -> memref<1x8x32xf32, #tpu.memory_space<vmem>>
      %dma_wait3A_1516 = arith.constant 0 : i32
      %dma_wait3A_1517 = arith.constant 0 : i32
      %dma_wait3A_1518 = arith.constant 0 : i32
      %dma_wait3A_1519 = tpu.memref_slice %arg3[%dma_wait3A_1516, %dma_wait3A_1517, %dma_wait3A_1518] : memref<125000x8x32xf32, #tpu.memory_space<hbm>> -> memref<1x8x32xf32, #tpu.memory_space<hbm>>
      tpu.wait_dma2 semaphore(%arg15 : memref<!tpu.dma_semaphore, #tpu.memory_space<semaphore_mem>>) src(%dma_wait3A_1519 : memref<1x8x32xf32, #tpu.memory_space<hbm>>) dst(%dma_wait3A_1515 : memref<1x8x32xf32, #tpu.memory_space<vmem>>)
      %dma_wait3A_1520 = arith.constant 14 : i32
      %dma_wait3A_1521 = arith.constant 0 : i32
      %dma_wait3A_1522 = arith.constant 0 : i32
      %dma_wait3A_1523 = tpu.memref_slice %arg10[%dma_wait3A_1520, %dma_wait3A_1521, %dma_wait3A_1522] : memref<32x8x32xf32, #tpu.memory_space<vmem>> -> memref<1x8x32xf32, #tpu.memory_space<vmem>>
      %dma_wait3A_1524 = arith.constant 0 : i32
      %dma_wait3A_1525 = arith.constant 0 : i32
      %dma_wait3A_1526 = arith.constant 0 : i32
      %dma_wait3A_1527 = tpu.memref_slice %arg2[%dma_wait3A_1524, %dma_wait3A_1525, %dma_wait3A_1526] : memref<125000x8x32xf32, #tpu.memory_space<hbm>> -> memref<1x8x32xf32, #tpu.memory_space<hbm>>
      %dma_wait3A_1528 = arith.constant 14 : i32
      %dma_wait3A_1529 = arith.constant 0 : i32
      %dma_wait3A_1530 = arith.constant 0 : i32
      %dma_wait3A_1531 = tpu.memref_slice %arg10[%dma_wait3A_1528, %dma_wait3A_1529, %dma_wait3A_1530] : memref<32x8x32xf32, #tpu.memory_space<vmem>> -> memref<1x8x32xf32, #tpu.memory_space<vmem>>
      %dma_wait3A_1532 = arith.constant 0 : i32
      %dma_wait3A_1533 = arith.constant 0 : i32
      %dma_wait3A_1534 = arith.constant 0 : i32
      %dma_wait3A_1535 = tpu.memref_slice %arg2[%dma_wait3A_1532, %dma_wait3A_1533, %dma_wait3A_1534] : memref<125000x8x32xf32, #tpu.memory_space<hbm>> -> memref<1x8x32xf32, #tpu.memory_space<hbm>>
      tpu.wait_dma2 semaphore(%arg14 : memref<!tpu.dma_semaphore, #tpu.memory_space<semaphore_mem>>) src(%dma_wait3A_1535 : memref<1x8x32xf32, #tpu.memory_space<hbm>>) dst(%dma_wait3A_1531 : memref<1x8x32xf32, #tpu.memory_space<vmem>>)
      %dma_wait3A_1536 = arith.constant 14 : i32
      %dma_wait3A_1537 = arith.constant 0 : i32
      %dma_wait3A_1538 = arith.constant 0 : i32
      %dma_wait3A_1539 = tpu.memref_slice %arg11[%dma_wait3A_1536, %dma_wait3A_1537, %dma_wait3A_1538] : memref<32x8x32xf32, #tpu.memory_space<vmem>> -> memref<1x8x32xf32, #tpu.memory_space<vmem>>
      %dma_wait3A_1540 = arith.constant 0 : i32
      %dma_wait3A_1541 = arith.constant 0 : i32
      %dma_wait3A_1542 = arith.constant 0 : i32
      %dma_wait3A_1543 = tpu.memref_slice %arg3[%dma_wait3A_1540, %dma_wait3A_1541, %dma_wait3A_1542] : memref<125000x8x32xf32, #tpu.memory_space<hbm>> -> memref<1x8x32xf32, #tpu.memory_space<hbm>>
      %dma_wait3A_1544 = arith.constant 14 : i32
      %dma_wait3A_1545 = arith.constant 0 : i32
      %dma_wait3A_1546 = arith.constant 0 : i32
      %dma_wait3A_1547 = tpu.memref_slice %arg11[%dma_wait3A_1544, %dma_wait3A_1545, %dma_wait3A_1546] : memref<32x8x32xf32, #tpu.memory_space<vmem>> -> memref<1x8x32xf32, #tpu.memory_space<vmem>>
      %dma_wait3A_1548 = arith.constant 0 : i32
      %dma_wait3A_1549 = arith.constant 0 : i32
      %dma_wait3A_1550 = arith.constant 0 : i32
      %dma_wait3A_1551 = tpu.memref_slice %arg3[%dma_wait3A_1548, %dma_wait3A_1549, %dma_wait3A_1550] : memref<125000x8x32xf32, #tpu.memory_space<hbm>> -> memref<1x8x32xf32, #tpu.memory_space<hbm>>
      tpu.wait_dma2 semaphore(%arg15 : memref<!tpu.dma_semaphore, #tpu.memory_space<semaphore_mem>>) src(%dma_wait3A_1551 : memref<1x8x32xf32, #tpu.memory_space<hbm>>) dst(%dma_wait3A_1547 : memref<1x8x32xf32, #tpu.memory_space<vmem>>)
      %dma_wait3A_1552 = arith.constant 15 : i32
      %dma_wait3A_1553 = arith.constant 0 : i32
      %dma_wait3A_1554 = arith.constant 0 : i32
      %dma_wait3A_1555 = tpu.memref_slice %arg10[%dma_wait3A_1552, %dma_wait3A_1553, %dma_wait3A_1554] : memref<32x8x32xf32, #tpu.memory_space<vmem>> -> memref<1x8x32xf32, #tpu.memory_space<vmem>>
      %dma_wait3A_1556 = arith.constant 0 : i32
      %dma_wait3A_1557 = arith.constant 0 : i32
      %dma_wait3A_1558 = arith.constant 0 : i32
      %dma_wait3A_1559 = tpu.memref_slice %arg2[%dma_wait3A_1556, %dma_wait3A_1557, %dma_wait3A_1558] : memref<125000x8x32xf32, #tpu.memory_space<hbm>> -> memref<1x8x32xf32, #tpu.memory_space<hbm>>
      %dma_wait3A_1560 = arith.constant 15 : i32
      %dma_wait3A_1561 = arith.constant 0 : i32
      %dma_wait3A_1562 = arith.constant 0 : i32
      %dma_wait3A_1563 = tpu.memref_slice %arg10[%dma_wait3A_1560, %dma_wait3A_1561, %dma_wait3A_1562] : memref<32x8x32xf32, #tpu.memory_space<vmem>> -> memref<1x8x32xf32, #tpu.memory_space<vmem>>
      %dma_wait3A_1564 = arith.constant 0 : i32
      %dma_wait3A_1565 = arith.constant 0 : i32
      %dma_wait3A_1566 = arith.constant 0 : i32
      %dma_wait3A_1567 = tpu.memref_slice %arg2[%dma_wait3A_1564, %dma_wait3A_1565, %dma_wait3A_1566] : memref<125000x8x32xf32, #tpu.memory_space<hbm>> -> memref<1x8x32xf32, #tpu.memory_space<hbm>>
      tpu.wait_dma2 semaphore(%arg14 : memref<!tpu.dma_semaphore, #tpu.memory_space<semaphore_mem>>) src(%dma_wait3A_1567 : memref<1x8x32xf32, #tpu.memory_space<hbm>>) dst(%dma_wait3A_1563 : memref<1x8x32xf32, #tpu.memory_space<vmem>>)
      %dma_wait3A_1568 = arith.constant 15 : i32
      %dma_wait3A_1569 = arith.constant 0 : i32
      %dma_wait3A_1570 = arith.constant 0 : i32
      %dma_wait3A_1571 = tpu.memref_slice %arg11[%dma_wait3A_1568, %dma_wait3A_1569, %dma_wait3A_1570] : memref<32x8x32xf32, #tpu.memory_space<vmem>> -> memref<1x8x32xf32, #tpu.memory_space<vmem>>
      %dma_wait3A_1572 = arith.constant 0 : i32
      %dma_wait3A_1573 = arith.constant 0 : i32
      %dma_wait3A_1574 = arith.constant 0 : i32
      %dma_wait3A_1575 = tpu.memref_slice %arg3[%dma_wait3A_1572, %dma_wait3A_1573, %dma_wait3A_1574] : memref<125000x8x32xf32, #tpu.memory_space<hbm>> -> memref<1x8x32xf32, #tpu.memory_space<hbm>>
      %dma_wait3A_1576 = arith.constant 15 : i32
      %dma_wait3A_1577 = arith.constant 0 : i32
      %dma_wait3A_1578 = arith.constant 0 : i32
      %dma_wait3A_1579 = tpu.memref_slice %arg11[%dma_wait3A_1576, %dma_wait3A_1577, %dma_wait3A_1578] : memref<32x8x32xf32, #tpu.memory_space<vmem>> -> memref<1x8x32xf32, #tpu.memory_space<vmem>>
      %dma_wait3A_1580 = arith.constant 0 : i32
      %dma_wait3A_1581 = arith.constant 0 : i32
      %dma_wait3A_1582 = arith.constant 0 : i32
      %dma_wait3A_1583 = tpu.memref_slice %arg3[%dma_wait3A_1580, %dma_wait3A_1581, %dma_wait3A_1582] : memref<125000x8x32xf32, #tpu.memory_space<hbm>> -> memref<1x8x32xf32, #tpu.memory_space<hbm>>
      tpu.wait_dma2 semaphore(%arg15 : memref<!tpu.dma_semaphore, #tpu.memory_space<semaphore_mem>>) src(%dma_wait3A_1583 : memref<1x8x32xf32, #tpu.memory_space<hbm>>) dst(%dma_wait3A_1579 : memref<1x8x32xf32, #tpu.memory_space<vmem>>)
      %dma_wait3A_1584 = arith.constant 16 : i32
      %dma_wait3A_1585 = arith.constant 0 : i32
      %dma_wait3A_1586 = arith.constant 0 : i32
      %dma_wait3A_1587 = tpu.memref_slice %arg10[%dma_wait3A_1584, %dma_wait3A_1585, %dma_wait3A_1586] : memref<32x8x32xf32, #tpu.memory_space<vmem>> -> memref<1x8x32xf32, #tpu.memory_space<vmem>>
      %dma_wait3A_1588 = arith.constant 0 : i32
      %dma_wait3A_1589 = arith.constant 0 : i32
      %dma_wait3A_1590 = arith.constant 0 : i32
      %dma_wait3A_1591 = tpu.memref_slice %arg2[%dma_wait3A_1588, %dma_wait3A_1589, %dma_wait3A_1590] : memref<125000x8x32xf32, #tpu.memory_space<hbm>> -> memref<1x8x32xf32, #tpu.memory_space<hbm>>
      %dma_wait3A_1592 = arith.constant 16 : i32
      %dma_wait3A_1593 = arith.constant 0 : i32
      %dma_wait3A_1594 = arith.constant 0 : i32
      %dma_wait3A_1595 = tpu.memref_slice %arg10[%dma_wait3A_1592, %dma_wait3A_1593, %dma_wait3A_1594] : memref<32x8x32xf32, #tpu.memory_space<vmem>> -> memref<1x8x32xf32, #tpu.memory_space<vmem>>
      %dma_wait3A_1596 = arith.constant 0 : i32
      %dma_wait3A_1597 = arith.constant 0 : i32
      %dma_wait3A_1598 = arith.constant 0 : i32
      %dma_wait3A_1599 = tpu.memref_slice %arg2[%dma_wait3A_1596, %dma_wait3A_1597, %dma_wait3A_1598] : memref<125000x8x32xf32, #tpu.memory_space<hbm>> -> memref<1x8x32xf32, #tpu.memory_space<hbm>>
      tpu.wait_dma2 semaphore(%arg14 : memref<!tpu.dma_semaphore, #tpu.memory_space<semaphore_mem>>) src(%dma_wait3A_1599 : memref<1x8x32xf32, #tpu.memory_space<hbm>>) dst(%dma_wait3A_1595 : memref<1x8x32xf32, #tpu.memory_space<vmem>>)
      %dma_wait3A_1600 = arith.constant 16 : i32
      %dma_wait3A_1601 = arith.constant 0 : i32
      %dma_wait3A_1602 = arith.constant 0 : i32
      %dma_wait3A_1603 = tpu.memref_slice %arg11[%dma_wait3A_1600, %dma_wait3A_1601, %dma_wait3A_1602] : memref<32x8x32xf32, #tpu.memory_space<vmem>> -> memref<1x8x32xf32, #tpu.memory_space<vmem>>
      %dma_wait3A_1604 = arith.constant 0 : i32
      %dma_wait3A_1605 = arith.constant 0 : i32
      %dma_wait3A_1606 = arith.constant 0 : i32
      %dma_wait3A_1607 = tpu.memref_slice %arg3[%dma_wait3A_1604, %dma_wait3A_1605, %dma_wait3A_1606] : memref<125000x8x32xf32, #tpu.memory_space<hbm>> -> memref<1x8x32xf32, #tpu.memory_space<hbm>>
      %dma_wait3A_1608 = arith.constant 16 : i32
      %dma_wait3A_1609 = arith.constant 0 : i32
      %dma_wait3A_1610 = arith.constant 0 : i32
      %dma_wait3A_1611 = tpu.memref_slice %arg11[%dma_wait3A_1608, %dma_wait3A_1609, %dma_wait3A_1610] : memref<32x8x32xf32, #tpu.memory_space<vmem>> -> memref<1x8x32xf32, #tpu.memory_space<vmem>>
      %dma_wait3A_1612 = arith.constant 0 : i32
      %dma_wait3A_1613 = arith.constant 0 : i32
      %dma_wait3A_1614 = arith.constant 0 : i32
      %dma_wait3A_1615 = tpu.memref_slice %arg3[%dma_wait3A_1612, %dma_wait3A_1613, %dma_wait3A_1614] : memref<125000x8x32xf32, #tpu.memory_space<hbm>> -> memref<1x8x32xf32, #tpu.memory_space<hbm>>
      tpu.wait_dma2 semaphore(%arg15 : memref<!tpu.dma_semaphore, #tpu.memory_space<semaphore_mem>>) src(%dma_wait3A_1615 : memref<1x8x32xf32, #tpu.memory_space<hbm>>) dst(%dma_wait3A_1611 : memref<1x8x32xf32, #tpu.memory_space<vmem>>)
      %dma_wait3A_1616 = arith.constant 17 : i32
      %dma_wait3A_1617 = arith.constant 0 : i32
      %dma_wait3A_1618 = arith.constant 0 : i32
      %dma_wait3A_1619 = tpu.memref_slice %arg10[%dma_wait3A_1616, %dma_wait3A_1617, %dma_wait3A_1618] : memref<32x8x32xf32, #tpu.memory_space<vmem>> -> memref<1x8x32xf32, #tpu.memory_space<vmem>>
      %dma_wait3A_1620 = arith.constant 0 : i32
      %dma_wait3A_1621 = arith.constant 0 : i32
      %dma_wait3A_1622 = arith.constant 0 : i32
      %dma_wait3A_1623 = tpu.memref_slice %arg2[%dma_wait3A_1620, %dma_wait3A_1621, %dma_wait3A_1622] : memref<125000x8x32xf32, #tpu.memory_space<hbm>> -> memref<1x8x32xf32, #tpu.memory_space<hbm>>
      %dma_wait3A_1624 = arith.constant 17 : i32
      %dma_wait3A_1625 = arith.constant 0 : i32
      %dma_wait3A_1626 = arith.constant 0 : i32
      %dma_wait3A_1627 = tpu.memref_slice %arg10[%dma_wait3A_1624, %dma_wait3A_1625, %dma_wait3A_1626] : memref<32x8x32xf32, #tpu.memory_space<vmem>> -> memref<1x8x32xf32, #tpu.memory_space<vmem>>
      %dma_wait3A_1628 = arith.constant 0 : i32
      %dma_wait3A_1629 = arith.constant 0 : i32
      %dma_wait3A_1630 = arith.constant 0 : i32
      %dma_wait3A_1631 = tpu.memref_slice %arg2[%dma_wait3A_1628, %dma_wait3A_1629, %dma_wait3A_1630] : memref<125000x8x32xf32, #tpu.memory_space<hbm>> -> memref<1x8x32xf32, #tpu.memory_space<hbm>>
      tpu.wait_dma2 semaphore(%arg14 : memref<!tpu.dma_semaphore, #tpu.memory_space<semaphore_mem>>) src(%dma_wait3A_1631 : memref<1x8x32xf32, #tpu.memory_space<hbm>>) dst(%dma_wait3A_1627 : memref<1x8x32xf32, #tpu.memory_space<vmem>>)
      %dma_wait3A_1632 = arith.constant 17 : i32
      %dma_wait3A_1633 = arith.constant 0 : i32
      %dma_wait3A_1634 = arith.constant 0 : i32
      %dma_wait3A_1635 = tpu.memref_slice %arg11[%dma_wait3A_1632, %dma_wait3A_1633, %dma_wait3A_1634] : memref<32x8x32xf32, #tpu.memory_space<vmem>> -> memref<1x8x32xf32, #tpu.memory_space<vmem>>
      %dma_wait3A_1636 = arith.constant 0 : i32
      %dma_wait3A_1637 = arith.constant 0 : i32
      %dma_wait3A_1638 = arith.constant 0 : i32
      %dma_wait3A_1639 = tpu.memref_slice %arg3[%dma_wait3A_1636, %dma_wait3A_1637, %dma_wait3A_1638] : memref<125000x8x32xf32, #tpu.memory_space<hbm>> -> memref<1x8x32xf32, #tpu.memory_space<hbm>>
      %dma_wait3A_1640 = arith.constant 17 : i32
      %dma_wait3A_1641 = arith.constant 0 : i32
      %dma_wait3A_1642 = arith.constant 0 : i32
      %dma_wait3A_1643 = tpu.memref_slice %arg11[%dma_wait3A_1640, %dma_wait3A_1641, %dma_wait3A_1642] : memref<32x8x32xf32, #tpu.memory_space<vmem>> -> memref<1x8x32xf32, #tpu.memory_space<vmem>>
      %dma_wait3A_1644 = arith.constant 0 : i32
      %dma_wait3A_1645 = arith.constant 0 : i32
      %dma_wait3A_1646 = arith.constant 0 : i32
      %dma_wait3A_1647 = tpu.memref_slice %arg3[%dma_wait3A_1644, %dma_wait3A_1645, %dma_wait3A_1646] : memref<125000x8x32xf32, #tpu.memory_space<hbm>> -> memref<1x8x32xf32, #tpu.memory_space<hbm>>
      tpu.wait_dma2 semaphore(%arg15 : memref<!tpu.dma_semaphore, #tpu.memory_space<semaphore_mem>>) src(%dma_wait3A_1647 : memref<1x8x32xf32, #tpu.memory_space<hbm>>) dst(%dma_wait3A_1643 : memref<1x8x32xf32, #tpu.memory_space<vmem>>)
      %dma_wait3A_1648 = arith.constant 18 : i32
      %dma_wait3A_1649 = arith.constant 0 : i32
      %dma_wait3A_1650 = arith.constant 0 : i32
      %dma_wait3A_1651 = tpu.memref_slice %arg10[%dma_wait3A_1648, %dma_wait3A_1649, %dma_wait3A_1650] : memref<32x8x32xf32, #tpu.memory_space<vmem>> -> memref<1x8x32xf32, #tpu.memory_space<vmem>>
      %dma_wait3A_1652 = arith.constant 0 : i32
      %dma_wait3A_1653 = arith.constant 0 : i32
      %dma_wait3A_1654 = arith.constant 0 : i32
      %dma_wait3A_1655 = tpu.memref_slice %arg2[%dma_wait3A_1652, %dma_wait3A_1653, %dma_wait3A_1654] : memref<125000x8x32xf32, #tpu.memory_space<hbm>> -> memref<1x8x32xf32, #tpu.memory_space<hbm>>
      %dma_wait3A_1656 = arith.constant 18 : i32
      %dma_wait3A_1657 = arith.constant 0 : i32
      %dma_wait3A_1658 = arith.constant 0 : i32
      %dma_wait3A_1659 = tpu.memref_slice %arg10[%dma_wait3A_1656, %dma_wait3A_1657, %dma_wait3A_1658] : memref<32x8x32xf32, #tpu.memory_space<vmem>> -> memref<1x8x32xf32, #tpu.memory_space<vmem>>
      %dma_wait3A_1660 = arith.constant 0 : i32
      %dma_wait3A_1661 = arith.constant 0 : i32
      %dma_wait3A_1662 = arith.constant 0 : i32
      %dma_wait3A_1663 = tpu.memref_slice %arg2[%dma_wait3A_1660, %dma_wait3A_1661, %dma_wait3A_1662] : memref<125000x8x32xf32, #tpu.memory_space<hbm>> -> memref<1x8x32xf32, #tpu.memory_space<hbm>>
      tpu.wait_dma2 semaphore(%arg14 : memref<!tpu.dma_semaphore, #tpu.memory_space<semaphore_mem>>) src(%dma_wait3A_1663 : memref<1x8x32xf32, #tpu.memory_space<hbm>>) dst(%dma_wait3A_1659 : memref<1x8x32xf32, #tpu.memory_space<vmem>>)
      %dma_wait3A_1664 = arith.constant 18 : i32
      %dma_wait3A_1665 = arith.constant 0 : i32
      %dma_wait3A_1666 = arith.constant 0 : i32
      %dma_wait3A_1667 = tpu.memref_slice %arg11[%dma_wait3A_1664, %dma_wait3A_1665, %dma_wait3A_1666] : memref<32x8x32xf32, #tpu.memory_space<vmem>> -> memref<1x8x32xf32, #tpu.memory_space<vmem>>
      %dma_wait3A_1668 = arith.constant 0 : i32
      %dma_wait3A_1669 = arith.constant 0 : i32
      %dma_wait3A_1670 = arith.constant 0 : i32
      %dma_wait3A_1671 = tpu.memref_slice %arg3[%dma_wait3A_1668, %dma_wait3A_1669, %dma_wait3A_1670] : memref<125000x8x32xf32, #tpu.memory_space<hbm>> -> memref<1x8x32xf32, #tpu.memory_space<hbm>>
      %dma_wait3A_1672 = arith.constant 18 : i32
      %dma_wait3A_1673 = arith.constant 0 : i32
      %dma_wait3A_1674 = arith.constant 0 : i32
      %dma_wait3A_1675 = tpu.memref_slice %arg11[%dma_wait3A_1672, %dma_wait3A_1673, %dma_wait3A_1674] : memref<32x8x32xf32, #tpu.memory_space<vmem>> -> memref<1x8x32xf32, #tpu.memory_space<vmem>>
      %dma_wait3A_1676 = arith.constant 0 : i32
      %dma_wait3A_1677 = arith.constant 0 : i32
      %dma_wait3A_1678 = arith.constant 0 : i32
      %dma_wait3A_1679 = tpu.memref_slice %arg3[%dma_wait3A_1676, %dma_wait3A_1677, %dma_wait3A_1678] : memref<125000x8x32xf32, #tpu.memory_space<hbm>> -> memref<1x8x32xf32, #tpu.memory_space<hbm>>
      tpu.wait_dma2 semaphore(%arg15 : memref<!tpu.dma_semaphore, #tpu.memory_space<semaphore_mem>>) src(%dma_wait3A_1679 : memref<1x8x32xf32, #tpu.memory_space<hbm>>) dst(%dma_wait3A_1675 : memref<1x8x32xf32, #tpu.memory_space<vmem>>)
      %dma_wait3A_1680 = arith.constant 19 : i32
      %dma_wait3A_1681 = arith.constant 0 : i32
      %dma_wait3A_1682 = arith.constant 0 : i32
      %dma_wait3A_1683 = tpu.memref_slice %arg10[%dma_wait3A_1680, %dma_wait3A_1681, %dma_wait3A_1682] : memref<32x8x32xf32, #tpu.memory_space<vmem>> -> memref<1x8x32xf32, #tpu.memory_space<vmem>>
      %dma_wait3A_1684 = arith.constant 0 : i32
      %dma_wait3A_1685 = arith.constant 0 : i32
      %dma_wait3A_1686 = arith.constant 0 : i32
      %dma_wait3A_1687 = tpu.memref_slice %arg2[%dma_wait3A_1684, %dma_wait3A_1685, %dma_wait3A_1686] : memref<125000x8x32xf32, #tpu.memory_space<hbm>> -> memref<1x8x32xf32, #tpu.memory_space<hbm>>
      %dma_wait3A_1688 = arith.constant 19 : i32
      %dma_wait3A_1689 = arith.constant 0 : i32
      %dma_wait3A_1690 = arith.constant 0 : i32
      %dma_wait3A_1691 = tpu.memref_slice %arg10[%dma_wait3A_1688, %dma_wait3A_1689, %dma_wait3A_1690] : memref<32x8x32xf32, #tpu.memory_space<vmem>> -> memref<1x8x32xf32, #tpu.memory_space<vmem>>
      %dma_wait3A_1692 = arith.constant 0 : i32
      %dma_wait3A_1693 = arith.constant 0 : i32
      %dma_wait3A_1694 = arith.constant 0 : i32
      %dma_wait3A_1695 = tpu.memref_slice %arg2[%dma_wait3A_1692, %dma_wait3A_1693, %dma_wait3A_1694] : memref<125000x8x32xf32, #tpu.memory_space<hbm>> -> memref<1x8x32xf32, #tpu.memory_space<hbm>>
      tpu.wait_dma2 semaphore(%arg14 : memref<!tpu.dma_semaphore, #tpu.memory_space<semaphore_mem>>) src(%dma_wait3A_1695 : memref<1x8x32xf32, #tpu.memory_space<hbm>>) dst(%dma_wait3A_1691 : memref<1x8x32xf32, #tpu.memory_space<vmem>>)
      %dma_wait3A_1696 = arith.constant 19 : i32
      %dma_wait3A_1697 = arith.constant 0 : i32
      %dma_wait3A_1698 = arith.constant 0 : i32
      %dma_wait3A_1699 = tpu.memref_slice %arg11[%dma_wait3A_1696, %dma_wait3A_1697, %dma_wait3A_1698] : memref<32x8x32xf32, #tpu.memory_space<vmem>> -> memref<1x8x32xf32, #tpu.memory_space<vmem>>
      %dma_wait3A_1700 = arith.constant 0 : i32
      %dma_wait3A_1701 = arith.constant 0 : i32
      %dma_wait3A_1702 = arith.constant 0 : i32
      %dma_wait3A_1703 = tpu.memref_slice %arg3[%dma_wait3A_1700, %dma_wait3A_1701, %dma_wait3A_1702] : memref<125000x8x32xf32, #tpu.memory_space<hbm>> -> memref<1x8x32xf32, #tpu.memory_space<hbm>>
      %dma_wait3A_1704 = arith.constant 19 : i32
      %dma_wait3A_1705 = arith.constant 0 : i32
      %dma_wait3A_1706 = arith.constant 0 : i32
      %dma_wait3A_1707 = tpu.memref_slice %arg11[%dma_wait3A_1704, %dma_wait3A_1705, %dma_wait3A_1706] : memref<32x8x32xf32, #tpu.memory_space<vmem>> -> memref<1x8x32xf32, #tpu.memory_space<vmem>>
      %dma_wait3A_1708 = arith.constant 0 : i32
      %dma_wait3A_1709 = arith.constant 0 : i32
      %dma_wait3A_1710 = arith.constant 0 : i32
      %dma_wait3A_1711 = tpu.memref_slice %arg3[%dma_wait3A_1708, %dma_wait3A_1709, %dma_wait3A_1710] : memref<125000x8x32xf32, #tpu.memory_space<hbm>> -> memref<1x8x32xf32, #tpu.memory_space<hbm>>
      tpu.wait_dma2 semaphore(%arg15 : memref<!tpu.dma_semaphore, #tpu.memory_space<semaphore_mem>>) src(%dma_wait3A_1711 : memref<1x8x32xf32, #tpu.memory_space<hbm>>) dst(%dma_wait3A_1707 : memref<1x8x32xf32, #tpu.memory_space<vmem>>)
      %dma_wait3A_1712 = arith.constant 20 : i32
      %dma_wait3A_1713 = arith.constant 0 : i32
      %dma_wait3A_1714 = arith.constant 0 : i32
      %dma_wait3A_1715 = tpu.memref_slice %arg10[%dma_wait3A_1712, %dma_wait3A_1713, %dma_wait3A_1714] : memref<32x8x32xf32, #tpu.memory_space<vmem>> -> memref<1x8x32xf32, #tpu.memory_space<vmem>>
      %dma_wait3A_1716 = arith.constant 0 : i32
      %dma_wait3A_1717 = arith.constant 0 : i32
      %dma_wait3A_1718 = arith.constant 0 : i32
      %dma_wait3A_1719 = tpu.memref_slice %arg2[%dma_wait3A_1716, %dma_wait3A_1717, %dma_wait3A_1718] : memref<125000x8x32xf32, #tpu.memory_space<hbm>> -> memref<1x8x32xf32, #tpu.memory_space<hbm>>
      %dma_wait3A_1720 = arith.constant 20 : i32
      %dma_wait3A_1721 = arith.constant 0 : i32
      %dma_wait3A_1722 = arith.constant 0 : i32
      %dma_wait3A_1723 = tpu.memref_slice %arg10[%dma_wait3A_1720, %dma_wait3A_1721, %dma_wait3A_1722] : memref<32x8x32xf32, #tpu.memory_space<vmem>> -> memref<1x8x32xf32, #tpu.memory_space<vmem>>
      %dma_wait3A_1724 = arith.constant 0 : i32
      %dma_wait3A_1725 = arith.constant 0 : i32
      %dma_wait3A_1726 = arith.constant 0 : i32
      %dma_wait3A_1727 = tpu.memref_slice %arg2[%dma_wait3A_1724, %dma_wait3A_1725, %dma_wait3A_1726] : memref<125000x8x32xf32, #tpu.memory_space<hbm>> -> memref<1x8x32xf32, #tpu.memory_space<hbm>>
      tpu.wait_dma2 semaphore(%arg14 : memref<!tpu.dma_semaphore, #tpu.memory_space<semaphore_mem>>) src(%dma_wait3A_1727 : memref<1x8x32xf32, #tpu.memory_space<hbm>>) dst(%dma_wait3A_1723 : memref<1x8x32xf32, #tpu.memory_space<vmem>>)
      %dma_wait3A_1728 = arith.constant 20 : i32
      %dma_wait3A_1729 = arith.constant 0 : i32
      %dma_wait3A_1730 = arith.constant 0 : i32
      %dma_wait3A_1731 = tpu.memref_slice %arg11[%dma_wait3A_1728, %dma_wait3A_1729, %dma_wait3A_1730] : memref<32x8x32xf32, #tpu.memory_space<vmem>> -> memref<1x8x32xf32, #tpu.memory_space<vmem>>
      %dma_wait3A_1732 = arith.constant 0 : i32
      %dma_wait3A_1733 = arith.constant 0 : i32
      %dma_wait3A_1734 = arith.constant 0 : i32
      %dma_wait3A_1735 = tpu.memref_slice %arg3[%dma_wait3A_1732, %dma_wait3A_1733, %dma_wait3A_1734] : memref<125000x8x32xf32, #tpu.memory_space<hbm>> -> memref<1x8x32xf32, #tpu.memory_space<hbm>>
      %dma_wait3A_1736 = arith.constant 20 : i32
      %dma_wait3A_1737 = arith.constant 0 : i32
      %dma_wait3A_1738 = arith.constant 0 : i32
      %dma_wait3A_1739 = tpu.memref_slice %arg11[%dma_wait3A_1736, %dma_wait3A_1737, %dma_wait3A_1738] : memref<32x8x32xf32, #tpu.memory_space<vmem>> -> memref<1x8x32xf32, #tpu.memory_space<vmem>>
      %dma_wait3A_1740 = arith.constant 0 : i32
      %dma_wait3A_1741 = arith.constant 0 : i32
      %dma_wait3A_1742 = arith.constant 0 : i32
      %dma_wait3A_1743 = tpu.memref_slice %arg3[%dma_wait3A_1740, %dma_wait3A_1741, %dma_wait3A_1742] : memref<125000x8x32xf32, #tpu.memory_space<hbm>> -> memref<1x8x32xf32, #tpu.memory_space<hbm>>
      tpu.wait_dma2 semaphore(%arg15 : memref<!tpu.dma_semaphore, #tpu.memory_space<semaphore_mem>>) src(%dma_wait3A_1743 : memref<1x8x32xf32, #tpu.memory_space<hbm>>) dst(%dma_wait3A_1739 : memref<1x8x32xf32, #tpu.memory_space<vmem>>)
      %dma_wait3A_1744 = arith.constant 21 : i32
      %dma_wait3A_1745 = arith.constant 0 : i32
      %dma_wait3A_1746 = arith.constant 0 : i32
      %dma_wait3A_1747 = tpu.memref_slice %arg10[%dma_wait3A_1744, %dma_wait3A_1745, %dma_wait3A_1746] : memref<32x8x32xf32, #tpu.memory_space<vmem>> -> memref<1x8x32xf32, #tpu.memory_space<vmem>>
      %dma_wait3A_1748 = arith.constant 0 : i32
      %dma_wait3A_1749 = arith.constant 0 : i32
      %dma_wait3A_1750 = arith.constant 0 : i32
      %dma_wait3A_1751 = tpu.memref_slice %arg2[%dma_wait3A_1748, %dma_wait3A_1749, %dma_wait3A_1750] : memref<125000x8x32xf32, #tpu.memory_space<hbm>> -> memref<1x8x32xf32, #tpu.memory_space<hbm>>
      %dma_wait3A_1752 = arith.constant 21 : i32
      %dma_wait3A_1753 = arith.constant 0 : i32
      %dma_wait3A_1754 = arith.constant 0 : i32
      %dma_wait3A_1755 = tpu.memref_slice %arg10[%dma_wait3A_1752, %dma_wait3A_1753, %dma_wait3A_1754] : memref<32x8x32xf32, #tpu.memory_space<vmem>> -> memref<1x8x32xf32, #tpu.memory_space<vmem>>
      %dma_wait3A_1756 = arith.constant 0 : i32
      %dma_wait3A_1757 = arith.constant 0 : i32
      %dma_wait3A_1758 = arith.constant 0 : i32
      %dma_wait3A_1759 = tpu.memref_slice %arg2[%dma_wait3A_1756, %dma_wait3A_1757, %dma_wait3A_1758] : memref<125000x8x32xf32, #tpu.memory_space<hbm>> -> memref<1x8x32xf32, #tpu.memory_space<hbm>>
      tpu.wait_dma2 semaphore(%arg14 : memref<!tpu.dma_semaphore, #tpu.memory_space<semaphore_mem>>) src(%dma_wait3A_1759 : memref<1x8x32xf32, #tpu.memory_space<hbm>>) dst(%dma_wait3A_1755 : memref<1x8x32xf32, #tpu.memory_space<vmem>>)
      %dma_wait3A_1760 = arith.constant 21 : i32
      %dma_wait3A_1761 = arith.constant 0 : i32
      %dma_wait3A_1762 = arith.constant 0 : i32
      %dma_wait3A_1763 = tpu.memref_slice %arg11[%dma_wait3A_1760, %dma_wait3A_1761, %dma_wait3A_1762] : memref<32x8x32xf32, #tpu.memory_space<vmem>> -> memref<1x8x32xf32, #tpu.memory_space<vmem>>
      %dma_wait3A_1764 = arith.constant 0 : i32
      %dma_wait3A_1765 = arith.constant 0 : i32
      %dma_wait3A_1766 = arith.constant 0 : i32
      %dma_wait3A_1767 = tpu.memref_slice %arg3[%dma_wait3A_1764, %dma_wait3A_1765, %dma_wait3A_1766] : memref<125000x8x32xf32, #tpu.memory_space<hbm>> -> memref<1x8x32xf32, #tpu.memory_space<hbm>>
      %dma_wait3A_1768 = arith.constant 21 : i32
      %dma_wait3A_1769 = arith.constant 0 : i32
      %dma_wait3A_1770 = arith.constant 0 : i32
      %dma_wait3A_1771 = tpu.memref_slice %arg11[%dma_wait3A_1768, %dma_wait3A_1769, %dma_wait3A_1770] : memref<32x8x32xf32, #tpu.memory_space<vmem>> -> memref<1x8x32xf32, #tpu.memory_space<vmem>>
      %dma_wait3A_1772 = arith.constant 0 : i32
      %dma_wait3A_1773 = arith.constant 0 : i32
      %dma_wait3A_1774 = arith.constant 0 : i32
      %dma_wait3A_1775 = tpu.memref_slice %arg3[%dma_wait3A_1772, %dma_wait3A_1773, %dma_wait3A_1774] : memref<125000x8x32xf32, #tpu.memory_space<hbm>> -> memref<1x8x32xf32, #tpu.memory_space<hbm>>
      tpu.wait_dma2 semaphore(%arg15 : memref<!tpu.dma_semaphore, #tpu.memory_space<semaphore_mem>>) src(%dma_wait3A_1775 : memref<1x8x32xf32, #tpu.memory_space<hbm>>) dst(%dma_wait3A_1771 : memref<1x8x32xf32, #tpu.memory_space<vmem>>)
      %dma_wait3A_1776 = arith.constant 22 : i32
      %dma_wait3A_1777 = arith.constant 0 : i32
      %dma_wait3A_1778 = arith.constant 0 : i32
      %dma_wait3A_1779 = tpu.memref_slice %arg10[%dma_wait3A_1776, %dma_wait3A_1777, %dma_wait3A_1778] : memref<32x8x32xf32, #tpu.memory_space<vmem>> -> memref<1x8x32xf32, #tpu.memory_space<vmem>>
      %dma_wait3A_1780 = arith.constant 0 : i32
      %dma_wait3A_1781 = arith.constant 0 : i32
      %dma_wait3A_1782 = arith.constant 0 : i32
      %dma_wait3A_1783 = tpu.memref_slice %arg2[%dma_wait3A_1780, %dma_wait3A_1781, %dma_wait3A_1782] : memref<125000x8x32xf32, #tpu.memory_space<hbm>> -> memref<1x8x32xf32, #tpu.memory_space<hbm>>
      %dma_wait3A_1784 = arith.constant 22 : i32
      %dma_wait3A_1785 = arith.constant 0 : i32
      %dma_wait3A_1786 = arith.constant 0 : i32
      %dma_wait3A_1787 = tpu.memref_slice %arg10[%dma_wait3A_1784, %dma_wait3A_1785, %dma_wait3A_1786] : memref<32x8x32xf32, #tpu.memory_space<vmem>> -> memref<1x8x32xf32, #tpu.memory_space<vmem>>
      %dma_wait3A_1788 = arith.constant 0 : i32
      %dma_wait3A_1789 = arith.constant 0 : i32
      %dma_wait3A_1790 = arith.constant 0 : i32
      %dma_wait3A_1791 = tpu.memref_slice %arg2[%dma_wait3A_1788, %dma_wait3A_1789, %dma_wait3A_1790] : memref<125000x8x32xf32, #tpu.memory_space<hbm>> -> memref<1x8x32xf32, #tpu.memory_space<hbm>>
      tpu.wait_dma2 semaphore(%arg14 : memref<!tpu.dma_semaphore, #tpu.memory_space<semaphore_mem>>) src(%dma_wait3A_1791 : memref<1x8x32xf32, #tpu.memory_space<hbm>>) dst(%dma_wait3A_1787 : memref<1x8x32xf32, #tpu.memory_space<vmem>>)
      %dma_wait3A_1792 = arith.constant 22 : i32
      %dma_wait3A_1793 = arith.constant 0 : i32
      %dma_wait3A_1794 = arith.constant 0 : i32
      %dma_wait3A_1795 = tpu.memref_slice %arg11[%dma_wait3A_1792, %dma_wait3A_1793, %dma_wait3A_1794] : memref<32x8x32xf32, #tpu.memory_space<vmem>> -> memref<1x8x32xf32, #tpu.memory_space<vmem>>
      %dma_wait3A_1796 = arith.constant 0 : i32
      %dma_wait3A_1797 = arith.constant 0 : i32
      %dma_wait3A_1798 = arith.constant 0 : i32
      %dma_wait3A_1799 = tpu.memref_slice %arg3[%dma_wait3A_1796, %dma_wait3A_1797, %dma_wait3A_1798] : memref<125000x8x32xf32, #tpu.memory_space<hbm>> -> memref<1x8x32xf32, #tpu.memory_space<hbm>>
      %dma_wait3A_1800 = arith.constant 22 : i32
      %dma_wait3A_1801 = arith.constant 0 : i32
      %dma_wait3A_1802 = arith.constant 0 : i32
      %dma_wait3A_1803 = tpu.memref_slice %arg11[%dma_wait3A_1800, %dma_wait3A_1801, %dma_wait3A_1802] : memref<32x8x32xf32, #tpu.memory_space<vmem>> -> memref<1x8x32xf32, #tpu.memory_space<vmem>>
      %dma_wait3A_1804 = arith.constant 0 : i32
      %dma_wait3A_1805 = arith.constant 0 : i32
      %dma_wait3A_1806 = arith.constant 0 : i32
      %dma_wait3A_1807 = tpu.memref_slice %arg3[%dma_wait3A_1804, %dma_wait3A_1805, %dma_wait3A_1806] : memref<125000x8x32xf32, #tpu.memory_space<hbm>> -> memref<1x8x32xf32, #tpu.memory_space<hbm>>
      tpu.wait_dma2 semaphore(%arg15 : memref<!tpu.dma_semaphore, #tpu.memory_space<semaphore_mem>>) src(%dma_wait3A_1807 : memref<1x8x32xf32, #tpu.memory_space<hbm>>) dst(%dma_wait3A_1803 : memref<1x8x32xf32, #tpu.memory_space<vmem>>)
      %dma_wait3A_1808 = arith.constant 23 : i32
      %dma_wait3A_1809 = arith.constant 0 : i32
      %dma_wait3A_1810 = arith.constant 0 : i32
      %dma_wait3A_1811 = tpu.memref_slice %arg10[%dma_wait3A_1808, %dma_wait3A_1809, %dma_wait3A_1810] : memref<32x8x32xf32, #tpu.memory_space<vmem>> -> memref<1x8x32xf32, #tpu.memory_space<vmem>>
      %dma_wait3A_1812 = arith.constant 0 : i32
      %dma_wait3A_1813 = arith.constant 0 : i32
      %dma_wait3A_1814 = arith.constant 0 : i32
      %dma_wait3A_1815 = tpu.memref_slice %arg2[%dma_wait3A_1812, %dma_wait3A_1813, %dma_wait3A_1814] : memref<125000x8x32xf32, #tpu.memory_space<hbm>> -> memref<1x8x32xf32, #tpu.memory_space<hbm>>
      %dma_wait3A_1816 = arith.constant 23 : i32
      %dma_wait3A_1817 = arith.constant 0 : i32
      %dma_wait3A_1818 = arith.constant 0 : i32
      %dma_wait3A_1819 = tpu.memref_slice %arg10[%dma_wait3A_1816, %dma_wait3A_1817, %dma_wait3A_1818] : memref<32x8x32xf32, #tpu.memory_space<vmem>> -> memref<1x8x32xf32, #tpu.memory_space<vmem>>
      %dma_wait3A_1820 = arith.constant 0 : i32
      %dma_wait3A_1821 = arith.constant 0 : i32
      %dma_wait3A_1822 = arith.constant 0 : i32
      %dma_wait3A_1823 = tpu.memref_slice %arg2[%dma_wait3A_1820, %dma_wait3A_1821, %dma_wait3A_1822] : memref<125000x8x32xf32, #tpu.memory_space<hbm>> -> memref<1x8x32xf32, #tpu.memory_space<hbm>>
      tpu.wait_dma2 semaphore(%arg14 : memref<!tpu.dma_semaphore, #tpu.memory_space<semaphore_mem>>) src(%dma_wait3A_1823 : memref<1x8x32xf32, #tpu.memory_space<hbm>>) dst(%dma_wait3A_1819 : memref<1x8x32xf32, #tpu.memory_space<vmem>>)
      %dma_wait3A_1824 = arith.constant 23 : i32
      %dma_wait3A_1825 = arith.constant 0 : i32
      %dma_wait3A_1826 = arith.constant 0 : i32
      %dma_wait3A_1827 = tpu.memref_slice %arg11[%dma_wait3A_1824, %dma_wait3A_1825, %dma_wait3A_1826] : memref<32x8x32xf32, #tpu.memory_space<vmem>> -> memref<1x8x32xf32, #tpu.memory_space<vmem>>
      %dma_wait3A_1828 = arith.constant 0 : i32
      %dma_wait3A_1829 = arith.constant 0 : i32
      %dma_wait3A_1830 = arith.constant 0 : i32
      %dma_wait3A_1831 = tpu.memref_slice %arg3[%dma_wait3A_1828, %dma_wait3A_1829, %dma_wait3A_1830] : memref<125000x8x32xf32, #tpu.memory_space<hbm>> -> memref<1x8x32xf32, #tpu.memory_space<hbm>>
      %dma_wait3A_1832 = arith.constant 23 : i32
      %dma_wait3A_1833 = arith.constant 0 : i32
      %dma_wait3A_1834 = arith.constant 0 : i32
      %dma_wait3A_1835 = tpu.memref_slice %arg11[%dma_wait3A_1832, %dma_wait3A_1833, %dma_wait3A_1834] : memref<32x8x32xf32, #tpu.memory_space<vmem>> -> memref<1x8x32xf32, #tpu.memory_space<vmem>>
      %dma_wait3A_1836 = arith.constant 0 : i32
      %dma_wait3A_1837 = arith.constant 0 : i32
      %dma_wait3A_1838 = arith.constant 0 : i32
      %dma_wait3A_1839 = tpu.memref_slice %arg3[%dma_wait3A_1836, %dma_wait3A_1837, %dma_wait3A_1838] : memref<125000x8x32xf32, #tpu.memory_space<hbm>> -> memref<1x8x32xf32, #tpu.memory_space<hbm>>
      tpu.wait_dma2 semaphore(%arg15 : memref<!tpu.dma_semaphore, #tpu.memory_space<semaphore_mem>>) src(%dma_wait3A_1839 : memref<1x8x32xf32, #tpu.memory_space<hbm>>) dst(%dma_wait3A_1835 : memref<1x8x32xf32, #tpu.memory_space<vmem>>)
      %dma_wait3A_1840 = arith.constant 24 : i32
      %dma_wait3A_1841 = arith.constant 0 : i32
      %dma_wait3A_1842 = arith.constant 0 : i32
      %dma_wait3A_1843 = tpu.memref_slice %arg10[%dma_wait3A_1840, %dma_wait3A_1841, %dma_wait3A_1842] : memref<32x8x32xf32, #tpu.memory_space<vmem>> -> memref<1x8x32xf32, #tpu.memory_space<vmem>>
      %dma_wait3A_1844 = arith.constant 0 : i32
      %dma_wait3A_1845 = arith.constant 0 : i32
      %dma_wait3A_1846 = arith.constant 0 : i32
      %dma_wait3A_1847 = tpu.memref_slice %arg2[%dma_wait3A_1844, %dma_wait3A_1845, %dma_wait3A_1846] : memref<125000x8x32xf32, #tpu.memory_space<hbm>> -> memref<1x8x32xf32, #tpu.memory_space<hbm>>
      %dma_wait3A_1848 = arith.constant 24 : i32
      %dma_wait3A_1849 = arith.constant 0 : i32
      %dma_wait3A_1850 = arith.constant 0 : i32
      %dma_wait3A_1851 = tpu.memref_slice %arg10[%dma_wait3A_1848, %dma_wait3A_1849, %dma_wait3A_1850] : memref<32x8x32xf32, #tpu.memory_space<vmem>> -> memref<1x8x32xf32, #tpu.memory_space<vmem>>
      %dma_wait3A_1852 = arith.constant 0 : i32
      %dma_wait3A_1853 = arith.constant 0 : i32
      %dma_wait3A_1854 = arith.constant 0 : i32
      %dma_wait3A_1855 = tpu.memref_slice %arg2[%dma_wait3A_1852, %dma_wait3A_1853, %dma_wait3A_1854] : memref<125000x8x32xf32, #tpu.memory_space<hbm>> -> memref<1x8x32xf32, #tpu.memory_space<hbm>>
      tpu.wait_dma2 semaphore(%arg14 : memref<!tpu.dma_semaphore, #tpu.memory_space<semaphore_mem>>) src(%dma_wait3A_1855 : memref<1x8x32xf32, #tpu.memory_space<hbm>>) dst(%dma_wait3A_1851 : memref<1x8x32xf32, #tpu.memory_space<vmem>>)
      %dma_wait3A_1856 = arith.constant 24 : i32
      %dma_wait3A_1857 = arith.constant 0 : i32
      %dma_wait3A_1858 = arith.constant 0 : i32
      %dma_wait3A_1859 = tpu.memref_slice %arg11[%dma_wait3A_1856, %dma_wait3A_1857, %dma_wait3A_1858] : memref<32x8x32xf32, #tpu.memory_space<vmem>> -> memref<1x8x32xf32, #tpu.memory_space<vmem>>
      %dma_wait3A_1860 = arith.constant 0 : i32
      %dma_wait3A_1861 = arith.constant 0 : i32
      %dma_wait3A_1862 = arith.constant 0 : i32
      %dma_wait3A_1863 = tpu.memref_slice %arg3[%dma_wait3A_1860, %dma_wait3A_1861, %dma_wait3A_1862] : memref<125000x8x32xf32, #tpu.memory_space<hbm>> -> memref<1x8x32xf32, #tpu.memory_space<hbm>>
      %dma_wait3A_1864 = arith.constant 24 : i32
      %dma_wait3A_1865 = arith.constant 0 : i32
      %dma_wait3A_1866 = arith.constant 0 : i32
      %dma_wait3A_1867 = tpu.memref_slice %arg11[%dma_wait3A_1864, %dma_wait3A_1865, %dma_wait3A_1866] : memref<32x8x32xf32, #tpu.memory_space<vmem>> -> memref<1x8x32xf32, #tpu.memory_space<vmem>>
      %dma_wait3A_1868 = arith.constant 0 : i32
      %dma_wait3A_1869 = arith.constant 0 : i32
      %dma_wait3A_1870 = arith.constant 0 : i32
      %dma_wait3A_1871 = tpu.memref_slice %arg3[%dma_wait3A_1868, %dma_wait3A_1869, %dma_wait3A_1870] : memref<125000x8x32xf32, #tpu.memory_space<hbm>> -> memref<1x8x32xf32, #tpu.memory_space<hbm>>
      tpu.wait_dma2 semaphore(%arg15 : memref<!tpu.dma_semaphore, #tpu.memory_space<semaphore_mem>>) src(%dma_wait3A_1871 : memref<1x8x32xf32, #tpu.memory_space<hbm>>) dst(%dma_wait3A_1867 : memref<1x8x32xf32, #tpu.memory_space<vmem>>)
      %dma_wait3A_1872 = arith.constant 25 : i32
      %dma_wait3A_1873 = arith.constant 0 : i32
      %dma_wait3A_1874 = arith.constant 0 : i32
      %dma_wait3A_1875 = tpu.memref_slice %arg10[%dma_wait3A_1872, %dma_wait3A_1873, %dma_wait3A_1874] : memref<32x8x32xf32, #tpu.memory_space<vmem>> -> memref<1x8x32xf32, #tpu.memory_space<vmem>>
      %dma_wait3A_1876 = arith.constant 0 : i32
      %dma_wait3A_1877 = arith.constant 0 : i32
      %dma_wait3A_1878 = arith.constant 0 : i32
      %dma_wait3A_1879 = tpu.memref_slice %arg2[%dma_wait3A_1876, %dma_wait3A_1877, %dma_wait3A_1878] : memref<125000x8x32xf32, #tpu.memory_space<hbm>> -> memref<1x8x32xf32, #tpu.memory_space<hbm>>
      %dma_wait3A_1880 = arith.constant 25 : i32
      %dma_wait3A_1881 = arith.constant 0 : i32
      %dma_wait3A_1882 = arith.constant 0 : i32
      %dma_wait3A_1883 = tpu.memref_slice %arg10[%dma_wait3A_1880, %dma_wait3A_1881, %dma_wait3A_1882] : memref<32x8x32xf32, #tpu.memory_space<vmem>> -> memref<1x8x32xf32, #tpu.memory_space<vmem>>
      %dma_wait3A_1884 = arith.constant 0 : i32
      %dma_wait3A_1885 = arith.constant 0 : i32
      %dma_wait3A_1886 = arith.constant 0 : i32
      %dma_wait3A_1887 = tpu.memref_slice %arg2[%dma_wait3A_1884, %dma_wait3A_1885, %dma_wait3A_1886] : memref<125000x8x32xf32, #tpu.memory_space<hbm>> -> memref<1x8x32xf32, #tpu.memory_space<hbm>>
      tpu.wait_dma2 semaphore(%arg14 : memref<!tpu.dma_semaphore, #tpu.memory_space<semaphore_mem>>) src(%dma_wait3A_1887 : memref<1x8x32xf32, #tpu.memory_space<hbm>>) dst(%dma_wait3A_1883 : memref<1x8x32xf32, #tpu.memory_space<vmem>>)
      %dma_wait3A_1888 = arith.constant 25 : i32
      %dma_wait3A_1889 = arith.constant 0 : i32
      %dma_wait3A_1890 = arith.constant 0 : i32
      %dma_wait3A_1891 = tpu.memref_slice %arg11[%dma_wait3A_1888, %dma_wait3A_1889, %dma_wait3A_1890] : memref<32x8x32xf32, #tpu.memory_space<vmem>> -> memref<1x8x32xf32, #tpu.memory_space<vmem>>
      %dma_wait3A_1892 = arith.constant 0 : i32
      %dma_wait3A_1893 = arith.constant 0 : i32
      %dma_wait3A_1894 = arith.constant 0 : i32
      %dma_wait3A_1895 = tpu.memref_slice %arg3[%dma_wait3A_1892, %dma_wait3A_1893, %dma_wait3A_1894] : memref<125000x8x32xf32, #tpu.memory_space<hbm>> -> memref<1x8x32xf32, #tpu.memory_space<hbm>>
      %dma_wait3A_1896 = arith.constant 25 : i32
      %dma_wait3A_1897 = arith.constant 0 : i32
      %dma_wait3A_1898 = arith.constant 0 : i32
      %dma_wait3A_1899 = tpu.memref_slice %arg11[%dma_wait3A_1896, %dma_wait3A_1897, %dma_wait3A_1898] : memref<32x8x32xf32, #tpu.memory_space<vmem>> -> memref<1x8x32xf32, #tpu.memory_space<vmem>>
      %dma_wait3A_1900 = arith.constant 0 : i32
      %dma_wait3A_1901 = arith.constant 0 : i32
      %dma_wait3A_1902 = arith.constant 0 : i32
      %dma_wait3A_1903 = tpu.memref_slice %arg3[%dma_wait3A_1900, %dma_wait3A_1901, %dma_wait3A_1902] : memref<125000x8x32xf32, #tpu.memory_space<hbm>> -> memref<1x8x32xf32, #tpu.memory_space<hbm>>
      tpu.wait_dma2 semaphore(%arg15 : memref<!tpu.dma_semaphore, #tpu.memory_space<semaphore_mem>>) src(%dma_wait3A_1903 : memref<1x8x32xf32, #tpu.memory_space<hbm>>) dst(%dma_wait3A_1899 : memref<1x8x32xf32, #tpu.memory_space<vmem>>)
      %dma_wait3A_1904 = arith.constant 26 : i32
      %dma_wait3A_1905 = arith.constant 0 : i32
      %dma_wait3A_1906 = arith.constant 0 : i32
      %dma_wait3A_1907 = tpu.memref_slice %arg10[%dma_wait3A_1904, %dma_wait3A_1905, %dma_wait3A_1906] : memref<32x8x32xf32, #tpu.memory_space<vmem>> -> memref<1x8x32xf32, #tpu.memory_space<vmem>>
      %dma_wait3A_1908 = arith.constant 0 : i32
      %dma_wait3A_1909 = arith.constant 0 : i32
      %dma_wait3A_1910 = arith.constant 0 : i32
      %dma_wait3A_1911 = tpu.memref_slice %arg2[%dma_wait3A_1908, %dma_wait3A_1909, %dma_wait3A_1910] : memref<125000x8x32xf32, #tpu.memory_space<hbm>> -> memref<1x8x32xf32, #tpu.memory_space<hbm>>
      %dma_wait3A_1912 = arith.constant 26 : i32
      %dma_wait3A_1913 = arith.constant 0 : i32
      %dma_wait3A_1914 = arith.constant 0 : i32
      %dma_wait3A_1915 = tpu.memref_slice %arg10[%dma_wait3A_1912, %dma_wait3A_1913, %dma_wait3A_1914] : memref<32x8x32xf32, #tpu.memory_space<vmem>> -> memref<1x8x32xf32, #tpu.memory_space<vmem>>
      %dma_wait3A_1916 = arith.constant 0 : i32
      %dma_wait3A_1917 = arith.constant 0 : i32
      %dma_wait3A_1918 = arith.constant 0 : i32
      %dma_wait3A_1919 = tpu.memref_slice %arg2[%dma_wait3A_1916, %dma_wait3A_1917, %dma_wait3A_1918] : memref<125000x8x32xf32, #tpu.memory_space<hbm>> -> memref<1x8x32xf32, #tpu.memory_space<hbm>>
      tpu.wait_dma2 semaphore(%arg14 : memref<!tpu.dma_semaphore, #tpu.memory_space<semaphore_mem>>) src(%dma_wait3A_1919 : memref<1x8x32xf32, #tpu.memory_space<hbm>>) dst(%dma_wait3A_1915 : memref<1x8x32xf32, #tpu.memory_space<vmem>>)
      %dma_wait3A_1920 = arith.constant 26 : i32
      %dma_wait3A_1921 = arith.constant 0 : i32
      %dma_wait3A_1922 = arith.constant 0 : i32
      %dma_wait3A_1923 = tpu.memref_slice %arg11[%dma_wait3A_1920, %dma_wait3A_1921, %dma_wait3A_1922] : memref<32x8x32xf32, #tpu.memory_space<vmem>> -> memref<1x8x32xf32, #tpu.memory_space<vmem>>
      %dma_wait3A_1924 = arith.constant 0 : i32
      %dma_wait3A_1925 = arith.constant 0 : i32
      %dma_wait3A_1926 = arith.constant 0 : i32
      %dma_wait3A_1927 = tpu.memref_slice %arg3[%dma_wait3A_1924, %dma_wait3A_1925, %dma_wait3A_1926] : memref<125000x8x32xf32, #tpu.memory_space<hbm>> -> memref<1x8x32xf32, #tpu.memory_space<hbm>>
      %dma_wait3A_1928 = arith.constant 26 : i32
      %dma_wait3A_1929 = arith.constant 0 : i32
      %dma_wait3A_1930 = arith.constant 0 : i32
      %dma_wait3A_1931 = tpu.memref_slice %arg11[%dma_wait3A_1928, %dma_wait3A_1929, %dma_wait3A_1930] : memref<32x8x32xf32, #tpu.memory_space<vmem>> -> memref<1x8x32xf32, #tpu.memory_space<vmem>>
      %dma_wait3A_1932 = arith.constant 0 : i32
      %dma_wait3A_1933 = arith.constant 0 : i32
      %dma_wait3A_1934 = arith.constant 0 : i32
      %dma_wait3A_1935 = tpu.memref_slice %arg3[%dma_wait3A_1932, %dma_wait3A_1933, %dma_wait3A_1934] : memref<125000x8x32xf32, #tpu.memory_space<hbm>> -> memref<1x8x32xf32, #tpu.memory_space<hbm>>
      tpu.wait_dma2 semaphore(%arg15 : memref<!tpu.dma_semaphore, #tpu.memory_space<semaphore_mem>>) src(%dma_wait3A_1935 : memref<1x8x32xf32, #tpu.memory_space<hbm>>) dst(%dma_wait3A_1931 : memref<1x8x32xf32, #tpu.memory_space<vmem>>)
      %dma_wait3A_1936 = arith.constant 27 : i32
      %dma_wait3A_1937 = arith.constant 0 : i32
      %dma_wait3A_1938 = arith.constant 0 : i32
      %dma_wait3A_1939 = tpu.memref_slice %arg10[%dma_wait3A_1936, %dma_wait3A_1937, %dma_wait3A_1938] : memref<32x8x32xf32, #tpu.memory_space<vmem>> -> memref<1x8x32xf32, #tpu.memory_space<vmem>>
      %dma_wait3A_1940 = arith.constant 0 : i32
      %dma_wait3A_1941 = arith.constant 0 : i32
      %dma_wait3A_1942 = arith.constant 0 : i32
      %dma_wait3A_1943 = tpu.memref_slice %arg2[%dma_wait3A_1940, %dma_wait3A_1941, %dma_wait3A_1942] : memref<125000x8x32xf32, #tpu.memory_space<hbm>> -> memref<1x8x32xf32, #tpu.memory_space<hbm>>
      %dma_wait3A_1944 = arith.constant 27 : i32
      %dma_wait3A_1945 = arith.constant 0 : i32
      %dma_wait3A_1946 = arith.constant 0 : i32
      %dma_wait3A_1947 = tpu.memref_slice %arg10[%dma_wait3A_1944, %dma_wait3A_1945, %dma_wait3A_1946] : memref<32x8x32xf32, #tpu.memory_space<vmem>> -> memref<1x8x32xf32, #tpu.memory_space<vmem>>
      %dma_wait3A_1948 = arith.constant 0 : i32
      %dma_wait3A_1949 = arith.constant 0 : i32
      %dma_wait3A_1950 = arith.constant 0 : i32
      %dma_wait3A_1951 = tpu.memref_slice %arg2[%dma_wait3A_1948, %dma_wait3A_1949, %dma_wait3A_1950] : memref<125000x8x32xf32, #tpu.memory_space<hbm>> -> memref<1x8x32xf32, #tpu.memory_space<hbm>>
      tpu.wait_dma2 semaphore(%arg14 : memref<!tpu.dma_semaphore, #tpu.memory_space<semaphore_mem>>) src(%dma_wait3A_1951 : memref<1x8x32xf32, #tpu.memory_space<hbm>>) dst(%dma_wait3A_1947 : memref<1x8x32xf32, #tpu.memory_space<vmem>>)
      %dma_wait3A_1952 = arith.constant 27 : i32
      %dma_wait3A_1953 = arith.constant 0 : i32
      %dma_wait3A_1954 = arith.constant 0 : i32
      %dma_wait3A_1955 = tpu.memref_slice %arg11[%dma_wait3A_1952, %dma_wait3A_1953, %dma_wait3A_1954] : memref<32x8x32xf32, #tpu.memory_space<vmem>> -> memref<1x8x32xf32, #tpu.memory_space<vmem>>
      %dma_wait3A_1956 = arith.constant 0 : i32
      %dma_wait3A_1957 = arith.constant 0 : i32
      %dma_wait3A_1958 = arith.constant 0 : i32
      %dma_wait3A_1959 = tpu.memref_slice %arg3[%dma_wait3A_1956, %dma_wait3A_1957, %dma_wait3A_1958] : memref<125000x8x32xf32, #tpu.memory_space<hbm>> -> memref<1x8x32xf32, #tpu.memory_space<hbm>>
      %dma_wait3A_1960 = arith.constant 27 : i32
      %dma_wait3A_1961 = arith.constant 0 : i32
      %dma_wait3A_1962 = arith.constant 0 : i32
      %dma_wait3A_1963 = tpu.memref_slice %arg11[%dma_wait3A_1960, %dma_wait3A_1961, %dma_wait3A_1962] : memref<32x8x32xf32, #tpu.memory_space<vmem>> -> memref<1x8x32xf32, #tpu.memory_space<vmem>>
      %dma_wait3A_1964 = arith.constant 0 : i32
      %dma_wait3A_1965 = arith.constant 0 : i32
      %dma_wait3A_1966 = arith.constant 0 : i32
      %dma_wait3A_1967 = tpu.memref_slice %arg3[%dma_wait3A_1964, %dma_wait3A_1965, %dma_wait3A_1966] : memref<125000x8x32xf32, #tpu.memory_space<hbm>> -> memref<1x8x32xf32, #tpu.memory_space<hbm>>
      tpu.wait_dma2 semaphore(%arg15 : memref<!tpu.dma_semaphore, #tpu.memory_space<semaphore_mem>>) src(%dma_wait3A_1967 : memref<1x8x32xf32, #tpu.memory_space<hbm>>) dst(%dma_wait3A_1963 : memref<1x8x32xf32, #tpu.memory_space<vmem>>)
      %dma_wait3A_1968 = arith.constant 28 : i32
      %dma_wait3A_1969 = arith.constant 0 : i32
      %dma_wait3A_1970 = arith.constant 0 : i32
      %dma_wait3A_1971 = tpu.memref_slice %arg10[%dma_wait3A_1968, %dma_wait3A_1969, %dma_wait3A_1970] : memref<32x8x32xf32, #tpu.memory_space<vmem>> -> memref<1x8x32xf32, #tpu.memory_space<vmem>>
      %dma_wait3A_1972 = arith.constant 0 : i32
      %dma_wait3A_1973 = arith.constant 0 : i32
      %dma_wait3A_1974 = arith.constant 0 : i32
      %dma_wait3A_1975 = tpu.memref_slice %arg2[%dma_wait3A_1972, %dma_wait3A_1973, %dma_wait3A_1974] : memref<125000x8x32xf32, #tpu.memory_space<hbm>> -> memref<1x8x32xf32, #tpu.memory_space<hbm>>
      %dma_wait3A_1976 = arith.constant 28 : i32
      %dma_wait3A_1977 = arith.constant 0 : i32
      %dma_wait3A_1978 = arith.constant 0 : i32
      %dma_wait3A_1979 = tpu.memref_slice %arg10[%dma_wait3A_1976, %dma_wait3A_1977, %dma_wait3A_1978] : memref<32x8x32xf32, #tpu.memory_space<vmem>> -> memref<1x8x32xf32, #tpu.memory_space<vmem>>
      %dma_wait3A_1980 = arith.constant 0 : i32
      %dma_wait3A_1981 = arith.constant 0 : i32
      %dma_wait3A_1982 = arith.constant 0 : i32
      %dma_wait3A_1983 = tpu.memref_slice %arg2[%dma_wait3A_1980, %dma_wait3A_1981, %dma_wait3A_1982] : memref<125000x8x32xf32, #tpu.memory_space<hbm>> -> memref<1x8x32xf32, #tpu.memory_space<hbm>>
      tpu.wait_dma2 semaphore(%arg14 : memref<!tpu.dma_semaphore, #tpu.memory_space<semaphore_mem>>) src(%dma_wait3A_1983 : memref<1x8x32xf32, #tpu.memory_space<hbm>>) dst(%dma_wait3A_1979 : memref<1x8x32xf32, #tpu.memory_space<vmem>>)
      %dma_wait3A_1984 = arith.constant 28 : i32
      %dma_wait3A_1985 = arith.constant 0 : i32
      %dma_wait3A_1986 = arith.constant 0 : i32
      %dma_wait3A_1987 = tpu.memref_slice %arg11[%dma_wait3A_1984, %dma_wait3A_1985, %dma_wait3A_1986] : memref<32x8x32xf32, #tpu.memory_space<vmem>> -> memref<1x8x32xf32, #tpu.memory_space<vmem>>
      %dma_wait3A_1988 = arith.constant 0 : i32
      %dma_wait3A_1989 = arith.constant 0 : i32
      %dma_wait3A_1990 = arith.constant 0 : i32
      %dma_wait3A_1991 = tpu.memref_slice %arg3[%dma_wait3A_1988, %dma_wait3A_1989, %dma_wait3A_1990] : memref<125000x8x32xf32, #tpu.memory_space<hbm>> -> memref<1x8x32xf32, #tpu.memory_space<hbm>>
      %dma_wait3A_1992 = arith.constant 28 : i32
      %dma_wait3A_1993 = arith.constant 0 : i32
      %dma_wait3A_1994 = arith.constant 0 : i32
      %dma_wait3A_1995 = tpu.memref_slice %arg11[%dma_wait3A_1992, %dma_wait3A_1993, %dma_wait3A_1994] : memref<32x8x32xf32, #tpu.memory_space<vmem>> -> memref<1x8x32xf32, #tpu.memory_space<vmem>>
      %dma_wait3A_1996 = arith.constant 0 : i32
      %dma_wait3A_1997 = arith.constant 0 : i32
      %dma_wait3A_1998 = arith.constant 0 : i32
      %dma_wait3A_1999 = tpu.memref_slice %arg3[%dma_wait3A_1996, %dma_wait3A_1997, %dma_wait3A_1998] : memref<125000x8x32xf32, #tpu.memory_space<hbm>> -> memref<1x8x32xf32, #tpu.memory_space<hbm>>
      tpu.wait_dma2 semaphore(%arg15 : memref<!tpu.dma_semaphore, #tpu.memory_space<semaphore_mem>>) src(%dma_wait3A_1999 : memref<1x8x32xf32, #tpu.memory_space<hbm>>) dst(%dma_wait3A_1995 : memref<1x8x32xf32, #tpu.memory_space<vmem>>)
      %dma_wait3A_2000 = arith.constant 29 : i32
      %dma_wait3A_2001 = arith.constant 0 : i32
      %dma_wait3A_2002 = arith.constant 0 : i32
      %dma_wait3A_2003 = tpu.memref_slice %arg10[%dma_wait3A_2000, %dma_wait3A_2001, %dma_wait3A_2002] : memref<32x8x32xf32, #tpu.memory_space<vmem>> -> memref<1x8x32xf32, #tpu.memory_space<vmem>>
      %dma_wait3A_2004 = arith.constant 0 : i32
      %dma_wait3A_2005 = arith.constant 0 : i32
      %dma_wait3A_2006 = arith.constant 0 : i32
      %dma_wait3A_2007 = tpu.memref_slice %arg2[%dma_wait3A_2004, %dma_wait3A_2005, %dma_wait3A_2006] : memref<125000x8x32xf32, #tpu.memory_space<hbm>> -> memref<1x8x32xf32, #tpu.memory_space<hbm>>
      %dma_wait3A_2008 = arith.constant 29 : i32
      %dma_wait3A_2009 = arith.constant 0 : i32
      %dma_wait3A_2010 = arith.constant 0 : i32
      %dma_wait3A_2011 = tpu.memref_slice %arg10[%dma_wait3A_2008, %dma_wait3A_2009, %dma_wait3A_2010] : memref<32x8x32xf32, #tpu.memory_space<vmem>> -> memref<1x8x32xf32, #tpu.memory_space<vmem>>
      %dma_wait3A_2012 = arith.constant 0 : i32
      %dma_wait3A_2013 = arith.constant 0 : i32
      %dma_wait3A_2014 = arith.constant 0 : i32
      %dma_wait3A_2015 = tpu.memref_slice %arg2[%dma_wait3A_2012, %dma_wait3A_2013, %dma_wait3A_2014] : memref<125000x8x32xf32, #tpu.memory_space<hbm>> -> memref<1x8x32xf32, #tpu.memory_space<hbm>>
      tpu.wait_dma2 semaphore(%arg14 : memref<!tpu.dma_semaphore, #tpu.memory_space<semaphore_mem>>) src(%dma_wait3A_2015 : memref<1x8x32xf32, #tpu.memory_space<hbm>>) dst(%dma_wait3A_2011 : memref<1x8x32xf32, #tpu.memory_space<vmem>>)
      %dma_wait3A_2016 = arith.constant 29 : i32
      %dma_wait3A_2017 = arith.constant 0 : i32
      %dma_wait3A_2018 = arith.constant 0 : i32
      %dma_wait3A_2019 = tpu.memref_slice %arg11[%dma_wait3A_2016, %dma_wait3A_2017, %dma_wait3A_2018] : memref<32x8x32xf32, #tpu.memory_space<vmem>> -> memref<1x8x32xf32, #tpu.memory_space<vmem>>
      %dma_wait3A_2020 = arith.constant 0 : i32
      %dma_wait3A_2021 = arith.constant 0 : i32
      %dma_wait3A_2022 = arith.constant 0 : i32
      %dma_wait3A_2023 = tpu.memref_slice %arg3[%dma_wait3A_2020, %dma_wait3A_2021, %dma_wait3A_2022] : memref<125000x8x32xf32, #tpu.memory_space<hbm>> -> memref<1x8x32xf32, #tpu.memory_space<hbm>>
      %dma_wait3A_2024 = arith.constant 29 : i32
      %dma_wait3A_2025 = arith.constant 0 : i32
      %dma_wait3A_2026 = arith.constant 0 : i32
      %dma_wait3A_2027 = tpu.memref_slice %arg11[%dma_wait3A_2024, %dma_wait3A_2025, %dma_wait3A_2026] : memref<32x8x32xf32, #tpu.memory_space<vmem>> -> memref<1x8x32xf32, #tpu.memory_space<vmem>>
      %dma_wait3A_2028 = arith.constant 0 : i32
      %dma_wait3A_2029 = arith.constant 0 : i32
      %dma_wait3A_2030 = arith.constant 0 : i32
      %dma_wait3A_2031 = tpu.memref_slice %arg3[%dma_wait3A_2028, %dma_wait3A_2029, %dma_wait3A_2030] : memref<125000x8x32xf32, #tpu.memory_space<hbm>> -> memref<1x8x32xf32, #tpu.memory_space<hbm>>
      tpu.wait_dma2 semaphore(%arg15 : memref<!tpu.dma_semaphore, #tpu.memory_space<semaphore_mem>>) src(%dma_wait3A_2031 : memref<1x8x32xf32, #tpu.memory_space<hbm>>) dst(%dma_wait3A_2027 : memref<1x8x32xf32, #tpu.memory_space<vmem>>)
      %dma_wait3A_2032 = arith.constant 30 : i32
      %dma_wait3A_2033 = arith.constant 0 : i32
      %dma_wait3A_2034 = arith.constant 0 : i32
      %dma_wait3A_2035 = tpu.memref_slice %arg10[%dma_wait3A_2032, %dma_wait3A_2033, %dma_wait3A_2034] : memref<32x8x32xf32, #tpu.memory_space<vmem>> -> memref<1x8x32xf32, #tpu.memory_space<vmem>>
      %dma_wait3A_2036 = arith.constant 0 : i32
      %dma_wait3A_2037 = arith.constant 0 : i32
      %dma_wait3A_2038 = arith.constant 0 : i32
      %dma_wait3A_2039 = tpu.memref_slice %arg2[%dma_wait3A_2036, %dma_wait3A_2037, %dma_wait3A_2038] : memref<125000x8x32xf32, #tpu.memory_space<hbm>> -> memref<1x8x32xf32, #tpu.memory_space<hbm>>
      %dma_wait3A_2040 = arith.constant 30 : i32
      %dma_wait3A_2041 = arith.constant 0 : i32
      %dma_wait3A_2042 = arith.constant 0 : i32
      %dma_wait3A_2043 = tpu.memref_slice %arg10[%dma_wait3A_2040, %dma_wait3A_2041, %dma_wait3A_2042] : memref<32x8x32xf32, #tpu.memory_space<vmem>> -> memref<1x8x32xf32, #tpu.memory_space<vmem>>
      %dma_wait3A_2044 = arith.constant 0 : i32
      %dma_wait3A_2045 = arith.constant 0 : i32
      %dma_wait3A_2046 = arith.constant 0 : i32
      %dma_wait3A_2047 = tpu.memref_slice %arg2[%dma_wait3A_2044, %dma_wait3A_2045, %dma_wait3A_2046] : memref<125000x8x32xf32, #tpu.memory_space<hbm>> -> memref<1x8x32xf32, #tpu.memory_space<hbm>>
      tpu.wait_dma2 semaphore(%arg14 : memref<!tpu.dma_semaphore, #tpu.memory_space<semaphore_mem>>) src(%dma_wait3A_2047 : memref<1x8x32xf32, #tpu.memory_space<hbm>>) dst(%dma_wait3A_2043 : memref<1x8x32xf32, #tpu.memory_space<vmem>>)
      %dma_wait3A_2048 = arith.constant 30 : i32
      %dma_wait3A_2049 = arith.constant 0 : i32
      %dma_wait3A_2050 = arith.constant 0 : i32
      %dma_wait3A_2051 = tpu.memref_slice %arg11[%dma_wait3A_2048, %dma_wait3A_2049, %dma_wait3A_2050] : memref<32x8x32xf32, #tpu.memory_space<vmem>> -> memref<1x8x32xf32, #tpu.memory_space<vmem>>
      %dma_wait3A_2052 = arith.constant 0 : i32
      %dma_wait3A_2053 = arith.constant 0 : i32
      %dma_wait3A_2054 = arith.constant 0 : i32
      %dma_wait3A_2055 = tpu.memref_slice %arg3[%dma_wait3A_2052, %dma_wait3A_2053, %dma_wait3A_2054] : memref<125000x8x32xf32, #tpu.memory_space<hbm>> -> memref<1x8x32xf32, #tpu.memory_space<hbm>>
      %dma_wait3A_2056 = arith.constant 30 : i32
      %dma_wait3A_2057 = arith.constant 0 : i32
      %dma_wait3A_2058 = arith.constant 0 : i32
      %dma_wait3A_2059 = tpu.memref_slice %arg11[%dma_wait3A_2056, %dma_wait3A_2057, %dma_wait3A_2058] : memref<32x8x32xf32, #tpu.memory_space<vmem>> -> memref<1x8x32xf32, #tpu.memory_space<vmem>>
      %dma_wait3A_2060 = arith.constant 0 : i32
      %dma_wait3A_2061 = arith.constant 0 : i32
      %dma_wait3A_2062 = arith.constant 0 : i32
      %dma_wait3A_2063 = tpu.memref_slice %arg3[%dma_wait3A_2060, %dma_wait3A_2061, %dma_wait3A_2062] : memref<125000x8x32xf32, #tpu.memory_space<hbm>> -> memref<1x8x32xf32, #tpu.memory_space<hbm>>
      tpu.wait_dma2 semaphore(%arg15 : memref<!tpu.dma_semaphore, #tpu.memory_space<semaphore_mem>>) src(%dma_wait3A_2063 : memref<1x8x32xf32, #tpu.memory_space<hbm>>) dst(%dma_wait3A_2059 : memref<1x8x32xf32, #tpu.memory_space<vmem>>)
      %dma_wait3A_2064 = arith.constant 31 : i32
      %dma_wait3A_2065 = arith.constant 0 : i32
      %dma_wait3A_2066 = arith.constant 0 : i32
      %dma_wait3A_2067 = tpu.memref_slice %arg10[%dma_wait3A_2064, %dma_wait3A_2065, %dma_wait3A_2066] : memref<32x8x32xf32, #tpu.memory_space<vmem>> -> memref<1x8x32xf32, #tpu.memory_space<vmem>>
      %dma_wait3A_2068 = arith.constant 0 : i32
      %dma_wait3A_2069 = arith.constant 0 : i32
      %dma_wait3A_2070 = arith.constant 0 : i32
      %dma_wait3A_2071 = tpu.memref_slice %arg2[%dma_wait3A_2068, %dma_wait3A_2069, %dma_wait3A_2070] : memref<125000x8x32xf32, #tpu.memory_space<hbm>> -> memref<1x8x32xf32, #tpu.memory_space<hbm>>
      %dma_wait3A_2072 = arith.constant 31 : i32
      %dma_wait3A_2073 = arith.constant 0 : i32
      %dma_wait3A_2074 = arith.constant 0 : i32
      %dma_wait3A_2075 = tpu.memref_slice %arg10[%dma_wait3A_2072, %dma_wait3A_2073, %dma_wait3A_2074] : memref<32x8x32xf32, #tpu.memory_space<vmem>> -> memref<1x8x32xf32, #tpu.memory_space<vmem>>
      %dma_wait3A_2076 = arith.constant 0 : i32
      %dma_wait3A_2077 = arith.constant 0 : i32
      %dma_wait3A_2078 = arith.constant 0 : i32
      %dma_wait3A_2079 = tpu.memref_slice %arg2[%dma_wait3A_2076, %dma_wait3A_2077, %dma_wait3A_2078] : memref<125000x8x32xf32, #tpu.memory_space<hbm>> -> memref<1x8x32xf32, #tpu.memory_space<hbm>>
      tpu.wait_dma2 semaphore(%arg14 : memref<!tpu.dma_semaphore, #tpu.memory_space<semaphore_mem>>) src(%dma_wait3A_2079 : memref<1x8x32xf32, #tpu.memory_space<hbm>>) dst(%dma_wait3A_2075 : memref<1x8x32xf32, #tpu.memory_space<vmem>>)
      %dma_wait3A_2080 = arith.constant 31 : i32
      %dma_wait3A_2081 = arith.constant 0 : i32
      %dma_wait3A_2082 = arith.constant 0 : i32
      %dma_wait3A_2083 = tpu.memref_slice %arg11[%dma_wait3A_2080, %dma_wait3A_2081, %dma_wait3A_2082] : memref<32x8x32xf32, #tpu.memory_space<vmem>> -> memref<1x8x32xf32, #tpu.memory_space<vmem>>
      %dma_wait3A_2084 = arith.constant 0 : i32
      %dma_wait3A_2085 = arith.constant 0 : i32
      %dma_wait3A_2086 = arith.constant 0 : i32
      %dma_wait3A_2087 = tpu.memref_slice %arg3[%dma_wait3A_2084, %dma_wait3A_2085, %dma_wait3A_2086] : memref<125000x8x32xf32, #tpu.memory_space<hbm>> -> memref<1x8x32xf32, #tpu.memory_space<hbm>>
      %dma_wait3A_2088 = arith.constant 31 : i32
      %dma_wait3A_2089 = arith.constant 0 : i32
      %dma_wait3A_2090 = arith.constant 0 : i32
      %dma_wait3A_2091 = tpu.memref_slice %arg11[%dma_wait3A_2088, %dma_wait3A_2089, %dma_wait3A_2090] : memref<32x8x32xf32, #tpu.memory_space<vmem>> -> memref<1x8x32xf32, #tpu.memory_space<vmem>>
      %dma_wait3A_2092 = arith.constant 0 : i32
      %dma_wait3A_2093 = arith.constant 0 : i32
      %dma_wait3A_2094 = arith.constant 0 : i32
      %dma_wait3A_2095 = tpu.memref_slice %arg3[%dma_wait3A_2092, %dma_wait3A_2093, %dma_wait3A_2094] : memref<125000x8x32xf32, #tpu.memory_space<hbm>> -> memref<1x8x32xf32, #tpu.memory_space<hbm>>
      tpu.wait_dma2 semaphore(%arg15 : memref<!tpu.dma_semaphore, #tpu.memory_space<semaphore_mem>>) src(%dma_wait3A_2095 : memref<1x8x32xf32, #tpu.memory_space<hbm>>) dst(%dma_wait3A_2091 : memref<1x8x32xf32, #tpu.memory_space<vmem>>)
      %add3A_2096 = arith.constant 0 : i32
      %add3A_2097 = vector.broadcast %add3A_2096 : i32 to vector<16xi32>
      %add3A_2098 = arith.addi %iota3A, %add3A_2097 : vector<16xi32>
      %add3A_2099 = arith.constant 0 : i32
      %add3A_2100 = arith.addi %mul3A_14, %add3A_2099 : i32
      %mul3A_2101 = arith.constant 32 : i32
      %mul3A_2102 = arith.muli %add3A_2100, %mul3A_2101 : i32
      %add3A_2103 = arith.constant 0 : i32
      %add3A_2104 = arith.addi %mul3A_2102, %add3A_2103 : i32
      %mul3A_2105 = arith.constant 32 : i32
      %mul3A_2106 = vector.broadcast %mul3A_2105 : i32 to vector<16xi32>
      %mul3A_2107 = arith.muli %iota3A, %mul3A_2106 : vector<16xi32>
      %add3A_2108 = vector.broadcast %add3A_2104 : i32 to vector<16xi32>
      %add3A_2109 = arith.addi %add3A_2108, %mul3A_2107 : vector<16xi32>
      %broadcast_in_dim3A = arith.constant 0 : i32
      %broadcast_in_dim3A_2110 = vector.broadcast %broadcast_in_dim3A : i32 to vector<16xi32>
      %gather3A = tpu.vector_load_idx %arg10[%add3A_2098, %and3A_23, %broadcast_in_dim3A_2110] : memref<32x8x32xf32, #tpu.memory_space<vmem>>[vector<16xi32>, vector<16xi32>, vector<16xi32>], vector<16xf32>,
      %gather3A_2111 = tpu.vector_load_idx %arg11[%add3A_2098, %and3A_26, %broadcast_in_dim3A_2110] : memref<32x8x32xf32, #tpu.memory_space<vmem>>[vector<16xi32>, vector<16xi32>, vector<16xi32>], vector<16xf32>,
      tpu.vector_store_idx %arg12[%add3A_2109], %gather3A : memref<16384xf32, #tpu.memory_space<vmem>>[vector<16xi32>], vector<16xf32>,
      tpu.vector_store_idx %arg13[%add3A_2109], %gather3A_2111 : memref<16384xf32, #tpu.memory_space<vmem>>[vector<16xi32>], vector<16xf32>,
      %add3A_2112 = arith.constant 0 : i32
      %add3A_2113 = arith.addi %mul3A_14, %add3A_2112 : i32
      %mul3A_2114 = arith.constant 32 : i32
      %mul3A_2115 = arith.muli %add3A_2113, %mul3A_2114 : i32
      %add3A_2116 = arith.constant 1 : i32
      %add3A_2117 = arith.addi %mul3A_2115, %add3A_2116 : i32
      %mul3A_2118 = arith.constant 32 : i32
      %mul3A_2119 = vector.broadcast %mul3A_2118 : i32 to vector<16xi32>
      %mul3A_2120 = arith.muli %iota3A, %mul3A_2119 : vector<16xi32>
      %add3A_2121 = vector.broadcast %add3A_2117 : i32 to vector<16xi32>
      %add3A_2122 = arith.addi %add3A_2121, %mul3A_2120 : vector<16xi32>
      %broadcast_in_dim3A_2123 = arith.constant 1 : i32
      %broadcast_in_dim3A_2124 = vector.broadcast %broadcast_in_dim3A_2123 : i32 to vector<16xi32>
      %gather3A_2125 = tpu.vector_load_idx %arg10[%add3A_2098, %and3A_23, %broadcast_in_dim3A_2124] : memref<32x8x32xf32, #tpu.memory_space<vmem>>[vector<16xi32>, vector<16xi32>, vector<16xi32>], vector<16xf32>,
      %gather3A_2126 = tpu.vector_load_idx %arg11[%add3A_2098, %and3A_26, %broadcast_in_dim3A_2124] : memref<32x8x32xf32, #tpu.memory_space<vmem>>[vector<16xi32>, vector<16xi32>, vector<16xi32>], vector<16xf32>,
      tpu.vector_store_idx %arg12[%add3A_2122], %gather3A_2125 : memref<16384xf32, #tpu.memory_space<vmem>>[vector<16xi32>], vector<16xf32>,
      tpu.vector_store_idx %arg13[%add3A_2122], %gather3A_2126 : memref<16384xf32, #tpu.memory_space<vmem>>[vector<16xi32>], vector<16xf32>,
      %add3A_2127 = arith.constant 0 : i32
      %add3A_2128 = arith.addi %mul3A_14, %add3A_2127 : i32
      %mul3A_2129 = arith.constant 32 : i32
      %mul3A_2130 = arith.muli %add3A_2128, %mul3A_2129 : i32
      %add3A_2131 = arith.constant 2 : i32
      %add3A_2132 = arith.addi %mul3A_2130, %add3A_2131 : i32
      %mul3A_2133 = arith.constant 32 : i32
      %mul3A_2134 = vector.broadcast %mul3A_2133 : i32 to vector<16xi32>
      %mul3A_2135 = arith.muli %iota3A, %mul3A_2134 : vector<16xi32>
      %add3A_2136 = vector.broadcast %add3A_2132 : i32 to vector<16xi32>
      %add3A_2137 = arith.addi %add3A_2136, %mul3A_2135 : vector<16xi32>
      %broadcast_in_dim3A_2138 = arith.constant 2 : i32
      %broadcast_in_dim3A_2139 = vector.broadcast %broadcast_in_dim3A_2138 : i32 to vector<16xi32>
      %gather3A_2140 = tpu.vector_load_idx %arg10[%add3A_2098, %and3A_23, %broadcast_in_dim3A_2139] : memref<32x8x32xf32, #tpu.memory_space<vmem>>[vector<16xi32>, vector<16xi32>, vector<16xi32>], vector<16xf32>,
      %gather3A_2141 = tpu.vector_load_idx %arg11[%add3A_2098, %and3A_26, %broadcast_in_dim3A_2139] : memref<32x8x32xf32, #tpu.memory_space<vmem>>[vector<16xi32>, vector<16xi32>, vector<16xi32>], vector<16xf32>,
      tpu.vector_store_idx %arg12[%add3A_2137], %gather3A_2140 : memref<16384xf32, #tpu.memory_space<vmem>>[vector<16xi32>], vector<16xf32>,
      tpu.vector_store_idx %arg13[%add3A_2137], %gather3A_2141 : memref<16384xf32, #tpu.memory_space<vmem>>[vector<16xi32>], vector<16xf32>,
      %add3A_2142 = arith.constant 0 : i32
      %add3A_2143 = arith.addi %mul3A_14, %add3A_2142 : i32
      %mul3A_2144 = arith.constant 32 : i32
      %mul3A_2145 = arith.muli %add3A_2143, %mul3A_2144 : i32
      %add3A_2146 = arith.constant 3 : i32
      %add3A_2147 = arith.addi %mul3A_2145, %add3A_2146 : i32
      %mul3A_2148 = arith.constant 32 : i32
      %mul3A_2149 = vector.broadcast %mul3A_2148 : i32 to vector<16xi32>
      %mul3A_2150 = arith.muli %iota3A, %mul3A_2149 : vector<16xi32>
      %add3A_2151 = vector.broadcast %add3A_2147 : i32 to vector<16xi32>
      %add3A_2152 = arith.addi %add3A_2151, %mul3A_2150 : vector<16xi32>
      %broadcast_in_dim3A_2153 = arith.constant 3 : i32
      %broadcast_in_dim3A_2154 = vector.broadcast %broadcast_in_dim3A_2153 : i32 to vector<16xi32>
      %gather3A_2155 = tpu.vector_load_idx %arg10[%add3A_2098, %and3A_23, %broadcast_in_dim3A_2154] : memref<32x8x32xf32, #tpu.memory_space<vmem>>[vector<16xi32>, vector<16xi32>, vector<16xi32>], vector<16xf32>,
      %gather3A_2156 = tpu.vector_load_idx %arg11[%add3A_2098, %and3A_26, %broadcast_in_dim3A_2154] : memref<32x8x32xf32, #tpu.memory_space<vmem>>[vector<16xi32>, vector<16xi32>, vector<16xi32>], vector<16xf32>,
      tpu.vector_store_idx %arg12[%add3A_2152], %gather3A_2155 : memref<16384xf32, #tpu.memory_space<vmem>>[vector<16xi32>], vector<16xf32>,
      tpu.vector_store_idx %arg13[%add3A_2152], %gather3A_2156 : memref<16384xf32, #tpu.memory_space<vmem>>[vector<16xi32>], vector<16xf32>,
      %add3A_2157 = arith.constant 0 : i32
      %add3A_2158 = arith.addi %mul3A_14, %add3A_2157 : i32
      %mul3A_2159 = arith.constant 32 : i32
      %mul3A_2160 = arith.muli %add3A_2158, %mul3A_2159 : i32
      %add3A_2161 = arith.constant 4 : i32
      %add3A_2162 = arith.addi %mul3A_2160, %add3A_2161 : i32
      %mul3A_2163 = arith.constant 32 : i32
      %mul3A_2164 = vector.broadcast %mul3A_2163 : i32 to vector<16xi32>
      %mul3A_2165 = arith.muli %iota3A, %mul3A_2164 : vector<16xi32>
      %add3A_2166 = vector.broadcast %add3A_2162 : i32 to vector<16xi32>
      %add3A_2167 = arith.addi %add3A_2166, %mul3A_2165 : vector<16xi32>
      %broadcast_in_dim3A_2168 = arith.constant 4 : i32
      %broadcast_in_dim3A_2169 = vector.broadcast %broadcast_in_dim3A_2168 : i32 to vector<16xi32>
      %gather3A_2170 = tpu.vector_load_idx %arg10[%add3A_2098, %and3A_23, %broadcast_in_dim3A_2169] : memref<32x8x32xf32, #tpu.memory_space<vmem>>[vector<16xi32>, vector<16xi32>, vector<16xi32>], vector<16xf32>,
      %gather3A_2171 = tpu.vector_load_idx %arg11[%add3A_2098, %and3A_26, %broadcast_in_dim3A_2169] : memref<32x8x32xf32, #tpu.memory_space<vmem>>[vector<16xi32>, vector<16xi32>, vector<16xi32>], vector<16xf32>,
      tpu.vector_store_idx %arg12[%add3A_2167], %gather3A_2170 : memref<16384xf32, #tpu.memory_space<vmem>>[vector<16xi32>], vector<16xf32>,
      tpu.vector_store_idx %arg13[%add3A_2167], %gather3A_2171 : memref<16384xf32, #tpu.memory_space<vmem>>[vector<16xi32>], vector<16xf32>,
      %add3A_2172 = arith.constant 0 : i32
      %add3A_2173 = arith.addi %mul3A_14, %add3A_2172 : i32
      %mul3A_2174 = arith.constant 32 : i32
      %mul3A_2175 = arith.muli %add3A_2173, %mul3A_2174 : i32
      %add3A_2176 = arith.constant 5 : i32
      %add3A_2177 = arith.addi %mul3A_2175, %add3A_2176 : i32
      %mul3A_2178 = arith.constant 32 : i32
      %mul3A_2179 = vector.broadcast %mul3A_2178 : i32 to vector<16xi32>
      %mul3A_2180 = arith.muli %iota3A, %mul3A_2179 : vector<16xi32>
      %add3A_2181 = vector.broadcast %add3A_2177 : i32 to vector<16xi32>
      %add3A_2182 = arith.addi %add3A_2181, %mul3A_2180 : vector<16xi32>
      %broadcast_in_dim3A_2183 = arith.constant 5 : i32
      %broadcast_in_dim3A_2184 = vector.broadcast %broadcast_in_dim3A_2183 : i32 to vector<16xi32>
      %gather3A_2185 = tpu.vector_load_idx %arg10[%add3A_2098, %and3A_23, %broadcast_in_dim3A_2184] : memref<32x8x32xf32, #tpu.memory_space<vmem>>[vector<16xi32>, vector<16xi32>, vector<16xi32>], vector<16xf32>,
      %gather3A_2186 = tpu.vector_load_idx %arg11[%add3A_2098, %and3A_26, %broadcast_in_dim3A_2184] : memref<32x8x32xf32, #tpu.memory_space<vmem>>[vector<16xi32>, vector<16xi32>, vector<16xi32>], vector<16xf32>,
      tpu.vector_store_idx %arg12[%add3A_2182], %gather3A_2185 : memref<16384xf32, #tpu.memory_space<vmem>>[vector<16xi32>], vector<16xf32>,
      tpu.vector_store_idx %arg13[%add3A_2182], %gather3A_2186 : memref<16384xf32, #tpu.memory_space<vmem>>[vector<16xi32>], vector<16xf32>,
      %add3A_2187 = arith.constant 0 : i32
      %add3A_2188 = arith.addi %mul3A_14, %add3A_2187 : i32
      %mul3A_2189 = arith.constant 32 : i32
      %mul3A_2190 = arith.muli %add3A_2188, %mul3A_2189 : i32
      %add3A_2191 = arith.constant 6 : i32
      %add3A_2192 = arith.addi %mul3A_2190, %add3A_2191 : i32
      %mul3A_2193 = arith.constant 32 : i32
      %mul3A_2194 = vector.broadcast %mul3A_2193 : i32 to vector<16xi32>
      %mul3A_2195 = arith.muli %iota3A, %mul3A_2194 : vector<16xi32>
      %add3A_2196 = vector.broadcast %add3A_2192 : i32 to vector<16xi32>
      %add3A_2197 = arith.addi %add3A_2196, %mul3A_2195 : vector<16xi32>
      %broadcast_in_dim3A_2198 = arith.constant 6 : i32
      %broadcast_in_dim3A_2199 = vector.broadcast %broadcast_in_dim3A_2198 : i32 to vector<16xi32>
      %gather3A_2200 = tpu.vector_load_idx %arg10[%add3A_2098, %and3A_23, %broadcast_in_dim3A_2199] : memref<32x8x32xf32, #tpu.memory_space<vmem>>[vector<16xi32>, vector<16xi32>, vector<16xi32>], vector<16xf32>,
      %gather3A_2201 = tpu.vector_load_idx %arg11[%add3A_2098, %and3A_26, %broadcast_in_dim3A_2199] : memref<32x8x32xf32, #tpu.memory_space<vmem>>[vector<16xi32>, vector<16xi32>, vector<16xi32>], vector<16xf32>,
      tpu.vector_store_idx %arg12[%add3A_2197], %gather3A_2200 : memref<16384xf32, #tpu.memory_space<vmem>>[vector<16xi32>], vector<16xf32>,
      tpu.vector_store_idx %arg13[%add3A_2197], %gather3A_2201 : memref<16384xf32, #tpu.memory_space<vmem>>[vector<16xi32>], vector<16xf32>,
      %add3A_2202 = arith.constant 0 : i32
      %add3A_2203 = arith.addi %mul3A_14, %add3A_2202 : i32
      %mul3A_2204 = arith.constant 32 : i32
      %mul3A_2205 = arith.muli %add3A_2203, %mul3A_2204 : i32
      %add3A_2206 = arith.constant 7 : i32
      %add3A_2207 = arith.addi %mul3A_2205, %add3A_2206 : i32
      %mul3A_2208 = arith.constant 32 : i32
      %mul3A_2209 = vector.broadcast %mul3A_2208 : i32 to vector<16xi32>
      %mul3A_2210 = arith.muli %iota3A, %mul3A_2209 : vector<16xi32>
      %add3A_2211 = vector.broadcast %add3A_2207 : i32 to vector<16xi32>
      %add3A_2212 = arith.addi %add3A_2211, %mul3A_2210 : vector<16xi32>
      %broadcast_in_dim3A_2213 = arith.constant 7 : i32
      %broadcast_in_dim3A_2214 = vector.broadcast %broadcast_in_dim3A_2213 : i32 to vector<16xi32>
      %gather3A_2215 = tpu.vector_load_idx %arg10[%add3A_2098, %and3A_23, %broadcast_in_dim3A_2214] : memref<32x8x32xf32, #tpu.memory_space<vmem>>[vector<16xi32>, vector<16xi32>, vector<16xi32>], vector<16xf32>,
      %gather3A_2216 = tpu.vector_load_idx %arg11[%add3A_2098, %and3A_26, %broadcast_in_dim3A_2214] : memref<32x8x32xf32, #tpu.memory_space<vmem>>[vector<16xi32>, vector<16xi32>, vector<16xi32>], vector<16xf32>,
      tpu.vector_store_idx %arg12[%add3A_2212], %gather3A_2215 : memref<16384xf32, #tpu.memory_space<vmem>>[vector<16xi32>], vector<16xf32>,
      tpu.vector_store_idx %arg13[%add3A_2212], %gather3A_2216 : memref<16384xf32, #tpu.memory_space<vmem>>[vector<16xi32>], vector<16xf32>,
      %add3A_2217 = arith.constant 0 : i32
      %add3A_2218 = arith.addi %mul3A_14, %add3A_2217 : i32
      %mul3A_2219 = arith.constant 32 : i32
      %mul3A_2220 = arith.muli %add3A_2218, %mul3A_2219 : i32
      %add3A_2221 = arith.constant 8 : i32
      %add3A_2222 = arith.addi %mul3A_2220, %add3A_2221 : i32
      %mul3A_2223 = arith.constant 32 : i32
      %mul3A_2224 = vector.broadcast %mul3A_2223 : i32 to vector<16xi32>
      %mul3A_2225 = arith.muli %iota3A, %mul3A_2224 : vector<16xi32>
      %add3A_2226 = vector.broadcast %add3A_2222 : i32 to vector<16xi32>
      %add3A_2227 = arith.addi %add3A_2226, %mul3A_2225 : vector<16xi32>
      %broadcast_in_dim3A_2228 = arith.constant 8 : i32
      %broadcast_in_dim3A_2229 = vector.broadcast %broadcast_in_dim3A_2228 : i32 to vector<16xi32>
      %gather3A_2230 = tpu.vector_load_idx %arg10[%add3A_2098, %and3A_23, %broadcast_in_dim3A_2229] : memref<32x8x32xf32, #tpu.memory_space<vmem>>[vector<16xi32>, vector<16xi32>, vector<16xi32>], vector<16xf32>,
      %gather3A_2231 = tpu.vector_load_idx %arg11[%add3A_2098, %and3A_26, %broadcast_in_dim3A_2229] : memref<32x8x32xf32, #tpu.memory_space<vmem>>[vector<16xi32>, vector<16xi32>, vector<16xi32>], vector<16xf32>,
      tpu.vector_store_idx %arg12[%add3A_2227], %gather3A_2230 : memref<16384xf32, #tpu.memory_space<vmem>>[vector<16xi32>], vector<16xf32>,
      tpu.vector_store_idx %arg13[%add3A_2227], %gather3A_2231 : memref<16384xf32, #tpu.memory_space<vmem>>[vector<16xi32>], vector<16xf32>,
      %add3A_2232 = arith.constant 0 : i32
      %add3A_2233 = arith.addi %mul3A_14, %add3A_2232 : i32
      %mul3A_2234 = arith.constant 32 : i32
      %mul3A_2235 = arith.muli %add3A_2233, %mul3A_2234 : i32
      %add3A_2236 = arith.constant 9 : i32
      %add3A_2237 = arith.addi %mul3A_2235, %add3A_2236 : i32
      %mul3A_2238 = arith.constant 32 : i32
      %mul3A_2239 = vector.broadcast %mul3A_2238 : i32 to vector<16xi32>
      %mul3A_2240 = arith.muli %iota3A, %mul3A_2239 : vector<16xi32>
      %add3A_2241 = vector.broadcast %add3A_2237 : i32 to vector<16xi32>
      %add3A_2242 = arith.addi %add3A_2241, %mul3A_2240 : vector<16xi32>
      %broadcast_in_dim3A_2243 = arith.constant 9 : i32
      %broadcast_in_dim3A_2244 = vector.broadcast %broadcast_in_dim3A_2243 : i32 to vector<16xi32>
      %gather3A_2245 = tpu.vector_load_idx %arg10[%add3A_2098, %and3A_23, %broadcast_in_dim3A_2244] : memref<32x8x32xf32, #tpu.memory_space<vmem>>[vector<16xi32>, vector<16xi32>, vector<16xi32>], vector<16xf32>,
      %gather3A_2246 = tpu.vector_load_idx %arg11[%add3A_2098, %and3A_26, %broadcast_in_dim3A_2244] : memref<32x8x32xf32, #tpu.memory_space<vmem>>[vector<16xi32>, vector<16xi32>, vector<16xi32>], vector<16xf32>,
      tpu.vector_store_idx %arg12[%add3A_2242], %gather3A_2245 : memref<16384xf32, #tpu.memory_space<vmem>>[vector<16xi32>], vector<16xf32>,
      tpu.vector_store_idx %arg13[%add3A_2242], %gather3A_2246 : memref<16384xf32, #tpu.memory_space<vmem>>[vector<16xi32>], vector<16xf32>,
      %add3A_2247 = arith.constant 0 : i32
      %add3A_2248 = arith.addi %mul3A_14, %add3A_2247 : i32
      %mul3A_2249 = arith.constant 32 : i32
      %mul3A_2250 = arith.muli %add3A_2248, %mul3A_2249 : i32
      %add3A_2251 = arith.constant 10 : i32
      %add3A_2252 = arith.addi %mul3A_2250, %add3A_2251 : i32
      %mul3A_2253 = arith.constant 32 : i32
      %mul3A_2254 = vector.broadcast %mul3A_2253 : i32 to vector<16xi32>
      %mul3A_2255 = arith.muli %iota3A, %mul3A_2254 : vector<16xi32>
      %add3A_2256 = vector.broadcast %add3A_2252 : i32 to vector<16xi32>
      %add3A_2257 = arith.addi %add3A_2256, %mul3A_2255 : vector<16xi32>
      %broadcast_in_dim3A_2258 = arith.constant 10 : i32
      %broadcast_in_dim3A_2259 = vector.broadcast %broadcast_in_dim3A_2258 : i32 to vector<16xi32>
      %gather3A_2260 = tpu.vector_load_idx %arg10[%add3A_2098, %and3A_23, %broadcast_in_dim3A_2259] : memref<32x8x32xf32, #tpu.memory_space<vmem>>[vector<16xi32>, vector<16xi32>, vector<16xi32>], vector<16xf32>,
      %gather3A_2261 = tpu.vector_load_idx %arg11[%add3A_2098, %and3A_26, %broadcast_in_dim3A_2259] : memref<32x8x32xf32, #tpu.memory_space<vmem>>[vector<16xi32>, vector<16xi32>, vector<16xi32>], vector<16xf32>,
      tpu.vector_store_idx %arg12[%add3A_2257], %gather3A_2260 : memref<16384xf32, #tpu.memory_space<vmem>>[vector<16xi32>], vector<16xf32>,
      tpu.vector_store_idx %arg13[%add3A_2257], %gather3A_2261 : memref<16384xf32, #tpu.memory_space<vmem>>[vector<16xi32>], vector<16xf32>,
      %add3A_2262 = arith.constant 0 : i32
      %add3A_2263 = arith.addi %mul3A_14, %add3A_2262 : i32
      %mul3A_2264 = arith.constant 32 : i32
      %mul3A_2265 = arith.muli %add3A_2263, %mul3A_2264 : i32
      %add3A_2266 = arith.constant 11 : i32
      %add3A_2267 = arith.addi %mul3A_2265, %add3A_2266 : i32
      %mul3A_2268 = arith.constant 32 : i32
      %mul3A_2269 = vector.broadcast %mul3A_2268 : i32 to vector<16xi32>
      %mul3A_2270 = arith.muli %iota3A, %mul3A_2269 : vector<16xi32>
      %add3A_2271 = vector.broadcast %add3A_2267 : i32 to vector<16xi32>
      %add3A_2272 = arith.addi %add3A_2271, %mul3A_2270 : vector<16xi32>
      %broadcast_in_dim3A_2273 = arith.constant 11 : i32
      %broadcast_in_dim3A_2274 = vector.broadcast %broadcast_in_dim3A_2273 : i32 to vector<16xi32>
      %gather3A_2275 = tpu.vector_load_idx %arg10[%add3A_2098, %and3A_23, %broadcast_in_dim3A_2274] : memref<32x8x32xf32, #tpu.memory_space<vmem>>[vector<16xi32>, vector<16xi32>, vector<16xi32>], vector<16xf32>,
      %gather3A_2276 = tpu.vector_load_idx %arg11[%add3A_2098, %and3A_26, %broadcast_in_dim3A_2274] : memref<32x8x32xf32, #tpu.memory_space<vmem>>[vector<16xi32>, vector<16xi32>, vector<16xi32>], vector<16xf32>,
      tpu.vector_store_idx %arg12[%add3A_2272], %gather3A_2275 : memref<16384xf32, #tpu.memory_space<vmem>>[vector<16xi32>], vector<16xf32>,
      tpu.vector_store_idx %arg13[%add3A_2272], %gather3A_2276 : memref<16384xf32, #tpu.memory_space<vmem>>[vector<16xi32>], vector<16xf32>,
      %add3A_2277 = arith.constant 0 : i32
      %add3A_2278 = arith.addi %mul3A_14, %add3A_2277 : i32
      %mul3A_2279 = arith.constant 32 : i32
      %mul3A_2280 = arith.muli %add3A_2278, %mul3A_2279 : i32
      %add3A_2281 = arith.constant 12 : i32
      %add3A_2282 = arith.addi %mul3A_2280, %add3A_2281 : i32
      %mul3A_2283 = arith.constant 32 : i32
      %mul3A_2284 = vector.broadcast %mul3A_2283 : i32 to vector<16xi32>
      %mul3A_2285 = arith.muli %iota3A, %mul3A_2284 : vector<16xi32>
      %add3A_2286 = vector.broadcast %add3A_2282 : i32 to vector<16xi32>
      %add3A_2287 = arith.addi %add3A_2286, %mul3A_2285 : vector<16xi32>
      %broadcast_in_dim3A_2288 = arith.constant 12 : i32
      %broadcast_in_dim3A_2289 = vector.broadcast %broadcast_in_dim3A_2288 : i32 to vector<16xi32>
      %gather3A_2290 = tpu.vector_load_idx %arg10[%add3A_2098, %and3A_23, %broadcast_in_dim3A_2289] : memref<32x8x32xf32, #tpu.memory_space<vmem>>[vector<16xi32>, vector<16xi32>, vector<16xi32>], vector<16xf32>,
      %gather3A_2291 = tpu.vector_load_idx %arg11[%add3A_2098, %and3A_26, %broadcast_in_dim3A_2289] : memref<32x8x32xf32, #tpu.memory_space<vmem>>[vector<16xi32>, vector<16xi32>, vector<16xi32>], vector<16xf32>,
      tpu.vector_store_idx %arg12[%add3A_2287], %gather3A_2290 : memref<16384xf32, #tpu.memory_space<vmem>>[vector<16xi32>], vector<16xf32>,
      tpu.vector_store_idx %arg13[%add3A_2287], %gather3A_2291 : memref<16384xf32, #tpu.memory_space<vmem>>[vector<16xi32>], vector<16xf32>,
      %add3A_2292 = arith.constant 0 : i32
      %add3A_2293 = arith.addi %mul3A_14, %add3A_2292 : i32
      %mul3A_2294 = arith.constant 32 : i32
      %mul3A_2295 = arith.muli %add3A_2293, %mul3A_2294 : i32
      %add3A_2296 = arith.constant 13 : i32
      %add3A_2297 = arith.addi %mul3A_2295, %add3A_2296 : i32
      %mul3A_2298 = arith.constant 32 : i32
      %mul3A_2299 = vector.broadcast %mul3A_2298 : i32 to vector<16xi32>
      %mul3A_2300 = arith.muli %iota3A, %mul3A_2299 : vector<16xi32>
      %add3A_2301 = vector.broadcast %add3A_2297 : i32 to vector<16xi32>
      %add3A_2302 = arith.addi %add3A_2301, %mul3A_2300 : vector<16xi32>
      %broadcast_in_dim3A_2303 = arith.constant 13 : i32
      %broadcast_in_dim3A_2304 = vector.broadcast %broadcast_in_dim3A_2303 : i32 to vector<16xi32>
      %gather3A_2305 = tpu.vector_load_idx %arg10[%add3A_2098, %and3A_23, %broadcast_in_dim3A_2304] : memref<32x8x32xf32, #tpu.memory_space<vmem>>[vector<16xi32>, vector<16xi32>, vector<16xi32>], vector<16xf32>,
      %gather3A_2306 = tpu.vector_load_idx %arg11[%add3A_2098, %and3A_26, %broadcast_in_dim3A_2304] : memref<32x8x32xf32, #tpu.memory_space<vmem>>[vector<16xi32>, vector<16xi32>, vector<16xi32>], vector<16xf32>,
      tpu.vector_store_idx %arg12[%add3A_2302], %gather3A_2305 : memref<16384xf32, #tpu.memory_space<vmem>>[vector<16xi32>], vector<16xf32>,
      tpu.vector_store_idx %arg13[%add3A_2302], %gather3A_2306 : memref<16384xf32, #tpu.memory_space<vmem>>[vector<16xi32>], vector<16xf32>,
      %add3A_2307 = arith.constant 0 : i32
      %add3A_2308 = arith.addi %mul3A_14, %add3A_2307 : i32
      %mul3A_2309 = arith.constant 32 : i32
      %mul3A_2310 = arith.muli %add3A_2308, %mul3A_2309 : i32
      %add3A_2311 = arith.constant 14 : i32
      %add3A_2312 = arith.addi %mul3A_2310, %add3A_2311 : i32
      %mul3A_2313 = arith.constant 32 : i32
      %mul3A_2314 = vector.broadcast %mul3A_2313 : i32 to vector<16xi32>
      %mul3A_2315 = arith.muli %iota3A, %mul3A_2314 : vector<16xi32>
      %add3A_2316 = vector.broadcast %add3A_2312 : i32 to vector<16xi32>
      %add3A_2317 = arith.addi %add3A_2316, %mul3A_2315 : vector<16xi32>
      %broadcast_in_dim3A_2318 = arith.constant 14 : i32
      %broadcast_in_dim3A_2319 = vector.broadcast %broadcast_in_dim3A_2318 : i32 to vector<16xi32>
      %gather3A_2320 = tpu.vector_load_idx %arg10[%add3A_2098, %and3A_23, %broadcast_in_dim3A_2319] : memref<32x8x32xf32, #tpu.memory_space<vmem>>[vector<16xi32>, vector<16xi32>, vector<16xi32>], vector<16xf32>,
      %gather3A_2321 = tpu.vector_load_idx %arg11[%add3A_2098, %and3A_26, %broadcast_in_dim3A_2319] : memref<32x8x32xf32, #tpu.memory_space<vmem>>[vector<16xi32>, vector<16xi32>, vector<16xi32>], vector<16xf32>,
      tpu.vector_store_idx %arg12[%add3A_2317], %gather3A_2320 : memref<16384xf32, #tpu.memory_space<vmem>>[vector<16xi32>], vector<16xf32>,
      tpu.vector_store_idx %arg13[%add3A_2317], %gather3A_2321 : memref<16384xf32, #tpu.memory_space<vmem>>[vector<16xi32>], vector<16xf32>,
      %add3A_2322 = arith.constant 0 : i32
      %add3A_2323 = arith.addi %mul3A_14, %add3A_2322 : i32
      %mul3A_2324 = arith.constant 32 : i32
      %mul3A_2325 = arith.muli %add3A_2323, %mul3A_2324 : i32
      %add3A_2326 = arith.constant 15 : i32
      %add3A_2327 = arith.addi %mul3A_2325, %add3A_2326 : i32
      %mul3A_2328 = arith.constant 32 : i32
      %mul3A_2329 = vector.broadcast %mul3A_2328 : i32 to vector<16xi32>
      %mul3A_2330 = arith.muli %iota3A, %mul3A_2329 : vector<16xi32>
      %add3A_2331 = vector.broadcast %add3A_2327 : i32 to vector<16xi32>
      %add3A_2332 = arith.addi %add3A_2331, %mul3A_2330 : vector<16xi32>
      %broadcast_in_dim3A_2333 = arith.constant 15 : i32
      %broadcast_in_dim3A_2334 = vector.broadcast %broadcast_in_dim3A_2333 : i32 to vector<16xi32>
      %gather3A_2335 = tpu.vector_load_idx %arg10[%add3A_2098, %and3A_23, %broadcast_in_dim3A_2334] : memref<32x8x32xf32, #tpu.memory_space<vmem>>[vector<16xi32>, vector<16xi32>, vector<16xi32>], vector<16xf32>,
      %gather3A_2336 = tpu.vector_load_idx %arg11[%add3A_2098, %and3A_26, %broadcast_in_dim3A_2334] : memref<32x8x32xf32, #tpu.memory_space<vmem>>[vector<16xi32>, vector<16xi32>, vector<16xi32>], vector<16xf32>,
      tpu.vector_store_idx %arg12[%add3A_2332], %gather3A_2335 : memref<16384xf32, #tpu.memory_space<vmem>>[vector<16xi32>], vector<16xf32>,
      tpu.vector_store_idx %arg13[%add3A_2332], %gather3A_2336 : memref<16384xf32, #tpu.memory_space<vmem>>[vector<16xi32>], vector<16xf32>,
      %add3A_2337 = arith.constant 0 : i32
      %add3A_2338 = arith.addi %mul3A_14, %add3A_2337 : i32
      %mul3A_2339 = arith.constant 32 : i32
      %mul3A_2340 = arith.muli %add3A_2338, %mul3A_2339 : i32
      %add3A_2341 = arith.constant 16 : i32
      %add3A_2342 = arith.addi %mul3A_2340, %add3A_2341 : i32
      %mul3A_2343 = arith.constant 32 : i32
      %mul3A_2344 = vector.broadcast %mul3A_2343 : i32 to vector<16xi32>
      %mul3A_2345 = arith.muli %iota3A, %mul3A_2344 : vector<16xi32>
      %add3A_2346 = vector.broadcast %add3A_2342 : i32 to vector<16xi32>
      %add3A_2347 = arith.addi %add3A_2346, %mul3A_2345 : vector<16xi32>
      %broadcast_in_dim3A_2348 = arith.constant 16 : i32
      %broadcast_in_dim3A_2349 = vector.broadcast %broadcast_in_dim3A_2348 : i32 to vector<16xi32>
      %gather3A_2350 = tpu.vector_load_idx %arg10[%add3A_2098, %and3A_23, %broadcast_in_dim3A_2349] : memref<32x8x32xf32, #tpu.memory_space<vmem>>[vector<16xi32>, vector<16xi32>, vector<16xi32>], vector<16xf32>,
      %gather3A_2351 = tpu.vector_load_idx %arg11[%add3A_2098, %and3A_26, %broadcast_in_dim3A_2349] : memref<32x8x32xf32, #tpu.memory_space<vmem>>[vector<16xi32>, vector<16xi32>, vector<16xi32>], vector<16xf32>,
      tpu.vector_store_idx %arg12[%add3A_2347], %gather3A_2350 : memref<16384xf32, #tpu.memory_space<vmem>>[vector<16xi32>], vector<16xf32>,
      tpu.vector_store_idx %arg13[%add3A_2347], %gather3A_2351 : memref<16384xf32, #tpu.memory_space<vmem>>[vector<16xi32>], vector<16xf32>,
      %add3A_2352 = arith.constant 0 : i32
      %add3A_2353 = arith.addi %mul3A_14, %add3A_2352 : i32
      %mul3A_2354 = arith.constant 32 : i32
      %mul3A_2355 = arith.muli %add3A_2353, %mul3A_2354 : i32
      %add3A_2356 = arith.constant 17 : i32
      %add3A_2357 = arith.addi %mul3A_2355, %add3A_2356 : i32
      %mul3A_2358 = arith.constant 32 : i32
      %mul3A_2359 = vector.broadcast %mul3A_2358 : i32 to vector<16xi32>
      %mul3A_2360 = arith.muli %iota3A, %mul3A_2359 : vector<16xi32>
      %add3A_2361 = vector.broadcast %add3A_2357 : i32 to vector<16xi32>
      %add3A_2362 = arith.addi %add3A_2361, %mul3A_2360 : vector<16xi32>
      %broadcast_in_dim3A_2363 = arith.constant 17 : i32
      %broadcast_in_dim3A_2364 = vector.broadcast %broadcast_in_dim3A_2363 : i32 to vector<16xi32>
      %gather3A_2365 = tpu.vector_load_idx %arg10[%add3A_2098, %and3A_23, %broadcast_in_dim3A_2364] : memref<32x8x32xf32, #tpu.memory_space<vmem>>[vector<16xi32>, vector<16xi32>, vector<16xi32>], vector<16xf32>,
      %gather3A_2366 = tpu.vector_load_idx %arg11[%add3A_2098, %and3A_26, %broadcast_in_dim3A_2364] : memref<32x8x32xf32, #tpu.memory_space<vmem>>[vector<16xi32>, vector<16xi32>, vector<16xi32>], vector<16xf32>,
      tpu.vector_store_idx %arg12[%add3A_2362], %gather3A_2365 : memref<16384xf32, #tpu.memory_space<vmem>>[vector<16xi32>], vector<16xf32>,
      tpu.vector_store_idx %arg13[%add3A_2362], %gather3A_2366 : memref<16384xf32, #tpu.memory_space<vmem>>[vector<16xi32>], vector<16xf32>,
      %add3A_2367 = arith.constant 0 : i32
      %add3A_2368 = arith.addi %mul3A_14, %add3A_2367 : i32
      %mul3A_2369 = arith.constant 32 : i32
      %mul3A_2370 = arith.muli %add3A_2368, %mul3A_2369 : i32
      %add3A_2371 = arith.constant 18 : i32
      %add3A_2372 = arith.addi %mul3A_2370, %add3A_2371 : i32
      %mul3A_2373 = arith.constant 32 : i32
      %mul3A_2374 = vector.broadcast %mul3A_2373 : i32 to vector<16xi32>
      %mul3A_2375 = arith.muli %iota3A, %mul3A_2374 : vector<16xi32>
      %add3A_2376 = vector.broadcast %add3A_2372 : i32 to vector<16xi32>
      %add3A_2377 = arith.addi %add3A_2376, %mul3A_2375 : vector<16xi32>
      %broadcast_in_dim3A_2378 = arith.constant 18 : i32
      %broadcast_in_dim3A_2379 = vector.broadcast %broadcast_in_dim3A_2378 : i32 to vector<16xi32>
      %gather3A_2380 = tpu.vector_load_idx %arg10[%add3A_2098, %and3A_23, %broadcast_in_dim3A_2379] : memref<32x8x32xf32, #tpu.memory_space<vmem>>[vector<16xi32>, vector<16xi32>, vector<16xi32>], vector<16xf32>,
      %gather3A_2381 = tpu.vector_load_idx %arg11[%add3A_2098, %and3A_26, %broadcast_in_dim3A_2379] : memref<32x8x32xf32, #tpu.memory_space<vmem>>[vector<16xi32>, vector<16xi32>, vector<16xi32>], vector<16xf32>,
      tpu.vector_store_idx %arg12[%add3A_2377], %gather3A_2380 : memref<16384xf32, #tpu.memory_space<vmem>>[vector<16xi32>], vector<16xf32>,
      tpu.vector_store_idx %arg13[%add3A_2377], %gather3A_2381 : memref<16384xf32, #tpu.memory_space<vmem>>[vector<16xi32>], vector<16xf32>,
      %add3A_2382 = arith.constant 0 : i32
      %add3A_2383 = arith.addi %mul3A_14, %add3A_2382 : i32
      %mul3A_2384 = arith.constant 32 : i32
      %mul3A_2385 = arith.muli %add3A_2383, %mul3A_2384 : i32
      %add3A_2386 = arith.constant 19 : i32
      %add3A_2387 = arith.addi %mul3A_2385, %add3A_2386 : i32
      %mul3A_2388 = arith.constant 32 : i32
      %mul3A_2389 = vector.broadcast %mul3A_2388 : i32 to vector<16xi32>
      %mul3A_2390 = arith.muli %iota3A, %mul3A_2389 : vector<16xi32>
      %add3A_2391 = vector.broadcast %add3A_2387 : i32 to vector<16xi32>
      %add3A_2392 = arith.addi %add3A_2391, %mul3A_2390 : vector<16xi32>
      %broadcast_in_dim3A_2393 = arith.constant 19 : i32
      %broadcast_in_dim3A_2394 = vector.broadcast %broadcast_in_dim3A_2393 : i32 to vector<16xi32>
      %gather3A_2395 = tpu.vector_load_idx %arg10[%add3A_2098, %and3A_23, %broadcast_in_dim3A_2394] : memref<32x8x32xf32, #tpu.memory_space<vmem>>[vector<16xi32>, vector<16xi32>, vector<16xi32>], vector<16xf32>,
      %gather3A_2396 = tpu.vector_load_idx %arg11[%add3A_2098, %and3A_26, %broadcast_in_dim3A_2394] : memref<32x8x32xf32, #tpu.memory_space<vmem>>[vector<16xi32>, vector<16xi32>, vector<16xi32>], vector<16xf32>,
      tpu.vector_store_idx %arg12[%add3A_2392], %gather3A_2395 : memref<16384xf32, #tpu.memory_space<vmem>>[vector<16xi32>], vector<16xf32>,
      tpu.vector_store_idx %arg13[%add3A_2392], %gather3A_2396 : memref<16384xf32, #tpu.memory_space<vmem>>[vector<16xi32>], vector<16xf32>,
      %add3A_2397 = arith.constant 0 : i32
      %add3A_2398 = arith.addi %mul3A_14, %add3A_2397 : i32
      %mul3A_2399 = arith.constant 32 : i32
      %mul3A_2400 = arith.muli %add3A_2398, %mul3A_2399 : i32
      %add3A_2401 = arith.constant 20 : i32
      %add3A_2402 = arith.addi %mul3A_2400, %add3A_2401 : i32
      %mul3A_2403 = arith.constant 32 : i32
      %mul3A_2404 = vector.broadcast %mul3A_2403 : i32 to vector<16xi32>
      %mul3A_2405 = arith.muli %iota3A, %mul3A_2404 : vector<16xi32>
      %add3A_2406 = vector.broadcast %add3A_2402 : i32 to vector<16xi32>
      %add3A_2407 = arith.addi %add3A_2406, %mul3A_2405 : vector<16xi32>
      %broadcast_in_dim3A_2408 = arith.constant 20 : i32
      %broadcast_in_dim3A_2409 = vector.broadcast %broadcast_in_dim3A_2408 : i32 to vector<16xi32>
      %gather3A_2410 = tpu.vector_load_idx %arg10[%add3A_2098, %and3A_23, %broadcast_in_dim3A_2409] : memref<32x8x32xf32, #tpu.memory_space<vmem>>[vector<16xi32>, vector<16xi32>, vector<16xi32>], vector<16xf32>,
      %gather3A_2411 = tpu.vector_load_idx %arg11[%add3A_2098, %and3A_26, %broadcast_in_dim3A_2409] : memref<32x8x32xf32, #tpu.memory_space<vmem>>[vector<16xi32>, vector<16xi32>, vector<16xi32>], vector<16xf32>,
      tpu.vector_store_idx %arg12[%add3A_2407], %gather3A_2410 : memref<16384xf32, #tpu.memory_space<vmem>>[vector<16xi32>], vector<16xf32>,
      tpu.vector_store_idx %arg13[%add3A_2407], %gather3A_2411 : memref<16384xf32, #tpu.memory_space<vmem>>[vector<16xi32>], vector<16xf32>,
      %add3A_2412 = arith.constant 0 : i32
      %add3A_2413 = arith.addi %mul3A_14, %add3A_2412 : i32
      %mul3A_2414 = arith.constant 32 : i32
      %mul3A_2415 = arith.muli %add3A_2413, %mul3A_2414 : i32
      %add3A_2416 = arith.constant 21 : i32
      %add3A_2417 = arith.addi %mul3A_2415, %add3A_2416 : i32
      %mul3A_2418 = arith.constant 32 : i32
      %mul3A_2419 = vector.broadcast %mul3A_2418 : i32 to vector<16xi32>
      %mul3A_2420 = arith.muli %iota3A, %mul3A_2419 : vector<16xi32>
      %add3A_2421 = vector.broadcast %add3A_2417 : i32 to vector<16xi32>
      %add3A_2422 = arith.addi %add3A_2421, %mul3A_2420 : vector<16xi32>
      %broadcast_in_dim3A_2423 = arith.constant 21 : i32
      %broadcast_in_dim3A_2424 = vector.broadcast %broadcast_in_dim3A_2423 : i32 to vector<16xi32>
      %gather3A_2425 = tpu.vector_load_idx %arg10[%add3A_2098, %and3A_23, %broadcast_in_dim3A_2424] : memref<32x8x32xf32, #tpu.memory_space<vmem>>[vector<16xi32>, vector<16xi32>, vector<16xi32>], vector<16xf32>,
      %gather3A_2426 = tpu.vector_load_idx %arg11[%add3A_2098, %and3A_26, %broadcast_in_dim3A_2424] : memref<32x8x32xf32, #tpu.memory_space<vmem>>[vector<16xi32>, vector<16xi32>, vector<16xi32>], vector<16xf32>,
      tpu.vector_store_idx %arg12[%add3A_2422], %gather3A_2425 : memref<16384xf32, #tpu.memory_space<vmem>>[vector<16xi32>], vector<16xf32>,
      tpu.vector_store_idx %arg13[%add3A_2422], %gather3A_2426 : memref<16384xf32, #tpu.memory_space<vmem>>[vector<16xi32>], vector<16xf32>,
      %add3A_2427 = arith.constant 0 : i32
      %add3A_2428 = arith.addi %mul3A_14, %add3A_2427 : i32
      %mul3A_2429 = arith.constant 32 : i32
      %mul3A_2430 = arith.muli %add3A_2428, %mul3A_2429 : i32
      %add3A_2431 = arith.constant 22 : i32
      %add3A_2432 = arith.addi %mul3A_2430, %add3A_2431 : i32
      %mul3A_2433 = arith.constant 32 : i32
      %mul3A_2434 = vector.broadcast %mul3A_2433 : i32 to vector<16xi32>
      %mul3A_2435 = arith.muli %iota3A, %mul3A_2434 : vector<16xi32>
      %add3A_2436 = vector.broadcast %add3A_2432 : i32 to vector<16xi32>
      %add3A_2437 = arith.addi %add3A_2436, %mul3A_2435 : vector<16xi32>
      %broadcast_in_dim3A_2438 = arith.constant 22 : i32
      %broadcast_in_dim3A_2439 = vector.broadcast %broadcast_in_dim3A_2438 : i32 to vector<16xi32>
      %gather3A_2440 = tpu.vector_load_idx %arg10[%add3A_2098, %and3A_23, %broadcast_in_dim3A_2439] : memref<32x8x32xf32, #tpu.memory_space<vmem>>[vector<16xi32>, vector<16xi32>, vector<16xi32>], vector<16xf32>,
      %gather3A_2441 = tpu.vector_load_idx %arg11[%add3A_2098, %and3A_26, %broadcast_in_dim3A_2439] : memref<32x8x32xf32, #tpu.memory_space<vmem>>[vector<16xi32>, vector<16xi32>, vector<16xi32>], vector<16xf32>,
      tpu.vector_store_idx %arg12[%add3A_2437], %gather3A_2440 : memref<16384xf32, #tpu.memory_space<vmem>>[vector<16xi32>], vector<16xf32>,
      tpu.vector_store_idx %arg13[%add3A_2437], %gather3A_2441 : memref<16384xf32, #tpu.memory_space<vmem>>[vector<16xi32>], vector<16xf32>,
      %add3A_2442 = arith.constant 0 : i32
      %add3A_2443 = arith.addi %mul3A_14, %add3A_2442 : i32
      %mul3A_2444 = arith.constant 32 : i32
      %mul3A_2445 = arith.muli %add3A_2443, %mul3A_2444 : i32
      %add3A_2446 = arith.constant 23 : i32
      %add3A_2447 = arith.addi %mul3A_2445, %add3A_2446 : i32
      %mul3A_2448 = arith.constant 32 : i32
      %mul3A_2449 = vector.broadcast %mul3A_2448 : i32 to vector<16xi32>
      %mul3A_2450 = arith.muli %iota3A, %mul3A_2449 : vector<16xi32>
      %add3A_2451 = vector.broadcast %add3A_2447 : i32 to vector<16xi32>
      %add3A_2452 = arith.addi %add3A_2451, %mul3A_2450 : vector<16xi32>
      %broadcast_in_dim3A_2453 = arith.constant 23 : i32
      %broadcast_in_dim3A_2454 = vector.broadcast %broadcast_in_dim3A_2453 : i32 to vector<16xi32>
      %gather3A_2455 = tpu.vector_load_idx %arg10[%add3A_2098, %and3A_23, %broadcast_in_dim3A_2454] : memref<32x8x32xf32, #tpu.memory_space<vmem>>[vector<16xi32>, vector<16xi32>, vector<16xi32>], vector<16xf32>,
      %gather3A_2456 = tpu.vector_load_idx %arg11[%add3A_2098, %and3A_26, %broadcast_in_dim3A_2454] : memref<32x8x32xf32, #tpu.memory_space<vmem>>[vector<16xi32>, vector<16xi32>, vector<16xi32>], vector<16xf32>,
      tpu.vector_store_idx %arg12[%add3A_2452], %gather3A_2455 : memref<16384xf32, #tpu.memory_space<vmem>>[vector<16xi32>], vector<16xf32>,
      tpu.vector_store_idx %arg13[%add3A_2452], %gather3A_2456 : memref<16384xf32, #tpu.memory_space<vmem>>[vector<16xi32>], vector<16xf32>,
      %add3A_2457 = arith.constant 0 : i32
      %add3A_2458 = arith.addi %mul3A_14, %add3A_2457 : i32
      %mul3A_2459 = arith.constant 32 : i32
      %mul3A_2460 = arith.muli %add3A_2458, %mul3A_2459 : i32
      %add3A_2461 = arith.constant 24 : i32
      %add3A_2462 = arith.addi %mul3A_2460, %add3A_2461 : i32
      %mul3A_2463 = arith.constant 32 : i32
      %mul3A_2464 = vector.broadcast %mul3A_2463 : i32 to vector<16xi32>
      %mul3A_2465 = arith.muli %iota3A, %mul3A_2464 : vector<16xi32>
      %add3A_2466 = vector.broadcast %add3A_2462 : i32 to vector<16xi32>
      %add3A_2467 = arith.addi %add3A_2466, %mul3A_2465 : vector<16xi32>
      %broadcast_in_dim3A_2468 = arith.constant 24 : i32
      %broadcast_in_dim3A_2469 = vector.broadcast %broadcast_in_dim3A_2468 : i32 to vector<16xi32>
      %gather3A_2470 = tpu.vector_load_idx %arg10[%add3A_2098, %and3A_23, %broadcast_in_dim3A_2469] : memref<32x8x32xf32, #tpu.memory_space<vmem>>[vector<16xi32>, vector<16xi32>, vector<16xi32>], vector<16xf32>,
      %gather3A_2471 = tpu.vector_load_idx %arg11[%add3A_2098, %and3A_26, %broadcast_in_dim3A_2469] : memref<32x8x32xf32, #tpu.memory_space<vmem>>[vector<16xi32>, vector<16xi32>, vector<16xi32>], vector<16xf32>,
      tpu.vector_store_idx %arg12[%add3A_2467], %gather3A_2470 : memref<16384xf32, #tpu.memory_space<vmem>>[vector<16xi32>], vector<16xf32>,
      tpu.vector_store_idx %arg13[%add3A_2467], %gather3A_2471 : memref<16384xf32, #tpu.memory_space<vmem>>[vector<16xi32>], vector<16xf32>,
      %add3A_2472 = arith.constant 0 : i32
      %add3A_2473 = arith.addi %mul3A_14, %add3A_2472 : i32
      %mul3A_2474 = arith.constant 32 : i32
      %mul3A_2475 = arith.muli %add3A_2473, %mul3A_2474 : i32
      %add3A_2476 = arith.constant 25 : i32
      %add3A_2477 = arith.addi %mul3A_2475, %add3A_2476 : i32
      %mul3A_2478 = arith.constant 32 : i32
      %mul3A_2479 = vector.broadcast %mul3A_2478 : i32 to vector<16xi32>
      %mul3A_2480 = arith.muli %iota3A, %mul3A_2479 : vector<16xi32>
      %add3A_2481 = vector.broadcast %add3A_2477 : i32 to vector<16xi32>
      %add3A_2482 = arith.addi %add3A_2481, %mul3A_2480 : vector<16xi32>
      %broadcast_in_dim3A_2483 = arith.constant 25 : i32
      %broadcast_in_dim3A_2484 = vector.broadcast %broadcast_in_dim3A_2483 : i32 to vector<16xi32>
      %gather3A_2485 = tpu.vector_load_idx %arg10[%add3A_2098, %and3A_23, %broadcast_in_dim3A_2484] : memref<32x8x32xf32, #tpu.memory_space<vmem>>[vector<16xi32>, vector<16xi32>, vector<16xi32>], vector<16xf32>,
      %gather3A_2486 = tpu.vector_load_idx %arg11[%add3A_2098, %and3A_26, %broadcast_in_dim3A_2484] : memref<32x8x32xf32, #tpu.memory_space<vmem>>[vector<16xi32>, vector<16xi32>, vector<16xi32>], vector<16xf32>,
      tpu.vector_store_idx %arg12[%add3A_2482], %gather3A_2485 : memref<16384xf32, #tpu.memory_space<vmem>>[vector<16xi32>], vector<16xf32>,
      tpu.vector_store_idx %arg13[%add3A_2482], %gather3A_2486 : memref<16384xf32, #tpu.memory_space<vmem>>[vector<16xi32>], vector<16xf32>,
      %add3A_2487 = arith.constant 0 : i32
      %add3A_2488 = arith.addi %mul3A_14, %add3A_2487 : i32
      %mul3A_2489 = arith.constant 32 : i32
      %mul3A_2490 = arith.muli %add3A_2488, %mul3A_2489 : i32
      %add3A_2491 = arith.constant 26 : i32
      %add3A_2492 = arith.addi %mul3A_2490, %add3A_2491 : i32
      %mul3A_2493 = arith.constant 32 : i32
      %mul3A_2494 = vector.broadcast %mul3A_2493 : i32 to vector<16xi32>
      %mul3A_2495 = arith.muli %iota3A, %mul3A_2494 : vector<16xi32>
      %add3A_2496 = vector.broadcast %add3A_2492 : i32 to vector<16xi32>
      %add3A_2497 = arith.addi %add3A_2496, %mul3A_2495 : vector<16xi32>
      %broadcast_in_dim3A_2498 = arith.constant 26 : i32
      %broadcast_in_dim3A_2499 = vector.broadcast %broadcast_in_dim3A_2498 : i32 to vector<16xi32>
      %gather3A_2500 = tpu.vector_load_idx %arg10[%add3A_2098, %and3A_23, %broadcast_in_dim3A_2499] : memref<32x8x32xf32, #tpu.memory_space<vmem>>[vector<16xi32>, vector<16xi32>, vector<16xi32>], vector<16xf32>,
      %gather3A_2501 = tpu.vector_load_idx %arg11[%add3A_2098, %and3A_26, %broadcast_in_dim3A_2499] : memref<32x8x32xf32, #tpu.memory_space<vmem>>[vector<16xi32>, vector<16xi32>, vector<16xi32>], vector<16xf32>,
      tpu.vector_store_idx %arg12[%add3A_2497], %gather3A_2500 : memref<16384xf32, #tpu.memory_space<vmem>>[vector<16xi32>], vector<16xf32>,
      tpu.vector_store_idx %arg13[%add3A_2497], %gather3A_2501 : memref<16384xf32, #tpu.memory_space<vmem>>[vector<16xi32>], vector<16xf32>,
      %add3A_2502 = arith.constant 0 : i32
      %add3A_2503 = arith.addi %mul3A_14, %add3A_2502 : i32
      %mul3A_2504 = arith.constant 32 : i32
      %mul3A_2505 = arith.muli %add3A_2503, %mul3A_2504 : i32
      %add3A_2506 = arith.constant 27 : i32
      %add3A_2507 = arith.addi %mul3A_2505, %add3A_2506 : i32
      %mul3A_2508 = arith.constant 32 : i32
      %mul3A_2509 = vector.broadcast %mul3A_2508 : i32 to vector<16xi32>
      %mul3A_2510 = arith.muli %iota3A, %mul3A_2509 : vector<16xi32>
      %add3A_2511 = vector.broadcast %add3A_2507 : i32 to vector<16xi32>
      %add3A_2512 = arith.addi %add3A_2511, %mul3A_2510 : vector<16xi32>
      %broadcast_in_dim3A_2513 = arith.constant 27 : i32
      %broadcast_in_dim3A_2514 = vector.broadcast %broadcast_in_dim3A_2513 : i32 to vector<16xi32>
      %gather3A_2515 = tpu.vector_load_idx %arg10[%add3A_2098, %and3A_23, %broadcast_in_dim3A_2514] : memref<32x8x32xf32, #tpu.memory_space<vmem>>[vector<16xi32>, vector<16xi32>, vector<16xi32>], vector<16xf32>,
      %gather3A_2516 = tpu.vector_load_idx %arg11[%add3A_2098, %and3A_26, %broadcast_in_dim3A_2514] : memref<32x8x32xf32, #tpu.memory_space<vmem>>[vector<16xi32>, vector<16xi32>, vector<16xi32>], vector<16xf32>,
      tpu.vector_store_idx %arg12[%add3A_2512], %gather3A_2515 : memref<16384xf32, #tpu.memory_space<vmem>>[vector<16xi32>], vector<16xf32>,
      tpu.vector_store_idx %arg13[%add3A_2512], %gather3A_2516 : memref<16384xf32, #tpu.memory_space<vmem>>[vector<16xi32>], vector<16xf32>,
      %add3A_2517 = arith.constant 0 : i32
      %add3A_2518 = arith.addi %mul3A_14, %add3A_2517 : i32
      %mul3A_2519 = arith.constant 32 : i32
      %mul3A_2520 = arith.muli %add3A_2518, %mul3A_2519 : i32
      %add3A_2521 = arith.constant 28 : i32
      %add3A_2522 = arith.addi %mul3A_2520, %add3A_2521 : i32
      %mul3A_2523 = arith.constant 32 : i32
      %mul3A_2524 = vector.broadcast %mul3A_2523 : i32 to vector<16xi32>
      %mul3A_2525 = arith.muli %iota3A, %mul3A_2524 : vector<16xi32>
      %add3A_2526 = vector.broadcast %add3A_2522 : i32 to vector<16xi32>
      %add3A_2527 = arith.addi %add3A_2526, %mul3A_2525 : vector<16xi32>
      %broadcast_in_dim3A_2528 = arith.constant 28 : i32
      %broadcast_in_dim3A_2529 = vector.broadcast %broadcast_in_dim3A_2528 : i32 to vector<16xi32>
      %gather3A_2530 = tpu.vector_load_idx %arg10[%add3A_2098, %and3A_23, %broadcast_in_dim3A_2529] : memref<32x8x32xf32, #tpu.memory_space<vmem>>[vector<16xi32>, vector<16xi32>, vector<16xi32>], vector<16xf32>,
      %gather3A_2531 = tpu.vector_load_idx %arg11[%add3A_2098, %and3A_26, %broadcast_in_dim3A_2529] : memref<32x8x32xf32, #tpu.memory_space<vmem>>[vector<16xi32>, vector<16xi32>, vector<16xi32>], vector<16xf32>,
      tpu.vector_store_idx %arg12[%add3A_2527], %gather3A_2530 : memref<16384xf32, #tpu.memory_space<vmem>>[vector<16xi32>], vector<16xf32>,
      tpu.vector_store_idx %arg13[%add3A_2527], %gather3A_2531 : memref<16384xf32, #tpu.memory_space<vmem>>[vector<16xi32>], vector<16xf32>,
      %add3A_2532 = arith.constant 0 : i32
      %add3A_2533 = arith.addi %mul3A_14, %add3A_2532 : i32
      %mul3A_2534 = arith.constant 32 : i32
      %mul3A_2535 = arith.muli %add3A_2533, %mul3A_2534 : i32
      %add3A_2536 = arith.constant 29 : i32
      %add3A_2537 = arith.addi %mul3A_2535, %add3A_2536 : i32
      %mul3A_2538 = arith.constant 32 : i32
      %mul3A_2539 = vector.broadcast %mul3A_2538 : i32 to vector<16xi32>
      %mul3A_2540 = arith.muli %iota3A, %mul3A_2539 : vector<16xi32>
      %add3A_2541 = vector.broadcast %add3A_2537 : i32 to vector<16xi32>
      %add3A_2542 = arith.addi %add3A_2541, %mul3A_2540 : vector<16xi32>
      %broadcast_in_dim3A_2543 = arith.constant 29 : i32
      %broadcast_in_dim3A_2544 = vector.broadcast %broadcast_in_dim3A_2543 : i32 to vector<16xi32>
      %gather3A_2545 = tpu.vector_load_idx %arg10[%add3A_2098, %and3A_23, %broadcast_in_dim3A_2544] : memref<32x8x32xf32, #tpu.memory_space<vmem>>[vector<16xi32>, vector<16xi32>, vector<16xi32>], vector<16xf32>,
      %gather3A_2546 = tpu.vector_load_idx %arg11[%add3A_2098, %and3A_26, %broadcast_in_dim3A_2544] : memref<32x8x32xf32, #tpu.memory_space<vmem>>[vector<16xi32>, vector<16xi32>, vector<16xi32>], vector<16xf32>,
      tpu.vector_store_idx %arg12[%add3A_2542], %gather3A_2545 : memref<16384xf32, #tpu.memory_space<vmem>>[vector<16xi32>], vector<16xf32>,
      tpu.vector_store_idx %arg13[%add3A_2542], %gather3A_2546 : memref<16384xf32, #tpu.memory_space<vmem>>[vector<16xi32>], vector<16xf32>,
      %add3A_2547 = arith.constant 0 : i32
      %add3A_2548 = arith.addi %mul3A_14, %add3A_2547 : i32
      %mul3A_2549 = arith.constant 32 : i32
      %mul3A_2550 = arith.muli %add3A_2548, %mul3A_2549 : i32
      %add3A_2551 = arith.constant 30 : i32
      %add3A_2552 = arith.addi %mul3A_2550, %add3A_2551 : i32
      %mul3A_2553 = arith.constant 32 : i32
      %mul3A_2554 = vector.broadcast %mul3A_2553 : i32 to vector<16xi32>
      %mul3A_2555 = arith.muli %iota3A, %mul3A_2554 : vector<16xi32>
      %add3A_2556 = vector.broadcast %add3A_2552 : i32 to vector<16xi32>
      %add3A_2557 = arith.addi %add3A_2556, %mul3A_2555 : vector<16xi32>
      %broadcast_in_dim3A_2558 = arith.constant 30 : i32
      %broadcast_in_dim3A_2559 = vector.broadcast %broadcast_in_dim3A_2558 : i32 to vector<16xi32>
      %gather3A_2560 = tpu.vector_load_idx %arg10[%add3A_2098, %and3A_23, %broadcast_in_dim3A_2559] : memref<32x8x32xf32, #tpu.memory_space<vmem>>[vector<16xi32>, vector<16xi32>, vector<16xi32>], vector<16xf32>,
      %gather3A_2561 = tpu.vector_load_idx %arg11[%add3A_2098, %and3A_26, %broadcast_in_dim3A_2559] : memref<32x8x32xf32, #tpu.memory_space<vmem>>[vector<16xi32>, vector<16xi32>, vector<16xi32>], vector<16xf32>,
      tpu.vector_store_idx %arg12[%add3A_2557], %gather3A_2560 : memref<16384xf32, #tpu.memory_space<vmem>>[vector<16xi32>], vector<16xf32>,
      tpu.vector_store_idx %arg13[%add3A_2557], %gather3A_2561 : memref<16384xf32, #tpu.memory_space<vmem>>[vector<16xi32>], vector<16xf32>,
      %add3A_2562 = arith.constant 0 : i32
      %add3A_2563 = arith.addi %mul3A_14, %add3A_2562 : i32
      %mul3A_2564 = arith.constant 32 : i32
      %mul3A_2565 = arith.muli %add3A_2563, %mul3A_2564 : i32
      %add3A_2566 = arith.constant 31 : i32
      %add3A_2567 = arith.addi %mul3A_2565, %add3A_2566 : i32
      %mul3A_2568 = arith.constant 32 : i32
      %mul3A_2569 = vector.broadcast %mul3A_2568 : i32 to vector<16xi32>
      %mul3A_2570 = arith.muli %iota3A, %mul3A_2569 : vector<16xi32>
      %add3A_2571 = vector.broadcast %add3A_2567 : i32 to vector<16xi32>
      %add3A_2572 = arith.addi %add3A_2571, %mul3A_2570 : vector<16xi32>
      %broadcast_in_dim3A_2573 = arith.constant 31 : i32
      %broadcast_in_dim3A_2574 = vector.broadcast %broadcast_in_dim3A_2573 : i32 to vector<16xi32>
      %gather3A_2575 = tpu.vector_load_idx %arg10[%add3A_2098, %and3A_23, %broadcast_in_dim3A_2574] : memref<32x8x32xf32, #tpu.memory_space<vmem>>[vector<16xi32>, vector<16xi32>, vector<16xi32>], vector<16xf32>,
      %gather3A_2576 = tpu.vector_load_idx %arg11[%add3A_2098, %and3A_26, %broadcast_in_dim3A_2574] : memref<32x8x32xf32, #tpu.memory_space<vmem>>[vector<16xi32>, vector<16xi32>, vector<16xi32>], vector<16xf32>,
      tpu.vector_store_idx %arg12[%add3A_2572], %gather3A_2575 : memref<16384xf32, #tpu.memory_space<vmem>>[vector<16xi32>], vector<16xf32>,
      tpu.vector_store_idx %arg13[%add3A_2572], %gather3A_2576 : memref<16384xf32, #tpu.memory_space<vmem>>[vector<16xi32>], vector<16xf32>,
      %add3A_2577 = arith.constant 16 : i32
      %add3A_2578 = vector.broadcast %add3A_2577 : i32 to vector<16xi32>
      %add3A_2579 = arith.addi %iota3A, %add3A_2578 : vector<16xi32>
      %add3A_2580 = arith.constant 16 : i32
      %add3A_2581 = arith.addi %mul3A_14, %add3A_2580 : i32
      %mul3A_2582 = arith.constant 32 : i32
      %mul3A_2583 = arith.muli %add3A_2581, %mul3A_2582 : i32
      %add3A_2584 = arith.constant 0 : i32
      %add3A_2585 = arith.addi %mul3A_2583, %add3A_2584 : i32
      %mul3A_2586 = arith.constant 32 : i32
      %mul3A_2587 = vector.broadcast %mul3A_2586 : i32 to vector<16xi32>
      %mul3A_2588 = arith.muli %iota3A, %mul3A_2587 : vector<16xi32>
      %add3A_2589 = vector.broadcast %add3A_2585 : i32 to vector<16xi32>
      %add3A_2590 = arith.addi %add3A_2589, %mul3A_2588 : vector<16xi32>
      %broadcast_in_dim3A_2591 = arith.constant 0 : i32
      %broadcast_in_dim3A_2592 = vector.broadcast %broadcast_in_dim3A_2591 : i32 to vector<16xi32>
      %gather3A_2593 = tpu.vector_load_idx %arg10[%add3A_2579, %and3A_42, %broadcast_in_dim3A_2592] : memref<32x8x32xf32, #tpu.memory_space<vmem>>[vector<16xi32>, vector<16xi32>, vector<16xi32>], vector<16xf32>,
      %gather3A_2594 = tpu.vector_load_idx %arg11[%add3A_2579, %and3A_45, %broadcast_in_dim3A_2592] : memref<32x8x32xf32, #tpu.memory_space<vmem>>[vector<16xi32>, vector<16xi32>, vector<16xi32>], vector<16xf32>,
      tpu.vector_store_idx %arg12[%add3A_2590], %gather3A_2593 : memref<16384xf32, #tpu.memory_space<vmem>>[vector<16xi32>], vector<16xf32>,
      tpu.vector_store_idx %arg13[%add3A_2590], %gather3A_2594 : memref<16384xf32, #tpu.memory_space<vmem>>[vector<16xi32>], vector<16xf32>,
      %add3A_2595 = arith.constant 16 : i32
      %add3A_2596 = arith.addi %mul3A_14, %add3A_2595 : i32
      %mul3A_2597 = arith.constant 32 : i32
      %mul3A_2598 = arith.muli %add3A_2596, %mul3A_2597 : i32
      %add3A_2599 = arith.constant 1 : i32
      %add3A_2600 = arith.addi %mul3A_2598, %add3A_2599 : i32
      %mul3A_2601 = arith.constant 32 : i32
      %mul3A_2602 = vector.broadcast %mul3A_2601 : i32 to vector<16xi32>
      %mul3A_2603 = arith.muli %iota3A, %mul3A_2602 : vector<16xi32>
      %add3A_2604 = vector.broadcast %add3A_2600 : i32 to vector<16xi32>
      %add3A_2605 = arith.addi %add3A_2604, %mul3A_2603 : vector<16xi32>
      %broadcast_in_dim3A_2606 = arith.constant 1 : i32
      %broadcast_in_dim3A_2607 = vector.broadcast %broadcast_in_dim3A_2606 : i32 to vector<16xi32>
      %gather3A_2608 = tpu.vector_load_idx %arg10[%add3A_2579, %and3A_42, %broadcast_in_dim3A_2607] : memref<32x8x32xf32, #tpu.memory_space<vmem>>[vector<16xi32>, vector<16xi32>, vector<16xi32>], vector<16xf32>,
      %gather3A_2609 = tpu.vector_load_idx %arg11[%add3A_2579, %and3A_45, %broadcast_in_dim3A_2607] : memref<32x8x32xf32, #tpu.memory_space<vmem>>[vector<16xi32>, vector<16xi32>, vector<16xi32>], vector<16xf32>,
      tpu.vector_store_idx %arg12[%add3A_2605], %gather3A_2608 : memref<16384xf32, #tpu.memory_space<vmem>>[vector<16xi32>], vector<16xf32>,
      tpu.vector_store_idx %arg13[%add3A_2605], %gather3A_2609 : memref<16384xf32, #tpu.memory_space<vmem>>[vector<16xi32>], vector<16xf32>,
      %add3A_2610 = arith.constant 16 : i32
      %add3A_2611 = arith.addi %mul3A_14, %add3A_2610 : i32
      %mul3A_2612 = arith.constant 32 : i32
      %mul3A_2613 = arith.muli %add3A_2611, %mul3A_2612 : i32
      %add3A_2614 = arith.constant 2 : i32
      %add3A_2615 = arith.addi %mul3A_2613, %add3A_2614 : i32
      %mul3A_2616 = arith.constant 32 : i32
      %mul3A_2617 = vector.broadcast %mul3A_2616 : i32 to vector<16xi32>
      %mul3A_2618 = arith.muli %iota3A, %mul3A_2617 : vector<16xi32>
      %add3A_2619 = vector.broadcast %add3A_2615 : i32 to vector<16xi32>
      %add3A_2620 = arith.addi %add3A_2619, %mul3A_2618 : vector<16xi32>
      %broadcast_in_dim3A_2621 = arith.constant 2 : i32
      %broadcast_in_dim3A_2622 = vector.broadcast %broadcast_in_dim3A_2621 : i32 to vector<16xi32>
      %gather3A_2623 = tpu.vector_load_idx %arg10[%add3A_2579, %and3A_42, %broadcast_in_dim3A_2622] : memref<32x8x32xf32, #tpu.memory_space<vmem>>[vector<16xi32>, vector<16xi32>, vector<16xi32>], vector<16xf32>,
      %gather3A_2624 = tpu.vector_load_idx %arg11[%add3A_2579, %and3A_45, %broadcast_in_dim3A_2622] : memref<32x8x32xf32, #tpu.memory_space<vmem>>[vector<16xi32>, vector<16xi32>, vector<16xi32>], vector<16xf32>,
      tpu.vector_store_idx %arg12[%add3A_2620], %gather3A_2623 : memref<16384xf32, #tpu.memory_space<vmem>>[vector<16xi32>], vector<16xf32>,
      tpu.vector_store_idx %arg13[%add3A_2620], %gather3A_2624 : memref<16384xf32, #tpu.memory_space<vmem>>[vector<16xi32>], vector<16xf32>,
      %add3A_2625 = arith.constant 16 : i32
      %add3A_2626 = arith.addi %mul3A_14, %add3A_2625 : i32
      %mul3A_2627 = arith.constant 32 : i32
      %mul3A_2628 = arith.muli %add3A_2626, %mul3A_2627 : i32
      %add3A_2629 = arith.constant 3 : i32
      %add3A_2630 = arith.addi %mul3A_2628, %add3A_2629 : i32
      %mul3A_2631 = arith.constant 32 : i32
      %mul3A_2632 = vector.broadcast %mul3A_2631 : i32 to vector<16xi32>
      %mul3A_2633 = arith.muli %iota3A, %mul3A_2632 : vector<16xi32>
      %add3A_2634 = vector.broadcast %add3A_2630 : i32 to vector<16xi32>
      %add3A_2635 = arith.addi %add3A_2634, %mul3A_2633 : vector<16xi32>
      %broadcast_in_dim3A_2636 = arith.constant 3 : i32
      %broadcast_in_dim3A_2637 = vector.broadcast %broadcast_in_dim3A_2636 : i32 to vector<16xi32>
      %gather3A_2638 = tpu.vector_load_idx %arg10[%add3A_2579, %and3A_42, %broadcast_in_dim3A_2637] : memref<32x8x32xf32, #tpu.memory_space<vmem>>[vector<16xi32>, vector<16xi32>, vector<16xi32>], vector<16xf32>,
      %gather3A_2639 = tpu.vector_load_idx %arg11[%add3A_2579, %and3A_45, %broadcast_in_dim3A_2637] : memref<32x8x32xf32, #tpu.memory_space<vmem>>[vector<16xi32>, vector<16xi32>, vector<16xi32>], vector<16xf32>,
      tpu.vector_store_idx %arg12[%add3A_2635], %gather3A_2638 : memref<16384xf32, #tpu.memory_space<vmem>>[vector<16xi32>], vector<16xf32>,
      tpu.vector_store_idx %arg13[%add3A_2635], %gather3A_2639 : memref<16384xf32, #tpu.memory_space<vmem>>[vector<16xi32>], vector<16xf32>,
      %add3A_2640 = arith.constant 16 : i32
      %add3A_2641 = arith.addi %mul3A_14, %add3A_2640 : i32
      %mul3A_2642 = arith.constant 32 : i32
      %mul3A_2643 = arith.muli %add3A_2641, %mul3A_2642 : i32
      %add3A_2644 = arith.constant 4 : i32
      %add3A_2645 = arith.addi %mul3A_2643, %add3A_2644 : i32
      %mul3A_2646 = arith.constant 32 : i32
      %mul3A_2647 = vector.broadcast %mul3A_2646 : i32 to vector<16xi32>
      %mul3A_2648 = arith.muli %iota3A, %mul3A_2647 : vector<16xi32>
      %add3A_2649 = vector.broadcast %add3A_2645 : i32 to vector<16xi32>
      %add3A_2650 = arith.addi %add3A_2649, %mul3A_2648 : vector<16xi32>
      %broadcast_in_dim3A_2651 = arith.constant 4 : i32
      %broadcast_in_dim3A_2652 = vector.broadcast %broadcast_in_dim3A_2651 : i32 to vector<16xi32>
      %gather3A_2653 = tpu.vector_load_idx %arg10[%add3A_2579, %and3A_42, %broadcast_in_dim3A_2652] : memref<32x8x32xf32, #tpu.memory_space<vmem>>[vector<16xi32>, vector<16xi32>, vector<16xi32>], vector<16xf32>,
      %gather3A_2654 = tpu.vector_load_idx %arg11[%add3A_2579, %and3A_45, %broadcast_in_dim3A_2652] : memref<32x8x32xf32, #tpu.memory_space<vmem>>[vector<16xi32>, vector<16xi32>, vector<16xi32>], vector<16xf32>,
      tpu.vector_store_idx %arg12[%add3A_2650], %gather3A_2653 : memref<16384xf32, #tpu.memory_space<vmem>>[vector<16xi32>], vector<16xf32>,
      tpu.vector_store_idx %arg13[%add3A_2650], %gather3A_2654 : memref<16384xf32, #tpu.memory_space<vmem>>[vector<16xi32>], vector<16xf32>,
      %add3A_2655 = arith.constant 16 : i32
      %add3A_2656 = arith.addi %mul3A_14, %add3A_2655 : i32
      %mul3A_2657 = arith.constant 32 : i32
      %mul3A_2658 = arith.muli %add3A_2656, %mul3A_2657 : i32
      %add3A_2659 = arith.constant 5 : i32
      %add3A_2660 = arith.addi %mul3A_2658, %add3A_2659 : i32
      %mul3A_2661 = arith.constant 32 : i32
      %mul3A_2662 = vector.broadcast %mul3A_2661 : i32 to vector<16xi32>
      %mul3A_2663 = arith.muli %iota3A, %mul3A_2662 : vector<16xi32>
      %add3A_2664 = vector.broadcast %add3A_2660 : i32 to vector<16xi32>
      %add3A_2665 = arith.addi %add3A_2664, %mul3A_2663 : vector<16xi32>
      %broadcast_in_dim3A_2666 = arith.constant 5 : i32
      %broadcast_in_dim3A_2667 = vector.broadcast %broadcast_in_dim3A_2666 : i32 to vector<16xi32>
      %gather3A_2668 = tpu.vector_load_idx %arg10[%add3A_2579, %and3A_42, %broadcast_in_dim3A_2667] : memref<32x8x32xf32, #tpu.memory_space<vmem>>[vector<16xi32>, vector<16xi32>, vector<16xi32>], vector<16xf32>,
      %gather3A_2669 = tpu.vector_load_idx %arg11[%add3A_2579, %and3A_45, %broadcast_in_dim3A_2667] : memref<32x8x32xf32, #tpu.memory_space<vmem>>[vector<16xi32>, vector<16xi32>, vector<16xi32>], vector<16xf32>,
      tpu.vector_store_idx %arg12[%add3A_2665], %gather3A_2668 : memref<16384xf32, #tpu.memory_space<vmem>>[vector<16xi32>], vector<16xf32>,
      tpu.vector_store_idx %arg13[%add3A_2665], %gather3A_2669 : memref<16384xf32, #tpu.memory_space<vmem>>[vector<16xi32>], vector<16xf32>,
      %add3A_2670 = arith.constant 16 : i32
      %add3A_2671 = arith.addi %mul3A_14, %add3A_2670 : i32
      %mul3A_2672 = arith.constant 32 : i32
      %mul3A_2673 = arith.muli %add3A_2671, %mul3A_2672 : i32
      %add3A_2674 = arith.constant 6 : i32
      %add3A_2675 = arith.addi %mul3A_2673, %add3A_2674 : i32
      %mul3A_2676 = arith.constant 32 : i32
      %mul3A_2677 = vector.broadcast %mul3A_2676 : i32 to vector<16xi32>
      %mul3A_2678 = arith.muli %iota3A, %mul3A_2677 : vector<16xi32>
      %add3A_2679 = vector.broadcast %add3A_2675 : i32 to vector<16xi32>
      %add3A_2680 = arith.addi %add3A_2679, %mul3A_2678 : vector<16xi32>
      %broadcast_in_dim3A_2681 = arith.constant 6 : i32
      %broadcast_in_dim3A_2682 = vector.broadcast %broadcast_in_dim3A_2681 : i32 to vector<16xi32>
      %gather3A_2683 = tpu.vector_load_idx %arg10[%add3A_2579, %and3A_42, %broadcast_in_dim3A_2682] : memref<32x8x32xf32, #tpu.memory_space<vmem>>[vector<16xi32>, vector<16xi32>, vector<16xi32>], vector<16xf32>,
      %gather3A_2684 = tpu.vector_load_idx %arg11[%add3A_2579, %and3A_45, %broadcast_in_dim3A_2682] : memref<32x8x32xf32, #tpu.memory_space<vmem>>[vector<16xi32>, vector<16xi32>, vector<16xi32>], vector<16xf32>,
      tpu.vector_store_idx %arg12[%add3A_2680], %gather3A_2683 : memref<16384xf32, #tpu.memory_space<vmem>>[vector<16xi32>], vector<16xf32>,
      tpu.vector_store_idx %arg13[%add3A_2680], %gather3A_2684 : memref<16384xf32, #tpu.memory_space<vmem>>[vector<16xi32>], vector<16xf32>,
      %add3A_2685 = arith.constant 16 : i32
      %add3A_2686 = arith.addi %mul3A_14, %add3A_2685 : i32
      %mul3A_2687 = arith.constant 32 : i32
      %mul3A_2688 = arith.muli %add3A_2686, %mul3A_2687 : i32
      %add3A_2689 = arith.constant 7 : i32
      %add3A_2690 = arith.addi %mul3A_2688, %add3A_2689 : i32
      %mul3A_2691 = arith.constant 32 : i32
      %mul3A_2692 = vector.broadcast %mul3A_2691 : i32 to vector<16xi32>
      %mul3A_2693 = arith.muli %iota3A, %mul3A_2692 : vector<16xi32>
      %add3A_2694 = vector.broadcast %add3A_2690 : i32 to vector<16xi32>
      %add3A_2695 = arith.addi %add3A_2694, %mul3A_2693 : vector<16xi32>
      %broadcast_in_dim3A_2696 = arith.constant 7 : i32
      %broadcast_in_dim3A_2697 = vector.broadcast %broadcast_in_dim3A_2696 : i32 to vector<16xi32>
      %gather3A_2698 = tpu.vector_load_idx %arg10[%add3A_2579, %and3A_42, %broadcast_in_dim3A_2697] : memref<32x8x32xf32, #tpu.memory_space<vmem>>[vector<16xi32>, vector<16xi32>, vector<16xi32>], vector<16xf32>,
      %gather3A_2699 = tpu.vector_load_idx %arg11[%add3A_2579, %and3A_45, %broadcast_in_dim3A_2697] : memref<32x8x32xf32, #tpu.memory_space<vmem>>[vector<16xi32>, vector<16xi32>, vector<16xi32>], vector<16xf32>,
      tpu.vector_store_idx %arg12[%add3A_2695], %gather3A_2698 : memref<16384xf32, #tpu.memory_space<vmem>>[vector<16xi32>], vector<16xf32>,
      tpu.vector_store_idx %arg13[%add3A_2695], %gather3A_2699 : memref<16384xf32, #tpu.memory_space<vmem>>[vector<16xi32>], vector<16xf32>,
      %add3A_2700 = arith.constant 16 : i32
      %add3A_2701 = arith.addi %mul3A_14, %add3A_2700 : i32
      %mul3A_2702 = arith.constant 32 : i32
      %mul3A_2703 = arith.muli %add3A_2701, %mul3A_2702 : i32
      %add3A_2704 = arith.constant 8 : i32
      %add3A_2705 = arith.addi %mul3A_2703, %add3A_2704 : i32
      %mul3A_2706 = arith.constant 32 : i32
      %mul3A_2707 = vector.broadcast %mul3A_2706 : i32 to vector<16xi32>
      %mul3A_2708 = arith.muli %iota3A, %mul3A_2707 : vector<16xi32>
      %add3A_2709 = vector.broadcast %add3A_2705 : i32 to vector<16xi32>
      %add3A_2710 = arith.addi %add3A_2709, %mul3A_2708 : vector<16xi32>
      %broadcast_in_dim3A_2711 = arith.constant 8 : i32
      %broadcast_in_dim3A_2712 = vector.broadcast %broadcast_in_dim3A_2711 : i32 to vector<16xi32>
      %gather3A_2713 = tpu.vector_load_idx %arg10[%add3A_2579, %and3A_42, %broadcast_in_dim3A_2712] : memref<32x8x32xf32, #tpu.memory_space<vmem>>[vector<16xi32>, vector<16xi32>, vector<16xi32>], vector<16xf32>,
      %gather3A_2714 = tpu.vector_load_idx %arg11[%add3A_2579, %and3A_45, %broadcast_in_dim3A_2712] : memref<32x8x32xf32, #tpu.memory_space<vmem>>[vector<16xi32>, vector<16xi32>, vector<16xi32>], vector<16xf32>,
      tpu.vector_store_idx %arg12[%add3A_2710], %gather3A_2713 : memref<16384xf32, #tpu.memory_space<vmem>>[vector<16xi32>], vector<16xf32>,
      tpu.vector_store_idx %arg13[%add3A_2710], %gather3A_2714 : memref<16384xf32, #tpu.memory_space<vmem>>[vector<16xi32>], vector<16xf32>,
      %add3A_2715 = arith.constant 16 : i32
      %add3A_2716 = arith.addi %mul3A_14, %add3A_2715 : i32
      %mul3A_2717 = arith.constant 32 : i32
      %mul3A_2718 = arith.muli %add3A_2716, %mul3A_2717 : i32
      %add3A_2719 = arith.constant 9 : i32
      %add3A_2720 = arith.addi %mul3A_2718, %add3A_2719 : i32
      %mul3A_2721 = arith.constant 32 : i32
      %mul3A_2722 = vector.broadcast %mul3A_2721 : i32 to vector<16xi32>
      %mul3A_2723 = arith.muli %iota3A, %mul3A_2722 : vector<16xi32>
      %add3A_2724 = vector.broadcast %add3A_2720 : i32 to vector<16xi32>
      %add3A_2725 = arith.addi %add3A_2724, %mul3A_2723 : vector<16xi32>
      %broadcast_in_dim3A_2726 = arith.constant 9 : i32
      %broadcast_in_dim3A_2727 = vector.broadcast %broadcast_in_dim3A_2726 : i32 to vector<16xi32>
      %gather3A_2728 = tpu.vector_load_idx %arg10[%add3A_2579, %and3A_42, %broadcast_in_dim3A_2727] : memref<32x8x32xf32, #tpu.memory_space<vmem>>[vector<16xi32>, vector<16xi32>, vector<16xi32>], vector<16xf32>,
      %gather3A_2729 = tpu.vector_load_idx %arg11[%add3A_2579, %and3A_45, %broadcast_in_dim3A_2727] : memref<32x8x32xf32, #tpu.memory_space<vmem>>[vector<16xi32>, vector<16xi32>, vector<16xi32>], vector<16xf32>,
      tpu.vector_store_idx %arg12[%add3A_2725], %gather3A_2728 : memref<16384xf32, #tpu.memory_space<vmem>>[vector<16xi32>], vector<16xf32>,
      tpu.vector_store_idx %arg13[%add3A_2725], %gather3A_2729 : memref<16384xf32, #tpu.memory_space<vmem>>[vector<16xi32>], vector<16xf32>,
      %add3A_2730 = arith.constant 16 : i32
      %add3A_2731 = arith.addi %mul3A_14, %add3A_2730 : i32
      %mul3A_2732 = arith.constant 32 : i32
      %mul3A_2733 = arith.muli %add3A_2731, %mul3A_2732 : i32
      %add3A_2734 = arith.constant 10 : i32
      %add3A_2735 = arith.addi %mul3A_2733, %add3A_2734 : i32
      %mul3A_2736 = arith.constant 32 : i32
      %mul3A_2737 = vector.broadcast %mul3A_2736 : i32 to vector<16xi32>
      %mul3A_2738 = arith.muli %iota3A, %mul3A_2737 : vector<16xi32>
      %add3A_2739 = vector.broadcast %add3A_2735 : i32 to vector<16xi32>
      %add3A_2740 = arith.addi %add3A_2739, %mul3A_2738 : vector<16xi32>
      %broadcast_in_dim3A_2741 = arith.constant 10 : i32
      %broadcast_in_dim3A_2742 = vector.broadcast %broadcast_in_dim3A_2741 : i32 to vector<16xi32>
      %gather3A_2743 = tpu.vector_load_idx %arg10[%add3A_2579, %and3A_42, %broadcast_in_dim3A_2742] : memref<32x8x32xf32, #tpu.memory_space<vmem>>[vector<16xi32>, vector<16xi32>, vector<16xi32>], vector<16xf32>,
      %gather3A_2744 = tpu.vector_load_idx %arg11[%add3A_2579, %and3A_45, %broadcast_in_dim3A_2742] : memref<32x8x32xf32, #tpu.memory_space<vmem>>[vector<16xi32>, vector<16xi32>, vector<16xi32>], vector<16xf32>,
      tpu.vector_store_idx %arg12[%add3A_2740], %gather3A_2743 : memref<16384xf32, #tpu.memory_space<vmem>>[vector<16xi32>], vector<16xf32>,
      tpu.vector_store_idx %arg13[%add3A_2740], %gather3A_2744 : memref<16384xf32, #tpu.memory_space<vmem>>[vector<16xi32>], vector<16xf32>,
      %add3A_2745 = arith.constant 16 : i32
      %add3A_2746 = arith.addi %mul3A_14, %add3A_2745 : i32
      %mul3A_2747 = arith.constant 32 : i32
      %mul3A_2748 = arith.muli %add3A_2746, %mul3A_2747 : i32
      %add3A_2749 = arith.constant 11 : i32
      %add3A_2750 = arith.addi %mul3A_2748, %add3A_2749 : i32
      %mul3A_2751 = arith.constant 32 : i32
      %mul3A_2752 = vector.broadcast %mul3A_2751 : i32 to vector<16xi32>
      %mul3A_2753 = arith.muli %iota3A, %mul3A_2752 : vector<16xi32>
      %add3A_2754 = vector.broadcast %add3A_2750 : i32 to vector<16xi32>
      %add3A_2755 = arith.addi %add3A_2754, %mul3A_2753 : vector<16xi32>
      %broadcast_in_dim3A_2756 = arith.constant 11 : i32
      %broadcast_in_dim3A_2757 = vector.broadcast %broadcast_in_dim3A_2756 : i32 to vector<16xi32>
      %gather3A_2758 = tpu.vector_load_idx %arg10[%add3A_2579, %and3A_42, %broadcast_in_dim3A_2757] : memref<32x8x32xf32, #tpu.memory_space<vmem>>[vector<16xi32>, vector<16xi32>, vector<16xi32>], vector<16xf32>,
      %gather3A_2759 = tpu.vector_load_idx %arg11[%add3A_2579, %and3A_45, %broadcast_in_dim3A_2757] : memref<32x8x32xf32, #tpu.memory_space<vmem>>[vector<16xi32>, vector<16xi32>, vector<16xi32>], vector<16xf32>,
      tpu.vector_store_idx %arg12[%add3A_2755], %gather3A_2758 : memref<16384xf32, #tpu.memory_space<vmem>>[vector<16xi32>], vector<16xf32>,
      tpu.vector_store_idx %arg13[%add3A_2755], %gather3A_2759 : memref<16384xf32, #tpu.memory_space<vmem>>[vector<16xi32>], vector<16xf32>,
      %add3A_2760 = arith.constant 16 : i32
      %add3A_2761 = arith.addi %mul3A_14, %add3A_2760 : i32
      %mul3A_2762 = arith.constant 32 : i32
      %mul3A_2763 = arith.muli %add3A_2761, %mul3A_2762 : i32
      %add3A_2764 = arith.constant 12 : i32
      %add3A_2765 = arith.addi %mul3A_2763, %add3A_2764 : i32
      %mul3A_2766 = arith.constant 32 : i32
      %mul3A_2767 = vector.broadcast %mul3A_2766 : i32 to vector<16xi32>
      %mul3A_2768 = arith.muli %iota3A, %mul3A_2767 : vector<16xi32>
      %add3A_2769 = vector.broadcast %add3A_2765 : i32 to vector<16xi32>
      %add3A_2770 = arith.addi %add3A_2769, %mul3A_2768 : vector<16xi32>
      %broadcast_in_dim3A_2771 = arith.constant 12 : i32
      %broadcast_in_dim3A_2772 = vector.broadcast %broadcast_in_dim3A_2771 : i32 to vector<16xi32>
      %gather3A_2773 = tpu.vector_load_idx %arg10[%add3A_2579, %and3A_42, %broadcast_in_dim3A_2772] : memref<32x8x32xf32, #tpu.memory_space<vmem>>[vector<16xi32>, vector<16xi32>, vector<16xi32>], vector<16xf32>,
      %gather3A_2774 = tpu.vector_load_idx %arg11[%add3A_2579, %and3A_45, %broadcast_in_dim3A_2772] : memref<32x8x32xf32, #tpu.memory_space<vmem>>[vector<16xi32>, vector<16xi32>, vector<16xi32>], vector<16xf32>,
      tpu.vector_store_idx %arg12[%add3A_2770], %gather3A_2773 : memref<16384xf32, #tpu.memory_space<vmem>>[vector<16xi32>], vector<16xf32>,
      tpu.vector_store_idx %arg13[%add3A_2770], %gather3A_2774 : memref<16384xf32, #tpu.memory_space<vmem>>[vector<16xi32>], vector<16xf32>,
      %add3A_2775 = arith.constant 16 : i32
      %add3A_2776 = arith.addi %mul3A_14, %add3A_2775 : i32
      %mul3A_2777 = arith.constant 32 : i32
      %mul3A_2778 = arith.muli %add3A_2776, %mul3A_2777 : i32
      %add3A_2779 = arith.constant 13 : i32
      %add3A_2780 = arith.addi %mul3A_2778, %add3A_2779 : i32
      %mul3A_2781 = arith.constant 32 : i32
      %mul3A_2782 = vector.broadcast %mul3A_2781 : i32 to vector<16xi32>
      %mul3A_2783 = arith.muli %iota3A, %mul3A_2782 : vector<16xi32>
      %add3A_2784 = vector.broadcast %add3A_2780 : i32 to vector<16xi32>
      %add3A_2785 = arith.addi %add3A_2784, %mul3A_2783 : vector<16xi32>
      %broadcast_in_dim3A_2786 = arith.constant 13 : i32
      %broadcast_in_dim3A_2787 = vector.broadcast %broadcast_in_dim3A_2786 : i32 to vector<16xi32>
      %gather3A_2788 = tpu.vector_load_idx %arg10[%add3A_2579, %and3A_42, %broadcast_in_dim3A_2787] : memref<32x8x32xf32, #tpu.memory_space<vmem>>[vector<16xi32>, vector<16xi32>, vector<16xi32>], vector<16xf32>,
      %gather3A_2789 = tpu.vector_load_idx %arg11[%add3A_2579, %and3A_45, %broadcast_in_dim3A_2787] : memref<32x8x32xf32, #tpu.memory_space<vmem>>[vector<16xi32>, vector<16xi32>, vector<16xi32>], vector<16xf32>,
      tpu.vector_store_idx %arg12[%add3A_2785], %gather3A_2788 : memref<16384xf32, #tpu.memory_space<vmem>>[vector<16xi32>], vector<16xf32>,
      tpu.vector_store_idx %arg13[%add3A_2785], %gather3A_2789 : memref<16384xf32, #tpu.memory_space<vmem>>[vector<16xi32>], vector<16xf32>,
      %add3A_2790 = arith.constant 16 : i32
      %add3A_2791 = arith.addi %mul3A_14, %add3A_2790 : i32
      %mul3A_2792 = arith.constant 32 : i32
      %mul3A_2793 = arith.muli %add3A_2791, %mul3A_2792 : i32
      %add3A_2794 = arith.constant 14 : i32
      %add3A_2795 = arith.addi %mul3A_2793, %add3A_2794 : i32
      %mul3A_2796 = arith.constant 32 : i32
      %mul3A_2797 = vector.broadcast %mul3A_2796 : i32 to vector<16xi32>
      %mul3A_2798 = arith.muli %iota3A, %mul3A_2797 : vector<16xi32>
      %add3A_2799 = vector.broadcast %add3A_2795 : i32 to vector<16xi32>
      %add3A_2800 = arith.addi %add3A_2799, %mul3A_2798 : vector<16xi32>
      %broadcast_in_dim3A_2801 = arith.constant 14 : i32
      %broadcast_in_dim3A_2802 = vector.broadcast %broadcast_in_dim3A_2801 : i32 to vector<16xi32>
      %gather3A_2803 = tpu.vector_load_idx %arg10[%add3A_2579, %and3A_42, %broadcast_in_dim3A_2802] : memref<32x8x32xf32, #tpu.memory_space<vmem>>[vector<16xi32>, vector<16xi32>, vector<16xi32>], vector<16xf32>,
      %gather3A_2804 = tpu.vector_load_idx %arg11[%add3A_2579, %and3A_45, %broadcast_in_dim3A_2802] : memref<32x8x32xf32, #tpu.memory_space<vmem>>[vector<16xi32>, vector<16xi32>, vector<16xi32>], vector<16xf32>,
      tpu.vector_store_idx %arg12[%add3A_2800], %gather3A_2803 : memref<16384xf32, #tpu.memory_space<vmem>>[vector<16xi32>], vector<16xf32>,
      tpu.vector_store_idx %arg13[%add3A_2800], %gather3A_2804 : memref<16384xf32, #tpu.memory_space<vmem>>[vector<16xi32>], vector<16xf32>,
      %add3A_2805 = arith.constant 16 : i32
      %add3A_2806 = arith.addi %mul3A_14, %add3A_2805 : i32
      %mul3A_2807 = arith.constant 32 : i32
      %mul3A_2808 = arith.muli %add3A_2806, %mul3A_2807 : i32
      %add3A_2809 = arith.constant 15 : i32
      %add3A_2810 = arith.addi %mul3A_2808, %add3A_2809 : i32
      %mul3A_2811 = arith.constant 32 : i32
      %mul3A_2812 = vector.broadcast %mul3A_2811 : i32 to vector<16xi32>
      %mul3A_2813 = arith.muli %iota3A, %mul3A_2812 : vector<16xi32>
      %add3A_2814 = vector.broadcast %add3A_2810 : i32 to vector<16xi32>
      %add3A_2815 = arith.addi %add3A_2814, %mul3A_2813 : vector<16xi32>
      %broadcast_in_dim3A_2816 = arith.constant 15 : i32
      %broadcast_in_dim3A_2817 = vector.broadcast %broadcast_in_dim3A_2816 : i32 to vector<16xi32>
      %gather3A_2818 = tpu.vector_load_idx %arg10[%add3A_2579, %and3A_42, %broadcast_in_dim3A_2817] : memref<32x8x32xf32, #tpu.memory_space<vmem>>[vector<16xi32>, vector<16xi32>, vector<16xi32>], vector<16xf32>,
      %gather3A_2819 = tpu.vector_load_idx %arg11[%add3A_2579, %and3A_45, %broadcast_in_dim3A_2817] : memref<32x8x32xf32, #tpu.memory_space<vmem>>[vector<16xi32>, vector<16xi32>, vector<16xi32>], vector<16xf32>,
      tpu.vector_store_idx %arg12[%add3A_2815], %gather3A_2818 : memref<16384xf32, #tpu.memory_space<vmem>>[vector<16xi32>], vector<16xf32>,
      tpu.vector_store_idx %arg13[%add3A_2815], %gather3A_2819 : memref<16384xf32, #tpu.memory_space<vmem>>[vector<16xi32>], vector<16xf32>,
      %add3A_2820 = arith.constant 16 : i32
      %add3A_2821 = arith.addi %mul3A_14, %add3A_2820 : i32
      %mul3A_2822 = arith.constant 32 : i32
      %mul3A_2823 = arith.muli %add3A_2821, %mul3A_2822 : i32
      %add3A_2824 = arith.constant 16 : i32
      %add3A_2825 = arith.addi %mul3A_2823, %add3A_2824 : i32
      %mul3A_2826 = arith.constant 32 : i32
      %mul3A_2827 = vector.broadcast %mul3A_2826 : i32 to vector<16xi32>
      %mul3A_2828 = arith.muli %iota3A, %mul3A_2827 : vector<16xi32>
      %add3A_2829 = vector.broadcast %add3A_2825 : i32 to vector<16xi32>
      %add3A_2830 = arith.addi %add3A_2829, %mul3A_2828 : vector<16xi32>
      %broadcast_in_dim3A_2831 = arith.constant 16 : i32
      %broadcast_in_dim3A_2832 = vector.broadcast %broadcast_in_dim3A_2831 : i32 to vector<16xi32>
      %gather3A_2833 = tpu.vector_load_idx %arg10[%add3A_2579, %and3A_42, %broadcast_in_dim3A_2832] : memref<32x8x32xf32, #tpu.memory_space<vmem>>[vector<16xi32>, vector<16xi32>, vector<16xi32>], vector<16xf32>,
      %gather3A_2834 = tpu.vector_load_idx %arg11[%add3A_2579, %and3A_45, %broadcast_in_dim3A_2832] : memref<32x8x32xf32, #tpu.memory_space<vmem>>[vector<16xi32>, vector<16xi32>, vector<16xi32>], vector<16xf32>,
      tpu.vector_store_idx %arg12[%add3A_2830], %gather3A_2833 : memref<16384xf32, #tpu.memory_space<vmem>>[vector<16xi32>], vector<16xf32>,
      tpu.vector_store_idx %arg13[%add3A_2830], %gather3A_2834 : memref<16384xf32, #tpu.memory_space<vmem>>[vector<16xi32>], vector<16xf32>,
      %add3A_2835 = arith.constant 16 : i32
      %add3A_2836 = arith.addi %mul3A_14, %add3A_2835 : i32
      %mul3A_2837 = arith.constant 32 : i32
      %mul3A_2838 = arith.muli %add3A_2836, %mul3A_2837 : i32
      %add3A_2839 = arith.constant 17 : i32
      %add3A_2840 = arith.addi %mul3A_2838, %add3A_2839 : i32
      %mul3A_2841 = arith.constant 32 : i32
      %mul3A_2842 = vector.broadcast %mul3A_2841 : i32 to vector<16xi32>
      %mul3A_2843 = arith.muli %iota3A, %mul3A_2842 : vector<16xi32>
      %add3A_2844 = vector.broadcast %add3A_2840 : i32 to vector<16xi32>
      %add3A_2845 = arith.addi %add3A_2844, %mul3A_2843 : vector<16xi32>
      %broadcast_in_dim3A_2846 = arith.constant 17 : i32
      %broadcast_in_dim3A_2847 = vector.broadcast %broadcast_in_dim3A_2846 : i32 to vector<16xi32>
      %gather3A_2848 = tpu.vector_load_idx %arg10[%add3A_2579, %and3A_42, %broadcast_in_dim3A_2847] : memref<32x8x32xf32, #tpu.memory_space<vmem>>[vector<16xi32>, vector<16xi32>, vector<16xi32>], vector<16xf32>,
      %gather3A_2849 = tpu.vector_load_idx %arg11[%add3A_2579, %and3A_45, %broadcast_in_dim3A_2847] : memref<32x8x32xf32, #tpu.memory_space<vmem>>[vector<16xi32>, vector<16xi32>, vector<16xi32>], vector<16xf32>,
      tpu.vector_store_idx %arg12[%add3A_2845], %gather3A_2848 : memref<16384xf32, #tpu.memory_space<vmem>>[vector<16xi32>], vector<16xf32>,
      tpu.vector_store_idx %arg13[%add3A_2845], %gather3A_2849 : memref<16384xf32, #tpu.memory_space<vmem>>[vector<16xi32>], vector<16xf32>,
      %add3A_2850 = arith.constant 16 : i32
      %add3A_2851 = arith.addi %mul3A_14, %add3A_2850 : i32
      %mul3A_2852 = arith.constant 32 : i32
      %mul3A_2853 = arith.muli %add3A_2851, %mul3A_2852 : i32
      %add3A_2854 = arith.constant 18 : i32
      %add3A_2855 = arith.addi %mul3A_2853, %add3A_2854 : i32
      %mul3A_2856 = arith.constant 32 : i32
      %mul3A_2857 = vector.broadcast %mul3A_2856 : i32 to vector<16xi32>
      %mul3A_2858 = arith.muli %iota3A, %mul3A_2857 : vector<16xi32>
      %add3A_2859 = vector.broadcast %add3A_2855 : i32 to vector<16xi32>
      %add3A_2860 = arith.addi %add3A_2859, %mul3A_2858 : vector<16xi32>
      %broadcast_in_dim3A_2861 = arith.constant 18 : i32
      %broadcast_in_dim3A_2862 = vector.broadcast %broadcast_in_dim3A_2861 : i32 to vector<16xi32>
      %gather3A_2863 = tpu.vector_load_idx %arg10[%add3A_2579, %and3A_42, %broadcast_in_dim3A_2862] : memref<32x8x32xf32, #tpu.memory_space<vmem>>[vector<16xi32>, vector<16xi32>, vector<16xi32>], vector<16xf32>,
      %gather3A_2864 = tpu.vector_load_idx %arg11[%add3A_2579, %and3A_45, %broadcast_in_dim3A_2862] : memref<32x8x32xf32, #tpu.memory_space<vmem>>[vector<16xi32>, vector<16xi32>, vector<16xi32>], vector<16xf32>,
      tpu.vector_store_idx %arg12[%add3A_2860], %gather3A_2863 : memref<16384xf32, #tpu.memory_space<vmem>>[vector<16xi32>], vector<16xf32>,
      tpu.vector_store_idx %arg13[%add3A_2860], %gather3A_2864 : memref<16384xf32, #tpu.memory_space<vmem>>[vector<16xi32>], vector<16xf32>,
      %add3A_2865 = arith.constant 16 : i32
      %add3A_2866 = arith.addi %mul3A_14, %add3A_2865 : i32
      %mul3A_2867 = arith.constant 32 : i32
      %mul3A_2868 = arith.muli %add3A_2866, %mul3A_2867 : i32
      %add3A_2869 = arith.constant 19 : i32
      %add3A_2870 = arith.addi %mul3A_2868, %add3A_2869 : i32
      %mul3A_2871 = arith.constant 32 : i32
      %mul3A_2872 = vector.broadcast %mul3A_2871 : i32 to vector<16xi32>
      %mul3A_2873 = arith.muli %iota3A, %mul3A_2872 : vector<16xi32>
      %add3A_2874 = vector.broadcast %add3A_2870 : i32 to vector<16xi32>
      %add3A_2875 = arith.addi %add3A_2874, %mul3A_2873 : vector<16xi32>
      %broadcast_in_dim3A_2876 = arith.constant 19 : i32
      %broadcast_in_dim3A_2877 = vector.broadcast %broadcast_in_dim3A_2876 : i32 to vector<16xi32>
      %gather3A_2878 = tpu.vector_load_idx %arg10[%add3A_2579, %and3A_42, %broadcast_in_dim3A_2877] : memref<32x8x32xf32, #tpu.memory_space<vmem>>[vector<16xi32>, vector<16xi32>, vector<16xi32>], vector<16xf32>,
      %gather3A_2879 = tpu.vector_load_idx %arg11[%add3A_2579, %and3A_45, %broadcast_in_dim3A_2877] : memref<32x8x32xf32, #tpu.memory_space<vmem>>[vector<16xi32>, vector<16xi32>, vector<16xi32>], vector<16xf32>,
      tpu.vector_store_idx %arg12[%add3A_2875], %gather3A_2878 : memref<16384xf32, #tpu.memory_space<vmem>>[vector<16xi32>], vector<16xf32>,
      tpu.vector_store_idx %arg13[%add3A_2875], %gather3A_2879 : memref<16384xf32, #tpu.memory_space<vmem>>[vector<16xi32>], vector<16xf32>,
      %add3A_2880 = arith.constant 16 : i32
      %add3A_2881 = arith.addi %mul3A_14, %add3A_2880 : i32
      %mul3A_2882 = arith.constant 32 : i32
      %mul3A_2883 = arith.muli %add3A_2881, %mul3A_2882 : i32
      %add3A_2884 = arith.constant 20 : i32
      %add3A_2885 = arith.addi %mul3A_2883, %add3A_2884 : i32
      %mul3A_2886 = arith.constant 32 : i32
      %mul3A_2887 = vector.broadcast %mul3A_2886 : i32 to vector<16xi32>
      %mul3A_2888 = arith.muli %iota3A, %mul3A_2887 : vector<16xi32>
      %add3A_2889 = vector.broadcast %add3A_2885 : i32 to vector<16xi32>
      %add3A_2890 = arith.addi %add3A_2889, %mul3A_2888 : vector<16xi32>
      %broadcast_in_dim3A_2891 = arith.constant 20 : i32
      %broadcast_in_dim3A_2892 = vector.broadcast %broadcast_in_dim3A_2891 : i32 to vector<16xi32>
      %gather3A_2893 = tpu.vector_load_idx %arg10[%add3A_2579, %and3A_42, %broadcast_in_dim3A_2892] : memref<32x8x32xf32, #tpu.memory_space<vmem>>[vector<16xi32>, vector<16xi32>, vector<16xi32>], vector<16xf32>,
      %gather3A_2894 = tpu.vector_load_idx %arg11[%add3A_2579, %and3A_45, %broadcast_in_dim3A_2892] : memref<32x8x32xf32, #tpu.memory_space<vmem>>[vector<16xi32>, vector<16xi32>, vector<16xi32>], vector<16xf32>,
      tpu.vector_store_idx %arg12[%add3A_2890], %gather3A_2893 : memref<16384xf32, #tpu.memory_space<vmem>>[vector<16xi32>], vector<16xf32>,
      tpu.vector_store_idx %arg13[%add3A_2890], %gather3A_2894 : memref<16384xf32, #tpu.memory_space<vmem>>[vector<16xi32>], vector<16xf32>,
      %add3A_2895 = arith.constant 16 : i32
      %add3A_2896 = arith.addi %mul3A_14, %add3A_2895 : i32
      %mul3A_2897 = arith.constant 32 : i32
      %mul3A_2898 = arith.muli %add3A_2896, %mul3A_2897 : i32
      %add3A_2899 = arith.constant 21 : i32
      %add3A_2900 = arith.addi %mul3A_2898, %add3A_2899 : i32
      %mul3A_2901 = arith.constant 32 : i32
      %mul3A_2902 = vector.broadcast %mul3A_2901 : i32 to vector<16xi32>
      %mul3A_2903 = arith.muli %iota3A, %mul3A_2902 : vector<16xi32>
      %add3A_2904 = vector.broadcast %add3A_2900 : i32 to vector<16xi32>
      %add3A_2905 = arith.addi %add3A_2904, %mul3A_2903 : vector<16xi32>
      %broadcast_in_dim3A_2906 = arith.constant 21 : i32
      %broadcast_in_dim3A_2907 = vector.broadcast %broadcast_in_dim3A_2906 : i32 to vector<16xi32>
      %gather3A_2908 = tpu.vector_load_idx %arg10[%add3A_2579, %and3A_42, %broadcast_in_dim3A_2907] : memref<32x8x32xf32, #tpu.memory_space<vmem>>[vector<16xi32>, vector<16xi32>, vector<16xi32>], vector<16xf32>,
      %gather3A_2909 = tpu.vector_load_idx %arg11[%add3A_2579, %and3A_45, %broadcast_in_dim3A_2907] : memref<32x8x32xf32, #tpu.memory_space<vmem>>[vector<16xi32>, vector<16xi32>, vector<16xi32>], vector<16xf32>,
      tpu.vector_store_idx %arg12[%add3A_2905], %gather3A_2908 : memref<16384xf32, #tpu.memory_space<vmem>>[vector<16xi32>], vector<16xf32>,
      tpu.vector_store_idx %arg13[%add3A_2905], %gather3A_2909 : memref<16384xf32, #tpu.memory_space<vmem>>[vector<16xi32>], vector<16xf32>,
      %add3A_2910 = arith.constant 16 : i32
      %add3A_2911 = arith.addi %mul3A_14, %add3A_2910 : i32
      %mul3A_2912 = arith.constant 32 : i32
      %mul3A_2913 = arith.muli %add3A_2911, %mul3A_2912 : i32
      %add3A_2914 = arith.constant 22 : i32
      %add3A_2915 = arith.addi %mul3A_2913, %add3A_2914 : i32
      %mul3A_2916 = arith.constant 32 : i32
      %mul3A_2917 = vector.broadcast %mul3A_2916 : i32 to vector<16xi32>
      %mul3A_2918 = arith.muli %iota3A, %mul3A_2917 : vector<16xi32>
      %add3A_2919 = vector.broadcast %add3A_2915 : i32 to vector<16xi32>
      %add3A_2920 = arith.addi %add3A_2919, %mul3A_2918 : vector<16xi32>
      %broadcast_in_dim3A_2921 = arith.constant 22 : i32
      %broadcast_in_dim3A_2922 = vector.broadcast %broadcast_in_dim3A_2921 : i32 to vector<16xi32>
      %gather3A_2923 = tpu.vector_load_idx %arg10[%add3A_2579, %and3A_42, %broadcast_in_dim3A_2922] : memref<32x8x32xf32, #tpu.memory_space<vmem>>[vector<16xi32>, vector<16xi32>, vector<16xi32>], vector<16xf32>,
      %gather3A_2924 = tpu.vector_load_idx %arg11[%add3A_2579, %and3A_45, %broadcast_in_dim3A_2922] : memref<32x8x32xf32, #tpu.memory_space<vmem>>[vector<16xi32>, vector<16xi32>, vector<16xi32>], vector<16xf32>,
      tpu.vector_store_idx %arg12[%add3A_2920], %gather3A_2923 : memref<16384xf32, #tpu.memory_space<vmem>>[vector<16xi32>], vector<16xf32>,
      tpu.vector_store_idx %arg13[%add3A_2920], %gather3A_2924 : memref<16384xf32, #tpu.memory_space<vmem>>[vector<16xi32>], vector<16xf32>,
      %add3A_2925 = arith.constant 16 : i32
      %add3A_2926 = arith.addi %mul3A_14, %add3A_2925 : i32
      %mul3A_2927 = arith.constant 32 : i32
      %mul3A_2928 = arith.muli %add3A_2926, %mul3A_2927 : i32
      %add3A_2929 = arith.constant 23 : i32
      %add3A_2930 = arith.addi %mul3A_2928, %add3A_2929 : i32
      %mul3A_2931 = arith.constant 32 : i32
      %mul3A_2932 = vector.broadcast %mul3A_2931 : i32 to vector<16xi32>
      %mul3A_2933 = arith.muli %iota3A, %mul3A_2932 : vector<16xi32>
      %add3A_2934 = vector.broadcast %add3A_2930 : i32 to vector<16xi32>
      %add3A_2935 = arith.addi %add3A_2934, %mul3A_2933 : vector<16xi32>
      %broadcast_in_dim3A_2936 = arith.constant 23 : i32
      %broadcast_in_dim3A_2937 = vector.broadcast %broadcast_in_dim3A_2936 : i32 to vector<16xi32>
      %gather3A_2938 = tpu.vector_load_idx %arg10[%add3A_2579, %and3A_42, %broadcast_in_dim3A_2937] : memref<32x8x32xf32, #tpu.memory_space<vmem>>[vector<16xi32>, vector<16xi32>, vector<16xi32>], vector<16xf32>,
      %gather3A_2939 = tpu.vector_load_idx %arg11[%add3A_2579, %and3A_45, %broadcast_in_dim3A_2937] : memref<32x8x32xf32, #tpu.memory_space<vmem>>[vector<16xi32>, vector<16xi32>, vector<16xi32>], vector<16xf32>,
      tpu.vector_store_idx %arg12[%add3A_2935], %gather3A_2938 : memref<16384xf32, #tpu.memory_space<vmem>>[vector<16xi32>], vector<16xf32>,
      tpu.vector_store_idx %arg13[%add3A_2935], %gather3A_2939 : memref<16384xf32, #tpu.memory_space<vmem>>[vector<16xi32>], vector<16xf32>,
      %add3A_2940 = arith.constant 16 : i32
      %add3A_2941 = arith.addi %mul3A_14, %add3A_2940 : i32
      %mul3A_2942 = arith.constant 32 : i32
      %mul3A_2943 = arith.muli %add3A_2941, %mul3A_2942 : i32
      %add3A_2944 = arith.constant 24 : i32
      %add3A_2945 = arith.addi %mul3A_2943, %add3A_2944 : i32
      %mul3A_2946 = arith.constant 32 : i32
      %mul3A_2947 = vector.broadcast %mul3A_2946 : i32 to vector<16xi32>
      %mul3A_2948 = arith.muli %iota3A, %mul3A_2947 : vector<16xi32>
      %add3A_2949 = vector.broadcast %add3A_2945 : i32 to vector<16xi32>
      %add3A_2950 = arith.addi %add3A_2949, %mul3A_2948 : vector<16xi32>
      %broadcast_in_dim3A_2951 = arith.constant 24 : i32
      %broadcast_in_dim3A_2952 = vector.broadcast %broadcast_in_dim3A_2951 : i32 to vector<16xi32>
      %gather3A_2953 = tpu.vector_load_idx %arg10[%add3A_2579, %and3A_42, %broadcast_in_dim3A_2952] : memref<32x8x32xf32, #tpu.memory_space<vmem>>[vector<16xi32>, vector<16xi32>, vector<16xi32>], vector<16xf32>,
      %gather3A_2954 = tpu.vector_load_idx %arg11[%add3A_2579, %and3A_45, %broadcast_in_dim3A_2952] : memref<32x8x32xf32, #tpu.memory_space<vmem>>[vector<16xi32>, vector<16xi32>, vector<16xi32>], vector<16xf32>,
      tpu.vector_store_idx %arg12[%add3A_2950], %gather3A_2953 : memref<16384xf32, #tpu.memory_space<vmem>>[vector<16xi32>], vector<16xf32>,
      tpu.vector_store_idx %arg13[%add3A_2950], %gather3A_2954 : memref<16384xf32, #tpu.memory_space<vmem>>[vector<16xi32>], vector<16xf32>,
      %add3A_2955 = arith.constant 16 : i32
      %add3A_2956 = arith.addi %mul3A_14, %add3A_2955 : i32
      %mul3A_2957 = arith.constant 32 : i32
      %mul3A_2958 = arith.muli %add3A_2956, %mul3A_2957 : i32
      %add3A_2959 = arith.constant 25 : i32
      %add3A_2960 = arith.addi %mul3A_2958, %add3A_2959 : i32
      %mul3A_2961 = arith.constant 32 : i32
      %mul3A_2962 = vector.broadcast %mul3A_2961 : i32 to vector<16xi32>
      %mul3A_2963 = arith.muli %iota3A, %mul3A_2962 : vector<16xi32>
      %add3A_2964 = vector.broadcast %add3A_2960 : i32 to vector<16xi32>
      %add3A_2965 = arith.addi %add3A_2964, %mul3A_2963 : vector<16xi32>
      %broadcast_in_dim3A_2966 = arith.constant 25 : i32
      %broadcast_in_dim3A_2967 = vector.broadcast %broadcast_in_dim3A_2966 : i32 to vector<16xi32>
      %gather3A_2968 = tpu.vector_load_idx %arg10[%add3A_2579, %and3A_42, %broadcast_in_dim3A_2967] : memref<32x8x32xf32, #tpu.memory_space<vmem>>[vector<16xi32>, vector<16xi32>, vector<16xi32>], vector<16xf32>,
      %gather3A_2969 = tpu.vector_load_idx %arg11[%add3A_2579, %and3A_45, %broadcast_in_dim3A_2967] : memref<32x8x32xf32, #tpu.memory_space<vmem>>[vector<16xi32>, vector<16xi32>, vector<16xi32>], vector<16xf32>,
      tpu.vector_store_idx %arg12[%add3A_2965], %gather3A_2968 : memref<16384xf32, #tpu.memory_space<vmem>>[vector<16xi32>], vector<16xf32>,
      tpu.vector_store_idx %arg13[%add3A_2965], %gather3A_2969 : memref<16384xf32, #tpu.memory_space<vmem>>[vector<16xi32>], vector<16xf32>,
      %add3A_2970 = arith.constant 16 : i32
      %add3A_2971 = arith.addi %mul3A_14, %add3A_2970 : i32
      %mul3A_2972 = arith.constant 32 : i32
      %mul3A_2973 = arith.muli %add3A_2971, %mul3A_2972 : i32
      %add3A_2974 = arith.constant 26 : i32
      %add3A_2975 = arith.addi %mul3A_2973, %add3A_2974 : i32
      %mul3A_2976 = arith.constant 32 : i32
      %mul3A_2977 = vector.broadcast %mul3A_2976 : i32 to vector<16xi32>
      %mul3A_2978 = arith.muli %iota3A, %mul3A_2977 : vector<16xi32>
      %add3A_2979 = vector.broadcast %add3A_2975 : i32 to vector<16xi32>
      %add3A_2980 = arith.addi %add3A_2979, %mul3A_2978 : vector<16xi32>
      %broadcast_in_dim3A_2981 = arith.constant 26 : i32
      %broadcast_in_dim3A_2982 = vector.broadcast %broadcast_in_dim3A_2981 : i32 to vector<16xi32>
      %gather3A_2983 = tpu.vector_load_idx %arg10[%add3A_2579, %and3A_42, %broadcast_in_dim3A_2982] : memref<32x8x32xf32, #tpu.memory_space<vmem>>[vector<16xi32>, vector<16xi32>, vector<16xi32>], vector<16xf32>,
      %gather3A_2984 = tpu.vector_load_idx %arg11[%add3A_2579, %and3A_45, %broadcast_in_dim3A_2982] : memref<32x8x32xf32, #tpu.memory_space<vmem>>[vector<16xi32>, vector<16xi32>, vector<16xi32>], vector<16xf32>,
      tpu.vector_store_idx %arg12[%add3A_2980], %gather3A_2983 : memref<16384xf32, #tpu.memory_space<vmem>>[vector<16xi32>], vector<16xf32>,
      tpu.vector_store_idx %arg13[%add3A_2980], %gather3A_2984 : memref<16384xf32, #tpu.memory_space<vmem>>[vector<16xi32>], vector<16xf32>,
      %add3A_2985 = arith.constant 16 : i32
      %add3A_2986 = arith.addi %mul3A_14, %add3A_2985 : i32
      %mul3A_2987 = arith.constant 32 : i32
      %mul3A_2988 = arith.muli %add3A_2986, %mul3A_2987 : i32
      %add3A_2989 = arith.constant 27 : i32
      %add3A_2990 = arith.addi %mul3A_2988, %add3A_2989 : i32
      %mul3A_2991 = arith.constant 32 : i32
      %mul3A_2992 = vector.broadcast %mul3A_2991 : i32 to vector<16xi32>
      %mul3A_2993 = arith.muli %iota3A, %mul3A_2992 : vector<16xi32>
      %add3A_2994 = vector.broadcast %add3A_2990 : i32 to vector<16xi32>
      %add3A_2995 = arith.addi %add3A_2994, %mul3A_2993 : vector<16xi32>
      %broadcast_in_dim3A_2996 = arith.constant 27 : i32
      %broadcast_in_dim3A_2997 = vector.broadcast %broadcast_in_dim3A_2996 : i32 to vector<16xi32>
      %gather3A_2998 = tpu.vector_load_idx %arg10[%add3A_2579, %and3A_42, %broadcast_in_dim3A_2997] : memref<32x8x32xf32, #tpu.memory_space<vmem>>[vector<16xi32>, vector<16xi32>, vector<16xi32>], vector<16xf32>,
      %gather3A_2999 = tpu.vector_load_idx %arg11[%add3A_2579, %and3A_45, %broadcast_in_dim3A_2997] : memref<32x8x32xf32, #tpu.memory_space<vmem>>[vector<16xi32>, vector<16xi32>, vector<16xi32>], vector<16xf32>,
      tpu.vector_store_idx %arg12[%add3A_2995], %gather3A_2998 : memref<16384xf32, #tpu.memory_space<vmem>>[vector<16xi32>], vector<16xf32>,
      tpu.vector_store_idx %arg13[%add3A_2995], %gather3A_2999 : memref<16384xf32, #tpu.memory_space<vmem>>[vector<16xi32>], vector<16xf32>,
      %add3A_3000 = arith.constant 16 : i32
      %add3A_3001 = arith.addi %mul3A_14, %add3A_3000 : i32
      %mul3A_3002 = arith.constant 32 : i32
      %mul3A_3003 = arith.muli %add3A_3001, %mul3A_3002 : i32
      %add3A_3004 = arith.constant 28 : i32
      %add3A_3005 = arith.addi %mul3A_3003, %add3A_3004 : i32
      %mul3A_3006 = arith.constant 32 : i32
      %mul3A_3007 = vector.broadcast %mul3A_3006 : i32 to vector<16xi32>
      %mul3A_3008 = arith.muli %iota3A, %mul3A_3007 : vector<16xi32>
      %add3A_3009 = vector.broadcast %add3A_3005 : i32 to vector<16xi32>
      %add3A_3010 = arith.addi %add3A_3009, %mul3A_3008 : vector<16xi32>
      %broadcast_in_dim3A_3011 = arith.constant 28 : i32
      %broadcast_in_dim3A_3012 = vector.broadcast %broadcast_in_dim3A_3011 : i32 to vector<16xi32>
      %gather3A_3013 = tpu.vector_load_idx %arg10[%add3A_2579, %and3A_42, %broadcast_in_dim3A_3012] : memref<32x8x32xf32, #tpu.memory_space<vmem>>[vector<16xi32>, vector<16xi32>, vector<16xi32>], vector<16xf32>,
      %gather3A_3014 = tpu.vector_load_idx %arg11[%add3A_2579, %and3A_45, %broadcast_in_dim3A_3012] : memref<32x8x32xf32, #tpu.memory_space<vmem>>[vector<16xi32>, vector<16xi32>, vector<16xi32>], vector<16xf32>,
      tpu.vector_store_idx %arg12[%add3A_3010], %gather3A_3013 : memref<16384xf32, #tpu.memory_space<vmem>>[vector<16xi32>], vector<16xf32>,
      tpu.vector_store_idx %arg13[%add3A_3010], %gather3A_3014 : memref<16384xf32, #tpu.memory_space<vmem>>[vector<16xi32>], vector<16xf32>,
      %add3A_3015 = arith.constant 16 : i32
      %add3A_3016 = arith.addi %mul3A_14, %add3A_3015 : i32
      %mul3A_3017 = arith.constant 32 : i32
      %mul3A_3018 = arith.muli %add3A_3016, %mul3A_3017 : i32
      %add3A_3019 = arith.constant 29 : i32
      %add3A_3020 = arith.addi %mul3A_3018, %add3A_3019 : i32
      %mul3A_3021 = arith.constant 32 : i32
      %mul3A_3022 = vector.broadcast %mul3A_3021 : i32 to vector<16xi32>
      %mul3A_3023 = arith.muli %iota3A, %mul3A_3022 : vector<16xi32>
      %add3A_3024 = vector.broadcast %add3A_3020 : i32 to vector<16xi32>
      %add3A_3025 = arith.addi %add3A_3024, %mul3A_3023 : vector<16xi32>
      %broadcast_in_dim3A_3026 = arith.constant 29 : i32
      %broadcast_in_dim3A_3027 = vector.broadcast %broadcast_in_dim3A_3026 : i32 to vector<16xi32>
      %gather3A_3028 = tpu.vector_load_idx %arg10[%add3A_2579, %and3A_42, %broadcast_in_dim3A_3027] : memref<32x8x32xf32, #tpu.memory_space<vmem>>[vector<16xi32>, vector<16xi32>, vector<16xi32>], vector<16xf32>,
      %gather3A_3029 = tpu.vector_load_idx %arg11[%add3A_2579, %and3A_45, %broadcast_in_dim3A_3027] : memref<32x8x32xf32, #tpu.memory_space<vmem>>[vector<16xi32>, vector<16xi32>, vector<16xi32>], vector<16xf32>,
      tpu.vector_store_idx %arg12[%add3A_3025], %gather3A_3028 : memref<16384xf32, #tpu.memory_space<vmem>>[vector<16xi32>], vector<16xf32>,
      tpu.vector_store_idx %arg13[%add3A_3025], %gather3A_3029 : memref<16384xf32, #tpu.memory_space<vmem>>[vector<16xi32>], vector<16xf32>,
      %add3A_3030 = arith.constant 16 : i32
      %add3A_3031 = arith.addi %mul3A_14, %add3A_3030 : i32
      %mul3A_3032 = arith.constant 32 : i32
      %mul3A_3033 = arith.muli %add3A_3031, %mul3A_3032 : i32
      %add3A_3034 = arith.constant 30 : i32
      %add3A_3035 = arith.addi %mul3A_3033, %add3A_3034 : i32
      %mul3A_3036 = arith.constant 32 : i32
      %mul3A_3037 = vector.broadcast %mul3A_3036 : i32 to vector<16xi32>
      %mul3A_3038 = arith.muli %iota3A, %mul3A_3037 : vector<16xi32>
      %add3A_3039 = vector.broadcast %add3A_3035 : i32 to vector<16xi32>
      %add3A_3040 = arith.addi %add3A_3039, %mul3A_3038 : vector<16xi32>
      %broadcast_in_dim3A_3041 = arith.constant 30 : i32
      %broadcast_in_dim3A_3042 = vector.broadcast %broadcast_in_dim3A_3041 : i32 to vector<16xi32>
      %gather3A_3043 = tpu.vector_load_idx %arg10[%add3A_2579, %and3A_42, %broadcast_in_dim3A_3042] : memref<32x8x32xf32, #tpu.memory_space<vmem>>[vector<16xi32>, vector<16xi32>, vector<16xi32>], vector<16xf32>,
      %gather3A_3044 = tpu.vector_load_idx %arg11[%add3A_2579, %and3A_45, %broadcast_in_dim3A_3042] : memref<32x8x32xf32, #tpu.memory_space<vmem>>[vector<16xi32>, vector<16xi32>, vector<16xi32>], vector<16xf32>,
      tpu.vector_store_idx %arg12[%add3A_3040], %gather3A_3043 : memref<16384xf32, #tpu.memory_space<vmem>>[vector<16xi32>], vector<16xf32>,
      tpu.vector_store_idx %arg13[%add3A_3040], %gather3A_3044 : memref<16384xf32, #tpu.memory_space<vmem>>[vector<16xi32>], vector<16xf32>,
      %add3A_3045 = arith.constant 16 : i32
      %add3A_3046 = arith.addi %mul3A_14, %add3A_3045 : i32
      %mul3A_3047 = arith.constant 32 : i32
      %mul3A_3048 = arith.muli %add3A_3046, %mul3A_3047 : i32
      %add3A_3049 = arith.constant 31 : i32
      %add3A_3050 = arith.addi %mul3A_3048, %add3A_3049 : i32
      %mul3A_3051 = arith.constant 32 : i32
      %mul3A_3052 = vector.broadcast %mul3A_3051 : i32 to vector<16xi32>
      %mul3A_3053 = arith.muli %iota3A, %mul3A_3052 : vector<16xi32>
      %add3A_3054 = vector.broadcast %add3A_3050 : i32 to vector<16xi32>
      %add3A_3055 = arith.addi %add3A_3054, %mul3A_3053 : vector<16xi32>
      %broadcast_in_dim3A_3056 = arith.constant 31 : i32
      %broadcast_in_dim3A_3057 = vector.broadcast %broadcast_in_dim3A_3056 : i32 to vector<16xi32>
      %gather3A_3058 = tpu.vector_load_idx %arg10[%add3A_2579, %and3A_42, %broadcast_in_dim3A_3057] : memref<32x8x32xf32, #tpu.memory_space<vmem>>[vector<16xi32>, vector<16xi32>, vector<16xi32>], vector<16xf32>,
      %gather3A_3059 = tpu.vector_load_idx %arg11[%add3A_2579, %and3A_45, %broadcast_in_dim3A_3057] : memref<32x8x32xf32, #tpu.memory_space<vmem>>[vector<16xi32>, vector<16xi32>, vector<16xi32>], vector<16xf32>,
      tpu.vector_store_idx %arg12[%add3A_3055], %gather3A_3058 : memref<16384xf32, #tpu.memory_space<vmem>>[vector<16xi32>], vector<16xf32>,
      tpu.vector_store_idx %arg13[%add3A_3055], %gather3A_3059 : memref<16384xf32, #tpu.memory_space<vmem>>[vector<16xi32>], vector<16xf32>,
    }
    %scan3A_7 = arith.constant 16 : i32
    %mul3A_8 = arith.constant 32 : i32
    %mul3A_9 = arith.muli %mul3A_2, %mul3A_8 : i32
    "tpu.region"() ({
      %run_scoped3A = tpu.sem_alloc : memref<!tpu.dma_semaphore, #tpu.memory_space<semaphore_mem>>
      %dma_start3A = tpu.memref_slice %arg6[%mul3A_9] : memref<524288xf32, #tpu.memory_space<hbm>> -> memref<16384xf32, #tpu.memory_space<hbm>>
      %dma_start3A_12 = tpu.memref_slice %arg6[%mul3A_9] : memref<524288xf32, #tpu.memory_space<hbm>> -> memref<16384xf32, #tpu.memory_space<hbm>>
      tpu.enqueue_dma source(%arg12 : memref<16384xf32, #tpu.memory_space<vmem>>) target(%dma_start3A_12 : memref<16384xf32, #tpu.memory_space<hbm>>) target_semaphore(%run_scoped3A : memref<!tpu.dma_semaphore, #tpu.memory_space<semaphore_mem>>)
      %dma_wait3A = tpu.memref_slice %arg6[%mul3A_9] : memref<524288xf32, #tpu.memory_space<hbm>> -> memref<16384xf32, #tpu.memory_space<hbm>>
      %dma_wait3A_13 = tpu.memref_slice %arg6[%mul3A_9] : memref<524288xf32, #tpu.memory_space<hbm>> -> memref<16384xf32, #tpu.memory_space<hbm>>
      tpu.wait_dma2 semaphore(%run_scoped3A : memref<!tpu.dma_semaphore, #tpu.memory_space<semaphore_mem>>) src(%arg12 : memref<16384xf32, #tpu.memory_space<vmem>>) dst(%dma_wait3A_13 : memref<16384xf32, #tpu.memory_space<hbm>>)
      tpu.yield
    }) : () -> ()
    %mul3A_10 = arith.constant 32 : i32
    %mul3A_11 = arith.muli %mul3A_2, %mul3A_10 : i32
    "tpu.region"() ({
      %run_scoped3A = tpu.sem_alloc : memref<!tpu.dma_semaphore, #tpu.memory_space<semaphore_mem>>
      %dma_start3A = tpu.memref_slice %arg7[%mul3A_11] : memref<524288xf32, #tpu.memory_space<hbm>> -> memref<16384xf32, #tpu.memory_space<hbm>>
      %dma_start3A_12 = tpu.memref_slice %arg7[%mul3A_11] : memref<524288xf32, #tpu.memory_space<hbm>> -> memref<16384xf32, #tpu.memory_space<hbm>>
      tpu.enqueue_dma source(%arg13 : memref<16384xf32, #tpu.memory_space<vmem>>) target(%dma_start3A_12 : memref<16384xf32, #tpu.memory_space<hbm>>) target_semaphore(%run_scoped3A : memref<!tpu.dma_semaphore, #tpu.memory_space<semaphore_mem>>)
      %dma_wait3A = tpu.memref_slice %arg7[%mul3A_11] : memref<524288xf32, #tpu.memory_space<hbm>> -> memref<16384xf32, #tpu.memory_space<hbm>>
      %dma_wait3A_13 = tpu.memref_slice %arg7[%mul3A_11] : memref<524288xf32, #tpu.memory_space<hbm>> -> memref<16384xf32, #tpu.memory_space<hbm>>
      tpu.wait_dma2 semaphore(%run_scoped3A : memref<!tpu.dma_semaphore, #tpu.memory_space<semaphore_mem>>) src(%arg13 : memref<16384xf32, #tpu.memory_space<vmem>>) dst(%dma_wait3A_13 : memref<16384xf32, #tpu.memory_space<hbm>>)
      tpu.yield
    }) : () -> ()
    return
  }
}

</mosaic_0001>

<sc_bundles>
// kernel: _sc_gather.3.cloned.1.call-start
scs
__scs_entry_jumppad:
0x0: {  	(pc) =	sbr.rel $0x88, $3  }
0x1: {  	(tag) =	ssettag $0x0;
	lr =	simm.s32 $0x1  }
0x2: {  	[smem:$0x3F9D] =	sst lr;
	_ =	strace $0xD0000000  }
0x3: {  	_ = 	snop  }
0x4: {  	_ = 	snop  }
0x5: {  	_ = 	snop  }
0x6: {  	_ = 	snop  }
0x7: {  	_ = 	snop  }
__scs_overlays_trampoline_lowered:
0x8: {  	[smem:$0x3FAC] =	sst s0  }
0x9: {  	[smem:$0x3FAD] =	sst s1  }
0xa: {  	[smem:$0x3FAE] =	sst s2  }
0xb: {  	[smem:$0x3FAF] =	sst s3  }
0xc: {  	[smem:$0x3FB0] =	sst s4  }
0xd: {  	[smem:$0x3FB1] =	sst s5  }
0xe: {  	[smem:$0x3FB2] =	sst s6  }
0xf: {  	[smem:$0x3FB3] =	sst s7  }
0x10: {  	[smem:$0x3FB4] =	sst s8  }
0x11: {  	[smem:$0x3FB5] =	sst s9;
	s0 =	simm.s32 @!p0 $0x0  }
0x12: {  	s1 =	sld [smem:$0x3F9B];
	s0 =	simm.s32 @p0 $0x1  }
0x13: {  	[smem:$0x3FB6] =	sst s0;
	s0 =	simm.s32 @!p1 $0x0  }
0x14: {  	s2 =	sld [smem:$0x3F9A];
	s0 =	simm.s32 @p1 $0x1  }
0x15: {  	[smem:$0x3FB7] =	sst s0;
	s0 =	simm.s32 @!p2 $0x0  }
0x16: {  	s3 =	sld [smem:$0x3FDB];
	s0 =	simm.s32 @p2 $0x1  }
0x17: {  	s4 =	simm.s32 $0x1BF5;
	[smem:$0x3FB9] =	sst s0  }
0x18: {  	s0 =	sld [smem:$0x3F9C];
	_ =	swait.ge [sflag:s4], $0x0  }
0x19: {  	s7 =	sld [smem:$0x3F9D]  }
0x1a: {  	s8 =	sadd.s32 $0xFFFFE003, lr  }
0x1b: {  	s9 =	sadd.s32 $0xFFFFFEF7, lr;
	s5 =	simm.s32 $0xFFFFFFFF;
	p2 =	slt.u32 s8, $0xFFFFF086  }
0x1c: {  	p1 =	slt.u32 s9, $0xF7A;
	s5 =	simm.s32 @!p2 $0x0  }
0x1d: {  	s5 =	simm.s32 @p1 $0x1;
	p0 =	seq.s32 s7, s2  }
0x1e: {  	s7 =	smul.u32 @!p0 $0xF7A, s2;
	p2 =	seq.s32 @!p0 s5, $0x0  }
0x1f: {  	s9 =	smul.u32 $0xF7A, s1;
	s8 =	simm.s32 @!p0 $0x1BF5;
	p2 =	por !p2, p0  }
0x20: {  	[sflag:s8] =	ssyncset.s32 @!p0 $0xFFFFF086;
	s6 =	sadd.s32 @!p0 s3, s7;
	s7 =	simm.s32 @!p0 $0x108  }
0x21: {  	s3 =	sadd.s32 s3, s9;
	s6 =	sadd.s32 @!p0 $0x88, s6;
	s7 =	simm.s32 @p2 $0x1082  }
0x22: {  	[simem:s7], [sflag:s8] =	dma.local @!p0 [hbm:s6], $0xF7A  }
0x23: {  	s9 =	sor.u32 $0xD0000000, s2;
	s6 =	simm.s32 $0x108;
	_ =	swait.ge @!p0 [sflag:s8], $0x0  }
0x24: {  	s3 =	sadd.s32 $0x88, s3;
	s6 =	simm.s32 @!p1 $0x1082;
	[sflag:s4] =	ssyncset.s32 $0xFFFFF086  }
0x25: {  	[simem:s6], [sflag:s4] =	dma.local [hbm:s3], $0xF7A  }
0x26: {  	[smem:$0x3F9D] =	sst s1;
	(tag) =	ssettag s2;
	_ =	strace s9  }
0x27: {  	s1 =	sld [smem:$0x3FAD]  }
0x28: {  	s2 =	sld [smem:$0x3FAE]  }
0x29: {  	s4 =	sld [smem:$0x3FB0]  }
0x2a: {  	p0 =	seq.s32 s5, $0x0;
	s5 =	sld [smem:$0x3FB1]  }
0x2b: {  	s6 =	sld [smem:$0x3FB2]  }
0x2c: {  	s7 =	sld [smem:$0x3FB3]  }
0x2d: {  	s3 =	simm.s32 $0x108;
	s8 =	sld [smem:$0x3FB4]  }
0x2e: {  	s3 =	simm.s32 @!p0 $0x1082;
	s9 =	sld [smem:$0x3FB5]  }
0x2f: {  	lr =	sadd.s32 s0, s3;
	s0 =	sld [smem:$0x3FAC]  }
0x30: {  	s3 =	sld [smem:$0x3FAF]  }
0x31: {  	[smem:$0x3FB8] =	sst s10  }
0x32: {  	s10 =	sld [smem:$0x3FB6];
	_ =	sdelay $0x3  }
0x33: {  	p0 =	seq.s32 s10, $0x1;
	s10 =	sld [smem:$0x3FB8];
	_ =	sdelay $0x3  }
0x34: {  	[smem:$0x3FB8] =	sst s10  }
0x35: {  	s10 =	sld [smem:$0x3FB7];
	_ =	sdelay $0x3  }
0x36: {  	p1 =	seq.s32 s10, $0x1;
	s10 =	sld [smem:$0x3FB8];
	_ =	sdelay $0x3  }
0x37: {  	[smem:$0x3FB8] =	sst s10  }
0x38: {  	s10 =	sld [smem:$0x3FB9]  }
0x39: {  	_ = 	snop;
	(pc) =	sbr.ind lr, $3  }
0x3a: {  	_ = 	snop  }
0x3b: {  	_ = 	snop  }
0x3c: {  	p2 =	seq.s32 s10, $0x1;
	s10 =	sld [smem:$0x3FB8]  }
0x3d: {  	_ =	shalt  }
0x3e: {  	_ =	shalt  }
0x3f: {  	_ =	shalt  }
0x40: {  	_ =	shalt  }
0x41: {  	_ =	shalt  }
0x42: {  	_ =	shalt  }
0x43: {  	_ =	shalt  }
0x44: {  	_ =	shalt  }
0x45: {  	_ =	shalt  }
0x46: {  	_ =	shalt  }
0x47: {  	_ =	shalt  }
0x48: {  	_ =	shalt  }
0x49: {  	_ =	shalt  }
0x4a: {  	_ =	shalt  }
0x4b: {  	_ =	shalt  }
0x4c: {  	_ =	shalt  }
0x4d: {  	_ =	shalt  }
0x4e: {  	_ =	shalt  }
0x4f: {  	_ =	shalt  }
0x50: {  	_ =	shalt  }
0x51: {  	_ =	shalt  }
0x52: {  	_ =	shalt  }
0x53: {  	_ =	shalt  }
0x54: {  	_ =	shalt  }
0x55: {  	_ =	shalt  }
0x56: {  	_ =	shalt  }
0x57: {  	_ =	shalt  }
0x58: {  	_ =	shalt  }
0x59: {  	_ =	shalt  }
0x5a: {  	_ =	shalt  }
0x5b: {  	_ =	shalt  }
0x5c: {  	_ =	shalt  }
0x5d: {  	_ =	shalt  }
0x5e: {  	_ =	shalt  }
0x5f: {  	_ =	shalt  }
0x60: {  	_ =	shalt  }
0x61: {  	_ =	shalt  }
0x62: {  	_ =	shalt  }
0x63: {  	_ =	shalt  }
0x64: {  	_ =	shalt  }
0x65: {  	_ =	shalt  }
0x66: {  	_ =	shalt  }
0x67: {  	_ =	shalt  }
0x68: {  	_ =	shalt  }
0x69: {  	_ =	shalt  }
0x6a: {  	_ =	shalt  }
0x6b: {  	_ =	shalt  }
0x6c: {  	_ =	shalt  }
0x6d: {  	_ =	shalt  }
0x6e: {  	_ =	shalt  }
0x6f: {  	_ =	shalt  }
0x70: {  	_ =	shalt  }
0x71: {  	_ =	shalt  }
0x72: {  	_ =	shalt  }
0x73: {  	_ =	shalt  }
0x74: {  	_ =	shalt  }
0x75: {  	_ =	shalt  }
0x76: {  	_ =	shalt  }
0x77: {  	_ =	shalt  }
0x78: {  	_ =	shalt  }
0x79: {  	_ =	shalt  }
0x7a: {  	_ =	shalt  }
0x7b: {  	_ =	shalt  }
0x7c: {  	_ =	shalt  }
0x7d: {  	_ =	shalt  }
0x7e: {  	_ =	shalt  }
0x7f: {  	_ =	shalt  }
0x80: {  	_ =	shalt  }
0x81: {  	_ =	shalt  }
0x82: {  	_ =	shalt  }
0x83: {  	_ =	shalt  }
0x84: {  	_ =	shalt  }
0x85: {  	_ =	shalt  }
0x86: {  	_ =	shalt  }
0x87: {  	_ =	shalt  }
.Lfunc_end0:
.L_simem_size_0:
called_computation_lowered:
.L_overlay_start_0:
0x88: {  	s2 =	sld [smem:$0x3FD9]  }
0x89: {  	s3 =	sld [smem:$0x3FFE];
	_ =	sdelay $0x1  }
0x8a: {  	s1 =	srdreg.scid  }
0x8b: {  	s0 =	sand.u32 $0x1, s1  }
0x8c: {  	s14 =	sshll.u32 s0, $0xA;
	s2 =	sadd.s32 s3, s2  }
0x8d: {  	s2 =	sadd.s32 s2, s14  }
0x8e: {  	[smem:$0x3FC4] =	sst s2  }
0x8f: {  	_ = 	snop  }
0x90: {  	s2 =	sld [smem:$0x3FD0];
	_ =	sdelay $0x1  }
0x91: {  	s15 =	sld [smem:$0x3FC7]  }
0x92: {  	s5 =	simm.s32 $0xA;
	s6 =	simm.s32 $0x10;
	s4 =	sld [smem:$0x3FC6]  }
0x93: {  	[smem:s6], [sflag:s5] =	dma.local [hbm:s2], $0x1  }
0x94: {  	_ =	swait.eq [sflag:s5], $0x1  }
0x95: {  	[sflag:s5] =	ssyncset.done $0x0  }
0x96: {  	s16 =	sld [smem:$0x10];
	[sflag:s5] =	ssyncadd.s32 $0xFFFFFFFF  }
0x97: {  	s17 =	sld [smem:$0x11];
	(tm) =	ssettm $0x1  }
0x98: {  	s18 =	sld [smem:$0x3FFB];
	_ =	sdelay $0x3  }
0x99: {  	_ =	strace s18  }
0x9a: {  	s6 =	sld [smem:$0x3FFC];
	_ =	sdelay $0x3  }
0x9b: {  	_ =	strace s6  }
0x9c: {  	s6 =	sld [smem:$0x3FFD];
	_ =	sdelay $0x3  }
0x9d: {  	_ =	strace s6  }
0x9e: {  	_ =	strace $0x8FFFFFFF  }
0x9f: {  	s19 =	sld [smem:$0x3FDB];
	_ =	sdelay $0x1  }
0xa0: {  	s7 =	simm.s32 $_scs_section_size  }
0xa1: {  	s8 =	simm.s32 $_size__tile_overlayer_lowered;
	s9 =	simm.s32 $_tile_overlayer_lowered  }
0xa2: {  	s22 =	simm.s32 $0x1BFF;
	s21 =	sshll.u32 s9, $0x1;
	s6 =	sadd.s32 s7, s19  }
0xa3: {  	s10 =	simm.s32 $0x0;
	s20 =	sshll.u32 s8, $0x1;
	s8 =	sadd.s32 s21, s6  }
0xa4: {  	[timem:s10], [sflag:s22] =	dma.local [hbm:s8], s20  }
0xa5: {  	_ =	swait.ge [sflag:s22], s20  }
0xa6: {  	s7 =	ssub.s32 $0x0, s20;
	[sflag:s22] =	ssyncset.done $0x0  }
0xa7: {  	[sflag:s22] =	ssyncadd.s32 s7;
	_ =	sdelay $0x1  }
0xa8: {  	s23 =	simm.s32 $0x1B8B  }
0xa9: {  	_ =	swait.ge [sflag:s23], $0x1  }
0xaa: {  	[sflag:s23] =	ssyncset.done $0x0  }
0xab: {  	s25 =	simm.s32 $0x1B8E;
	s24 =	sld [smem:$0x3FFE];
	[sflag:s23] =	ssyncadd.s32 $0xFFFFFFFF  }
0xac: {  	s26 =	simm.s32 $execute0_lowered;
	[smem:$0x3FD2] =	sst s25  }
0xad: {  	s8 =	sshll.u32 s26, $0x1;
	_ =	strace $0x80000046;
	[dreg:$0x1] =	wrdreg $0xFFFFFFFF  }
0xae: {  	s28 =	simm.s32 $_size_execute0_lowered;
	s6 =	sadd.s32 s6, s8;
	[dreg:$0x0] =	wrdreg $0x0  }
0xaf: {  	s8 =	sshll.u32 s28, $0x1;
	[dreg:$0x2] =	wrdreg s6  }
0xb0: {  	[dreg:$0x3] =	wrdreg s8  }
0xb1: {  	[dreg:$0x4] =	wrdreg $0xC0  }
0xb2: {  	_ =	task [dreg:s10], $0x5FFFF  }
0xb3: {  	[dreg:$0x1] =	wrdreg $0xFFFFFFFF  }
0xb4: {  	[dreg:$0x0] =	wrdreg $0x60  }
0xb5: {  	[dreg:$0x2] =	wrdreg s24  }
0xb6: {  	[dreg:$0x3] =	wrdreg s15  }
0xb7: {  	[dreg:$0x4] =	wrdreg s4  }
0xb8: {  	[dreg:$0x5] =	wrdreg s16  }
0xb9: {  	[dreg:$0x6] =	wrdreg s17  }
0xba: {  	[dreg:$0x7] =	wrdreg $0x9  }
0xbb: {  	_ =	task.clear_ibuf [dreg:s10], $0x8FFFF;
	_ =	strace $0x90000046  }
0xbc: {  	s29 =	simm.s32 $0x9;
	_ =	strace $0x80000048  }
0xbd: {  	_ =	swait.ge [sflag:s29], $0x1  }
0xbe: {  	[sflag:s29] =	ssyncadd.s32 $0xFFFFFFFF  }
0xbf: {  	_ =	strace $0x90000048  }
0xc0: {  	_ =	sfence  }
0xc1: {  	s30 =	sld [smem:$0x0];
	_ =	sdelay $0x2  }
0xc2: {  	s31 =	sshll.u32 s1, $0xD;
	s1 =	sshrl.u32 s1, $0x2  }
0xc3: {  	s3 =	sand.u32 $0x4000, s31;
	s1 =	sadd.s32 s1, s30  }
0xc4: {  	s0 =	sor.u32 s3, s0;
	s1 =	sshll.u32 s1, $0x11  }
0xc5: {  	s0 =	sor.u32 s1, s0  }
0xc6: {  	s0 =	sadd.s32 $0x8F2B, s0  }
0xc7: {  	[sflag:s0] =	ssyncadd.remote.s32 $0x1  }
0xc8: {  	_ =	sfence.sel $0xFFFF  }
0xc9: {  	[dreg:$0x0] =	wrdreg $0xFFFFFFFF;
	(pc) =	sbr.abs _section_cstart, $3  }
0xca: {  	[dreg:$0x1] =	wrdreg $0xFFFFFFFF  }
0xcb: {  	_ =	task.clear_ibuf [dreg:s10], $0x2FFFF;
	_ =	strace $0x9FFFFFFF  }
0xcc: {  	(tm) =	ssettm $0x7FFFFFFF  }
0xcd: {  	_ =	shalt  }
tec
execute0_lowered:
.L_overlay_start_1:
0x0: {  	(tag) =	ssettag $0x1  }
0x1: {  	s3 =	rddreg [dreg:$0x0]  }
0x2: {  	s5 =	rddreg [dreg:$0x1]  }
0x3: {  	s6 =	rddreg [dreg:$0x2]  }
0x4: {  	s7 =	rddreg [dreg:$0x3]  }
0x5: {  	s8 =	rddreg [dreg:$0x4]  }
0x6: {  	s0 =	rddreg [dreg:$0x5];
	s1 =	simm.s32 $0x0  }
0x7: {  	s2 =	simm.s32 $0x800;
	[smem:$0x7FF] =	sst s1  }
0x8: {  	s19 =	simm.s32 $0x8800;
	_ =	strace $0x80000047;
	[dreg:$0x6] =	wrdreg s2  }
0x9: {  	s20 =	simm.s32 $0xC00;
	[dreg:$0x7] =	wrdreg s19  }
0xa: {  	s21 =	simm.s32 $0x8C00;
	[dreg:$0x8] =	wrdreg s20  }
0xb: {  	s22 =	simm.s32 $0x1000;
	[dreg:$0x9] =	wrdreg s21  }
0xc: {  	s23 =	simm.s32 $0x9000;
	[dreg:$0xa] =	wrdreg s22  }
0xd: {  	s24 =	simm.s32 $0x1400;
	[dreg:$0xb] =	wrdreg s23  }
0xe: {  	s25 =	simm.s32 $0x9400;
	[dreg:$0xc] =	wrdreg s24  }
0xf: {  	s26 =	simm.s32 $0x1800;
	[dreg:$0xd] =	wrdreg s25  }
0x10: {  	s28 =	simm.s32 $0x9800;
	[dreg:$0xe] =	wrdreg s26  }
0x11: {  	s29 =	simm.s32 $0x1C00;
	[dreg:$0xf] =	wrdreg s28  }
0x12: {  	s30 =	simm.s32 $0x9C00;
	[dreg:$0x10] =	wrdreg s29  }
0x13: {  	s31 =	simm.s32 $0x2000;
	[dreg:$0x11] =	wrdreg s30  }
0x14: {  	s4 =	simm.s32 $0xA000;
	[dreg:$0x12] =	wrdreg s31  }
0x15: {  	s9 =	simm.s32 $0x2400;
	[dreg:$0x13] =	wrdreg s4  }
0x16: {  	s10 =	simm.s32 $0xA400;
	[dreg:$0x14] =	wrdreg s9  }
0x17: {  	s11 =	simm.s32 $0x2800;
	[dreg:$0x15] =	wrdreg s10  }
0x18: {  	s12 =	simm.s32 $0xA800;
	[dreg:$0x16] =	wrdreg s11  }
0x19: {  	s13 =	simm.s32 $0x2C00;
	[dreg:$0x17] =	wrdreg s12  }
0x1a: {  	s14 =	simm.s32 $0xAC00;
	[dreg:$0x18] =	wrdreg s13  }
0x1b: {  	s15 =	simm.s32 $0x3000;
	[dreg:$0x19] =	wrdreg s14  }
0x1c: {  	s16 =	simm.s32 $0xB000;
	[dreg:$0x1a] =	wrdreg s15  }
0x1d: {  	s17 =	simm.s32 $0x3400;
	[dreg:$0x1b] =	wrdreg s16  }
0x1e: {  	s18 =	simm.s32 $0xB400;
	[dreg:$0x1c] =	wrdreg s17  }
0x1f: {  	[dreg:$0x1d] =	wrdreg s18;
	s19 =	simm.s32 $0x3800  }
0x20: {  	s20 =	simm.s32 $0xB800;
	[dreg:$0x1e] =	wrdreg s19  }
0x21: {  	s21 =	simm.s32 $0x3C00;
	[dreg:$0x1f] =	wrdreg s20  }
0x22: {  	s22 =	simm.s32 $0xBC00;
	[smem:$0x7DA] =	sst s21  }
0x23: {  	s23 =	simm.s32 $0x4000;
	[smem:$0x7DB] =	sst s22  }
0x24: {  	s24 =	simm.s32 $0xC000;
	[smem:$0x7DC] =	sst s23  }
0x25: {  	s25 =	simm.s32 $0x4400;
	[smem:$0x7DD] =	sst s24  }
0x26: {  	s26 =	simm.s32 $0xC400;
	[smem:$0x7DE] =	sst s25  }
0x27: {  	s28 =	simm.s32 $0x4800;
	[smem:$0x7DF] =	sst s26  }
0x28: {  	s29 =	simm.s32 $0xC800;
	[smem:$0x7E0] =	sst s28  }
0x29: {  	v1 =	vlaneseq.u32;
	s30 =	simm.s32 $0x4C00;
	[smem:$0x7E1] =	sst s29  }
0x2a: {  	v0 =	vmul.u32 $0x400, v1;
	s31 =	simm.s32 $0xCC00;
	[smem:$0x7E2] =	sst s30  }
0x2b: {  	s4 =	simm.s32 $0x5000;
	[smem:$0x7E3] =	sst s31  }
0x2c: {  	s9 =	simm.s32 $0xD000;
	[smem:$0x7E4] =	sst s4;
	v2 =	vor.u32 $0x2, v0  }
0x2d: {  	s10 =	simm.s32 $0x5400;
	[smem:$0x7E5] =	sst s9;
	[tilespmem:$0x1FE30] =	vst v2;
	v2 =	vor.u32 $0x3, v0  }
0x2e: {  	s11 =	simm.s32 $0xD400;
	[smem:$0x7E6] =	sst s10;
	[tilespmem:$0x1FE40] =	vst v2;
	v2 =	vor.u32 $0x4, v0  }
0x2f: {  	s12 =	simm.s32 $0xD800;
	[smem:$0x7E7] =	sst s11;
	[tilespmem:$0x1FE50] =	vst v2;
	v2 =	vor.u32 $0x5, v0  }
0x30: {  	s13 =	simm.s32 $0x5C00;
	[smem:$0x7E9] =	sst s12;
	[tilespmem:$0x1FE60] =	vst v2;
	v2 =	vor.u32 $0x6, v0  }
0x31: {  	s14 =	simm.s32 $0x6000;
	[smem:$0x7EA] =	sst s13;
	[tilespmem:$0x1FE70] =	vst v2;
	v2 =	vor.u32 $0x7, v0  }
0x32: {  	s15 =	simm.s32 $0xE000;
	[smem:$0x7EC] =	sst s14;
	[tilespmem:$0x1FE80] =	vst v2;
	v2 =	vor.u32 $0x8, v0  }
0x33: {  	s16 =	simm.s32 $0x6400;
	[smem:$0x7ED] =	sst s15;
	[tilespmem:$0x1FE90] =	vst v2;
	v2 =	vor.u32 $0x9, v0  }
0x34: {  	s17 =	simm.s32 $0xE400;
	[smem:$0x7EE] =	sst s16;
	[tilespmem:$0x1FEA0] =	vst v2;
	v2 =	vor.u32 $0xA, v0  }
0x35: {  	s18 =	simm.s32 $0x6800;
	[smem:$0x7EF] =	sst s17;
	[tilespmem:$0x1FEB0] =	vst v2;
	v2 =	vor.u32 $0xB, v0  }
0x36: {  	s2 =	sadd.s32 $0x600, s3;
	s4 =	simm.s32 $0x5800;
	[smem:$0x7F0] =	sst s18;
	[tilespmem:$0x1FEC0] =	vst v2;
	v2 =	vor.u32 $0xC, v0  }
0x37: {  	s3 =	sadd.s32 $0xF42A00, s3;
	s10 =	simm.s32 $0xDC00;
	[smem:$0x7E8] =	sst s4;
	[tilespmem:$0x1FED0] =	vst v2;
	v2 =	vor.u32 $0xD, v0  }
0x38: {  	v1 =	vmul.u32 $0x20, v1;
	s20 =	simm.s32 $0xE800;
	s21 =	simm.s32 $0x6C00;
	[smem:$0x7EB] =	sst s10;
	[tilespmem:$0x1FEE0] =	vst v2;
	v2 =	vor.u32 $0xE, v0  }
0x39: {  	s22 =	simm.s32 $0xEC00;
	s23 =	simm.s32 $0x7000;
	v10 =	vor.u32 $0x1F, v0;
	[smem:$0x7F1] =	sst s20;
	[tilespmem:$0x1FEF0] =	vst v2;
	v2 =	vor.u32 $0xF, v0  }
0x3a: {  	s24 =	simm.s32 $0xF000;
	v40 =	vor.u32 $0x4000, v0;
	v41 =	vor.u32 $0x4001, v0;
	[smem:$0x7F2] =	sst s21;
	[tilespmem:$0x1FF00] =	vst v2;
	v2 =	vor.u32 $0x10, v0  }
0x3b: {  	s25 =	simm.s32 $0x7400;
	v42 =	vor.u32 $0x4002, v0;
	v43 =	vor.u32 $0x4003, v0;
	[smem:$0x7F3] =	sst s22;
	[tilespmem:$0x1FF10] =	vst v2;
	v2 =	vor.u32 $0x11, v0  }
0x3c: {  	s26 =	simm.s32 $0xF400;
	v44 =	vor.u32 $0x4004, v0;
	v45 =	vor.u32 $0x4005, v0;
	[smem:$0x7F4] =	sst s23;
	[tilespmem:$0x1FF20] =	vst v2;
	v2 =	vor.u32 $0x12, v0  }
0x3d: {  	s9 =	srdreg.scid;
	s28 =	simm.s32 $0x7800;
	v46 =	vor.u32 $0x4006, v0;
	v47 =	vor.u32 $0x4007, v0;
	[smem:$0x7F5] =	sst s24;
	[tilespmem:$0x1FF30] =	vst v2;
	v2 =	vor.u32 $0x13, v0  }
0x3e: {  	v48 =	vor.u32 $0x4008, v0;
	s29 =	simm.s32 $0xF800;
	s30 =	simm.s32 $0x7C00;
	[smem:$0x7F6] =	sst s25;
	[tilespmem:$0x1FF40] =	vst v2;
	v2 =	vor.u32 $0x14, v0  }
0x3f: {  	v49 =	vor.u32 $0x4009, v0;
	s13 =	simm.s32 $0xFC00;
	s14 =	simm.s32 $0x8000;
	[smem:$0x7F7] =	sst s26;
	[tilespmem:$0x1FF50] =	vst v2;
	v2 =	vor.u32 $0x15, v0  }
0x40: {  	v50 =	vor.u32 $0x400A, v0;
	v51 =	vor.u32 $0x400B, v0;
	s31 =	simm.s32 $0x10000;
	s15 =	simm.s32 $0x2;
	[smem:$0x7F8] =	sst s28;
	[tilespmem:$0x1FF60] =	vst v2;
	v2 =	vor.u32 $0x16, v0  }
0x41: {  	v9 =	vor.u32 $0x1, v0;
	v52 =	vor.u32 $0x400C, v0;
	s16 =	simm.s32 $0x10400;
	s17 =	simm.s32 $0x14400;
	[smem:$0x7F9] =	sst s29;
	[tilespmem:$0x1FF70] =	vst v2;
	v2 =	vor.u32 $0x17, v0  }
0x42: {  	v53 =	vor.u32 $0x400D, v0;
	v54 =	vor.u32 $0x400E, v0;
	s18 =	simm.s32 $0x0;
	s4 =	stileid.u32;
	[smem:$0x7FA] =	sst s30;
	[tilespmem:$0x1FF80] =	vst v2;
	v2 =	vor.u32 $0x18, v0  }
0x43: {  	v55 =	vor.u32 $0x400F, v0;
	v56 =	vor.u32 $0x4010, v0;
	s9 =	sand.u32 $0x1, s9;
	s10 =	simm.s32 $0x3;
	[smem:$0x7FB] =	sst s13;
	[tilespmem:$0x1FF90] =	vst v2;
	v2 =	vor.u32 $0x19, v0  }
0x44: {  	v57 =	vor.u32 $0x4011, v0;
	v58 =	vor.u32 $0x4012, v0;
	s13 =	simm.s32 $0x8400;
	s11 =	ssub.s32 $0x2, s9;
	s19 =	sshll.u32 s4, $0x1;
	[tilespmem:$0x1FFA0] =	vst v2;
	v2 =	vor.u32 $0x1A, v0  }
0x45: {  	v59 =	vor.u32 $0x4013, v0;
	v60 =	vor.u32 $0x4014, v0;
	[smem:$0x7FC] =	sst s14;
	s12 =	sshrl.u32 s11, $0x1;
	s9 =	sor.u32 s9, s19;
	[tilespmem:$0x1FFB0] =	vst v2;
	v2 =	vor.u32 $0x1B, v0  }
0x46: {  	v61 =	vor.u32 $0x4015, v0;
	v62 =	vor.u32 $0x4016, v0;
	[smem:$0x7FD] =	sst s31;
	s11 =	ssub.s32 s11, s12;
	s12 =	sshll.u32 s9, $0x6;
	[tilespmem:$0x1FFC0] =	vst v2;
	v2 =	vor.u32 $0x1C, v0  }
0x47: {  	v11 =	vor.u32 $0x4017, v0;
	v12 =	vor.u32 $0x4018, v0;
	s14 =	simm.s32 $0x1;
	s9 =	sshll.u32 s9, $0xB;
	s5 =	sadd.s32 s5, s12;
	[tilespmem:$0x1FFD0] =	vst v2;
	v2 =	vor.u32 $0x1D, v0  }
0x48: {  	v13 =	vor.u32 $0x4019, v0;
	v14 =	vor.u32 $0x401A, v0;
	s6 =	sadd.s32 s6, s12;
	s7 =	sadd.s32 s7, s9;
	s8 =	sadd.s32 s8, s9;
	[tilespmem:$0x1FFE0] =	vst v2;
	v2 =	vor.u32 $0x1E, v0  }
0x49: {  	v15 =	vor.u32 $0x401B, v0;
	v16 =	vor.u32 $0x401C, v0;
	v18 =	vor.u32 $0x401D, v0;
	s9 =	smax.u32 s11, $0x1;
	s11 =	simm.s32 $0x200;
	s12 =	simm.s32 $0x400;
	[tilespmem:$0x1FFF0] =	vst v2  }
.LBB2_1:
0x4a: {  	[tilespmem:s1], [sflag:$0x3] =	stream.linear.gather [hbm4b:s5+s1], $0x200, $0x38;
	[tilespmem:$0x18400] =	vst v63  }
0x4b: {  	_ =	swait.ge [sflag:s10], $0x200  }
0x4c: {  	[sflag:s10] =	ssyncset.done $0x0  }
0x4d: {  	[sflag:s10] =	ssyncadd.s32 $0xFFFFFE00  }
0x4e: {  	[tilespmem:s11], [sflag:$0x3] =	stream.linear.gather [hbm4b:s6+s1], $0x200, $0x38;
	[tilespmem:$0x18400] =	vst v63  }
0x4f: {  	_ =	swait.ge [sflag:s10], $0x200  }
0x50: {  	v19 =	vld [tilespmem:$0x1FEB0]  }
0x51: {  	v20 =	vld [tilespmem:$0x1FEC0]  }
0x52: {  	v21 =	vld [tilespmem:$0x1FED0]  }
0x53: {  	v22 =	vld [tilespmem:$0x1FEE0]  }
0x54: {  	v23 =	vld [tilespmem:$0x1FEF0]  }
0x55: {  	v24 =	vld [tilespmem:$0x1FF00]  }
0x56: {  	v25 =	vld [tilespmem:$0x1FF10]  }
0x57: {  	v26 =	vld [tilespmem:$0x1FF20]  }
0x58: {  	v27 =	vld [tilespmem:$0x1FF30]  }
0x59: {  	v28 =	vld [tilespmem:$0x1FF40]  }
0x5a: {  	v29 =	vld [tilespmem:$0x1FF50]  }
0x5b: {  	v30 =	vld [tilespmem:$0x1FF60]  }
0x5c: {  	v31 =	vld [tilespmem:$0x1FF70]  }
0x5d: {  	v32 =	vld [tilespmem:$0x1FF80]  }
0x5e: {  	v33 =	vld [tilespmem:$0x1FF90]  }
0x5f: {  	v34 =	vld [tilespmem:$0x1FFA0]  }
0x60: {  	v35 =	vld [tilespmem:$0x1FFB0]  }
0x61: {  	v36 =	vld [tilespmem:$0x1FFC0]  }
0x62: {  	v37 =	vld [tilespmem:$0x1FFD0]  }
0x63: {  	s19 =	simm.s32 $0x10;
	[sflag:s10] =	ssyncset.done $0x0;
	v38 =	vld [tilespmem:$0x1FFE0]  }
0x64: {  	s20 =	simm.s32 $0x210;
	s21 =	simm.s32 $0x0;
	v39 =	vld [tilespmem:$0x1FFF0];
	[sflag:s10] =	ssyncadd.s32 $0xFFFFFE00  }
.LBB2_2:
0x65: {  	v4 =	vld [tilespmem:s19+$0xFFFFFFF0];
	_ =	sdelay $0x3  }
0x66: {  	v3 =	vld [tilespmem:s20+$0xFFFFFFF0]  }
0x67: {  	v2 =	vshrl.u32 v4, $0x3  }
0x68: {  	v6 =	vshll.u32 v2, $0x7  }
0x69: {  	(v2sf) =	vpush v6, $0x0;
	_ =	sdelay $0x1  }
0x6a: {  	v2 =	vshrl.u32 v3, $0x3  }
0x6b: {  	v5 =	vshll.u32 v2, $0x7  }
0x6c: {  	(v2sf) =	vpush v5, $0x0;
	_ =	sdelay $0x2  }
0x6d: {  	(v2sf) =	vpush v6, $0x1;
	_ =	sdelay $0x5  }
0x6e: {  	(v2sf) =	vpush v5, $0x1;
	_ =	sdelay $0x1  }
0x6f: {  	s22 =	spop (v2sf);
	(v2sf) =	vpush v6, $0x2;
	_ =	sdelay $0x3  }
0x70: {  	s28 =	spop (v2sf);
	(v2sf) =	vpush v5, $0x2;
	_ =	sdelay $0x1  }
0x71: {  	s22 =	sand.u32 $0x1FFFFF80, s22  }
0x72: {  	v63 =	vld [tilespmem:s19+$0x0];
	s22 =	sadd.s32 s2, s22;
	s29 =	spop (v2sf);
	(v2sf) =	vpush v6, $0x3  }
0x73: {  	v2 =	vld [tilespmem:s20+$0x0];
	[tilespmem:s12], [sflag:$0x1] =	stream.linear.gather [hbm4b:s22+s1], $0x400, $0x38  }
0x74: {  	s22 =	sand.u32 $0x1FFFFF80, s28  }
0x75: {  	s22 =	sadd.s32 s3, s22  }
0x76: {  	[tilespmem:s13], [sflag:$0x2] =	stream.linear.gather [hbm4b:s22+s1], $0x400, $0x38;
	[tilespmem:$0x18400] =	vst v63  }
0x77: {  	s22 =	sand.u32 $0x1FFFFF80, s29  }
0x78: {  	s23 =	rddreg [dreg:$0x6];
	s30 =	spop (v2sf);
	(v2sf) =	vpush v5, $0x3;
	s22 =	sadd.s32 s2, s22  }
0x79: {  	[tilespmem:s23], [sflag:$0x1] =	stream.linear.gather [hbm4b:s22+s1], $0x400, $0x38;
	[tilespmem:$0x18400] =	vst v63  }
0x7a: {  	s23 =	spop (v2sf);
	(v2sf) =	vpush v6, $0x4;
	_ =	sdelay $0x3  }
0x7b: {  	s25 =	spop (v2sf);
	(v2sf) =	vpush v5, $0x4;
	_ =	sdelay $0x2  }
0x7c: {  	s28 =	spop (v2sf);
	(v2sf) =	vpush v6, $0x5;
	_ =	sdelay $0x4  }
0x7d: {  	s22 =	sand.u32 $0x1FFFFF80, s30  }
0x7e: {  	s31 =	rddreg [dreg:$0x7];
	s22 =	sadd.s32 s3, s22;
	s30 =	spop (v2sf);
	(v2sf) =	vpush v5, $0x5  }
0x7f: {  	[tilespmem:s31], [sflag:$0x2] =	stream.linear.gather [hbm4b:s22+s1], $0x400, $0x38;
	[tilespmem:$0x18400] =	vst v63  }
0x80: {  	s22 =	sand.u32 $0x1FFFFF80, s23;
	s23 =	spop (v2sf);
	(v2sf) =	vpush v6, $0x6;
	_ =	sdelay $0x1  }
0x81: {  	s24 =	rddreg [dreg:$0x8];
	s22 =	sadd.s32 s2, s22  }
0x82: {  	[tilespmem:s24], [sflag:$0x1] =	stream.linear.gather [hbm4b:s22+s1], $0x400, $0x38;
	[tilespmem:$0x18400] =	vst v63  }
0x83: {  	s22 =	sand.u32 $0x1FFFFF80, s25;
	s25 =	spop (v2sf);
	(v2sf) =	vpush v5, $0x6  }
0x84: {  	s26 =	rddreg [dreg:$0x9];
	s22 =	sadd.s32 s3, s22  }
0x85: {  	[tilespmem:s26], [sflag:$0x2] =	stream.linear.gather [hbm4b:s22+s1], $0x400, $0x38;
	[tilespmem:$0x18400] =	vst v63  }
0x86: {  	s22 =	sand.u32 $0x1FFFFF80, s28;
	s28 =	spop (v2sf);
	(v2sf) =	vpush v6, $0x7;
	_ =	sdelay $0x2  }
0x87: {  	s29 =	rddreg [dreg:$0xa];
	s22 =	sadd.s32 s2, s22  }
0x88: {  	[tilespmem:s29], [sflag:$0x1] =	stream.linear.gather [hbm4b:s22+s1], $0x400, $0x38;
	[tilespmem:$0x18400] =	vst v63  }
0x89: {  	s22 =	sand.u32 $0x1FFFFF80, s30  }
0x8a: {  	s31 =	rddreg [dreg:$0xb];
	s22 =	sadd.s32 s3, s22;
	s30 =	spop (v2sf);
	(v2sf) =	vpush v5, $0x7  }
0x8b: {  	[tilespmem:s31], [sflag:$0x2] =	stream.linear.gather [hbm4b:s22+s1], $0x400, $0x38;
	[tilespmem:$0x18400] =	vst v63  }
0x8c: {  	s22 =	sand.u32 $0x1FFFFF80, s23;
	s23 =	spop (v2sf);
	(v2sf) =	vpush v6, $0x8;
	_ =	sdelay $0x1  }
0x8d: {  	s24 =	rddreg [dreg:$0xc];
	s22 =	sadd.s32 s2, s22  }
0x8e: {  	[tilespmem:s24], [sflag:$0x1] =	stream.linear.gather [hbm4b:s22+s1], $0x400, $0x38;
	[tilespmem:$0x18400] =	vst v63  }
0x8f: {  	s22 =	sand.u32 $0x1FFFFF80, s25;
	s25 =	spop (v2sf);
	(v2sf) =	vpush v5, $0x8  }
0x90: {  	s26 =	rddreg [dreg:$0xd];
	s22 =	sadd.s32 s3, s22  }
0x91: {  	[tilespmem:s26], [sflag:$0x2] =	stream.linear.gather [hbm4b:s22+s1], $0x400, $0x38;
	[tilespmem:$0x18400] =	vst v63  }
0x92: {  	s22 =	sand.u32 $0x1FFFFF80, s28;
	s28 =	spop (v2sf);
	(v2sf) =	vpush v6, $0x9;
	_ =	sdelay $0x2  }
0x93: {  	s29 =	rddreg [dreg:$0xe];
	s22 =	sadd.s32 s2, s22  }
0x94: {  	[tilespmem:s29], [sflag:$0x1] =	stream.linear.gather [hbm4b:s22+s1], $0x400, $0x38;
	[tilespmem:$0x18400] =	vst v63  }
0x95: {  	s22 =	sand.u32 $0x1FFFFF80, s30  }
0x96: {  	s31 =	rddreg [dreg:$0xf];
	s22 =	sadd.s32 s3, s22;
	s30 =	spop (v2sf);
	(v2sf) =	vpush v5, $0x9  }
0x97: {  	[tilespmem:s31], [sflag:$0x2] =	stream.linear.gather [hbm4b:s22+s1], $0x400, $0x38;
	[tilespmem:$0x18400] =	vst v63  }
0x98: {  	s22 =	sand.u32 $0x1FFFFF80, s23;
	s23 =	spop (v2sf);
	(v2sf) =	vpush v6, $0xA;
	_ =	sdelay $0x1  }
0x99: {  	s24 =	rddreg [dreg:$0x10];
	s22 =	sadd.s32 s2, s22  }
0x9a: {  	[tilespmem:s24], [sflag:$0x1] =	stream.linear.gather [hbm4b:s22+s1], $0x400, $0x38;
	[tilespmem:$0x18400] =	vst v63  }
0x9b: {  	s22 =	sand.u32 $0x1FFFFF80, s25;
	s25 =	spop (v2sf);
	(v2sf) =	vpush v5, $0xA  }
0x9c: {  	s26 =	rddreg [dreg:$0x11];
	s22 =	sadd.s32 s3, s22  }
0x9d: {  	[tilespmem:s26], [sflag:$0x2] =	stream.linear.gather [hbm4b:s22+s1], $0x400, $0x38;
	[tilespmem:$0x18400] =	vst v63  }
0x9e: {  	s22 =	sand.u32 $0x1FFFFF80, s28;
	s28 =	spop (v2sf);
	(v2sf) =	vpush v6, $0xB;
	_ =	sdelay $0x2  }
0x9f: {  	s29 =	rddreg [dreg:$0x12];
	s22 =	sadd.s32 s2, s22  }
0xa0: {  	[tilespmem:s29], [sflag:$0x1] =	stream.linear.gather [hbm4b:s22+s1], $0x400, $0x38;
	[tilespmem:$0x18400] =	vst v63  }
0xa1: {  	s22 =	sand.u32 $0x1FFFFF80, s30  }
0xa2: {  	s31 =	rddreg [dreg:$0x13];
	s22 =	sadd.s32 s3, s22;
	s30 =	spop (v2sf);
	(v2sf) =	vpush v5, $0xB  }
0xa3: {  	[tilespmem:s31], [sflag:$0x2] =	stream.linear.gather [hbm4b:s22+s1], $0x400, $0x38;
	[tilespmem:$0x18400] =	vst v63  }
0xa4: {  	s22 =	sand.u32 $0x1FFFFF80, s23;
	s23 =	spop (v2sf);
	(v2sf) =	vpush v6, $0xC;
	_ =	sdelay $0x1  }
0xa5: {  	s24 =	rddreg [dreg:$0x14];
	s22 =	sadd.s32 s2, s22  }
0xa6: {  	[tilespmem:s24], [sflag:$0x1] =	stream.linear.gather [hbm4b:s22+s1], $0x400, $0x38;
	[tilespmem:$0x18400] =	vst v63  }
0xa7: {  	s22 =	sand.u32 $0x1FFFFF80, s25;
	s25 =	spop (v2sf);
	(v2sf) =	vpush v5, $0xC  }
0xa8: {  	s26 =	rddreg [dreg:$0x15];
	s22 =	sadd.s32 s3, s22  }
0xa9: {  	[tilespmem:s26], [sflag:$0x2] =	stream.linear.gather [hbm4b:s22+s1], $0x400, $0x38;
	[tilespmem:$0x18400] =	vst v63  }
0xaa: {  	s22 =	sand.u32 $0x1FFFFF80, s28;
	s28 =	spop (v2sf);
	(v2sf) =	vpush v6, $0xD;
	_ =	sdelay $0x2  }
0xab: {  	s29 =	rddreg [dreg:$0x16];
	s22 =	sadd.s32 s2, s22  }
0xac: {  	[tilespmem:s29], [sflag:$0x1] =	stream.linear.gather [hbm4b:s22+s1], $0x400, $0x38;
	[tilespmem:$0x18400] =	vst v63  }
0xad: {  	s22 =	sand.u32 $0x1FFFFF80, s30  }
0xae: {  	s31 =	rddreg [dreg:$0x17];
	s22 =	sadd.s32 s3, s22;
	s30 =	spop (v2sf);
	(v2sf) =	vpush v5, $0xD  }
0xaf: {  	[tilespmem:s31], [sflag:$0x2] =	stream.linear.gather [hbm4b:s22+s1], $0x400, $0x38;
	[tilespmem:$0x18400] =	vst v63  }
0xb0: {  	s22 =	sand.u32 $0x1FFFFF80, s23;
	s23 =	spop (v2sf);
	(v2sf) =	vpush v6, $0xE  }
0xb1: {  	s24 =	rddreg [dreg:$0x18];
	s22 =	sadd.s32 s2, s22  }
0xb2: {  	[tilespmem:s24], [sflag:$0x1] =	stream.linear.gather [hbm4b:s22+s1], $0x400, $0x38;
	[tilespmem:$0x18400] =	vst v63  }
0xb3: {  	s22 =	sand.u32 $0x1FFFFF80, s25  }
0xb4: {  	s26 =	rddreg [dreg:$0x19];
	s22 =	sadd.s32 s3, s22;
	s25 =	spop (v2sf);
	(v2sf) =	vpush v5, $0xE  }
0xb5: {  	[tilespmem:s26], [sflag:$0x2] =	stream.linear.gather [hbm4b:s22+s1], $0x400, $0x38;
	[tilespmem:$0x18400] =	vst v63  }
0xb6: {  	s22 =	sand.u32 $0x1FFFFF80, s28  }
0xb7: {  	s29 =	rddreg [dreg:$0x1a];
	s22 =	sadd.s32 s2, s22;
	s28 =	spop (v2sf);
	(v2sf) =	vpush v6, $0xF  }
0xb8: {  	[tilespmem:s29], [sflag:$0x1] =	stream.linear.gather [hbm4b:s22+s1], $0x400, $0x38;
	[tilespmem:$0x18400] =	vst v63  }
0xb9: {  	s22 =	sand.u32 $0x1FFFFF80, s30  }
0xba: {  	s31 =	rddreg [dreg:$0x1b];
	s22 =	sadd.s32 s3, s22  }
0xbb: {  	[tilespmem:s31], [sflag:$0x2] =	stream.linear.gather [hbm4b:s22+s1], $0x400, $0x38;
	[tilespmem:$0x18400] =	vst v63  }
0xbc: {  	s22 =	sand.u32 $0x1FFFFF80, s23  }
0xbd: {  	s24 =	rddreg [dreg:$0x1c];
	s22 =	sadd.s32 s2, s22;
	s30 =	spop (v2sf);
	(v2sf) =	vpush v5, $0xF;
	v5 =	vshrl.u32 v63, $0x3  }
0xbe: {  	[tilespmem:s24], [sflag:$0x1] =	stream.linear.gather [hbm4b:s22+s1], $0x400, $0x38;
	v5 =	vshll.u32 v5, $0x7;
	[tilespmem:$0x18400] =	vst v63  }
0xbf: {  	s22 =	sand.u32 $0x1FFFFF80, s25;
	s23 =	spop (v2sf);
	(v2sf) =	vpush v5, $0x0  }
0xc0: {  	s26 =	rddreg [dreg:$0x1d];
	s22 =	sadd.s32 s3, s22  }
0xc1: {  	v6 =	vshrl.u32 v2, $0x3;
	[tilespmem:s26], [sflag:$0x2] =	stream.linear.gather [hbm4b:s22+s1], $0x400, $0x38;
	[tilespmem:$0x18400] =	vst v63  }
0xc2: {  	v6 =	vshll.u32 v6, $0x7;
	s22 =	sand.u32 $0x1FFFFF80, s28  }
0xc3: {  	s29 =	rddreg [dreg:$0x1e];
	s22 =	sadd.s32 s2, s22;
	s25 =	spop (v2sf);
	(v2sf) =	vpush v6, $0x0  }
0xc4: {  	[tilespmem:s29], [sflag:$0x1] =	stream.linear.gather [hbm4b:s22+s1], $0x400, $0x38;
	[tilespmem:$0x18400] =	vst v63  }
0xc5: {  	s31 =	rddreg [dreg:$0x1f];
	s22 =	sand.u32 $0x1FFFFF80, s30  }
0xc6: {  	s24 =	sld [smem:$0x7DA];
	s22 =	sadd.s32 s3, s22;
	s28 =	spop (v2sf);
	(v2sf) =	vpush v5, $0x1  }
0xc7: {  	[tilespmem:s31], [sflag:$0x2] =	stream.linear.gather [hbm4b:s22+s1], $0x400, $0x38;
	[tilespmem:$0x18400] =	vst v63  }
0xc8: {  	s22 =	sand.u32 $0x1FFFFF80, s23  }
0xc9: {  	s26 =	sld [smem:$0x7DB];
	s22 =	sadd.s32 s2, s22  }
0xca: {  	[tilespmem:s24], [sflag:$0x1] =	stream.linear.gather [hbm4b:s22+s1], $0x400, $0x38;
	[tilespmem:$0x18400] =	vst v63  }
0xcb: {  	s22 =	sand.u32 $0x1FFFFF80, s25  }
0xcc: {  	s29 =	sld [smem:$0x7DC];
	s30 =	spop (v2sf);
	s22 =	sadd.s32 s3, s22  }
0xcd: {  	[tilespmem:s26], [sflag:$0x2] =	stream.linear.gather [hbm4b:s22+s1], $0x400, $0x38;
	[tilespmem:$0x18400] =	vst v63  }
0xce: {  	s22 =	sand.u32 $0x1FFFFF80, s28;
	s23 =	spop (v2sf);
	(v2sf) =	vpush v6, $0x1  }
0xcf: {  	s31 =	sld [smem:$0x7DD];
	s22 =	sadd.s32 s2, s22  }
0xd0: {  	[tilespmem:s29], [sflag:$0x1] =	stream.linear.gather [hbm4b:s22+s1], $0x400, $0x38;
	[tilespmem:$0x18400] =	vst v63  }
0xd1: {  	s22 =	sand.u32 $0x1FFFFF80, s30  }
0xd2: {  	s24 =	sld [smem:$0x7DE];
	s22 =	sadd.s32 s3, s22;
	s25 =	spop (v2sf);
	(v2sf) =	vpush v5, $0x2  }
0xd3: {  	[tilespmem:s31], [sflag:$0x2] =	stream.linear.gather [hbm4b:s22+s1], $0x400, $0x38;
	[tilespmem:$0x18400] =	vst v63  }
0xd4: {  	s22 =	sand.u32 $0x1FFFFF80, s23  }
0xd5: {  	s26 =	sld [smem:$0x7DF];
	s22 =	sadd.s32 s2, s22;
	s28 =	spop (v2sf);
	(v2sf) =	vpush v6, $0x2  }
0xd6: {  	[tilespmem:s24], [sflag:$0x1] =	stream.linear.gather [hbm4b:s22+s1], $0x400, $0x38;
	[tilespmem:$0x18400] =	vst v63  }
0xd7: {  	s22 =	sand.u32 $0x1FFFFF80, s25;
	(v2sf) =	vpush v5, $0x3  }
0xd8: {  	s29 =	sld [smem:$0x7E0];
	s22 =	sadd.s32 s3, s22  }
0xd9: {  	[tilespmem:s26], [sflag:$0x2] =	stream.linear.gather [hbm4b:s22+s1], $0x400, $0x38;
	[tilespmem:$0x18400] =	vst v63  }
0xda: {  	s22 =	sand.u32 $0x1FFFFF80, s28  }
0xdb: {  	s22 =	sadd.s32 s2, s22  }
0xdc: {  	[tilespmem:s29], [sflag:$0x1] =	stream.linear.gather [hbm4b:s22+s1], $0x400, $0x38;
	[tilespmem:$0x18400] =	vst v63  }
0xdd: {  	s31 =	sld [smem:$0x7E1];
	s30 =	spop (v2sf);
	(v2sf) =	vpush v6, $0x3  }
0xde: {  	s22 =	sand.u32 $0x1FFFFF80, s30  }
0xdf: {  	s22 =	sadd.s32 s3, s22  }
0xe0: {  	[tilespmem:s31], [sflag:$0x2] =	stream.linear.gather [hbm4b:s22+s1], $0x400, $0x38;
	[tilespmem:$0x18400] =	vst v63  }
0xe1: {  	s22 =	spop (v2sf)  }
0xe2: {  	(v2sf) =	vpush v5, $0x4;
	_ =	sdelay $0x1  }
0xe3: {  	s25 =	spop (v2sf);
	(v2sf) =	vpush v6, $0x4;
	_ =	sdelay $0x1  }
0xe4: {  	s28 =	spop (v2sf);
	(v2sf) =	vpush v5, $0x5;
	_ =	sdelay $0x5  }
0xe5: {  	s24 =	sld [smem:$0x7E2];
	s30 =	spop (v2sf);
	(v2sf) =	vpush v6, $0x5  }
0xe6: {  	s22 =	sand.u32 $0x1FFFFF80, s22  }
0xe7: {  	s26 =	sld [smem:$0x7E3];
	s22 =	sadd.s32 s2, s22  }
0xe8: {  	[tilespmem:s24], [sflag:$0x1] =	stream.linear.gather [hbm4b:s22+s1], $0x400, $0x38;
	[tilespmem:$0x18400] =	vst v63  }
0xe9: {  	s22 =	sand.u32 $0x1FFFFF80, s25  }
0xea: {  	s22 =	sadd.s32 s3, s22;
	s23 =	spop (v2sf);
	(v2sf) =	vpush v5, $0x6  }
0xeb: {  	[tilespmem:s26], [sflag:$0x2] =	stream.linear.gather [hbm4b:s22+s1], $0x400, $0x38;
	[tilespmem:$0x18400] =	vst v63  }
0xec: {  	s29 =	sld [smem:$0x7E4];
	s25 =	spop (v2sf);
	(v2sf) =	vpush v6, $0x6  }
0xed: {  	s22 =	sand.u32 $0x1FFFFF80, s28  }
0xee: {  	s31 =	sld [smem:$0x7E5];
	s22 =	sadd.s32 s2, s22;
	s28 =	spop (v2sf);
	(v2sf) =	vpush v5, $0x7  }
0xef: {  	[tilespmem:s29], [sflag:$0x1] =	stream.linear.gather [hbm4b:s22+s1], $0x400, $0x38;
	[tilespmem:$0x18400] =	vst v63  }
0xf0: {  	s22 =	sand.u32 $0x1FFFFF80, s30  }
0xf1: {  	s24 =	sld [smem:$0x7E6];
	s22 =	sadd.s32 s3, s22  }
0xf2: {  	[tilespmem:s31], [sflag:$0x2] =	stream.linear.gather [hbm4b:s22+s1], $0x400, $0x38;
	[tilespmem:$0x18400] =	vst v63  }
0xf3: {  	s22 =	sand.u32 $0x1FFFFF80, s23  }
0xf4: {  	s26 =	sld [smem:$0x7E7];
	s22 =	sadd.s32 s2, s22;
	s30 =	spop (v2sf);
	(v2sf) =	vpush v6, $0x7  }
0xf5: {  	[tilespmem:s24], [sflag:$0x1] =	stream.linear.gather [hbm4b:s22+s1], $0x400, $0x38;
	[tilespmem:$0x18400] =	vst v63  }
0xf6: {  	s22 =	sand.u32 $0x1FFFFF80, s25  }
0xf7: {  	s22 =	sadd.s32 s3, s22  }
0xf8: {  	[tilespmem:s26], [sflag:$0x2] =	stream.linear.gather [hbm4b:s22+s1], $0x400, $0x38;
	[tilespmem:$0x18400] =	vst v63  }
0xf9: {  	s29 =	sld [smem:$0x7E8];
	s23 =	spop (v2sf);
	(v2sf) =	vpush v5, $0x8  }
0xfa: {  	s22 =	sand.u32 $0x1FFFFF80, s28  }
0xfb: {  	s31 =	sld [smem:$0x7E9];
	s22 =	sadd.s32 s2, s22;
	s25 =	spop (v2sf);
	(v2sf) =	vpush v6, $0x8  }
0xfc: {  	[tilespmem:s29], [sflag:$0x1] =	stream.linear.gather [hbm4b:s22+s1], $0x400, $0x38;
	[tilespmem:$0x18400] =	vst v63  }
0xfd: {  	s22 =	sand.u32 $0x1FFFFF80, s30;
	s28 =	spop (v2sf);
	(v2sf) =	vpush v5, $0x9  }
0xfe: {  	s24 =	sld [smem:$0x7EA];
	s22 =	sadd.s32 s3, s22  }
0xff: {  	[tilespmem:s31], [sflag:$0x2] =	stream.linear.gather [hbm4b:s22+s1], $0x400, $0x38;
	[tilespmem:$0x18400] =	vst v63  }
0x100: {  	s22 =	sand.u32 $0x1FFFFF80, s23  }
0x101: {  	s22 =	sadd.s32 s2, s22  }
0x102: {  	[tilespmem:s24], [sflag:$0x1] =	stream.linear.gather [hbm4b:s22+s1], $0x400, $0x38;
	[tilespmem:$0x18400] =	vst v63  }
0x103: {  	s26 =	sld [smem:$0x7EB];
	s30 =	spop (v2sf);
	(v2sf) =	vpush v6, $0x9  }
0x104: {  	s22 =	sand.u32 $0x1FFFFF80, s25  }
0x105: {  	s29 =	sld [smem:$0x7EC];
	s22 =	sadd.s32 s3, s22  }
0x106: {  	[tilespmem:s26], [sflag:$0x2] =	stream.linear.gather [hbm4b:s22+s1], $0x400, $0x38;
	[tilespmem:$0x18400] =	vst v63  }
0x107: {  	s22 =	sand.u32 $0x1FFFFF80, s28  }
0x108: {  	s22 =	sadd.s32 s2, s22;
	s23 =	spop (v2sf);
	(v2sf) =	vpush v5, $0xA  }
0x109: {  	[tilespmem:s29], [sflag:$0x1] =	stream.linear.gather [hbm4b:s22+s1], $0x400, $0x38;
	[tilespmem:$0x18400] =	vst v63  }
0x10a: {  	s31 =	sld [smem:$0x7ED];
	s25 =	spop (v2sf);
	(v2sf) =	vpush v6, $0xA  }
0x10b: {  	s22 =	sand.u32 $0x1FFFFF80, s30  }
0x10c: {  	s24 =	sld [smem:$0x7EE];
	s22 =	sadd.s32 s3, s22;
	s28 =	spop (v2sf);
	(v2sf) =	vpush v5, $0xB  }
0x10d: {  	[tilespmem:s31], [sflag:$0x2] =	stream.linear.gather [hbm4b:s22+s1], $0x400, $0x38;
	[tilespmem:$0x18400] =	vst v63  }
0x10e: {  	s22 =	sand.u32 $0x1FFFFF80, s23  }
0x10f: {  	s26 =	sld [smem:$0x7EF];
	s22 =	sadd.s32 s2, s22  }
0x110: {  	[tilespmem:s24], [sflag:$0x1] =	stream.linear.gather [hbm4b:s22+s1], $0x400, $0x38;
	[tilespmem:$0x18400] =	vst v63  }
0x111: {  	s22 =	sand.u32 $0x1FFFFF80, s25  }
0x112: {  	s29 =	sld [smem:$0x7F0];
	s22 =	sadd.s32 s3, s22;
	s30 =	spop (v2sf);
	(v2sf) =	vpush v6, $0xB  }
0x113: {  	[tilespmem:s26], [sflag:$0x2] =	stream.linear.gather [hbm4b:s22+s1], $0x400, $0x38;
	[tilespmem:$0x18400] =	vst v63  }
0x114: {  	s22 =	sand.u32 $0x1FFFFF80, s28  }
0x115: {  	s22 =	sadd.s32 s2, s22  }
0x116: {  	[tilespmem:s29], [sflag:$0x1] =	stream.linear.gather [hbm4b:s22+s1], $0x400, $0x38;
	[tilespmem:$0x18400] =	vst v63  }
0x117: {  	s31 =	sld [smem:$0x7F1];
	s23 =	spop (v2sf);
	(v2sf) =	vpush v5, $0xC  }
0x118: {  	s22 =	sand.u32 $0x1FFFFF80, s30  }
0x119: {  	s24 =	sld [smem:$0x7F2];
	s22 =	sadd.s32 s3, s22;
	s25 =	spop (v2sf);
	(v2sf) =	vpush v6, $0xC  }
0x11a: {  	[tilespmem:s31], [sflag:$0x2] =	stream.linear.gather [hbm4b:s22+s1], $0x400, $0x38;
	[tilespmem:$0x18400] =	vst v63  }
0x11b: {  	s22 =	sand.u32 $0x1FFFFF80, s23;
	s28 =	spop (v2sf);
	(v2sf) =	vpush v5, $0xD  }
0x11c: {  	s26 =	sld [smem:$0x7F3];
	s22 =	sadd.s32 s2, s22  }
0x11d: {  	[tilespmem:s24], [sflag:$0x1] =	stream.linear.gather [hbm4b:s22+s1], $0x400, $0x38;
	[tilespmem:$0x18400] =	vst v63  }
0x11e: {  	s22 =	sand.u32 $0x1FFFFF80, s25  }
0x11f: {  	s22 =	sadd.s32 s3, s22  }
0x120: {  	[tilespmem:s26], [sflag:$0x2] =	stream.linear.gather [hbm4b:s22+s1], $0x400, $0x38;
	[tilespmem:$0x18400] =	vst v63  }
0x121: {  	s29 =	sld [smem:$0x7F4];
	s30 =	spop (v2sf);
	(v2sf) =	vpush v6, $0xD  }
0x122: {  	s22 =	sand.u32 $0x1FFFFF80, s28  }
0x123: {  	s31 =	sld [smem:$0x7F5];
	s22 =	sadd.s32 s2, s22  }
0x124: {  	[tilespmem:s29], [sflag:$0x1] =	stream.linear.gather [hbm4b:s22+s1], $0x400, $0x38;
	[tilespmem:$0x18400] =	vst v63  }
0x125: {  	s22 =	sand.u32 $0x1FFFFF80, s30  }
0x126: {  	s22 =	sadd.s32 s3, s22;
	s23 =	spop (v2sf);
	(v2sf) =	vpush v5, $0xE  }
0x127: {  	[tilespmem:s31], [sflag:$0x2] =	stream.linear.gather [hbm4b:s22+s1], $0x400, $0x38;
	[tilespmem:$0x18400] =	vst v63  }
0x128: {  	s24 =	sld [smem:$0x7F6];
	s25 =	spop (v2sf);
	(v2sf) =	vpush v6, $0xE  }
0x129: {  	s22 =	sand.u32 $0x1FFFFF80, s23  }
0x12a: {  	s26 =	sld [smem:$0x7F7];
	s22 =	sadd.s32 s2, s22;
	s28 =	spop (v2sf)  }
0x12b: {  	(v2sf) =	vpush v5, $0xF;
	[tilespmem:s24], [sflag:$0x1] =	stream.linear.gather [hbm4b:s22+s1], $0x400, $0x38;
	[tilespmem:$0x18400] =	vst v63  }
0x12c: {  	s22 =	sand.u32 $0x1FFFFF80, s25  }
0x12d: {  	s29 =	sld [smem:$0x7F8];
	s22 =	sadd.s32 s3, s22  }
0x12e: {  	[tilespmem:s26], [sflag:$0x2] =	stream.linear.gather [hbm4b:s22+s1], $0x400, $0x38;
	[tilespmem:$0x18400] =	vst v63  }
0x12f: {  	s22 =	sand.u32 $0x1FFFFF80, s28  }
0x130: {  	s31 =	sld [smem:$0x7F9];
	s22 =	sadd.s32 s2, s22;
	s30 =	spop (v2sf);
	(v2sf) =	vpush v6, $0xF  }
0x131: {  	[tilespmem:s29], [sflag:$0x1] =	stream.linear.gather [hbm4b:s22+s1], $0x400, $0x38;
	[tilespmem:$0x18400] =	vst v63  }
0x132: {  	s22 =	sand.u32 $0x1FFFFF80, s30  }
0x133: {  	s22 =	sadd.s32 s3, s22  }
0x134: {  	[tilespmem:s31], [sflag:$0x2] =	stream.linear.gather [hbm4b:s22+s1], $0x400, $0x38;
	[tilespmem:$0x18400] =	vst v63  }
0x135: {  	s24 =	sld [smem:$0x7FA];
	s23 =	spop (v2sf)  }
0x136: {  	s22 =	sand.u32 $0x1FFFFF80, s23  }
0x137: {  	s26 =	sld [smem:$0x7FB];
	s25 =	spop (v2sf);
	s22 =	sadd.s32 s2, s22  }
0x138: {  	[tilespmem:s24], [sflag:$0x1] =	stream.linear.gather [hbm4b:s22+s1], $0x400, $0x38;
	[tilespmem:$0x18400] =	vst v63  }
0x139: {  	s22 =	sand.u32 $0x1FFFFF80, s25  }
0x13a: {  	s29 =	sld [smem:$0x7FC];
	s28 =	spop (v2sf);
	s22 =	sadd.s32 s3, s22  }
0x13b: {  	[tilespmem:s26], [sflag:$0x2] =	stream.linear.gather [hbm4b:s22+s1], $0x400, $0x38;
	[tilespmem:$0x18400] =	vst v63  }
0x13c: {  	s22 =	sand.u32 $0x1FFFFF80, s28  }
0x13d: {  	s22 =	sadd.s32 s2, s22  }
0x13e: {  	[tilespmem:s29], [sflag:$0x1] =	stream.linear.gather [hbm4b:s22+s1], $0x400, $0x38;
	[tilespmem:$0x18400] =	vst v63  }
0x13f: {  	s31 =	sld [smem:$0x7FD];
	s30 =	spop (v2sf)  }
0x140: {  	s22 =	sand.u32 $0x1FFFFF80, s30  }
0x141: {  	s22 =	sadd.s32 s3, s22  }
0x142: {  	[tilespmem:s31], [sflag:$0x2] =	stream.linear.gather [hbm4b:s22+s1], $0x400, $0x38;
	[tilespmem:$0x18400] =	vst v63  }
0x143: {  	_ =	swait.ge [sflag:s14], $0x400  }
0x144: {  	[sflag:s14] =	ssyncset.done $0x0  }
0x145: {  	[sflag:s14] =	ssyncadd.s32 $0xFFFFFC00  }
0x146: {  	_ =	swait.ge [sflag:s15], $0x400  }
0x147: {  	[sflag:s15] =	ssyncset.done $0x0  }
0x148: {  	[sflag:s15] =	ssyncadd.s32 $0xFFFFFC00  }
0x149: {  	_ =	swait.ge [sflag:s14], $0x400  }
0x14a: {  	[sflag:s14] =	ssyncset.done $0x0  }
0x14b: {  	[sflag:s14] =	ssyncadd.s32 $0xFFFFFC00  }
0x14c: {  	_ =	swait.ge [sflag:s15], $0x400  }
0x14d: {  	[sflag:s15] =	ssyncset.done $0x0  }
0x14e: {  	[sflag:s15] =	ssyncadd.s32 $0xFFFFFC00  }
0x14f: {  	_ =	swait.ge [sflag:s14], $0x400  }
0x150: {  	[sflag:s14] =	ssyncset.done $0x0  }
0x151: {  	[sflag:s14] =	ssyncadd.s32 $0xFFFFFC00  }
0x152: {  	_ =	swait.ge [sflag:s15], $0x400  }
0x153: {  	[sflag:s15] =	ssyncset.done $0x0  }
0x154: {  	[sflag:s15] =	ssyncadd.s32 $0xFFFFFC00  }
0x155: {  	_ =	swait.ge [sflag:s14], $0x400  }
0x156: {  	[sflag:s14] =	ssyncset.done $0x0  }
0x157: {  	[sflag:s14] =	ssyncadd.s32 $0xFFFFFC00  }
0x158: {  	_ =	swait.ge [sflag:s15], $0x400  }
0x159: {  	[sflag:s15] =	ssyncset.done $0x0  }
0x15a: {  	[sflag:s15] =	ssyncadd.s32 $0xFFFFFC00  }
0x15b: {  	_ =	swait.ge [sflag:s14], $0x400  }
0x15c: {  	[sflag:s14] =	ssyncset.done $0x0  }
0x15d: {  	[sflag:s14] =	ssyncadd.s32 $0xFFFFFC00  }
0x15e: {  	_ =	swait.ge [sflag:s15], $0x400  }
0x15f: {  	[sflag:s15] =	ssyncset.done $0x0  }
0x160: {  	[sflag:s15] =	ssyncadd.s32 $0xFFFFFC00  }
0x161: {  	_ =	swait.ge [sflag:s14], $0x400  }
0x162: {  	[sflag:s14] =	ssyncset.done $0x0  }
0x163: {  	[sflag:s14] =	ssyncadd.s32 $0xFFFFFC00  }
0x164: {  	_ =	swait.ge [sflag:s15], $0x400  }
0x165: {  	[sflag:s15] =	ssyncset.done $0x0  }
0x166: {  	[sflag:s15] =	ssyncadd.s32 $0xFFFFFC00  }
0x167: {  	_ =	swait.ge [sflag:s14], $0x400  }
0x168: {  	[sflag:s14] =	ssyncset.done $0x0  }
0x169: {  	[sflag:s14] =	ssyncadd.s32 $0xFFFFFC00  }
0x16a: {  	_ =	swait.ge [sflag:s15], $0x400  }
0x16b: {  	[sflag:s15] =	ssyncset.done $0x0  }
0x16c: {  	[sflag:s15] =	ssyncadd.s32 $0xFFFFFC00  }
0x16d: {  	_ =	swait.ge [sflag:s14], $0x400  }
0x16e: {  	[sflag:s14] =	ssyncset.done $0x0  }
0x16f: {  	[sflag:s14] =	ssyncadd.s32 $0xFFFFFC00  }
0x170: {  	_ =	swait.ge [sflag:s15], $0x400  }
0x171: {  	[sflag:s15] =	ssyncset.done $0x0  }
0x172: {  	[sflag:s15] =	ssyncadd.s32 $0xFFFFFC00  }
0x173: {  	_ =	swait.ge [sflag:s14], $0x400  }
0x174: {  	[sflag:s14] =	ssyncset.done $0x0  }
0x175: {  	[sflag:s14] =	ssyncadd.s32 $0xFFFFFC00  }
0x176: {  	_ =	swait.ge [sflag:s15], $0x400  }
0x177: {  	[sflag:s15] =	ssyncset.done $0x0  }
0x178: {  	[sflag:s15] =	ssyncadd.s32 $0xFFFFFC00  }
0x179: {  	_ =	swait.ge [sflag:s14], $0x400  }
0x17a: {  	[sflag:s14] =	ssyncset.done $0x0  }
0x17b: {  	[sflag:s14] =	ssyncadd.s32 $0xFFFFFC00  }
0x17c: {  	_ =	swait.ge [sflag:s15], $0x400  }
0x17d: {  	[sflag:s15] =	ssyncset.done $0x0  }
0x17e: {  	[sflag:s15] =	ssyncadd.s32 $0xFFFFFC00  }
0x17f: {  	_ =	swait.ge [sflag:s14], $0x400  }
0x180: {  	[sflag:s14] =	ssyncset.done $0x0  }
0x181: {  	[sflag:s14] =	ssyncadd.s32 $0xFFFFFC00  }
0x182: {  	_ =	swait.ge [sflag:s15], $0x400  }
0x183: {  	[sflag:s15] =	ssyncset.done $0x0  }
0x184: {  	[sflag:s15] =	ssyncadd.s32 $0xFFFFFC00  }
0x185: {  	_ =	swait.ge [sflag:s14], $0x400  }
0x186: {  	[sflag:s14] =	ssyncset.done $0x0  }
0x187: {  	[sflag:s14] =	ssyncadd.s32 $0xFFFFFC00  }
0x188: {  	_ =	swait.ge [sflag:s15], $0x400  }
0x189: {  	[sflag:s15] =	ssyncset.done $0x0  }
0x18a: {  	[sflag:s15] =	ssyncadd.s32 $0xFFFFFC00  }
0x18b: {  	_ =	swait.ge [sflag:s14], $0x400  }
0x18c: {  	[sflag:s14] =	ssyncset.done $0x0  }
0x18d: {  	[sflag:s14] =	ssyncadd.s32 $0xFFFFFC00  }
0x18e: {  	_ =	swait.ge [sflag:s15], $0x400  }
0x18f: {  	[sflag:s15] =	ssyncset.done $0x0  }
0x190: {  	[sflag:s15] =	ssyncadd.s32 $0xFFFFFC00  }
0x191: {  	_ =	swait.ge [sflag:s14], $0x400  }
0x192: {  	[sflag:s14] =	ssyncset.done $0x0  }
0x193: {  	[sflag:s14] =	ssyncadd.s32 $0xFFFFFC00  }
0x194: {  	_ =	swait.ge [sflag:s15], $0x400  }
0x195: {  	[sflag:s15] =	ssyncset.done $0x0  }
0x196: {  	[sflag:s15] =	ssyncadd.s32 $0xFFFFFC00  }
0x197: {  	_ =	swait.ge [sflag:s14], $0x400  }
0x198: {  	[sflag:s14] =	ssyncset.done $0x0  }
0x199: {  	[sflag:s14] =	ssyncadd.s32 $0xFFFFFC00  }
0x19a: {  	_ =	swait.ge [sflag:s15], $0x400  }
0x19b: {  	[sflag:s15] =	ssyncset.done $0x0  }
0x19c: {  	[sflag:s15] =	ssyncadd.s32 $0xFFFFFC00  }
0x19d: {  	_ =	swait.ge [sflag:s14], $0x400  }
0x19e: {  	[sflag:s14] =	ssyncset.done $0x0  }
0x19f: {  	[sflag:s14] =	ssyncadd.s32 $0xFFFFFC00  }
0x1a0: {  	_ =	swait.ge [sflag:s15], $0x400  }
0x1a1: {  	[sflag:s15] =	ssyncset.done $0x0  }
0x1a2: {  	[sflag:s15] =	ssyncadd.s32 $0xFFFFFC00  }
0x1a3: {  	_ =	swait.ge [sflag:s14], $0x400  }
0x1a4: {  	[sflag:s14] =	ssyncset.done $0x0  }
0x1a5: {  	[sflag:s14] =	ssyncadd.s32 $0xFFFFFC00  }
0x1a6: {  	_ =	swait.ge [sflag:s15], $0x400  }
0x1a7: {  	[sflag:s15] =	ssyncset.done $0x0  }
0x1a8: {  	[sflag:s15] =	ssyncadd.s32 $0xFFFFFC00  }
0x1a9: {  	_ =	swait.ge [sflag:s14], $0x400  }
0x1aa: {  	[sflag:s14] =	ssyncset.done $0x0  }
0x1ab: {  	[sflag:s14] =	ssyncadd.s32 $0xFFFFFC00  }
0x1ac: {  	_ =	swait.ge [sflag:s15], $0x400  }
0x1ad: {  	[sflag:s15] =	ssyncset.done $0x0  }
0x1ae: {  	[sflag:s15] =	ssyncadd.s32 $0xFFFFFC00  }
0x1af: {  	_ =	swait.ge [sflag:s14], $0x400  }
0x1b0: {  	[sflag:s14] =	ssyncset.done $0x0  }
0x1b1: {  	[sflag:s14] =	ssyncadd.s32 $0xFFFFFC00  }
0x1b2: {  	_ =	swait.ge [sflag:s15], $0x400  }
0x1b3: {  	[sflag:s15] =	ssyncset.done $0x0  }
0x1b4: {  	[sflag:s15] =	ssyncadd.s32 $0xFFFFFC00  }
0x1b5: {  	_ =	swait.ge [sflag:s14], $0x400  }
0x1b6: {  	[sflag:s14] =	ssyncset.done $0x0  }
0x1b7: {  	[sflag:s14] =	ssyncadd.s32 $0xFFFFFC00  }
0x1b8: {  	_ =	swait.ge [sflag:s15], $0x400  }
0x1b9: {  	[sflag:s15] =	ssyncset.done $0x0  }
0x1ba: {  	[sflag:s15] =	ssyncadd.s32 $0xFFFFFC00  }
0x1bb: {  	_ =	swait.ge [sflag:s14], $0x400  }
0x1bc: {  	[sflag:s14] =	ssyncset.done $0x0  }
0x1bd: {  	[sflag:s14] =	ssyncadd.s32 $0xFFFFFC00  }
0x1be: {  	_ =	swait.ge [sflag:s15], $0x400  }
0x1bf: {  	[sflag:s15] =	ssyncset.done $0x0  }
0x1c0: {  	[sflag:s15] =	ssyncadd.s32 $0xFFFFFC00  }
0x1c1: {  	_ =	swait.ge [sflag:s14], $0x400  }
0x1c2: {  	[sflag:s14] =	ssyncset.done $0x0  }
0x1c3: {  	[sflag:s14] =	ssyncadd.s32 $0xFFFFFC00  }
0x1c4: {  	_ =	swait.ge [sflag:s15], $0x400  }
0x1c5: {  	[sflag:s15] =	ssyncset.done $0x0  }
0x1c6: {  	[sflag:s15] =	ssyncadd.s32 $0xFFFFFC00  }
0x1c7: {  	_ =	swait.ge [sflag:s14], $0x400  }
0x1c8: {  	[sflag:s14] =	ssyncset.done $0x0  }
0x1c9: {  	[sflag:s14] =	ssyncadd.s32 $0xFFFFFC00  }
0x1ca: {  	_ =	swait.ge [sflag:s15], $0x400  }
0x1cb: {  	[sflag:s15] =	ssyncset.done $0x0  }
0x1cc: {  	[sflag:s15] =	ssyncadd.s32 $0xFFFFFC00  }
0x1cd: {  	_ =	swait.ge [sflag:s14], $0x400  }
0x1ce: {  	[sflag:s14] =	ssyncset.done $0x0  }
0x1cf: {  	[sflag:s14] =	ssyncadd.s32 $0xFFFFFC00  }
0x1d0: {  	_ =	swait.ge [sflag:s15], $0x400  }
0x1d1: {  	[sflag:s15] =	ssyncset.done $0x0  }
0x1d2: {  	[sflag:s15] =	ssyncadd.s32 $0xFFFFFC00  }
0x1d3: {  	_ =	swait.ge [sflag:s14], $0x400  }
0x1d4: {  	[sflag:s14] =	ssyncset.done $0x0  }
0x1d5: {  	[sflag:s14] =	ssyncadd.s32 $0xFFFFFC00  }
0x1d6: {  	_ =	swait.ge [sflag:s15], $0x400  }
0x1d7: {  	[sflag:s15] =	ssyncset.done $0x0  }
0x1d8: {  	[sflag:s15] =	ssyncadd.s32 $0xFFFFFC00  }
0x1d9: {  	_ =	swait.ge [sflag:s14], $0x400  }
0x1da: {  	[sflag:s14] =	ssyncset.done $0x0  }
0x1db: {  	[sflag:s14] =	ssyncadd.s32 $0xFFFFFC00  }
0x1dc: {  	_ =	swait.ge [sflag:s15], $0x400  }
0x1dd: {  	[sflag:s15] =	ssyncset.done $0x0  }
0x1de: {  	[sflag:s15] =	ssyncadd.s32 $0xFFFFFC00  }
0x1df: {  	_ =	swait.ge [sflag:s14], $0x400  }
0x1e0: {  	[sflag:s14] =	ssyncset.done $0x0  }
0x1e1: {  	[sflag:s14] =	ssyncadd.s32 $0xFFFFFC00  }
0x1e2: {  	_ =	swait.ge [sflag:s15], $0x400  }
0x1e3: {  	[sflag:s15] =	ssyncset.done $0x0  }
0x1e4: {  	[sflag:s15] =	ssyncadd.s32 $0xFFFFFC00  }
0x1e5: {  	_ =	swait.ge [sflag:s14], $0x400  }
0x1e6: {  	[sflag:s14] =	ssyncset.done $0x0  }
0x1e7: {  	[sflag:s14] =	ssyncadd.s32 $0xFFFFFC00  }
0x1e8: {  	_ =	swait.ge [sflag:s15], $0x400  }
0x1e9: {  	[sflag:s15] =	ssyncset.done $0x0  }
0x1ea: {  	[sflag:s15] =	ssyncadd.s32 $0xFFFFFC00  }
0x1eb: {  	_ =	swait.ge [sflag:s14], $0x400  }
0x1ec: {  	[sflag:s14] =	ssyncset.done $0x0  }
0x1ed: {  	[sflag:s14] =	ssyncadd.s32 $0xFFFFFC00  }
0x1ee: {  	_ =	swait.ge [sflag:s15], $0x400  }
0x1ef: {  	[sflag:s15] =	ssyncset.done $0x0  }
0x1f0: {  	[sflag:s15] =	ssyncadd.s32 $0xFFFFFC00  }
0x1f1: {  	_ =	swait.ge [sflag:s14], $0x400  }
0x1f2: {  	[sflag:s14] =	ssyncset.done $0x0  }
0x1f3: {  	[sflag:s14] =	ssyncadd.s32 $0xFFFFFC00  }
0x1f4: {  	_ =	swait.ge [sflag:s15], $0x400  }
0x1f5: {  	[sflag:s15] =	ssyncset.done $0x0  }
0x1f6: {  	[sflag:s15] =	ssyncadd.s32 $0xFFFFFC00  }
0x1f7: {  	_ =	swait.ge [sflag:s14], $0x400  }
0x1f8: {  	[sflag:s14] =	ssyncset.done $0x0  }
0x1f9: {  	[sflag:s14] =	ssyncadd.s32 $0xFFFFFC00  }
0x1fa: {  	_ =	swait.ge [sflag:s15], $0x400  }
0x1fb: {  	[sflag:s15] =	ssyncset.done $0x0  }
0x1fc: {  	v4 =	vshll.u32 v4, $0x7;
	[sflag:s15] =	ssyncadd.s32 $0xFFFFFC00  }
0x1fd: {  	v4 =	vand.u32 $0x380, v4;
	v3 =	vshll.u32 v3, $0x7;
	_ =	swait.ge [sflag:s14], $0x400  }
0x1fe: {  	v3 =	vand.u32 $0x380, v3;
	v5 =	vor.u32 v0, v4;
	[sflag:s14] =	ssyncset.done $0x0  }
0x1ff: {  	v7 =	vor.u32 s21, v1;
	v17 =	vmovc v16;
	v16 =	vmovc v15;
	v15 =	vmov v14;
	v6 =	vor.u32 v0, v3;
	[sflag:s14] =	ssyncadd.s32 $0xFFFFFC00  }
0x200: {  	v14 =	vmovc v13;
	v13 =	vmovc v12;
	v12 =	vmov v11;
	v11 =	vmov v62;
	v62 =	vmov v61;
	_ =	swait.ge [sflag:s15], $0x400  }
0x201: {  	v61 =	vmovc v60;
	v60 =	vmovc v59;
	v59 =	vmov v58;
	v58 =	vmov v57;
	v57 =	vmov v56;
	[sflag:s15] =	ssyncset.done $0x0  }
0x202: {  	v56 =	vmovc v55;
	v55 =	vmovc v54;
	v54 =	vmov v53;
	v53 =	vmov v52;
	v52 =	vmov v51;
	[sflag:s15] =	ssyncadd.s32 $0xFFFFFC00  }
0x203: {  	v51 =	vmovc v50;
	v50 =	vmovc v49;
	v49 =	vmov v48;
	v48 =	vmov v47;
	v47 =	vmov v46;
	v5 =	vld.idx.msk [tilespmem:v5+s12+$0x0], $0xffff  }
0x204: {  	v46 =	vmovc v45;
	v45 =	vmovc v44;
	v44 =	vmov v43;
	v43 =	vmov v42;
	v42 =	vmov v41;
	v6 =	vld.idx.msk [tilespmem:v6+s13+$0x0], $0xffff  }
0x205: {  	v41 =	vmovc v40;
	v40 =	vmovc v10;
	v10 =	vmov v9;
	v8 =	vor.u32 v9, v4;
	v9 =	vor.u32 v9, v3;
	_ =	sdelay $0x2  }
0x206: {  	[tilespmem:v7+s16+$0x0] =	vst.idx.msk $0xffff, v5  }
0x207: {  	[tilespmem:v7+s17+$0x0] =	vst.idx.msk $0xffff, v6  }
0x208: {  	v7 =	vld.idx.msk [tilespmem:v9+s13+$0x0], $0xffff  }
0x209: {  	v9 =	vld [tilespmem:$0x1FE30];
	_ =	sdelay $0x1  }
0x20a: {  	s24 =	sadd.s32 $0x1, s21  }
0x20b: {  	v5 =	vor.u32 s24, v1;
	v6 =	vld.idx.msk [tilespmem:v8+s12+$0x0], $0xffff;
	_ =	sdelay $0x1  }
0x20c: {  	v8 =	vor.u32 v9, v4;
	v9 =	vor.u32 v9, v3;
	_ =	sdelay $0x2  }
0x20d: {  	[tilespmem:v5+s16+$0x0] =	vst.idx.msk $0xffff, v6  }
0x20e: {  	[tilespmem:v5+s17+$0x0] =	vst.idx.msk $0xffff, v7  }
0x20f: {  	v7 =	vld.idx.msk [tilespmem:v9+s13+$0x0], $0xffff  }
0x210: {  	v9 =	vld [tilespmem:$0x1FE40];
	_ =	sdelay $0x1  }
0x211: {  	s25 =	sadd.s32 $0x2, s21  }
0x212: {  	v5 =	vor.u32 s25, v1;
	v6 =	vld.idx.msk [tilespmem:v8+s12+$0x0], $0xffff;
	_ =	sdelay $0x1  }
0x213: {  	v8 =	vor.u32 v9, v4;
	v9 =	vor.u32 v9, v3;
	_ =	sdelay $0x2  }
0x214: {  	[tilespmem:v5+s16+$0x0] =	vst.idx.msk $0xffff, v6  }
0x215: {  	[tilespmem:v5+s17+$0x0] =	vst.idx.msk $0xffff, v7  }
0x216: {  	v7 =	vld.idx.msk [tilespmem:v9+s13+$0x0], $0xffff  }
0x217: {  	v9 =	vld [tilespmem:$0x1FE50];
	_ =	sdelay $0x1  }
0x218: {  	s26 =	sadd.s32 $0x3, s21  }
0x219: {  	v5 =	vor.u32 s26, v1;
	v6 =	vld.idx.msk [tilespmem:v8+s12+$0x0], $0xffff;
	_ =	sdelay $0x1  }
0x21a: {  	v8 =	vor.u32 v9, v4;
	v9 =	vor.u32 v9, v3;
	_ =	sdelay $0x2  }
0x21b: {  	[tilespmem:v5+s16+$0x0] =	vst.idx.msk $0xffff, v6  }
0x21c: {  	[tilespmem:v5+s17+$0x0] =	vst.idx.msk $0xffff, v7  }
0x21d: {  	v7 =	vld.idx.msk [tilespmem:v9+s13+$0x0], $0xffff  }
0x21e: {  	v9 =	vld [tilespmem:$0x1FE60];
	_ =	sdelay $0x1  }
0x21f: {  	s28 =	sadd.s32 $0x4, s21  }
0x220: {  	v5 =	vor.u32 s28, v1;
	v6 =	vld.idx.msk [tilespmem:v8+s12+$0x0], $0xffff;
	_ =	sdelay $0x1  }
0x221: {  	v8 =	vor.u32 v9, v4;
	v9 =	vor.u32 v9, v3;
	_ =	sdelay $0x2  }
0x222: {  	[tilespmem:v5+s16+$0x0] =	vst.idx.msk $0xffff, v6  }
0x223: {  	[tilespmem:v5+s17+$0x0] =	vst.idx.msk $0xffff, v7  }
0x224: {  	v7 =	vld.idx.msk [tilespmem:v9+s13+$0x0], $0xffff  }
0x225: {  	v9 =	vld [tilespmem:$0x1FE70];
	_ =	sdelay $0x1  }
0x226: {  	s29 =	sadd.s32 $0x5, s21  }
0x227: {  	v5 =	vor.u32 s29, v1;
	v6 =	vld.idx.msk [tilespmem:v8+s12+$0x0], $0xffff;
	_ =	sdelay $0x1  }
0x228: {  	v8 =	vor.u32 v9, v4;
	v9 =	vor.u32 v9, v3;
	_ =	sdelay $0x2  }
0x229: {  	[tilespmem:v5+s16+$0x0] =	vst.idx.msk $0xffff, v6  }
0x22a: {  	[tilespmem:v5+s17+$0x0] =	vst.idx.msk $0xffff, v7  }
0x22b: {  	v7 =	vld.idx.msk [tilespmem:v9+s13+$0x0], $0xffff  }
0x22c: {  	v9 =	vld [tilespmem:$0x1FE80];
	_ =	sdelay $0x1  }
0x22d: {  	s30 =	sadd.s32 $0x6, s21  }
0x22e: {  	v5 =	vor.u32 s30, v1;
	v6 =	vld.idx.msk [tilespmem:v8+s12+$0x0], $0xffff;
	_ =	sdelay $0x1  }
0x22f: {  	v8 =	vor.u32 v9, v4;
	v9 =	vor.u32 v9, v3;
	_ =	sdelay $0x2  }
0x230: {  	[tilespmem:v5+s16+$0x0] =	vst.idx.msk $0xffff, v6  }
0x231: {  	[tilespmem:v5+s17+$0x0] =	vst.idx.msk $0xffff, v7  }
0x232: {  	v7 =	vld.idx.msk [tilespmem:v9+s13+$0x0], $0xffff  }
0x233: {  	v9 =	vld [tilespmem:$0x1FE90];
	_ =	sdelay $0x1  }
0x234: {  	s31 =	sadd.s32 $0x7, s21  }
0x235: {  	v5 =	vor.u32 s31, v1;
	v6 =	vld.idx.msk [tilespmem:v8+s12+$0x0], $0xffff;
	_ =	sdelay $0x1  }
0x236: {  	v8 =	vor.u32 v9, v4;
	v9 =	vor.u32 v9, v3;
	_ =	sdelay $0x2  }
0x237: {  	[tilespmem:v5+s16+$0x0] =	vst.idx.msk $0xffff, v6  }
0x238: {  	[tilespmem:v5+s17+$0x0] =	vst.idx.msk $0xffff, v7  }
0x239: {  	v7 =	vld.idx.msk [tilespmem:v9+s13+$0x0], $0xffff  }
0x23a: {  	v9 =	vld [tilespmem:$0x1FEA0];
	_ =	sdelay $0x1  }
0x23b: {  	s23 =	sadd.s32 $0x8, s21  }
0x23c: {  	v5 =	vor.u32 s23, v1;
	v6 =	vld.idx.msk [tilespmem:v8+s12+$0x0], $0xffff;
	_ =	sdelay $0x1  }
0x23d: {  	v8 =	vor.u32 v9, v4  }
0x23e: {  	v9 =	vor.u32 v9, v3;
	_ =	sdelay $0x1  }
0x23f: {  	[tilespmem:v5+s16+$0x0] =	vst.idx.msk $0xffff, v6  }
0x240: {  	s24 =	sadd.s32 $0x9, s21;
	[tilespmem:v5+s17+$0x0] =	vst.idx.msk $0xffff, v7  }
0x241: {  	v5 =	vor.u32 s24, v1;
	v6 =	vld.idx.msk [tilespmem:v8+s12+$0x0], $0xffff  }
0x242: {  	v7 =	vld.idx.msk [tilespmem:v9+s13+$0x0], $0xffff  }
0x243: {  	v8 =	vor.u32 v19, v4  }
0x244: {  	v9 =	vor.u32 v19, v3;
	_ =	sdelay $0x1  }
0x245: {  	[tilespmem:v5+s16+$0x0] =	vst.idx.msk $0xffff, v6  }
0x246: {  	s25 =	sadd.s32 $0xA, s21;
	[tilespmem:v5+s17+$0x0] =	vst.idx.msk $0xffff, v7  }
0x247: {  	v5 =	vor.u32 s25, v1;
	v6 =	vld.idx.msk [tilespmem:v8+s12+$0x0], $0xffff  }
0x248: {  	v7 =	vld.idx.msk [tilespmem:v9+s13+$0x0], $0xffff  }
0x249: {  	v8 =	vor.u32 v20, v4  }
0x24a: {  	v9 =	vor.u32 v20, v3;
	_ =	sdelay $0x1  }
0x24b: {  	[tilespmem:v5+s16+$0x0] =	vst.idx.msk $0xffff, v6  }
0x24c: {  	s26 =	sadd.s32 $0xB, s21;
	[tilespmem:v5+s17+$0x0] =	vst.idx.msk $0xffff, v7  }
0x24d: {  	v5 =	vor.u32 s26, v1;
	v6 =	vld.idx.msk [tilespmem:v8+s12+$0x0], $0xffff  }
0x24e: {  	v7 =	vld.idx.msk [tilespmem:v9+s13+$0x0], $0xffff  }
0x24f: {  	v8 =	vor.u32 v21, v4  }
0x250: {  	v9 =	vor.u32 v21, v3;
	_ =	sdelay $0x1  }
0x251: {  	[tilespmem:v5+s16+$0x0] =	vst.idx.msk $0xffff, v6  }
0x252: {  	s28 =	sadd.s32 $0xC, s21;
	[tilespmem:v5+s17+$0x0] =	vst.idx.msk $0xffff, v7  }
0x253: {  	v5 =	vor.u32 s28, v1;
	v6 =	vld.idx.msk [tilespmem:v8+s12+$0x0], $0xffff  }
0x254: {  	v7 =	vld.idx.msk [tilespmem:v9+s13+$0x0], $0xffff  }
0x255: {  	v8 =	vor.u32 v22, v4  }
0x256: {  	v9 =	vor.u32 v22, v3;
	_ =	sdelay $0x1  }
0x257: {  	[tilespmem:v5+s16+$0x0] =	vst.idx.msk $0xffff, v6  }
0x258: {  	s29 =	sadd.s32 $0xD, s21;
	[tilespmem:v5+s17+$0x0] =	vst.idx.msk $0xffff, v7  }
0x259: {  	v5 =	vor.u32 s29, v1;
	v6 =	vld.idx.msk [tilespmem:v8+s12+$0x0], $0xffff  }
0x25a: {  	v7 =	vld.idx.msk [tilespmem:v9+s13+$0x0], $0xffff  }
0x25b: {  	v8 =	vor.u32 v23, v4  }
0x25c: {  	v9 =	vor.u32 v23, v3;
	_ =	sdelay $0x1  }
0x25d: {  	[tilespmem:v5+s16+$0x0] =	vst.idx.msk $0xffff, v6  }
0x25e: {  	s30 =	sadd.s32 $0xE, s21;
	[tilespmem:v5+s17+$0x0] =	vst.idx.msk $0xffff, v7  }
0x25f: {  	v5 =	vor.u32 s30, v1;
	v6 =	vld.idx.msk [tilespmem:v8+s12+$0x0], $0xffff  }
0x260: {  	v7 =	vld.idx.msk [tilespmem:v9+s13+$0x0], $0xffff  }
0x261: {  	v8 =	vor.u32 v24, v4  }
0x262: {  	v9 =	vor.u32 v24, v3;
	_ =	sdelay $0x1  }
0x263: {  	[tilespmem:v5+s16+$0x0] =	vst.idx.msk $0xffff, v6  }
0x264: {  	s31 =	sadd.s32 $0xF, s21;
	[tilespmem:v5+s17+$0x0] =	vst.idx.msk $0xffff, v7  }
0x265: {  	v5 =	vor.u32 s31, v1;
	v6 =	vld.idx.msk [tilespmem:v8+s12+$0x0], $0xffff  }
0x266: {  	v7 =	vld.idx.msk [tilespmem:v9+s13+$0x0], $0xffff  }
0x267: {  	v8 =	vor.u32 v25, v4  }
0x268: {  	v9 =	vor.u32 v25, v3;
	_ =	sdelay $0x1  }
0x269: {  	[tilespmem:v5+s16+$0x0] =	vst.idx.msk $0xffff, v6  }
0x26a: {  	s23 =	sadd.s32 $0x10, s21;
	[tilespmem:v5+s17+$0x0] =	vst.idx.msk $0xffff, v7  }
0x26b: {  	v5 =	vor.u32 s23, v1;
	v6 =	vld.idx.msk [tilespmem:v8+s12+$0x0], $0xffff  }
0x26c: {  	v7 =	vld.idx.msk [tilespmem:v9+s13+$0x0], $0xffff  }
0x26d: {  	v8 =	vor.u32 v26, v4  }
0x26e: {  	v9 =	vor.u32 v26, v3;
	_ =	sdelay $0x1  }
0x26f: {  	[tilespmem:v5+s16+$0x0] =	vst.idx.msk $0xffff, v6  }
0x270: {  	s24 =	sadd.s32 $0x11, s21;
	[tilespmem:v5+s17+$0x0] =	vst.idx.msk $0xffff, v7  }
0x271: {  	v5 =	vor.u32 s24, v1;
	v6 =	vld.idx.msk [tilespmem:v8+s12+$0x0], $0xffff  }
0x272: {  	v7 =	vld.idx.msk [tilespmem:v9+s13+$0x0], $0xffff  }
0x273: {  	v8 =	vor.u32 v27, v4  }
0x274: {  	v9 =	vor.u32 v27, v3;
	_ =	sdelay $0x1  }
0x275: {  	[tilespmem:v5+s16+$0x0] =	vst.idx.msk $0xffff, v6  }
0x276: {  	s25 =	sadd.s32 $0x12, s21;
	[tilespmem:v5+s17+$0x0] =	vst.idx.msk $0xffff, v7  }
0x277: {  	v5 =	vor.u32 s25, v1;
	v6 =	vld.idx.msk [tilespmem:v8+s12+$0x0], $0xffff  }
0x278: {  	v7 =	vld.idx.msk [tilespmem:v9+s13+$0x0], $0xffff  }
0x279: {  	v8 =	vor.u32 v28, v4  }
0x27a: {  	v9 =	vor.u32 v28, v3;
	_ =	sdelay $0x1  }
0x27b: {  	[tilespmem:v5+s16+$0x0] =	vst.idx.msk $0xffff, v6  }
0x27c: {  	s26 =	sadd.s32 $0x13, s21;
	[tilespmem:v5+s17+$0x0] =	vst.idx.msk $0xffff, v7  }
0x27d: {  	v5 =	vor.u32 s26, v1;
	v6 =	vld.idx.msk [tilespmem:v8+s12+$0x0], $0xffff  }
0x27e: {  	v7 =	vld.idx.msk [tilespmem:v9+s13+$0x0], $0xffff  }
0x27f: {  	v8 =	vor.u32 v29, v4  }
0x280: {  	v9 =	vor.u32 v29, v3;
	_ =	sdelay $0x1  }
0x281: {  	[tilespmem:v5+s16+$0x0] =	vst.idx.msk $0xffff, v6  }
0x282: {  	s28 =	sadd.s32 $0x14, s21;
	[tilespmem:v5+s17+$0x0] =	vst.idx.msk $0xffff, v7  }
0x283: {  	v5 =	vor.u32 s28, v1;
	v6 =	vld.idx.msk [tilespmem:v8+s12+$0x0], $0xffff  }
0x284: {  	v7 =	vld.idx.msk [tilespmem:v9+s13+$0x0], $0xffff  }
0x285: {  	v8 =	vor.u32 v30, v4  }
0x286: {  	v9 =	vor.u32 v30, v3;
	_ =	sdelay $0x1  }
0x287: {  	[tilespmem:v5+s16+$0x0] =	vst.idx.msk $0xffff, v6  }
0x288: {  	s29 =	sadd.s32 $0x15, s21;
	[tilespmem:v5+s17+$0x0] =	vst.idx.msk $0xffff, v7  }
0x289: {  	v5 =	vor.u32 s29, v1;
	v6 =	vld.idx.msk [tilespmem:v8+s12+$0x0], $0xffff  }
0x28a: {  	v7 =	vld.idx.msk [tilespmem:v9+s13+$0x0], $0xffff  }
0x28b: {  	v8 =	vor.u32 v31, v4  }
0x28c: {  	v9 =	vor.u32 v31, v3;
	_ =	sdelay $0x1  }
0x28d: {  	[tilespmem:v5+s16+$0x0] =	vst.idx.msk $0xffff, v6  }
0x28e: {  	s30 =	sadd.s32 $0x16, s21;
	[tilespmem:v5+s17+$0x0] =	vst.idx.msk $0xffff, v7  }
0x28f: {  	v5 =	vor.u32 s30, v1;
	v6 =	vld.idx.msk [tilespmem:v8+s12+$0x0], $0xffff  }
0x290: {  	v7 =	vld.idx.msk [tilespmem:v9+s13+$0x0], $0xffff  }
0x291: {  	v8 =	vor.u32 v32, v4  }
0x292: {  	v9 =	vor.u32 v32, v3;
	_ =	sdelay $0x1  }
0x293: {  	[tilespmem:v5+s16+$0x0] =	vst.idx.msk $0xffff, v6  }
0x294: {  	s31 =	sadd.s32 $0x17, s21;
	[tilespmem:v5+s17+$0x0] =	vst.idx.msk $0xffff, v7  }
0x295: {  	v5 =	vor.u32 s31, v1;
	v6 =	vld.idx.msk [tilespmem:v8+s12+$0x0], $0xffff  }
0x296: {  	v7 =	vld.idx.msk [tilespmem:v9+s13+$0x0], $0xffff  }
0x297: {  	v8 =	vor.u32 v33, v4  }
0x298: {  	v9 =	vor.u32 v33, v3;
	_ =	sdelay $0x1  }
0x299: {  	[tilespmem:v5+s16+$0x0] =	vst.idx.msk $0xffff, v6  }
0x29a: {  	s23 =	sadd.s32 $0x18, s21;
	[tilespmem:v5+s17+$0x0] =	vst.idx.msk $0xffff, v7  }
0x29b: {  	v5 =	vor.u32 s23, v1;
	v6 =	vld.idx.msk [tilespmem:v8+s12+$0x0], $0xffff  }
0x29c: {  	v7 =	vld.idx.msk [tilespmem:v9+s13+$0x0], $0xffff  }
0x29d: {  	v8 =	vor.u32 v34, v4  }
0x29e: {  	v9 =	vor.u32 v34, v3;
	_ =	sdelay $0x1  }
0x29f: {  	[tilespmem:v5+s16+$0x0] =	vst.idx.msk $0xffff, v6  }
0x2a0: {  	s24 =	sadd.s32 $0x19, s21;
	[tilespmem:v5+s17+$0x0] =	vst.idx.msk $0xffff, v7  }
0x2a1: {  	v5 =	vor.u32 s24, v1;
	v6 =	vld.idx.msk [tilespmem:v8+s12+$0x0], $0xffff  }
0x2a2: {  	v7 =	vld.idx.msk [tilespmem:v9+s13+$0x0], $0xffff  }
0x2a3: {  	v8 =	vor.u32 v35, v4  }
0x2a4: {  	v9 =	vor.u32 v35, v3;
	_ =	sdelay $0x1  }
0x2a5: {  	[tilespmem:v5+s16+$0x0] =	vst.idx.msk $0xffff, v6  }
0x2a6: {  	s25 =	sadd.s32 $0x1A, s21;
	[tilespmem:v5+s17+$0x0] =	vst.idx.msk $0xffff, v7  }
0x2a7: {  	v5 =	vor.u32 s25, v1;
	v6 =	vld.idx.msk [tilespmem:v8+s12+$0x0], $0xffff  }
0x2a8: {  	v7 =	vld.idx.msk [tilespmem:v9+s13+$0x0], $0xffff  }
0x2a9: {  	v8 =	vor.u32 v36, v4  }
0x2aa: {  	v9 =	vor.u32 v36, v3;
	_ =	sdelay $0x1  }
0x2ab: {  	[tilespmem:v5+s16+$0x0] =	vst.idx.msk $0xffff, v6  }
0x2ac: {  	s26 =	sadd.s32 $0x1B, s21;
	[tilespmem:v5+s17+$0x0] =	vst.idx.msk $0xffff, v7  }
0x2ad: {  	v5 =	vor.u32 s26, v1;
	v6 =	vld.idx.msk [tilespmem:v8+s12+$0x0], $0xffff  }
0x2ae: {  	v7 =	vld.idx.msk [tilespmem:v9+s13+$0x0], $0xffff  }
0x2af: {  	v8 =	vor.u32 v37, v4  }
0x2b0: {  	v9 =	vor.u32 v37, v3;
	_ =	sdelay $0x1  }
0x2b1: {  	[tilespmem:v5+s16+$0x0] =	vst.idx.msk $0xffff, v6  }
0x2b2: {  	s28 =	sadd.s32 $0x1C, s21;
	[tilespmem:v5+s17+$0x0] =	vst.idx.msk $0xffff, v7  }
0x2b3: {  	v5 =	vor.u32 s28, v1;
	v6 =	vld.idx.msk [tilespmem:v8+s12+$0x0], $0xffff  }
0x2b4: {  	v7 =	vld.idx.msk [tilespmem:v9+s13+$0x0], $0xffff  }
0x2b5: {  	v8 =	vor.u32 v38, v4  }
0x2b6: {  	v9 =	vor.u32 v38, v3;
	_ =	sdelay $0x1  }
0x2b7: {  	[tilespmem:v5+s16+$0x0] =	vst.idx.msk $0xffff, v6  }
0x2b8: {  	s29 =	sadd.s32 $0x1D, s21;
	[tilespmem:v5+s17+$0x0] =	vst.idx.msk $0xffff, v7  }
0x2b9: {  	v5 =	vor.u32 s29, v1;
	v6 =	vld.idx.msk [tilespmem:v8+s12+$0x0], $0xffff  }
0x2ba: {  	v7 =	vld.idx.msk [tilespmem:v9+s13+$0x0], $0xffff  }
0x2bb: {  	v8 =	vor.u32 v39, v4  }
0x2bc: {  	v9 =	vor.u32 v39, v3;
	_ =	sdelay $0x1  }
0x2bd: {  	[tilespmem:v5+s16+$0x0] =	vst.idx.msk $0xffff, v6  }
0x2be: {  	s30 =	sadd.s32 $0x1E, s21;
	[tilespmem:v5+s17+$0x0] =	vst.idx.msk $0xffff, v7  }
0x2bf: {  	v5 =	vor.u32 s30, v1;
	v6 =	vld.idx.msk [tilespmem:v8+s12+$0x0], $0xffff  }
0x2c0: {  	v7 =	vld.idx.msk [tilespmem:v9+s13+$0x0], $0xffff;
	v9 =	vmov v10;
	v10 =	vmov v40  }
0x2c1: {  	v4 =	vor.u32 v10, v4  }
0x2c2: {  	v3 =	vor.u32 v10, v3;
	_ =	sdelay $0x1  }
0x2c3: {  	[tilespmem:v5+s16+$0x0] =	vst.idx.msk $0xffff, v6  }
0x2c4: {  	s31 =	sadd.s32 $0x1F, s21;
	[tilespmem:v5+s17+$0x0] =	vst.idx.msk $0xffff, v7  }
0x2c5: {  	v63 =	vshll.u32 v63, $0x7;
	v5 =	vor.u32 s31, v1;
	v4 =	vld.idx.msk [tilespmem:v4+s12+$0x0], $0xffff  }
0x2c6: {  	v2 =	vshll.u32 v2, $0x7;
	v40 =	vmov v41;
	v7 =	vld.idx.msk [tilespmem:v3+s13+$0x0], $0xffff;
	v3 =	vand.u32 $0x380, v63  }
0x2c7: {  	v2 =	vand.u32 $0x380, v2;
	v6 =	vor.u32 v40, v3  }
0x2c8: {  	v8 =	vor.u32 v40, v2;
	_ =	sdelay $0x1  }
0x2c9: {  	[tilespmem:v5+s16+$0x0] =	vst.idx.msk $0xffff, v4  }
0x2ca: {  	s23 =	sadd.s32 $0x200, s21;
	[tilespmem:v5+s17+$0x0] =	vst.idx.msk $0xffff, v7  }
0x2cb: {  	v5 =	vor.u32 s23, v1;
	v4 =	vld.idx.msk [tilespmem:v6+s12+$0x0], $0xffff  }
0x2cc: {  	v41 =	vmov v42;
	v6 =	vld.idx.msk [tilespmem:v8+s13+$0x0], $0xffff  }
0x2cd: {  	v63 =	vor.u32 v41, v3  }
0x2ce: {  	v8 =	vor.u32 v41, v2;
	_ =	sdelay $0x1  }
0x2cf: {  	[tilespmem:v5+s16+$0x0] =	vst.idx.msk $0xffff, v4  }
0x2d0: {  	s24 =	sadd.s32 $0x201, s21;
	[tilespmem:v5+s17+$0x0] =	vst.idx.msk $0xffff, v6  }
0x2d1: {  	v4 =	vor.u32 s24, v1;
	v5 =	vld.idx.msk [tilespmem:v63+s12+$0x0], $0xffff  }
0x2d2: {  	v42 =	vmov v43;
	v6 =	vld.idx.msk [tilespmem:v8+s13+$0x0], $0xffff  }
0x2d3: {  	v63 =	vor.u32 v42, v3  }
0x2d4: {  	v8 =	vor.u32 v42, v2;
	_ =	sdelay $0x1  }
0x2d5: {  	[tilespmem:v4+s16+$0x0] =	vst.idx.msk $0xffff, v5  }
0x2d6: {  	s25 =	sadd.s32 $0x202, s21;
	[tilespmem:v4+s17+$0x0] =	vst.idx.msk $0xffff, v6  }
0x2d7: {  	v4 =	vor.u32 s25, v1;
	v5 =	vld.idx.msk [tilespmem:v63+s12+$0x0], $0xffff  }
0x2d8: {  	v43 =	vmov v44;
	v6 =	vld.idx.msk [tilespmem:v8+s13+$0x0], $0xffff  }
0x2d9: {  	v63 =	vor.u32 v43, v3  }
0x2da: {  	v8 =	vor.u32 v43, v2;
	_ =	sdelay $0x1  }
0x2db: {  	[tilespmem:v4+s16+$0x0] =	vst.idx.msk $0xffff, v5  }
0x2dc: {  	s26 =	sadd.s32 $0x203, s21;
	[tilespmem:v4+s17+$0x0] =	vst.idx.msk $0xffff, v6  }
0x2dd: {  	v4 =	vor.u32 s26, v1;
	v5 =	vld.idx.msk [tilespmem:v63+s12+$0x0], $0xffff  }
0x2de: {  	v44 =	vmov v45;
	v6 =	vld.idx.msk [tilespmem:v8+s13+$0x0], $0xffff  }
0x2df: {  	v63 =	vor.u32 v44, v3  }
0x2e0: {  	v8 =	vor.u32 v44, v2;
	_ =	sdelay $0x1  }
0x2e1: {  	[tilespmem:v4+s16+$0x0] =	vst.idx.msk $0xffff, v5  }
0x2e2: {  	s28 =	sadd.s32 $0x204, s21;
	[tilespmem:v4+s17+$0x0] =	vst.idx.msk $0xffff, v6  }
0x2e3: {  	v4 =	vor.u32 s28, v1;
	v5 =	vld.idx.msk [tilespmem:v63+s12+$0x0], $0xffff  }
0x2e4: {  	v45 =	vmov v46;
	v6 =	vld.idx.msk [tilespmem:v8+s13+$0x0], $0xffff  }
0x2e5: {  	v63 =	vor.u32 v45, v3  }
0x2e6: {  	v8 =	vor.u32 v45, v2;
	_ =	sdelay $0x1  }
0x2e7: {  	[tilespmem:v4+s16+$0x0] =	vst.idx.msk $0xffff, v5  }
0x2e8: {  	s29 =	sadd.s32 $0x205, s21;
	[tilespmem:v4+s17+$0x0] =	vst.idx.msk $0xffff, v6  }
0x2e9: {  	v4 =	vor.u32 s29, v1;
	v5 =	vld.idx.msk [tilespmem:v63+s12+$0x0], $0xffff  }
0x2ea: {  	v46 =	vmov v47;
	v6 =	vld.idx.msk [tilespmem:v8+s13+$0x0], $0xffff  }
0x2eb: {  	v63 =	vor.u32 v46, v3  }
0x2ec: {  	v8 =	vor.u32 v46, v2;
	_ =	sdelay $0x1  }
0x2ed: {  	[tilespmem:v4+s16+$0x0] =	vst.idx.msk $0xffff, v5  }
0x2ee: {  	s30 =	sadd.s32 $0x206, s21;
	[tilespmem:v4+s17+$0x0] =	vst.idx.msk $0xffff, v6  }
0x2ef: {  	v4 =	vor.u32 s30, v1;
	v5 =	vld.idx.msk [tilespmem:v63+s12+$0x0], $0xffff  }
0x2f0: {  	v47 =	vmov v48;
	v6 =	vld.idx.msk [tilespmem:v8+s13+$0x0], $0xffff  }
0x2f1: {  	v63 =	vor.u32 v47, v3  }
0x2f2: {  	v8 =	vor.u32 v47, v2;
	_ =	sdelay $0x1  }
0x2f3: {  	[tilespmem:v4+s16+$0x0] =	vst.idx.msk $0xffff, v5  }
0x2f4: {  	s31 =	sadd.s32 $0x207, s21;
	[tilespmem:v4+s17+$0x0] =	vst.idx.msk $0xffff, v6  }
0x2f5: {  	v4 =	vor.u32 s31, v1;
	v5 =	vld.idx.msk [tilespmem:v63+s12+$0x0], $0xffff  }
0x2f6: {  	v48 =	vmov v49;
	v6 =	vld.idx.msk [tilespmem:v8+s13+$0x0], $0xffff  }
0x2f7: {  	v63 =	vor.u32 v48, v3  }
0x2f8: {  	v8 =	vor.u32 v48, v2;
	_ =	sdelay $0x1  }
0x2f9: {  	[tilespmem:v4+s16+$0x0] =	vst.idx.msk $0xffff, v5  }
0x2fa: {  	s23 =	sadd.s32 $0x208, s21;
	[tilespmem:v4+s17+$0x0] =	vst.idx.msk $0xffff, v6  }
0x2fb: {  	v4 =	vor.u32 s23, v1;
	v5 =	vld.idx.msk [tilespmem:v63+s12+$0x0], $0xffff  }
0x2fc: {  	v49 =	vmov v50;
	v6 =	vld.idx.msk [tilespmem:v8+s13+$0x0], $0xffff  }
0x2fd: {  	v63 =	vor.u32 v49, v3  }
0x2fe: {  	v8 =	vor.u32 v49, v2;
	_ =	sdelay $0x1  }
0x2ff: {  	[tilespmem:v4+s16+$0x0] =	vst.idx.msk $0xffff, v5  }
0x300: {  	s24 =	sadd.s32 $0x209, s21;
	[tilespmem:v4+s17+$0x0] =	vst.idx.msk $0xffff, v6  }
0x301: {  	v4 =	vor.u32 s24, v1;
	v5 =	vld.idx.msk [tilespmem:v63+s12+$0x0], $0xffff  }
0x302: {  	v50 =	vmov v51;
	v6 =	vld.idx.msk [tilespmem:v8+s13+$0x0], $0xffff  }
0x303: {  	v63 =	vor.u32 v50, v3  }
0x304: {  	v8 =	vor.u32 v50, v2;
	_ =	sdelay $0x1  }
0x305: {  	[tilespmem:v4+s16+$0x0] =	vst.idx.msk $0xffff, v5  }
0x306: {  	s25 =	sadd.s32 $0x20A, s21;
	[tilespmem:v4+s17+$0x0] =	vst.idx.msk $0xffff, v6  }
0x307: {  	v4 =	vor.u32 s25, v1;
	v5 =	vld.idx.msk [tilespmem:v63+s12+$0x0], $0xffff  }
0x308: {  	v51 =	vmov v52;
	v6 =	vld.idx.msk [tilespmem:v8+s13+$0x0], $0xffff  }
0x309: {  	v63 =	vor.u32 v51, v3  }
0x30a: {  	v8 =	vor.u32 v51, v2;
	_ =	sdelay $0x1  }
0x30b: {  	[tilespmem:v4+s16+$0x0] =	vst.idx.msk $0xffff, v5  }
0x30c: {  	s26 =	sadd.s32 $0x20B, s21;
	[tilespmem:v4+s17+$0x0] =	vst.idx.msk $0xffff, v6  }
0x30d: {  	v4 =	vor.u32 s26, v1;
	v5 =	vld.idx.msk [tilespmem:v63+s12+$0x0], $0xffff  }
0x30e: {  	v52 =	vmov v53;
	v6 =	vld.idx.msk [tilespmem:v8+s13+$0x0], $0xffff  }
0x30f: {  	v63 =	vor.u32 v52, v3  }
0x310: {  	v8 =	vor.u32 v52, v2;
	_ =	sdelay $0x1  }
0x311: {  	[tilespmem:v4+s16+$0x0] =	vst.idx.msk $0xffff, v5  }
0x312: {  	s28 =	sadd.s32 $0x20C, s21;
	[tilespmem:v4+s17+$0x0] =	vst.idx.msk $0xffff, v6  }
0x313: {  	v4 =	vor.u32 s28, v1;
	v5 =	vld.idx.msk [tilespmem:v63+s12+$0x0], $0xffff  }
0x314: {  	v53 =	vmov v54;
	v6 =	vld.idx.msk [tilespmem:v8+s13+$0x0], $0xffff  }
0x315: {  	v63 =	vor.u32 v53, v3  }
0x316: {  	v8 =	vor.u32 v53, v2;
	_ =	sdelay $0x1  }
0x317: {  	[tilespmem:v4+s16+$0x0] =	vst.idx.msk $0xffff, v5  }
0x318: {  	s29 =	sadd.s32 $0x20D, s21;
	[tilespmem:v4+s17+$0x0] =	vst.idx.msk $0xffff, v6  }
0x319: {  	v4 =	vor.u32 s29, v1;
	v5 =	vld.idx.msk [tilespmem:v63+s12+$0x0], $0xffff  }
0x31a: {  	v54 =	vmov v55;
	v6 =	vld.idx.msk [tilespmem:v8+s13+$0x0], $0xffff  }
0x31b: {  	v63 =	vor.u32 v54, v3  }
0x31c: {  	v8 =	vor.u32 v54, v2;
	_ =	sdelay $0x1  }
0x31d: {  	[tilespmem:v4+s16+$0x0] =	vst.idx.msk $0xffff, v5  }
0x31e: {  	s30 =	sadd.s32 $0x20E, s21;
	[tilespmem:v4+s17+$0x0] =	vst.idx.msk $0xffff, v6  }
0x31f: {  	v4 =	vor.u32 s30, v1;
	v5 =	vld.idx.msk [tilespmem:v63+s12+$0x0], $0xffff  }
0x320: {  	v55 =	vmov v56;
	v6 =	vld.idx.msk [tilespmem:v8+s13+$0x0], $0xffff  }
0x321: {  	v63 =	vor.u32 v55, v3  }
0x322: {  	v8 =	vor.u32 v55, v2;
	_ =	sdelay $0x1  }
0x323: {  	[tilespmem:v4+s16+$0x0] =	vst.idx.msk $0xffff, v5  }
0x324: {  	s31 =	sadd.s32 $0x20F, s21;
	[tilespmem:v4+s17+$0x0] =	vst.idx.msk $0xffff, v6  }
0x325: {  	v4 =	vor.u32 s31, v1;
	v5 =	vld.idx.msk [tilespmem:v63+s12+$0x0], $0xffff  }
0x326: {  	v56 =	vmov v57;
	v6 =	vld.idx.msk [tilespmem:v8+s13+$0x0], $0xffff  }
0x327: {  	v63 =	vor.u32 v56, v3  }
0x328: {  	v8 =	vor.u32 v56, v2;
	_ =	sdelay $0x1  }
0x329: {  	[tilespmem:v4+s16+$0x0] =	vst.idx.msk $0xffff, v5  }
0x32a: {  	s23 =	sadd.s32 $0x210, s21;
	[tilespmem:v4+s17+$0x0] =	vst.idx.msk $0xffff, v6  }
0x32b: {  	v4 =	vor.u32 s23, v1;
	v5 =	vld.idx.msk [tilespmem:v63+s12+$0x0], $0xffff  }
0x32c: {  	v57 =	vmov v58;
	v6 =	vld.idx.msk [tilespmem:v8+s13+$0x0], $0xffff  }
0x32d: {  	v63 =	vor.u32 v57, v3  }
0x32e: {  	v8 =	vor.u32 v57, v2;
	_ =	sdelay $0x1  }
0x32f: {  	[tilespmem:v4+s16+$0x0] =	vst.idx.msk $0xffff, v5  }
0x330: {  	s24 =	sadd.s32 $0x211, s21;
	[tilespmem:v4+s17+$0x0] =	vst.idx.msk $0xffff, v6  }
0x331: {  	v4 =	vor.u32 s24, v1;
	v5 =	vld.idx.msk [tilespmem:v63+s12+$0x0], $0xffff  }
0x332: {  	v58 =	vmov v59;
	v6 =	vld.idx.msk [tilespmem:v8+s13+$0x0], $0xffff  }
0x333: {  	v63 =	vor.u32 v58, v3  }
0x334: {  	v8 =	vor.u32 v58, v2;
	_ =	sdelay $0x1  }
0x335: {  	[tilespmem:v4+s16+$0x0] =	vst.idx.msk $0xffff, v5  }
0x336: {  	s25 =	sadd.s32 $0x212, s21;
	[tilespmem:v4+s17+$0x0] =	vst.idx.msk $0xffff, v6  }
0x337: {  	v4 =	vor.u32 s25, v1;
	v5 =	vld.idx.msk [tilespmem:v63+s12+$0x0], $0xffff  }
0x338: {  	v59 =	vmov v60;
	v6 =	vld.idx.msk [tilespmem:v8+s13+$0x0], $0xffff  }
0x339: {  	v63 =	vor.u32 v59, v3  }
0x33a: {  	v8 =	vor.u32 v59, v2;
	_ =	sdelay $0x1  }
0x33b: {  	[tilespmem:v4+s16+$0x0] =	vst.idx.msk $0xffff, v5  }
0x33c: {  	s26 =	sadd.s32 $0x213, s21;
	[tilespmem:v4+s17+$0x0] =	vst.idx.msk $0xffff, v6  }
0x33d: {  	v4 =	vor.u32 s26, v1;
	v5 =	vld.idx.msk [tilespmem:v63+s12+$0x0], $0xffff  }
0x33e: {  	v60 =	vmov v61;
	v6 =	vld.idx.msk [tilespmem:v8+s13+$0x0], $0xffff  }
0x33f: {  	v63 =	vor.u32 v60, v3  }
0x340: {  	v8 =	vor.u32 v60, v2;
	_ =	sdelay $0x1  }
0x341: {  	[tilespmem:v4+s16+$0x0] =	vst.idx.msk $0xffff, v5  }
0x342: {  	s28 =	sadd.s32 $0x214, s21;
	[tilespmem:v4+s17+$0x0] =	vst.idx.msk $0xffff, v6  }
0x343: {  	v4 =	vor.u32 s28, v1;
	v5 =	vld.idx.msk [tilespmem:v63+s12+$0x0], $0xffff  }
0x344: {  	v61 =	vmov v62;
	v6 =	vld.idx.msk [tilespmem:v8+s13+$0x0], $0xffff  }
0x345: {  	v63 =	vor.u32 v61, v3  }
0x346: {  	v8 =	vor.u32 v61, v2;
	_ =	sdelay $0x1  }
0x347: {  	[tilespmem:v4+s16+$0x0] =	vst.idx.msk $0xffff, v5  }
0x348: {  	s29 =	sadd.s32 $0x215, s21;
	[tilespmem:v4+s17+$0x0] =	vst.idx.msk $0xffff, v6  }
0x349: {  	v4 =	vor.u32 s29, v1;
	v5 =	vld.idx.msk [tilespmem:v63+s12+$0x0], $0xffff  }
0x34a: {  	v62 =	vmov v11;
	v6 =	vld.idx.msk [tilespmem:v8+s13+$0x0], $0xffff  }
0x34b: {  	v63 =	vor.u32 v62, v3  }
0x34c: {  	v8 =	vor.u32 v62, v2;
	_ =	sdelay $0x1  }
0x34d: {  	[tilespmem:v4+s16+$0x0] =	vst.idx.msk $0xffff, v5  }
0x34e: {  	s30 =	sadd.s32 $0x216, s21;
	[tilespmem:v4+s17+$0x0] =	vst.idx.msk $0xffff, v6  }
0x34f: {  	v4 =	vor.u32 s30, v1;
	v5 =	vld.idx.msk [tilespmem:v63+s12+$0x0], $0xffff  }
0x350: {  	v11 =	vmov v12;
	v6 =	vld.idx.msk [tilespmem:v8+s13+$0x0], $0xffff  }
0x351: {  	v63 =	vor.u32 v11, v3  }
0x352: {  	v8 =	vor.u32 v11, v2;
	_ =	sdelay $0x1  }
0x353: {  	[tilespmem:v4+s16+$0x0] =	vst.idx.msk $0xffff, v5  }
0x354: {  	s31 =	sadd.s32 $0x217, s21;
	[tilespmem:v4+s17+$0x0] =	vst.idx.msk $0xffff, v6  }
0x355: {  	v4 =	vor.u32 s31, v1;
	v5 =	vld.idx.msk [tilespmem:v63+s12+$0x0], $0xffff  }
0x356: {  	v12 =	vmov v13;
	v6 =	vld.idx.msk [tilespmem:v8+s13+$0x0], $0xffff  }
0x357: {  	v63 =	vor.u32 v12, v3  }
0x358: {  	v8 =	vor.u32 v12, v2;
	_ =	sdelay $0x1  }
0x359: {  	[tilespmem:v4+s16+$0x0] =	vst.idx.msk $0xffff, v5  }
0x35a: {  	s23 =	sadd.s32 $0x218, s21;
	[tilespmem:v4+s17+$0x0] =	vst.idx.msk $0xffff, v6  }
0x35b: {  	v4 =	vor.u32 s23, v1;
	v5 =	vld.idx.msk [tilespmem:v63+s12+$0x0], $0xffff  }
0x35c: {  	v13 =	vmov v14;
	v6 =	vld.idx.msk [tilespmem:v8+s13+$0x0], $0xffff  }
0x35d: {  	v63 =	vor.u32 v13, v3  }
0x35e: {  	v8 =	vor.u32 v13, v2;
	_ =	sdelay $0x1  }
0x35f: {  	[tilespmem:v4+s16+$0x0] =	vst.idx.msk $0xffff, v5  }
0x360: {  	s24 =	sadd.s32 $0x219, s21;
	[tilespmem:v4+s17+$0x0] =	vst.idx.msk $0xffff, v6  }
0x361: {  	v4 =	vor.u32 s24, v1;
	v5 =	vld.idx.msk [tilespmem:v63+s12+$0x0], $0xffff  }
0x362: {  	v14 =	vmov v15;
	v6 =	vld.idx.msk [tilespmem:v8+s13+$0x0], $0xffff  }
0x363: {  	v63 =	vor.u32 v14, v3  }
0x364: {  	v8 =	vor.u32 v14, v2;
	_ =	sdelay $0x1  }
0x365: {  	[tilespmem:v4+s16+$0x0] =	vst.idx.msk $0xffff, v5  }
0x366: {  	s25 =	sadd.s32 $0x21A, s21;
	[tilespmem:v4+s17+$0x0] =	vst.idx.msk $0xffff, v6  }
0x367: {  	v4 =	vor.u32 s25, v1;
	v5 =	vld.idx.msk [tilespmem:v63+s12+$0x0], $0xffff  }
0x368: {  	v15 =	vmov v16;
	v6 =	vld.idx.msk [tilespmem:v8+s13+$0x0], $0xffff  }
0x369: {  	v63 =	vor.u32 v15, v3  }
0x36a: {  	v8 =	vor.u32 v15, v2;
	_ =	sdelay $0x1  }
0x36b: {  	[tilespmem:v4+s16+$0x0] =	vst.idx.msk $0xffff, v5  }
0x36c: {  	s26 =	sadd.s32 $0x21B, s21;
	[tilespmem:v4+s17+$0x0] =	vst.idx.msk $0xffff, v6  }
0x36d: {  	v4 =	vor.u32 s26, v1;
	v5 =	vld.idx.msk [tilespmem:v63+s12+$0x0], $0xffff  }
0x36e: {  	v6 =	vld.idx.msk [tilespmem:v8+s13+$0x0], $0xffff  }
0x36f: {  	v63 =	vor.u32 v17, v3  }
0x370: {  	v8 =	vor.u32 v17, v2;
	_ =	sdelay $0x1  }
0x371: {  	[tilespmem:v4+s16+$0x0] =	vst.idx.msk $0xffff, v5  }
0x372: {  	s28 =	sadd.s32 $0x21C, s21;
	[tilespmem:v4+s17+$0x0] =	vst.idx.msk $0xffff, v6  }
0x373: {  	v4 =	vor.u32 s28, v1;
	v5 =	vld.idx.msk [tilespmem:v63+s12+$0x0], $0xffff  }
0x374: {  	v6 =	vld.idx.msk [tilespmem:v8+s13+$0x0], $0xffff  }
0x375: {  	v63 =	vor.u32 v18, v3  }
0x376: {  	v8 =	vor.u32 v18, v2;
	_ =	sdelay $0x1  }
0x377: {  	[tilespmem:v4+s16+$0x0] =	vst.idx.msk $0xffff, v5  }
0x378: {  	s29 =	sadd.s32 $0x21D, s21;
	[tilespmem:v4+s17+$0x0] =	vst.idx.msk $0xffff, v6  }
0x379: {  	v4 =	vor.u32 s29, v1;
	v5 =	vld.idx.msk [tilespmem:v63+s12+$0x0], $0xffff  }
0x37a: {  	v6 =	vld.idx.msk [tilespmem:v8+s13+$0x0], $0xffff;
	v63 =	vor.u32 $0x401E, v0  }
0x37b: {  	v8 =	vor.u32 v63, v3  }
0x37c: {  	v7 =	vor.u32 v63, v2;
	_ =	sdelay $0x1  }
0x37d: {  	[tilespmem:v4+s16+$0x0] =	vst.idx.msk $0xffff, v5  }
0x37e: {  	s30 =	sadd.s32 $0x21E, s21;
	[tilespmem:v4+s17+$0x0] =	vst.idx.msk $0xffff, v6  }
0x37f: {  	v4 =	vor.u32 s30, v1;
	v5 =	vld.idx.msk [tilespmem:v8+s12+$0x0], $0xffff  }
0x380: {  	v63 =	vor.u32 $0x401F, v0;
	v6 =	vld.idx.msk [tilespmem:v7+s13+$0x0], $0xffff  }
0x381: {  	v3 =	vor.u32 v63, v3  }
0x382: {  	v2 =	vor.u32 v63, v2;
	_ =	sdelay $0x1  }
0x383: {  	[tilespmem:v4+s16+$0x0] =	vst.idx.msk $0xffff, v5  }
0x384: {  	s31 =	sadd.s32 $0x21F, s21;
	[tilespmem:v4+s17+$0x0] =	vst.idx.msk $0xffff, v6  }
0x385: {  	v63 =	vor.u32 s31, v1;
	v3 =	vld.idx.msk [tilespmem:v3+s12+$0x0], $0xffff  }
0x386: {  	p0 =	sne.s32 s21, $0x3C00;
	v2 =	vld.idx.msk [tilespmem:v2+s13+$0x0], $0xffff  }
.Ltmp0:
0x387: {  	_ = 	snop;
	(pc) =	sbr.rel @p0 .LBB2_2-.Ltmp0, $3  }
0x388: {  	_ =	sdelay $0x1  }
0x389: {  	[tilespmem:v63+s16+$0x0] =	vst.idx.msk $0xffff, v3  }
0x38a: {  	s19 =	sadd.s32 $0x20, s19;
	s20 =	sadd.s32 $0x20, s20;
	v16 =	vmov v17;
	s21 =	sadd.s32 $0x400, s21;
	[tilespmem:v63+s17+$0x0] =	vst.idx.msk $0xffff, v2  }
0x38b: {  	[hbm4b:s7+s1] =	stream.linear.scatter [tilespmem:s16], [sflag:$0x3], $0x4000, $0x38;
	[tilespmem:$0x18400] =	vst v63  }
0x38c: {  	s18 =	sadd.s32 $0x1, s18;
	_ =	swait.ge [sflag:s10], $0x4000  }
0x38d: {  	p0 =	sne.s32 s18, s9;
	[sflag:s10] =	ssyncset.done $0x0  }
.Ltmp1:
0x38e: {  	[sflag:s10] =	ssyncadd.s32 $0xFFFFC000;
	(pc) =	sbr.rel @p0 .LBB2_1-.Ltmp1, $4  }
0x38f: {  	[hbm4b:s8+s1] =	stream.linear.scatter [tilespmem:s17], [sflag:$0x3], $0x4000, $0x38;
	[tilespmem:$0x18400] =	vst v63  }
0x390: {  	_ =	swait.ge [sflag:s10], $0x4000  }
0x391: {  	[sflag:s10] =	ssyncset.done $0x0  }
0x392: {  	[sflag:s10] =	ssyncadd.s32 $0xFFFFC000  }
0x393: {  	_ =	sfence.sel $0x180000  }
0x394: {  	[bflag:$0x0] =	sbarrier.arrive $0xFFFF  }
0x395: {  	p0 =	sne.s32 s4, $0x0;
	_ =	strace $0x90000047  }
0x396: {  	s0 =	sadd.s32 @!p0 $0x100000, s0;
	[bflag:$0x2] =	sbarrier.arrive $0xFFFF  }
0x397: {  	[sflag:s0] =	ssyncadd.tile.s32 @!p0 $0x1;
	_ =	shalt  }
.Lfunc_end2:
_tile_overlayer_lowered:
.L_overlay_start_2:
0x398: {  	(tag) =	ssettag $0x2  }
0x399: {  	s0 =	rddreg [dreg:$0x0];
	s2 =	stileid.u32  }
0x39a: {  	s1 =	rddreg [dreg:$0x1];
	p0 =	sne.s32 s2, $0x0  }
0x39b: {  	s3 =	rddreg [dreg:$0x2];
	[bflag:$0x3] =	sbarrier.arrive $0xFFFF;
	s2 =	simm.s32 @!p0 $0x1C03  }
0x39c: {  	[timem:s3], [sflag:s2] =	dma.local @!p0 [hbm:s0], s1  }
0x39d: {  	s0 =	simm.s32 @!p0 $0x3  }
0x39e: {  	_ =	swait.ge @!p0 [sflag:s0], s1  }
0x39f: {  	s1 =	ssub.s32 @!p0 $0x0, s1;
	[sflag:s0] =	ssyncset.done @!p0 $0x0  }
0x3a0: {  	[sflag:s0] =	ssyncadd.s32 @!p0 s1  }
0x3a1: {  	[bflag:$0x3] =	sbarrier.arrive $0xFFFF  }
0x3a2: {  	_ =	shalt  }

</sc_bundles>
